<compile_context>
chip_gen: v7x
topology: tpu7x:2x2x1
jax: 0.10.2.dev20260603
libtpu: 0.0.44.dev20260713+nightly
codegen_flags: <defaults>
</compile_context>

<pallas_src>
import functools

import jax
import jax.numpy as jnp
from jax import lax
from jax.experimental import pallas as pl
from jax.experimental.pallas import tpu as pltpu
from jax.experimental.pallas import tpu_sc as plsc

_N = 10000
_E = 160000
_D = 128
_DE = 16
_DU = 16
_B = 64
_NSLOT = 8
_NCONV = 4

_NP = 10112
_NT = _NP // 128
_EP = 163840
_EROWS = _EP // 128
_WORKERS = 32
_CHUNKS = _EROWS // _WORKERS
_NH = 5120
_NAGG = _NH + 128
_ETILE = 1024
_ET = _EP // _ETILE

_f32 = jnp.float32


def _mm(a, b):
    return lax.dot_general(a, b, (((1,), (0,)), ((), ())),
                           preferred_element_type=_f32,
                           precision=lax.Precision.HIGHEST)


def _mmd(a, b):
    return lax.dot_general(a, b, (((1,), (0,)), ((), ())),
                           preferred_element_type=_f32)



def _node_lin_body(x_ref, w_ref, b_ref, o_ref):
    o_ref[...] = _mmd(x_ref[...], w_ref[...]) + b_ref[...]


def _node_lin(x, W, b):
    return pl.pallas_call(
        _node_lin_body,
        grid=(_NT,),
        in_specs=[
            pl.BlockSpec((128, _D), lambda j: (j, 0)),
            pl.BlockSpec((_D, _D), lambda j: (0, 0)),
            pl.BlockSpec((1, _D), lambda j: (0, 0)),
        ],
        out_specs=pl.BlockSpec((128, _D), lambda j: (j, 0)),
        out_shape=jax.ShapeDtypeStruct((_NP, _D), _f32),
    )(x, W, b)


def _pre_body(x_ref, wa_ref, wb_ref, u_ref, wc_ref, bat_ref,
              xs_ref, xdu_ref):
    x = x_ref[...]
    xs_ref[...] = _mmd(x, wa_ref[...])
    oh = (bat_ref[...] == lax.broadcasted_iota(jnp.int32, (128, _B), 1))
    ubn = _mm(oh.astype(_f32), u_ref[...])
    xdu_ref[...] = _mmd(x, wb_ref[...]) + _mmd(ubn, wc_ref[...])


def _pre(x, Wa, Wb, u, Wc, batch2d):
    full = jax.ShapeDtypeStruct((_NP, _D), _f32)
    return pl.pallas_call(
        _pre_body,
        grid=(_NT,),
        in_specs=[
            pl.BlockSpec((128, _D), lambda j: (j, 0)),
            pl.BlockSpec((_D, _D), lambda j: (0, 0)),
            pl.BlockSpec((_D, _D), lambda j: (0, 0)),
            pl.BlockSpec((_B, _DU), lambda j: (0, 0)),
            pl.BlockSpec((_DU, _D), lambda j: (0, 0)),
            pl.BlockSpec((128, 1), lambda j: (j, 0)),
        ],
        out_specs=[pl.BlockSpec((128, _D), lambda j: (j, 0))] * 2,
        out_shape=[full, full],
    )(x, Wa, Wb, u, Wc, batch2d)


def _eterm_body(ea_ref, slot_ref, we_ref, st_ref, bm_ref, o_ref):
    ea = ea_ref[...]
    oh = (slot_ref[...] == lax.broadcasted_iota(jnp.int32, (_ETILE, _NSLOT), 1))
    et = _mmd(ea, we_ref[0]) + bm_ref[0]
    et = et + _mm(oh.astype(_f32), st_ref[0])
    o_ref[...] = et[None]


def _eterm(ea, slot2d, We_all, slot_tbl, bm_all):
    return pl.pallas_call(
        _eterm_body,
        grid=(_NCONV, _ET),
        in_specs=[
            pl.BlockSpec((_ETILE, _DE), lambda i, j: (j, 0)),
            pl.BlockSpec((_ETILE, 1), lambda i, j: (j, 0)),
            pl.BlockSpec((1, _DE, _D), lambda i, j: (i, 0, 0)),
            pl.BlockSpec((1, _NSLOT, _D), lambda i, j: (i, 0, 0)),
            pl.BlockSpec((1, 1, _D), lambda i, j: (i, 0, 0)),
        ],
        out_specs=pl.BlockSpec((1, _ETILE, _D), lambda i, j: (i, j, 0)),
        out_shape=jax.ShapeDtypeStruct((_NCONV, _EP, _D), _f32),
    )(ea, slot2d, We_all, slot_tbl, bm_all[:, None, :])


def _post_body(with_res, *refs):
    if with_res:
        (x_ref, a0_ref, a1_ref, wu1_ref, wu2_ref, bu_ref, res_ref,
         o_ref) = refs
    else:
        x_ref, a0_ref, a1_ref, wu1_ref, wu2_ref, bu_ref, o_ref = refs
    agg = a0_ref[0] + a1_ref[0]
    z = (_mmd(x_ref[...], wu1_ref[...]) + _mmd(agg, wu2_ref[...])
         + bu_ref[...])
    if with_res:
        z = z + res_ref[...]
    o_ref[...] = jnp.maximum(z, 0.0)


def _post(x, agg_out, Wu1, Wu2, bu, res=None):
    with_res = res is not None
    nt = _NH // 128
    in_specs = [
        pl.BlockSpec((128, _D), lambda j: (j, 0)),
        pl.BlockSpec((1, 128, _D), lambda j: (j // nt, j % nt, 0)),
        pl.BlockSpec((1, 128, _D), lambda j: (j // nt, j % nt, 0)),
        pl.BlockSpec((_D, _D), lambda j: (0, 0)),
        pl.BlockSpec((_D, _D), lambda j: (0, 0)),
        pl.BlockSpec((1, _D), lambda j: (0, 0)),
    ]
    args = [x, agg_out[0], agg_out[1], Wu1, Wu2, bu]
    if with_res:
        in_specs.append(pl.BlockSpec((128, _D), lambda j: (j, 0)))
        args.append(res)
    return pl.pallas_call(
        functools.partial(_post_body, with_res),
        grid=(_NT,),
        in_specs=in_specs,
        out_specs=pl.BlockSpec((128, _D), lambda j: (j, 0)),
        out_shape=jax.ShapeDtypeStruct((_NP, _D), _f32),
    )(*args)


def _pass1_body(x_ref, bat_ref, w1_ref, b1_ref, w2_ref, b2_ref, w3_ref, b3_ref,
                gate_ref, gmax_ref):
    j = pl.program_id(0)
    x = x_ref[...]
    h = jnp.maximum(_mmd(x, w1_ref[...]) + b1_ref[...], 0.0)
    h = jnp.maximum(_mmd(h, w2_ref[...]) + b2_ref[...], 0.0)
    g = _mmd(h, w3_ref[...]) + b3_ref[...]
    gate_ref[...] = g
    oh = (bat_ref[...] == lax.broadcasted_iota(jnp.int32, (128, _B), 1))
    contrib = jnp.where(oh, g, -1e30)
    cmax = jnp.max(contrib, axis=0, keepdims=True)

    @pl.when(j == 0)
    def _():
        gmax_ref[...] = jnp.full((8, _B), -1e30, _f32)

    gmax_ref[...] = jnp.maximum(gmax_ref[...], jnp.broadcast_to(cmax, (8, _B)))


def _pass1(x, batch2d, W1, b1, W2, b2, W3, b3):
    return pl.pallas_call(
        _pass1_body,
        grid=(_NT,),
        in_specs=[
            pl.BlockSpec((128, _D), lambda j: (j, 0)),
            pl.BlockSpec((128, 1), lambda j: (j, 0)),
            pl.BlockSpec((_D, 128), lambda j: (0, 0)),
            pl.BlockSpec((1, 128), lambda j: (0, 0)),
            pl.BlockSpec((128, 128), lambda j: (0, 0)),
            pl.BlockSpec((1, 128), lambda j: (0, 0)),
            pl.BlockSpec((128, 1), lambda j: (0, 0)),
            pl.BlockSpec((1, 1), lambda j: (0, 0)),
        ],
        out_specs=[
            pl.BlockSpec((128, 1), lambda j: (j, 0)),
            pl.BlockSpec((8, _B), lambda j: (0, 0)),
        ],
        out_shape=[
            jax.ShapeDtypeStruct((_NP, 1), _f32),
            jax.ShapeDtypeStruct((8, _B), _f32),
        ],
    )(x, batch2d, W1, b1, W2, b2, W3, b3)


def _pass2_body(x_ref, gate_ref, gmax_ref, bat_ref,
                w1_ref, b1_ref, w2_ref, b2_ref, w3_ref, b3_ref, acc_ref):
    j = pl.program_id(0)
    x = x_ref[...]
    h = jnp.maximum(_mmd(x, w1_ref[...]) + b1_ref[...], 0.0)
    h = jnp.maximum(_mmd(h, w2_ref[...]) + b2_ref[...], 0.0)
    hv = _mmd(h, w3_ref[...]) + b3_ref[...]
    bat = bat_ref[...]
    ohf = (bat == lax.broadcasted_iota(jnp.int32, (128, _B), 1)).astype(_f32)
    gm = jnp.sum(ohf * gmax_ref[0:1, :], axis=1, keepdims=True)
    valid = bat < _B
    ge = jnp.where(valid, jnp.exp(gate_ref[...] - gm), 0.0)
    ohge = ohf * ge
    hv1 = jnp.concatenate([hv, jnp.ones_like(hv)], axis=1)
    contrib = lax.dot_general(ohge, hv1, (((0,), (0,)), ((), ())),
                              preferred_element_type=_f32,
                              precision=lax.Precision.HIGHEST)

    @pl.when(j == 0)
    def _():
        acc_ref[...] = jnp.zeros((_B, 2), _f32)

    acc_ref[...] += contrib


def _pass2(x, gate, gmax, batch2d, W1, b1, W2, b2, W3, b3):
    return pl.pallas_call(
        _pass2_body,
        grid=(_NT,),
        in_specs=[
            pl.BlockSpec((128, _D), lambda j: (j, 0)),
            pl.BlockSpec((128, 1), lambda j: (j, 0)),
            pl.BlockSpec((8, _B), lambda j: (0, 0)),
            pl.BlockSpec((128, 1), lambda j: (j, 0)),
            pl.BlockSpec((_D, 128), lambda j: (0, 0)),
            pl.BlockSpec((1, 128), lambda j: (0, 0)),
            pl.BlockSpec((128, 128), lambda j: (0, 0)),
            pl.BlockSpec((1, 128), lambda j: (0, 0)),
            pl.BlockSpec((128, 1), lambda j: (0, 0)),
            pl.BlockSpec((1, 1), lambda j: (0, 0)),
        ],
        out_specs=pl.BlockSpec((_B, 2), lambda j: (0, 0)),
        out_shape=jax.ShapeDtypeStruct((_B, 2), _f32),
    )(x, gate, gmax, batch2d, W1, b1, W2, b2, W3, b3)


def _norm_body(acc_ref, o_ref):
    num = acc_ref[:, 0:1]
    den = acc_ref[:, 1:2]
    o_ref[...] = jnp.where(den > 0.0, num / den, 0.0)


def _norm(acc):
    return pl.pallas_call(
        _norm_body,
        out_shape=jax.ShapeDtypeStruct((_B, 1), _f32),
    )(acc)



def _sc_edge(xs, xdu, eterm, src2d, dst2d, zeros):
    mesh = plsc.VectorSubcoreMesh(core_axis_name="c", subcore_axis_name="s")

    @functools.partial(
        pl.kernel,
        out_type=[
            jax.ShapeDtypeStruct((2, 2, _NH, _D), _f32),
            jax.ShapeDtypeStruct((_EP, _D), _f32),
        ],
        mesh=mesh,
        scratch_types=[
            pltpu.VMEM((_CHUNKS, 128), jnp.int32),
            pltpu.VMEM((_CHUNKS, 128), jnp.int32),
            pltpu.VMEM((1, 128), jnp.int32),
            pltpu.VMEM((128, _D), _f32),
            pltpu.VMEM((128, _D), _f32),
            pltpu.VMEM((128, _D), _f32),
            pltpu.VMEM_SHARED((_NAGG, _D), _f32),
            pltpu.SemaphoreType.DMA,
            pltpu.SemaphoreType.DMA,
            pltpu.SemaphoreType.DMA,
        ],
    )
    def k(xs_hbm, xdu_hbm, et_hbm, src_hbm, dst_hbm, z_hbm,
          out_hbm, spill_hbm,
          src_v, dst_v, idx_v, av, bv, ev, agg_sh, s1, s2, s3):
        cid = lax.axis_index("c")
        sid = lax.axis_index("s")
        wid = cid * 16 + sid
        base = wid * _CHUNKS
        pltpu.sync_copy(src_hbm.at[pl.ds(base, _CHUNKS)], src_v)
        pltpu.sync_copy(dst_hbm.at[pl.ds(base, _CHUNKS)], dst_v)

        @pl.when(sid == 0)
        def _():
            pltpu.sync_copy(z_hbm, agg_sh)

        plsc.subcore_barrier()

        def chunk0(j, carry):
            ca = pltpu.async_copy(xs_hbm.at[src_v.at[j]], av, s1)
            cb = pltpu.async_copy(xdu_hbm.at[dst_v.at[j]], bv, s2)
            ce = pltpu.async_copy(
                et_hbm.at[pl.ds((base + j) * 128, 128)], ev, s3)
            ca.wait()
            cb.wait()
            ce.wait()

            def row(i, c2):
                for c in range(_D // 16):
                    sl = pl.ds(c * 16, 16)
                    av[i, sl] = jnp.maximum(
                        av[i, sl] + bv[i, sl] + ev[i, sl], 0.0)
                return c2

            lax.fori_loop(0, 128, row, 0)
            pltpu.sync_copy(av, spill_hbm.at[pl.ds((base + j) * 128, 128)])
            for c in range(128 // 16):
                sl = pl.ds(c * 16, 16)
                d = dst_v[j, sl]
                idx_v[0, sl] = jnp.minimum(d, _NH)
            pltpu.sync_copy(av, agg_sh.at[idx_v.at[0]], add=True)
            return carry

        lax.fori_loop(0, _CHUNKS, chunk0, 0)
        plsc.subcore_barrier()

        @pl.when(sid == 0)
        def _():
            pltpu.sync_copy(agg_sh.at[pl.ds(0, _NH)], out_hbm.at[cid, 0])
            pltpu.sync_copy(z_hbm, agg_sh)

        plsc.subcore_barrier()

        def chunk1(j, carry):
            pltpu.sync_copy(spill_hbm.at[pl.ds((base + j) * 128, 128)], av)
            for c in range(128 // 16):
                sl = pl.ds(c * 16, 16)
                d = dst_v[j, sl]
                idx_v[0, sl] = jnp.where(d < _NH, _NH, d - _NH)
            pltpu.sync_copy(av, agg_sh.at[idx_v.at[0]], add=True)
            return carry

        lax.fori_loop(0, _CHUNKS, chunk1, 0)
        plsc.subcore_barrier()

        @pl.when(sid == 0)
        def _():
            pltpu.sync_copy(agg_sh.at[pl.ds(0, _NH)], out_hbm.at[cid, 1])

    return k(xs, xdu, eterm, src2d, dst2d, zeros)[0]



def kernel(node_attr, edge_index, edge_slot, edge_attr, u, batch,
           node_lin_W, node_lin_b, conv_Wm, conv_bm, conv_slot, conv_Wu,
           conv_bu, gate_W1, gate_b1, gate_W2, gate_b2, gate_W3, gate_b3,
           nn_W1, nn_b1, nn_W2, nn_b2, nn_W3, nn_b3):
    src = edge_index[0]
    dst = edge_index[1]

    x_na = jnp.pad(node_attr, ((0, _NP - _N), (0, 0)))
    batch2d = jnp.pad(batch, (0, _NP - _N), constant_values=_B)[:, None]
    src2d = jnp.pad(src, (0, _EP - _E)).reshape(_EROWS, 128)
    dst2d = jnp.pad(dst, (0, _EP - _E), constant_values=_N).reshape(_EROWS, 128)
    ea_p = jnp.pad(edge_attr, ((0, _EP - _E), (0, 0)))
    slot2d = jnp.pad(edge_slot, (0, _EP - _E))[:, None]
    zeros = jnp.zeros((_NAGG, _D), _f32)

    x = _node_lin(x_na, node_lin_W, node_lin_b[None, :])
    We_all = conv_Wm[:, 2 * _D:2 * _D + _DE, :]
    eterm_all = _eterm(ea_p, slot2d, We_all, conv_slot, conv_bm)

    def conv(i, xin, res):
        Wm = conv_Wm[i]
        xs, xdu = _pre(xin, Wm[:_D], Wm[_D:2 * _D], u,
                       Wm[2 * _D + _DE:], batch2d)
        agg_out = _sc_edge(xs, xdu, eterm_all[i], src2d, dst2d, zeros)
        Wu = conv_Wu[i]
        return _post(xin, agg_out, Wu[:_D], Wu[_D:], conv_bu[i][None, :], res)

    h = conv(0, x, None)
    x1 = conv(1, h, x)
    h = conv(2, x1, None)
    x2 = conv(3, h, x1)

    gate, gmax = _pass1(x2, batch2d, gate_W1, gate_b1[None, :],
                        gate_W2, gate_b2[None, :], gate_W3, gate_b3[None, :])
    acc = _pass2(x2, gate, gmax, batch2d, nn_W1, nn_b1[None, :],
                 nn_W2, nn_b2[None, :], nn_W3, nn_b3[None, :])
    return _norm(acc)

# --- scband reference (transcript-rebuilt; emitter-appended) ---
"""Pipeline reference for scband-shnet-5463198401370 (READ-ONLY COPY).

The authoritative reference and input builder live on the scoring server;
editing this copy changes nothing except your own understanding.
"""

import jax, jax.numpy as jnp
import numpy as np

N = 10000
E = 160000
D = 128
DE = 16
DU = 16
B = 64
NSLOT = 8
NCONV = 4


def setup_inputs(seed: int = 0):
    key = jax.random.key(seed)
    ks = jax.random.split(key, 20)
    s = 0.05
    inp = {}
    inp['node_attr'] = jax.random.normal(ks[0], (N, D), dtype=jnp.float32)
    inp['edge_index'] = jax.random.randint(ks[1], (2, E), 0, N, dtype=jnp.int32)
    inp['edge_slot'] = jax.random.randint(ks[2], (E,), 0, NSLOT, dtype=jnp.int32)
    inp['edge_attr'] = jax.random.normal(ks[3], (E, DE), dtype=jnp.float32)
    inp['u'] = jax.random.normal(ks[4], (B, DU), dtype=jnp.float32)
    inp['batch'] = jnp.sort(jax.random.randint(ks[5], (N,), 0, B, dtype=jnp.int32))
    inp['node_lin_W'] = jax.random.normal(ks[6], (D, D), dtype=jnp.float32) * s
    inp['node_lin_b'] = jnp.zeros((D,), dtype=jnp.float32)
    inp['conv_Wm'] = jax.random.normal(ks[7], (NCONV, 2 * D + DE + DU, D), dtype=jnp.float32) * s
    inp['conv_bm'] = jnp.zeros((NCONV, D), dtype=jnp.float32)
    inp['conv_slot'] = jax.random.normal(ks[8], (NCONV, NSLOT, D), dtype=jnp.float32) * s
    inp['conv_Wu'] = jax.random.normal(ks[9], (NCONV, 2 * D, D), dtype=jnp.float32) * s
    inp['conv_bu'] = jnp.zeros((NCONV, D), dtype=jnp.float32)
    inp['gate_W1'] = jax.random.normal(ks[10], (D, 128), dtype=jnp.float32) * s
    inp['gate_b1'] = jnp.zeros((128,), dtype=jnp.float32)
    inp['gate_W2'] = jax.random.normal(ks[11], (128, 128), dtype=jnp.float32) * s
    inp['gate_b2'] = jnp.zeros((128,), dtype=jnp.float32)
    inp['gate_W3'] = jax.random.normal(ks[12], (128, 1), dtype=jnp.float32) * s
    inp['gate_b3'] = jnp.zeros((1,), dtype=jnp.float32)
    inp['nn_W1'] = jax.random.normal(ks[13], (D, 128), dtype=jnp.float32) * s
    inp['nn_b1'] = jnp.zeros((128,), dtype=jnp.float32)
    inp['nn_W2'] = jax.random.normal(ks[14], (128, 128), dtype=jnp.float32) * s
    inp['nn_b2'] = jnp.zeros((128,), dtype=jnp.float32)
    inp['nn_W3'] = jax.random.normal(ks[15], (128, 1), dtype=jnp.float32) * s
    inp['nn_b3'] = jnp.zeros((1,), dtype=jnp.float32)
    return inp


def _mlp(x, W1, b1, W2, b2, W3, b3):
    h = jax.nn.relu(x @ W1 + b1)
    h = jax.nn.relu(h @ W2 + b2)
    return h @ W3 + b3


def reference(node_attr, edge_index, edge_slot, edge_attr, u, batch,
              node_lin_W, node_lin_b, conv_Wm, conv_bm, conv_slot, conv_Wu, conv_bu,
              gate_W1, gate_b1, gate_W2, gate_b2, gate_W3, gate_b3,
              nn_W1, nn_b1, nn_W2, nn_b2, nn_W3, nn_b3):
    src = edge_index[0]
    dst = edge_index[1]

    def conv(i, x):
        feat = jnp.concatenate([x[src], x[dst], edge_attr, u[batch[dst]]], axis=1)
        m = jax.nn.relu(feat @ conv_Wm[i] + conv_bm[i] + conv_slot[i][edge_slot])
        agg = jax.ops.segment_sum(m, dst, num_segments=N)
        return jnp.concatenate([x, agg], axis=1) @ conv_Wu[i] + conv_bu[i]

    x = node_attr @ node_lin_W + node_lin_b
    ci = 0
    for _ in range(2):  # args['layers'] ResBlocks, each with 2 graph convs
        h = jax.nn.relu(conv(ci, x))
        h = conv(ci + 1, h)
        x = jax.nn.relu(h + x)
        ci += 2

    gate = _mlp(x, gate_W1, gate_b1, gate_W2, gate_b2, gate_W3, gate_b3)[:, 0]
    hv = _mlp(x, nn_W1, nn_b1, nn_W2, nn_b2, nn_W3, nn_b3)
    gmax = jax.ops.segment_max(gate, batch, num_segments=B)
    ge = jnp.exp(gate - gmax[batch])
    den = jax.ops.segment_sum(ge, batch, num_segments=B)
    alpha = ge / den[batch]
    out = jax.ops.segment_sum(alpha[:, None] * hv, batch, num_segments=B)
    return out

if __name__ == "__main__":
    import jax
    _d = setup_inputs()
    print(jax.jit(kernel)(*tuple(_d.values())))

</pallas_src>

<mosaic_0001>
#map = affine_map<(d0, d1) -> (0, 0)>
#map1 = affine_map<(d0, d1) -> (0, 0, 0, 0)>
module attributes {stable_mosaic.version = 14 : i64} {
  func.func @k(%arg0: i32, %arg1: i32, %arg2: memref<10112x128xf32, #tpu.memory_space<hbm>>, %arg3: memref<10112x128xf32, #tpu.memory_space<hbm>>, %arg4: memref<163840x128xf32, #tpu.memory_space<hbm>>, %arg5: memref<1280x128xi32, #tpu.memory_space<hbm>>, %arg6: memref<1280x128xi32, #tpu.memory_space<hbm>>, %arg7: memref<5248x128xf32, #tpu.memory_space<hbm>>, %arg8: memref<2x2x5120x128xf32, #tpu.memory_space<hbm>>, %arg9: memref<163840x128xf32, #tpu.memory_space<hbm>>, %arg10: memref<40x128xi32, #tpu.memory_space<vmem>>, %arg11: memref<40x128xi32, #tpu.memory_space<vmem>>, %arg12: memref<1x128xi32, #tpu.memory_space<vmem>>, %arg13: memref<128x128xf32, #tpu.memory_space<vmem>>, %arg14: memref<128x128xf32, #tpu.memory_space<vmem>>, %arg15: memref<128x128xf32, #tpu.memory_space<vmem>>, %arg16: memref<5248x128xf32, #tpu.memory_space<vmem_shared>>, %arg17: memref<!tpu.dma_semaphore, #tpu.memory_space<semaphore_mem>>, %arg18: memref<!tpu.dma_semaphore, #tpu.memory_space<semaphore_mem>>, %arg19: memref<!tpu.dma_semaphore, #tpu.memory_space<semaphore_mem>>) attributes {dimension_semantics = [#tpu.dimension_semantics<core_parallel>, #tpu.dimension_semantics<subcore_parallel>], iteration_bounds = array<i64: 2, 16>, scalar_prefetch = 0 : i64, scratch_operands = 10 : i64, tpu.core_type = #tpu.core_type<sc_vector_subcore>, window_params = [{transform_indices = #map}, {transform_indices = #map}, {transform_indices = #map}, {transform_indices = #map}, {transform_indices = #map}, {transform_indices = #map}, {transform_indices = #map1}, {transform_indices = #map}]} {
    %mul3A = arith.constant 16 : i32
    %mul3A_0 = arith.muli %arg0, %mul3A : i32
    %add3A = arith.addi %mul3A_0, %arg1 : i32
    %mul3A_1 = arith.constant 40 : i32
    %mul3A_2 = arith.muli %add3A, %mul3A_1 : i32
    "tpu.region"() ({
      %run_scoped3A = tpu.sem_alloc : memref<!tpu.dma_semaphore, #tpu.memory_space<semaphore_mem>>
      %dma_start3A = arith.constant 0 : i32
      %dma_start3A_29 = tpu.memref_slice %arg5[%mul3A_2, %dma_start3A] : memref<1280x128xi32, #tpu.memory_space<hbm>> -> memref<40x128xi32, #tpu.memory_space<hbm>>
      %dma_start3A_30 = arith.constant 0 : i32
      %dma_start3A_31 = tpu.memref_slice %arg5[%mul3A_2, %dma_start3A_30] : memref<1280x128xi32, #tpu.memory_space<hbm>> -> memref<40x128xi32, #tpu.memory_space<hbm>>
      tpu.enqueue_dma source(%dma_start3A_31 : memref<40x128xi32, #tpu.memory_space<hbm>>) target(%arg10 : memref<40x128xi32, #tpu.memory_space<vmem>>) target_semaphore(%run_scoped3A : memref<!tpu.dma_semaphore, #tpu.memory_space<semaphore_mem>>)
      %dma_wait3A = arith.constant 0 : i32
      %dma_wait3A_32 = tpu.memref_slice %arg5[%mul3A_2, %dma_wait3A] : memref<1280x128xi32, #tpu.memory_space<hbm>> -> memref<40x128xi32, #tpu.memory_space<hbm>>
      %dma_wait3A_33 = arith.constant 0 : i32
      %dma_wait3A_34 = tpu.memref_slice %arg5[%mul3A_2, %dma_wait3A_33] : memref<1280x128xi32, #tpu.memory_space<hbm>> -> memref<40x128xi32, #tpu.memory_space<hbm>>
      tpu.wait_dma2 semaphore(%run_scoped3A : memref<!tpu.dma_semaphore, #tpu.memory_space<semaphore_mem>>) src(%dma_wait3A_34 : memref<40x128xi32, #tpu.memory_space<hbm>>) dst(%arg10 : memref<40x128xi32, #tpu.memory_space<vmem>>)
      tpu.yield
    }) : () -> ()
    "tpu.region"() ({
      %run_scoped3A = tpu.sem_alloc : memref<!tpu.dma_semaphore, #tpu.memory_space<semaphore_mem>>
      %dma_start3A = arith.constant 0 : i32
      %dma_start3A_29 = tpu.memref_slice %arg6[%mul3A_2, %dma_start3A] : memref<1280x128xi32, #tpu.memory_space<hbm>> -> memref<40x128xi32, #tpu.memory_space<hbm>>
      %dma_start3A_30 = arith.constant 0 : i32
      %dma_start3A_31 = tpu.memref_slice %arg6[%mul3A_2, %dma_start3A_30] : memref<1280x128xi32, #tpu.memory_space<hbm>> -> memref<40x128xi32, #tpu.memory_space<hbm>>
      tpu.enqueue_dma source(%dma_start3A_31 : memref<40x128xi32, #tpu.memory_space<hbm>>) target(%arg11 : memref<40x128xi32, #tpu.memory_space<vmem>>) target_semaphore(%run_scoped3A : memref<!tpu.dma_semaphore, #tpu.memory_space<semaphore_mem>>)
      %dma_wait3A = arith.constant 0 : i32
      %dma_wait3A_32 = tpu.memref_slice %arg6[%mul3A_2, %dma_wait3A] : memref<1280x128xi32, #tpu.memory_space<hbm>> -> memref<40x128xi32, #tpu.memory_space<hbm>>
      %dma_wait3A_33 = arith.constant 0 : i32
      %dma_wait3A_34 = tpu.memref_slice %arg6[%mul3A_2, %dma_wait3A_33] : memref<1280x128xi32, #tpu.memory_space<hbm>> -> memref<40x128xi32, #tpu.memory_space<hbm>>
      tpu.wait_dma2 semaphore(%run_scoped3A : memref<!tpu.dma_semaphore, #tpu.memory_space<semaphore_mem>>) src(%dma_wait3A_34 : memref<40x128xi32, #tpu.memory_space<hbm>>) dst(%arg11 : memref<40x128xi32, #tpu.memory_space<vmem>>)
      tpu.yield
    }) : () -> ()
    %eq3A = arith.constant 0 : i32
    %eq3A_3 = arith.cmpi eq, %arg1, %eq3A : i32
    %convert_element_type3A = arith.extui %eq3A_3 : i1 to i32
    %cond3A = arith.constant 0 : i32
    %cond3A_4 = arith.cmpi ne, %convert_element_type3A, %cond3A : i32
    scf.if %cond3A_4 {
      "tpu.region"() ({
        %run_scoped3A = tpu.sem_alloc : memref<!tpu.dma_semaphore, #tpu.memory_space<semaphore_mem>>
        tpu.enqueue_dma source(%arg7 : memref<5248x128xf32, #tpu.memory_space<hbm>>) target(%arg16 : memref<5248x128xf32, #tpu.memory_space<vmem_shared>>) target_semaphore(%run_scoped3A : memref<!tpu.dma_semaphore, #tpu.memory_space<semaphore_mem>>)
        tpu.wait_dma2 semaphore(%run_scoped3A : memref<!tpu.dma_semaphore, #tpu.memory_space<semaphore_mem>>) src(%arg7 : memref<5248x128xf32, #tpu.memory_space<hbm>>) dst(%arg16 : memref<5248x128xf32, #tpu.memory_space<vmem_shared>>)
        tpu.yield
      }) : () -> ()
    } else {
    }
    %barrier3A = arith.constant 0 : index
    tpu.barrier barrier_id(%barrier3A)
    %scan3A = arith.constant 0 : i32
    %scan3A_5 = arith.constant 0 : i32
    %scan3A_6 = arith.constant 40 : i32
    %scan3A_7 = arith.addi %scan3A_5, %scan3A_6 : i32
    %scan3A_8 = arith.constant 1 : i32
    scf.for %scan3A_29 = %scan3A_5 to %scan3A_7 step %scan3A_8  : i32 {
      %dma_start3A = arith.constant 0 : i32
      %dma_start3A_30 = tpu.memref_slice %arg10[%scan3A_29, %dma_start3A] : memref<40x128xi32, #tpu.memory_space<vmem>> -> memref<1x128xi32, #tpu.memory_space<vmem>>
      %dma_start3A_31 = tpu.memref_squeeze %dma_start3A_30 : memref<1x128xi32, #tpu.memory_space<vmem>> -> memref<128xi32, #tpu.memory_space<vmem>>
      %dma_start3A_32 = arith.constant 0 : i32
      %dma_start3A_33 = arith.constant 0 : i32
      %dma_start3A_34 = tpu.memref_slice %arg2[%dma_start3A_32, %dma_start3A_33] : memref<10112x128xf32, #tpu.memory_space<hbm>> -> memref<10112x128xf32, #tpu.memory_space<hbm>>
      tpu.enqueue_indirect_dma source(%dma_start3A_34 : memref<10112x128xf32, #tpu.memory_space<hbm>>) target(%arg13 : memref<128x128xf32, #tpu.memory_space<vmem>>) offsets(%dma_start3A_31 : memref<128xi32, #tpu.memory_space<vmem>>) semaphore(%arg17 : memref<!tpu.dma_semaphore, #tpu.memory_space<semaphore_mem>>)
      %dma_start3A_35 = arith.constant 0 : i32
      %dma_start3A_36 = tpu.memref_slice %arg11[%scan3A_29, %dma_start3A_35] : memref<40x128xi32, #tpu.memory_space<vmem>> -> memref<1x128xi32, #tpu.memory_space<vmem>>
      %dma_start3A_37 = tpu.memref_squeeze %dma_start3A_36 : memref<1x128xi32, #tpu.memory_space<vmem>> -> memref<128xi32, #tpu.memory_space<vmem>>
      %dma_start3A_38 = arith.constant 0 : i32
      %dma_start3A_39 = arith.constant 0 : i32
      %dma_start3A_40 = tpu.memref_slice %arg3[%dma_start3A_38, %dma_start3A_39] : memref<10112x128xf32, #tpu.memory_space<hbm>> -> memref<10112x128xf32, #tpu.memory_space<hbm>>
      tpu.enqueue_indirect_dma source(%dma_start3A_40 : memref<10112x128xf32, #tpu.memory_space<hbm>>) target(%arg14 : memref<128x128xf32, #tpu.memory_space<vmem>>) offsets(%dma_start3A_37 : memref<128xi32, #tpu.memory_space<vmem>>) semaphore(%arg18 : memref<!tpu.dma_semaphore, #tpu.memory_space<semaphore_mem>>)
      %add3A_41 = arith.addi %mul3A_2, %scan3A_29 : i32
      %mul3A_42 = arith.constant 128 : i32
      %mul3A_43 = arith.muli %add3A_41, %mul3A_42 : i32
      %dma_start3A_44 = arith.constant 0 : i32
      %dma_start3A_45 = tpu.memref_slice %arg4[%mul3A_43, %dma_start3A_44] : memref<163840x128xf32, #tpu.memory_space<hbm>> -> memref<128x128xf32, #tpu.memory_space<hbm>>
      %dma_start3A_46 = arith.constant 0 : i32
      %dma_start3A_47 = tpu.memref_slice %arg4[%mul3A_43, %dma_start3A_46] : memref<163840x128xf32, #tpu.memory_space<hbm>> -> memref<128x128xf32, #tpu.memory_space<hbm>>
      tpu.enqueue_dma source(%dma_start3A_47 : memref<128x128xf32, #tpu.memory_space<hbm>>) target(%arg15 : memref<128x128xf32, #tpu.memory_space<vmem>>) target_semaphore(%arg19 : memref<!tpu.dma_semaphore, #tpu.memory_space<semaphore_mem>>)
      %dma_wait3A = arith.constant 0 : i32
      %dma_wait3A_48 = tpu.memref_slice %arg10[%scan3A_29, %dma_wait3A] : memref<40x128xi32, #tpu.memory_space<vmem>> -> memref<1x128xi32, #tpu.memory_space<vmem>>
      %dma_wait3A_49 = tpu.memref_squeeze %dma_wait3A_48 : memref<1x128xi32, #tpu.memory_space<vmem>> -> memref<128xi32, #tpu.memory_space<vmem>>
      %dma_wait3A_50 = arith.constant 0 : i32
      %dma_wait3A_51 = arith.constant 0 : i32
      %dma_wait3A_52 = tpu.memref_slice %arg2[%dma_wait3A_50, %dma_wait3A_51] : memref<10112x128xf32, #tpu.memory_space<hbm>> -> memref<10112x128xf32, #tpu.memory_space<hbm>>
      tpu.wait_indirect_dma semaphore(%arg17 : memref<!tpu.dma_semaphore, #tpu.memory_space<semaphore_mem>>) src(%dma_wait3A_52 : memref<10112x128xf32, #tpu.memory_space<hbm>>) dst(%arg13 : memref<128x128xf32, #tpu.memory_space<vmem>>)
      %dma_wait3A_53 = arith.constant 0 : i32
      %dma_wait3A_54 = tpu.memref_slice %arg11[%scan3A_29, %dma_wait3A_53] : memref<40x128xi32, #tpu.memory_space<vmem>> -> memref<1x128xi32, #tpu.memory_space<vmem>>
      %dma_wait3A_55 = tpu.memref_squeeze %dma_wait3A_54 : memref<1x128xi32, #tpu.memory_space<vmem>> -> memref<128xi32, #tpu.memory_space<vmem>>
      %dma_wait3A_56 = arith.constant 0 : i32
      %dma_wait3A_57 = arith.constant 0 : i32
      %dma_wait3A_58 = tpu.memref_slice %arg3[%dma_wait3A_56, %dma_wait3A_57] : memref<10112x128xf32, #tpu.memory_space<hbm>> -> memref<10112x128xf32, #tpu.memory_space<hbm>>
      tpu.wait_indirect_dma semaphore(%arg18 : memref<!tpu.dma_semaphore, #tpu.memory_space<semaphore_mem>>) src(%dma_wait3A_58 : memref<10112x128xf32, #tpu.memory_space<hbm>>) dst(%arg14 : memref<128x128xf32, #tpu.memory_space<vmem>>)
      %dma_wait3A_59 = arith.constant 0 : i32
      %dma_wait3A_60 = tpu.memref_slice %arg4[%mul3A_43, %dma_wait3A_59] : memref<163840x128xf32, #tpu.memory_space<hbm>> -> memref<128x128xf32, #tpu.memory_space<hbm>>
      %dma_wait3A_61 = arith.constant 0 : i32
      %dma_wait3A_62 = tpu.memref_slice %arg4[%mul3A_43, %dma_wait3A_61] : memref<163840x128xf32, #tpu.memory_space<hbm>> -> memref<128x128xf32, #tpu.memory_space<hbm>>
      tpu.wait_dma2 semaphore(%arg19 : memref<!tpu.dma_semaphore, #tpu.memory_space<semaphore_mem>>) src(%dma_wait3A_62 : memref<128x128xf32, #tpu.memory_space<hbm>>) dst(%arg15 : memref<128x128xf32, #tpu.memory_space<vmem>>)
      %scan3A_63 = arith.constant 0 : i32
      %scan3A_64 = arith.constant 0 : i32
      %scan3A_65 = arith.constant 128 : i32
      %scan3A_66 = arith.addi %scan3A_64, %scan3A_65 : i32
      %scan3A_67 = arith.constant 1 : i32
      scf.for %scan3A_173 = %scan3A_64 to %scan3A_66 step %scan3A_67  : i32 {
        %get3A_174 = arith.index_cast %scan3A_173 : i32 to index
        %get3A_175 = arith.constant 0 : index
        %get3A_176 = tpu.vector_load %arg13[%get3A_174, %get3A_175] {strides = array<i32>} : memref<128x128xf32, #tpu.memory_space<vmem>>, vector<1x16xf32>,
        %get3A_177 = vector.shape_cast %get3A_176 : vector<1x16xf32> to vector<16xf32>
        %get3A_178 = arith.index_cast %scan3A_173 : i32 to index
        %get3A_179 = arith.constant 0 : index
        %get3A_180 = tpu.vector_load %arg14[%get3A_178, %get3A_179] {strides = array<i32>} : memref<128x128xf32, #tpu.memory_space<vmem>>, vector<1x16xf32>,
        %get3A_181 = vector.shape_cast %get3A_180 : vector<1x16xf32> to vector<16xf32>
        %add3A_182 = arith.addf %get3A_177, %get3A_181 : vector<16xf32>
        %get3A_183 = arith.index_cast %scan3A_173 : i32 to index
        %get3A_184 = arith.constant 0 : index
        %get3A_185 = tpu.vector_load %arg15[%get3A_183, %get3A_184] {strides = array<i32>} : memref<128x128xf32, #tpu.memory_space<vmem>>, vector<1x16xf32>,
        %get3A_186 = vector.shape_cast %get3A_185 : vector<1x16xf32> to vector<16xf32>
        %add3A_187 = arith.addf %add3A_182, %get3A_186 : vector<16xf32>
        %max3A = arith.constant 0.000000e+00 : f32
        %max3A_188 = vector.broadcast %max3A : f32 to vector<16xf32>
        %max3A_189 = arith.maximumf %add3A_187, %max3A_188 : vector<16xf32>
        %swap3A_190 = arith.index_cast %scan3A_173 : i32 to index
        %swap3A_191 = arith.constant 0 : index
        %swap3A_192 = tpu.vector_load %arg13[%swap3A_190, %swap3A_191] {strides = array<i32>} : memref<128x128xf32, #tpu.memory_space<vmem>>, vector<1x16xf32>,
        %swap3A_193 = vector.shape_cast %swap3A_192 : vector<1x16xf32> to vector<16xf32>
        %swap3A_194 = vector.shape_cast %max3A_189 : vector<16xf32> to vector<1x16xf32>
        tpu.vector_store %arg13[%swap3A_190, %swap3A_191], %swap3A_194 {strides = array<i32>} : memref<128x128xf32, #tpu.memory_space<vmem>>, vector<1x16xf32>,
        %get3A_195 = arith.index_cast %scan3A_173 : i32 to index
        %get3A_196 = arith.constant 16 : index
        %get3A_197 = tpu.vector_load %arg13[%get3A_195, %get3A_196] {strides = array<i32>} : memref<128x128xf32, #tpu.memory_space<vmem>>, vector<1x16xf32>,
        %get3A_198 = vector.shape_cast %get3A_197 : vector<1x16xf32> to vector<16xf32>
        %get3A_199 = arith.index_cast %scan3A_173 : i32 to index
        %get3A_200 = arith.constant 16 : index
        %get3A_201 = tpu.vector_load %arg14[%get3A_199, %get3A_200] {strides = array<i32>} : memref<128x128xf32, #tpu.memory_space<vmem>>, vector<1x16xf32>,
        %get3A_202 = vector.shape_cast %get3A_201 : vector<1x16xf32> to vector<16xf32>
        %add3A_203 = arith.addf %get3A_198, %get3A_202 : vector<16xf32>
        %get3A_204 = arith.index_cast %scan3A_173 : i32 to index
        %get3A_205 = arith.constant 16 : index
        %get3A_206 = tpu.vector_load %arg15[%get3A_204, %get3A_205] {strides = array<i32>} : memref<128x128xf32, #tpu.memory_space<vmem>>, vector<1x16xf32>,
        %get3A_207 = vector.shape_cast %get3A_206 : vector<1x16xf32> to vector<16xf32>
        %add3A_208 = arith.addf %add3A_203, %get3A_207 : vector<16xf32>
        %max3A_209 = arith.constant 0.000000e+00 : f32
        %max3A_210 = vector.broadcast %max3A_209 : f32 to vector<16xf32>
        %max3A_211 = arith.maximumf %add3A_208, %max3A_210 : vector<16xf32>
        %swap3A_212 = arith.index_cast %scan3A_173 : i32 to index
        %swap3A_213 = arith.constant 16 : index
        %swap3A_214 = tpu.vector_load %arg13[%swap3A_212, %swap3A_213] {strides = array<i32>} : memref<128x128xf32, #tpu.memory_space<vmem>>, vector<1x16xf32>,
        %swap3A_215 = vector.shape_cast %swap3A_214 : vector<1x16xf32> to vector<16xf32>
        %swap3A_216 = vector.shape_cast %max3A_211 : vector<16xf32> to vector<1x16xf32>
        tpu.vector_store %arg13[%swap3A_212, %swap3A_213], %swap3A_216 {strides = array<i32>} : memref<128x128xf32, #tpu.memory_space<vmem>>, vector<1x16xf32>,
        %get3A_217 = arith.index_cast %scan3A_173 : i32 to index
        %get3A_218 = arith.constant 32 : index
        %get3A_219 = tpu.vector_load %arg13[%get3A_217, %get3A_218] {strides = array<i32>} : memref<128x128xf32, #tpu.memory_space<vmem>>, vector<1x16xf32>,
        %get3A_220 = vector.shape_cast %get3A_219 : vector<1x16xf32> to vector<16xf32>
        %get3A_221 = arith.index_cast %scan3A_173 : i32 to index
        %get3A_222 = arith.constant 32 : index
        %get3A_223 = tpu.vector_load %arg14[%get3A_221, %get3A_222] {strides = array<i32>} : memref<128x128xf32, #tpu.memory_space<vmem>>, vector<1x16xf32>,
        %get3A_224 = vector.shape_cast %get3A_223 : vector<1x16xf32> to vector<16xf32>
        %add3A_225 = arith.addf %get3A_220, %get3A_224 : vector<16xf32>
        %get3A_226 = arith.index_cast %scan3A_173 : i32 to index
        %get3A_227 = arith.constant 32 : index
        %get3A_228 = tpu.vector_load %arg15[%get3A_226, %get3A_227] {strides = array<i32>} : memref<128x128xf32, #tpu.memory_space<vmem>>, vector<1x16xf32>,
        %get3A_229 = vector.shape_cast %get3A_228 : vector<1x16xf32> to vector<16xf32>
        %add3A_230 = arith.addf %add3A_225, %get3A_229 : vector<16xf32>
        %max3A_231 = arith.constant 0.000000e+00 : f32
        %max3A_232 = vector.broadcast %max3A_231 : f32 to vector<16xf32>
        %max3A_233 = arith.maximumf %add3A_230, %max3A_232 : vector<16xf32>
        %swap3A_234 = arith.index_cast %scan3A_173 : i32 to index
        %swap3A_235 = arith.constant 32 : index
        %swap3A_236 = tpu.vector_load %arg13[%swap3A_234, %swap3A_235] {strides = array<i32>} : memref<128x128xf32, #tpu.memory_space<vmem>>, vector<1x16xf32>,
        %swap3A_237 = vector.shape_cast %swap3A_236 : vector<1x16xf32> to vector<16xf32>
        %swap3A_238 = vector.shape_cast %max3A_233 : vector<16xf32> to vector<1x16xf32>
        tpu.vector_store %arg13[%swap3A_234, %swap3A_235], %swap3A_238 {strides = array<i32>} : memref<128x128xf32, #tpu.memory_space<vmem>>, vector<1x16xf32>,
        %get3A_239 = arith.index_cast %scan3A_173 : i32 to index
        %get3A_240 = arith.constant 48 : index
        %get3A_241 = tpu.vector_load %arg13[%get3A_239, %get3A_240] {strides = array<i32>} : memref<128x128xf32, #tpu.memory_space<vmem>>, vector<1x16xf32>,
        %get3A_242 = vector.shape_cast %get3A_241 : vector<1x16xf32> to vector<16xf32>
        %get3A_243 = arith.index_cast %scan3A_173 : i32 to index
        %get3A_244 = arith.constant 48 : index
        %get3A_245 = tpu.vector_load %arg14[%get3A_243, %get3A_244] {strides = array<i32>} : memref<128x128xf32, #tpu.memory_space<vmem>>, vector<1x16xf32>,
        %get3A_246 = vector.shape_cast %get3A_245 : vector<1x16xf32> to vector<16xf32>
        %add3A_247 = arith.addf %get3A_242, %get3A_246 : vector<16xf32>
        %get3A_248 = arith.index_cast %scan3A_173 : i32 to index
        %get3A_249 = arith.constant 48 : index
        %get3A_250 = tpu.vector_load %arg15[%get3A_248, %get3A_249] {strides = array<i32>} : memref<128x128xf32, #tpu.memory_space<vmem>>, vector<1x16xf32>,
        %get3A_251 = vector.shape_cast %get3A_250 : vector<1x16xf32> to vector<16xf32>
        %add3A_252 = arith.addf %add3A_247, %get3A_251 : vector<16xf32>
        %max3A_253 = arith.constant 0.000000e+00 : f32
        %max3A_254 = vector.broadcast %max3A_253 : f32 to vector<16xf32>
        %max3A_255 = arith.maximumf %add3A_252, %max3A_254 : vector<16xf32>
        %swap3A_256 = arith.index_cast %scan3A_173 : i32 to index
        %swap3A_257 = arith.constant 48 : index
        %swap3A_258 = tpu.vector_load %arg13[%swap3A_256, %swap3A_257] {strides = array<i32>} : memref<128x128xf32, #tpu.memory_space<vmem>>, vector<1x16xf32>,
        %swap3A_259 = vector.shape_cast %swap3A_258 : vector<1x16xf32> to vector<16xf32>
        %swap3A_260 = vector.shape_cast %max3A_255 : vector<16xf32> to vector<1x16xf32>
        tpu.vector_store %arg13[%swap3A_256, %swap3A_257], %swap3A_260 {strides = array<i32>} : memref<128x128xf32, #tpu.memory_space<vmem>>, vector<1x16xf32>,
        %get3A_261 = arith.index_cast %scan3A_173 : i32 to index
        %get3A_262 = arith.constant 64 : index
        %get3A_263 = tpu.vector_load %arg13[%get3A_261, %get3A_262] {strides = array<i32>} : memref<128x128xf32, #tpu.memory_space<vmem>>, vector<1x16xf32>,
        %get3A_264 = vector.shape_cast %get3A_263 : vector<1x16xf32> to vector<16xf32>
        %get3A_265 = arith.index_cast %scan3A_173 : i32 to index
        %get3A_266 = arith.constant 64 : index
        %get3A_267 = tpu.vector_load %arg14[%get3A_265, %get3A_266] {strides = array<i32>} : memref<128x128xf32, #tpu.memory_space<vmem>>, vector<1x16xf32>,
        %get3A_268 = vector.shape_cast %get3A_267 : vector<1x16xf32> to vector<16xf32>
        %add3A_269 = arith.addf %get3A_264, %get3A_268 : vector<16xf32>
        %get3A_270 = arith.index_cast %scan3A_173 : i32 to index
        %get3A_271 = arith.constant 64 : index
        %get3A_272 = tpu.vector_load %arg15[%get3A_270, %get3A_271] {strides = array<i32>} : memref<128x128xf32, #tpu.memory_space<vmem>>, vector<1x16xf32>,
        %get3A_273 = vector.shape_cast %get3A_272 : vector<1x16xf32> to vector<16xf32>
        %add3A_274 = arith.addf %add3A_269, %get3A_273 : vector<16xf32>
        %max3A_275 = arith.constant 0.000000e+00 : f32
        %max3A_276 = vector.broadcast %max3A_275 : f32 to vector<16xf32>
        %max3A_277 = arith.maximumf %add3A_274, %max3A_276 : vector<16xf32>
        %swap3A_278 = arith.index_cast %scan3A_173 : i32 to index
        %swap3A_279 = arith.constant 64 : index
        %swap3A_280 = tpu.vector_load %arg13[%swap3A_278, %swap3A_279] {strides = array<i32>} : memref<128x128xf32, #tpu.memory_space<vmem>>, vector<1x16xf32>,
        %swap3A_281 = vector.shape_cast %swap3A_280 : vector<1x16xf32> to vector<16xf32>
        %swap3A_282 = vector.shape_cast %max3A_277 : vector<16xf32> to vector<1x16xf32>
        tpu.vector_store %arg13[%swap3A_278, %swap3A_279], %swap3A_282 {strides = array<i32>} : memref<128x128xf32, #tpu.memory_space<vmem>>, vector<1x16xf32>,
        %get3A_283 = arith.index_cast %scan3A_173 : i32 to index
        %get3A_284 = arith.constant 80 : index
        %get3A_285 = tpu.vector_load %arg13[%get3A_283, %get3A_284] {strides = array<i32>} : memref<128x128xf32, #tpu.memory_space<vmem>>, vector<1x16xf32>,
        %get3A_286 = vector.shape_cast %get3A_285 : vector<1x16xf32> to vector<16xf32>
        %get3A_287 = arith.index_cast %scan3A_173 : i32 to index
        %get3A_288 = arith.constant 80 : index
        %get3A_289 = tpu.vector_load %arg14[%get3A_287, %get3A_288] {strides = array<i32>} : memref<128x128xf32, #tpu.memory_space<vmem>>, vector<1x16xf32>,
        %get3A_290 = vector.shape_cast %get3A_289 : vector<1x16xf32> to vector<16xf32>
        %add3A_291 = arith.addf %get3A_286, %get3A_290 : vector<16xf32>
        %get3A_292 = arith.index_cast %scan3A_173 : i32 to index
        %get3A_293 = arith.constant 80 : index
        %get3A_294 = tpu.vector_load %arg15[%get3A_292, %get3A_293] {strides = array<i32>} : memref<128x128xf32, #tpu.memory_space<vmem>>, vector<1x16xf32>,
        %get3A_295 = vector.shape_cast %get3A_294 : vector<1x16xf32> to vector<16xf32>
        %add3A_296 = arith.addf %add3A_291, %get3A_295 : vector<16xf32>
        %max3A_297 = arith.constant 0.000000e+00 : f32
        %max3A_298 = vector.broadcast %max3A_297 : f32 to vector<16xf32>
        %max3A_299 = arith.maximumf %add3A_296, %max3A_298 : vector<16xf32>
        %swap3A_300 = arith.index_cast %scan3A_173 : i32 to index
        %swap3A_301 = arith.constant 80 : index
        %swap3A_302 = tpu.vector_load %arg13[%swap3A_300, %swap3A_301] {strides = array<i32>} : memref<128x128xf32, #tpu.memory_space<vmem>>, vector<1x16xf32>,
        %swap3A_303 = vector.shape_cast %swap3A_302 : vector<1x16xf32> to vector<16xf32>
        %swap3A_304 = vector.shape_cast %max3A_299 : vector<16xf32> to vector<1x16xf32>
        tpu.vector_store %arg13[%swap3A_300, %swap3A_301], %swap3A_304 {strides = array<i32>} : memref<128x128xf32, #tpu.memory_space<vmem>>, vector<1x16xf32>,
        %get3A_305 = arith.index_cast %scan3A_173 : i32 to index
        %get3A_306 = arith.constant 96 : index
        %get3A_307 = tpu.vector_load %arg13[%get3A_305, %get3A_306] {strides = array<i32>} : memref<128x128xf32, #tpu.memory_space<vmem>>, vector<1x16xf32>,
        %get3A_308 = vector.shape_cast %get3A_307 : vector<1x16xf32> to vector<16xf32>
        %get3A_309 = arith.index_cast %scan3A_173 : i32 to index
        %get3A_310 = arith.constant 96 : index
        %get3A_311 = tpu.vector_load %arg14[%get3A_309, %get3A_310] {strides = array<i32>} : memref<128x128xf32, #tpu.memory_space<vmem>>, vector<1x16xf32>,
        %get3A_312 = vector.shape_cast %get3A_311 : vector<1x16xf32> to vector<16xf32>
        %add3A_313 = arith.addf %get3A_308, %get3A_312 : vector<16xf32>
        %get3A_314 = arith.index_cast %scan3A_173 : i32 to index
        %get3A_315 = arith.constant 96 : index
        %get3A_316 = tpu.vector_load %arg15[%get3A_314, %get3A_315] {strides = array<i32>} : memref<128x128xf32, #tpu.memory_space<vmem>>, vector<1x16xf32>,
        %get3A_317 = vector.shape_cast %get3A_316 : vector<1x16xf32> to vector<16xf32>
        %add3A_318 = arith.addf %add3A_313, %get3A_317 : vector<16xf32>
        %max3A_319 = arith.constant 0.000000e+00 : f32
        %max3A_320 = vector.broadcast %max3A_319 : f32 to vector<16xf32>
        %max3A_321 = arith.maximumf %add3A_318, %max3A_320 : vector<16xf32>
        %swap3A_322 = arith.index_cast %scan3A_173 : i32 to index
        %swap3A_323 = arith.constant 96 : index
        %swap3A_324 = tpu.vector_load %arg13[%swap3A_322, %swap3A_323] {strides = array<i32>} : memref<128x128xf32, #tpu.memory_space<vmem>>, vector<1x16xf32>,
        %swap3A_325 = vector.shape_cast %swap3A_324 : vector<1x16xf32> to vector<16xf32>
        %swap3A_326 = vector.shape_cast %max3A_321 : vector<16xf32> to vector<1x16xf32>
        tpu.vector_store %arg13[%swap3A_322, %swap3A_323], %swap3A_326 {strides = array<i32>} : memref<128x128xf32, #tpu.memory_space<vmem>>, vector<1x16xf32>,
        %get3A_327 = arith.index_cast %scan3A_173 : i32 to index
        %get3A_328 = arith.constant 112 : index
        %get3A_329 = tpu.vector_load %arg13[%get3A_327, %get3A_328] {strides = array<i32>} : memref<128x128xf32, #tpu.memory_space<vmem>>, vector<1x16xf32>,
        %get3A_330 = vector.shape_cast %get3A_329 : vector<1x16xf32> to vector<16xf32>
        %get3A_331 = arith.index_cast %scan3A_173 : i32 to index
        %get3A_332 = arith.constant 112 : index
        %get3A_333 = tpu.vector_load %arg14[%get3A_331, %get3A_332] {strides = array<i32>} : memref<128x128xf32, #tpu.memory_space<vmem>>, vector<1x16xf32>,
        %get3A_334 = vector.shape_cast %get3A_333 : vector<1x16xf32> to vector<16xf32>
        %add3A_335 = arith.addf %get3A_330, %get3A_334 : vector<16xf32>
        %get3A_336 = arith.index_cast %scan3A_173 : i32 to index
        %get3A_337 = arith.constant 112 : index
        %get3A_338 = tpu.vector_load %arg15[%get3A_336, %get3A_337] {strides = array<i32>} : memref<128x128xf32, #tpu.memory_space<vmem>>, vector<1x16xf32>,
        %get3A_339 = vector.shape_cast %get3A_338 : vector<1x16xf32> to vector<16xf32>
        %add3A_340 = arith.addf %add3A_335, %get3A_339 : vector<16xf32>
        %max3A_341 = arith.constant 0.000000e+00 : f32
        %max3A_342 = vector.broadcast %max3A_341 : f32 to vector<16xf32>
        %max3A_343 = arith.maximumf %add3A_340, %max3A_342 : vector<16xf32>
        %swap3A_344 = arith.index_cast %scan3A_173 : i32 to index
        %swap3A_345 = arith.constant 112 : index
        %swap3A_346 = tpu.vector_load %arg13[%swap3A_344, %swap3A_345] {strides = array<i32>} : memref<128x128xf32, #tpu.memory_space<vmem>>, vector<1x16xf32>,
        %swap3A_347 = vector.shape_cast %swap3A_346 : vector<1x16xf32> to vector<16xf32>
        %swap3A_348 = vector.shape_cast %max3A_343 : vector<16xf32> to vector<1x16xf32>
        tpu.vector_store %arg13[%swap3A_344, %swap3A_345], %swap3A_348 {strides = array<i32>} : memref<128x128xf32, #tpu.memory_space<vmem>>, vector<1x16xf32>,
      }
      %scan3A_68 = arith.constant 128 : i32
      %add3A_69 = arith.addi %mul3A_2, %scan3A_29 : i32
      %mul3A_70 = arith.constant 128 : i32
      %mul3A_71 = arith.muli %add3A_69, %mul3A_70 : i32
      "tpu.region"() ({
        %run_scoped3A_173 = tpu.sem_alloc : memref<!tpu.dma_semaphore, #tpu.memory_space<semaphore_mem>>
        %dma_start3A_174 = arith.constant 0 : i32
        %dma_start3A_175 = tpu.memref_slice %arg9[%mul3A_71, %dma_start3A_174] : memref<163840x128xf32, #tpu.memory_space<hbm>> -> memref<128x128xf32, #tpu.memory_space<hbm>>
        %dma_start3A_176 = arith.constant 0 : i32
        %dma_start3A_177 = tpu.memref_slice %arg9[%mul3A_71, %dma_start3A_176] : memref<163840x128xf32, #tpu.memory_space<hbm>> -> memref<128x128xf32, #tpu.memory_space<hbm>>
        tpu.enqueue_dma source(%arg13 : memref<128x128xf32, #tpu.memory_space<vmem>>) target(%dma_start3A_177 : memref<128x128xf32, #tpu.memory_space<hbm>>) target_semaphore(%run_scoped3A_173 : memref<!tpu.dma_semaphore, #tpu.memory_space<semaphore_mem>>)
        %dma_wait3A_178 = arith.constant 0 : i32
        %dma_wait3A_179 = tpu.memref_slice %arg9[%mul3A_71, %dma_wait3A_178] : memref<163840x128xf32, #tpu.memory_space<hbm>> -> memref<128x128xf32, #tpu.memory_space<hbm>>
        %dma_wait3A_180 = arith.constant 0 : i32
        %dma_wait3A_181 = tpu.memref_slice %arg9[%mul3A_71, %dma_wait3A_180] : memref<163840x128xf32, #tpu.memory_space<hbm>> -> memref<128x128xf32, #tpu.memory_space<hbm>>
        tpu.wait_dma2 semaphore(%run_scoped3A_173 : memref<!tpu.dma_semaphore, #tpu.memory_space<semaphore_mem>>) src(%arg13 : memref<128x128xf32, #tpu.memory_space<vmem>>) dst(%dma_wait3A_181 : memref<128x128xf32, #tpu.memory_space<hbm>>)
        tpu.yield
      }) : () -> ()
      %get3A = arith.index_cast %scan3A_29 : i32 to index
      %get3A_72 = arith.constant 0 : index
      %get3A_73 = tpu.vector_load %arg11[%get3A, %get3A_72] {strides = array<i32>} : memref<40x128xi32, #tpu.memory_space<vmem>>, vector<1x16xi32>,
      %get3A_74 = vector.shape_cast %get3A_73 : vector<1x16xi32> to vector<16xi32>
      %min3A = arith.constant 5120 : i32
      %min3A_75 = vector.broadcast %min3A : i32 to vector<16xi32>
      %min3A_76 = arith.minsi %get3A_74, %min3A_75 : vector<16xi32>
      %swap3A = arith.constant 0 : i32
      %swap3A_77 = arith.index_cast %swap3A : i32 to index
      %swap3A_78 = arith.constant 0 : index
      %swap3A_79 = tpu.vector_load %arg12[%swap3A_77, %swap3A_78] {strides = array<i32>} : memref<1x128xi32, #tpu.memory_space<vmem>>, vector<1x16xi32>,
      %swap3A_80 = vector.shape_cast %swap3A_79 : vector<1x16xi32> to vector<16xi32>
      %swap3A_81 = vector.shape_cast %min3A_76 : vector<16xi32> to vector<1x16xi32>
      tpu.vector_store %arg12[%swap3A_77, %swap3A_78], %swap3A_81 {strides = array<i32>} : memref<1x128xi32, #tpu.memory_space<vmem>>, vector<1x16xi32>,
      %get3A_82 = arith.index_cast %scan3A_29 : i32 to index
      %get3A_83 = arith.constant 16 : index
      %get3A_84 = tpu.vector_load %arg11[%get3A_82, %get3A_83] {strides = array<i32>} : memref<40x128xi32, #tpu.memory_space<vmem>>, vector<1x16xi32>,
      %get3A_85 = vector.shape_cast %get3A_84 : vector<1x16xi32> to vector<16xi32>
      %min3A_86 = arith.constant 5120 : i32
      %min3A_87 = vector.broadcast %min3A_86 : i32 to vector<16xi32>
      %min3A_88 = arith.minsi %get3A_85, %min3A_87 : vector<16xi32>
      %swap3A_89 = arith.constant 0 : i32
      %swap3A_90 = arith.index_cast %swap3A_89 : i32 to index
      %swap3A_91 = arith.constant 16 : index
      %swap3A_92 = tpu.vector_load %arg12[%swap3A_90, %swap3A_91] {strides = array<i32>} : memref<1x128xi32, #tpu.memory_space<vmem>>, vector<1x16xi32>,
      %swap3A_93 = vector.shape_cast %swap3A_92 : vector<1x16xi32> to vector<16xi32>
      %swap3A_94 = vector.shape_cast %min3A_88 : vector<16xi32> to vector<1x16xi32>
      tpu.vector_store %arg12[%swap3A_90, %swap3A_91], %swap3A_94 {strides = array<i32>} : memref<1x128xi32, #tpu.memory_space<vmem>>, vector<1x16xi32>,
      %get3A_95 = arith.index_cast %scan3A_29 : i32 to index
      %get3A_96 = arith.constant 32 : index
      %get3A_97 = tpu.vector_load %arg11[%get3A_95, %get3A_96] {strides = array<i32>} : memref<40x128xi32, #tpu.memory_space<vmem>>, vector<1x16xi32>,
      %get3A_98 = vector.shape_cast %get3A_97 : vector<1x16xi32> to vector<16xi32>
      %min3A_99 = arith.constant 5120 : i32
      %min3A_100 = vector.broadcast %min3A_99 : i32 to vector<16xi32>
      %min3A_101 = arith.minsi %get3A_98, %min3A_100 : vector<16xi32>
      %swap3A_102 = arith.constant 0 : i32
      %swap3A_103 = arith.index_cast %swap3A_102 : i32 to index
      %swap3A_104 = arith.constant 32 : index
      %swap3A_105 = tpu.vector_load %arg12[%swap3A_103, %swap3A_104] {strides = array<i32>} : memref<1x128xi32, #tpu.memory_space<vmem>>, vector<1x16xi32>,
      %swap3A_106 = vector.shape_cast %swap3A_105 : vector<1x16xi32> to vector<16xi32>
      %swap3A_107 = vector.shape_cast %min3A_101 : vector<16xi32> to vector<1x16xi32>
      tpu.vector_store %arg12[%swap3A_103, %swap3A_104], %swap3A_107 {strides = array<i32>} : memref<1x128xi32, #tpu.memory_space<vmem>>, vector<1x16xi32>,
      %get3A_108 = arith.index_cast %scan3A_29 : i32 to index
      %get3A_109 = arith.constant 48 : index
      %get3A_110 = tpu.vector_load %arg11[%get3A_108, %get3A_109] {strides = array<i32>} : memref<40x128xi32, #tpu.memory_space<vmem>>, vector<1x16xi32>,
      %get3A_111 = vector.shape_cast %get3A_110 : vector<1x16xi32> to vector<16xi32>
      %min3A_112 = arith.constant 5120 : i32
      %min3A_113 = vector.broadcast %min3A_112 : i32 to vector<16xi32>
      %min3A_114 = arith.minsi %get3A_111, %min3A_113 : vector<16xi32>
      %swap3A_115 = arith.constant 0 : i32
      %swap3A_116 = arith.index_cast %swap3A_115 : i32 to index
      %swap3A_117 = arith.constant 48 : index
      %swap3A_118 = tpu.vector_load %arg12[%swap3A_116, %swap3A_117] {strides = array<i32>} : memref<1x128xi32, #tpu.memory_space<vmem>>, vector<1x16xi32>,
      %swap3A_119 = vector.shape_cast %swap3A_118 : vector<1x16xi32> to vector<16xi32>
      %swap3A_120 = vector.shape_cast %min3A_114 : vector<16xi32> to vector<1x16xi32>
      tpu.vector_store %arg12[%swap3A_116, %swap3A_117], %swap3A_120 {strides = array<i32>} : memref<1x128xi32, #tpu.memory_space<vmem>>, vector<1x16xi32>,
      %get3A_121 = arith.index_cast %scan3A_29 : i32 to index
      %get3A_122 = arith.constant 64 : index
      %get3A_123 = tpu.vector_load %arg11[%get3A_121, %get3A_122] {strides = array<i32>} : memref<40x128xi32, #tpu.memory_space<vmem>>, vector<1x16xi32>,
      %get3A_124 = vector.shape_cast %get3A_123 : vector<1x16xi32> to vector<16xi32>
      %min3A_125 = arith.constant 5120 : i32
      %min3A_126 = vector.broadcast %min3A_125 : i32 to vector<16xi32>
      %min3A_127 = arith.minsi %get3A_124, %min3A_126 : vector<16xi32>
      %swap3A_128 = arith.constant 0 : i32
      %swap3A_129 = arith.index_cast %swap3A_128 : i32 to index
      %swap3A_130 = arith.constant 64 : index
      %swap3A_131 = tpu.vector_load %arg12[%swap3A_129, %swap3A_130] {strides = array<i32>} : memref<1x128xi32, #tpu.memory_space<vmem>>, vector<1x16xi32>,
      %swap3A_132 = vector.shape_cast %swap3A_131 : vector<1x16xi32> to vector<16xi32>
      %swap3A_133 = vector.shape_cast %min3A_127 : vector<16xi32> to vector<1x16xi32>
      tpu.vector_store %arg12[%swap3A_129, %swap3A_130], %swap3A_133 {strides = array<i32>} : memref<1x128xi32, #tpu.memory_space<vmem>>, vector<1x16xi32>,
      %get3A_134 = arith.index_cast %scan3A_29 : i32 to index
      %get3A_135 = arith.constant 80 : index
      %get3A_136 = tpu.vector_load %arg11[%get3A_134, %get3A_135] {strides = array<i32>} : memref<40x128xi32, #tpu.memory_space<vmem>>, vector<1x16xi32>,
      %get3A_137 = vector.shape_cast %get3A_136 : vector<1x16xi32> to vector<16xi32>
      %min3A_138 = arith.constant 5120 : i32
      %min3A_139 = vector.broadcast %min3A_138 : i32 to vector<16xi32>
      %min3A_140 = arith.minsi %get3A_137, %min3A_139 : vector<16xi32>
      %swap3A_141 = arith.constant 0 : i32
      %swap3A_142 = arith.index_cast %swap3A_141 : i32 to index
      %swap3A_143 = arith.constant 80 : index
      %swap3A_144 = tpu.vector_load %arg12[%swap3A_142, %swap3A_143] {strides = array<i32>} : memref<1x128xi32, #tpu.memory_space<vmem>>, vector<1x16xi32>,
      %swap3A_145 = vector.shape_cast %swap3A_144 : vector<1x16xi32> to vector<16xi32>
      %swap3A_146 = vector.shape_cast %min3A_140 : vector<16xi32> to vector<1x16xi32>
      tpu.vector_store %arg12[%swap3A_142, %swap3A_143], %swap3A_146 {strides = array<i32>} : memref<1x128xi32, #tpu.memory_space<vmem>>, vector<1x16xi32>,
      %get3A_147 = arith.index_cast %scan3A_29 : i32 to index
      %get3A_148 = arith.constant 96 : index
      %get3A_149 = tpu.vector_load %arg11[%get3A_147, %get3A_148] {strides = array<i32>} : memref<40x128xi32, #tpu.memory_space<vmem>>, vector<1x16xi32>,
      %get3A_150 = vector.shape_cast %get3A_149 : vector<1x16xi32> to vector<16xi32>
      %min3A_151 = arith.constant 5120 : i32
      %min3A_152 = vector.broadcast %min3A_151 : i32 to vector<16xi32>
      %min3A_153 = arith.minsi %get3A_150, %min3A_152 : vector<16xi32>
      %swap3A_154 = arith.constant 0 : i32
      %swap3A_155 = arith.index_cast %swap3A_154 : i32 to index
      %swap3A_156 = arith.constant 96 : index
      %swap3A_157 = tpu.vector_load %arg12[%swap3A_155, %swap3A_156] {strides = array<i32>} : memref<1x128xi32, #tpu.memory_space<vmem>>, vector<1x16xi32>,
      %swap3A_158 = vector.shape_cast %swap3A_157 : vector<1x16xi32> to vector<16xi32>
      %swap3A_159 = vector.shape_cast %min3A_153 : vector<16xi32> to vector<1x16xi32>
      tpu.vector_store %arg12[%swap3A_155, %swap3A_156], %swap3A_159 {strides = array<i32>} : memref<1x128xi32, #tpu.memory_space<vmem>>, vector<1x16xi32>,
      %get3A_160 = arith.index_cast %scan3A_29 : i32 to index
      %get3A_161 = arith.constant 112 : index
      %get3A_162 = tpu.vector_load %arg11[%get3A_160, %get3A_161] {strides = array<i32>} : memref<40x128xi32, #tpu.memory_space<vmem>>, vector<1x16xi32>,
      %get3A_163 = vector.shape_cast %get3A_162 : vector<1x16xi32> to vector<16xi32>
      %min3A_164 = arith.constant 5120 : i32
      %min3A_165 = vector.broadcast %min3A_164 : i32 to vector<16xi32>
      %min3A_166 = arith.minsi %get3A_163, %min3A_165 : vector<16xi32>
      %swap3A_167 = arith.constant 0 : i32
      %swap3A_168 = arith.index_cast %swap3A_167 : i32 to index
      %swap3A_169 = arith.constant 112 : index
      %swap3A_170 = tpu.vector_load %arg12[%swap3A_168, %swap3A_169] {strides = array<i32>} : memref<1x128xi32, #tpu.memory_space<vmem>>, vector<1x16xi32>,
      %swap3A_171 = vector.shape_cast %swap3A_170 : vector<1x16xi32> to vector<16xi32>
      %swap3A_172 = vector.shape_cast %min3A_166 : vector<16xi32> to vector<1x16xi32>
      tpu.vector_store %arg12[%swap3A_168, %swap3A_169], %swap3A_172 {strides = array<i32>} : memref<1x128xi32, #tpu.memory_space<vmem>>, vector<1x16xi32>,
      %run_scoped3A = arith.constant 0 : i32
      "tpu.region"() ({
        %run_scoped3A_173 = tpu.sem_alloc : memref<!tpu.dma_semaphore, #tpu.memory_space<semaphore_mem>>
        %dma_start3A_174 = arith.constant 0 : i32
        %dma_start3A_175 = tpu.memref_slice %arg12[%run_scoped3A, %dma_start3A_174] : memref<1x128xi32, #tpu.memory_space<vmem>> -> memref<1x128xi32, #tpu.memory_space<vmem>>
        %dma_start3A_176 = tpu.memref_squeeze %dma_start3A_175 : memref<1x128xi32, #tpu.memory_space<vmem>> -> memref<128xi32, #tpu.memory_space<vmem>>
        %dma_start3A_177 = arith.constant 0 : i32
        %dma_start3A_178 = arith.constant 0 : i32
        %dma_start3A_179 = tpu.memref_slice %arg16[%dma_start3A_177, %dma_start3A_178] : memref<5248x128xf32, #tpu.memory_space<vmem_shared>> -> memref<5248x128xf32, #tpu.memory_space<vmem_shared>>
        tpu.enqueue_indirect_dma source(%arg13 : memref<128x128xf32, #tpu.memory_space<vmem>>) target(%dma_start3A_179 : memref<5248x128xf32, #tpu.memory_space<vmem_shared>>) offsets(%dma_start3A_176 : memref<128xi32, #tpu.memory_space<vmem>>) semaphore(%run_scoped3A_173 : memref<!tpu.dma_semaphore, #tpu.memory_space<semaphore_mem>>) {add = true}
        %dma_wait3A_180 = arith.constant 0 : i32
        %dma_wait3A_181 = tpu.memref_slice %arg12[%run_scoped3A, %dma_wait3A_180] : memref<1x128xi32, #tpu.memory_space<vmem>> -> memref<1x128xi32, #tpu.memory_space<vmem>>
        %dma_wait3A_182 = tpu.memref_squeeze %dma_wait3A_181 : memref<1x128xi32, #tpu.memory_space<vmem>> -> memref<128xi32, #tpu.memory_space<vmem>>
        %dma_wait3A_183 = arith.constant 0 : i32
        %dma_wait3A_184 = arith.constant 0 : i32
        %dma_wait3A_185 = tpu.memref_slice %arg16[%dma_wait3A_183, %dma_wait3A_184] : memref<5248x128xf32, #tpu.memory_space<vmem_shared>> -> memref<5248x128xf32, #tpu.memory_space<vmem_shared>>
        tpu.wait_indirect_dma semaphore(%run_scoped3A_173 : memref<!tpu.dma_semaphore, #tpu.memory_space<semaphore_mem>>) src(%arg13 : memref<128x128xf32, #tpu.memory_space<vmem>>) dst(%dma_wait3A_185 : memref<5248x128xf32, #tpu.memory_space<vmem_shared>>)
        tpu.yield
      }) : () -> ()
    }
    %scan3A_9 = arith.constant 40 : i32
    %barrier3A_10 = arith.constant 0 : index
    tpu.barrier barrier_id(%barrier3A_10)
    %eq3A_11 = arith.constant 0 : i32
    %eq3A_12 = arith.cmpi eq, %arg1, %eq3A_11 : i32
    %convert_element_type3A_13 = arith.extui %eq3A_12 : i1 to i32
    %cond3A_14 = arith.constant 0 : i32
    %cond3A_15 = arith.cmpi ne, %convert_element_type3A_13, %cond3A_14 : i32
    scf.if %cond3A_15 {
      %run_scoped3A = arith.constant 0 : i32
      "tpu.region"() ({
        %run_scoped3A_29 = tpu.sem_alloc : memref<!tpu.dma_semaphore, #tpu.memory_space<semaphore_mem>>
        %dma_start3A = arith.constant 0 : i32
        %dma_start3A_30 = arith.constant 0 : i32
        %dma_start3A_31 = tpu.memref_slice %arg8[%arg0, %run_scoped3A, %dma_start3A, %dma_start3A_30] : memref<2x2x5120x128xf32, #tpu.memory_space<hbm>> -> memref<1x1x5120x128xf32, #tpu.memory_space<hbm>>
        %dma_start3A_32 = tpu.memref_squeeze %dma_start3A_31 : memref<1x1x5120x128xf32, #tpu.memory_space<hbm>> -> memref<5120x128xf32, #tpu.memory_space<hbm>>
        %dma_start3A_33 = arith.constant 0 : i32
        %dma_start3A_34 = arith.constant 0 : i32
        %dma_start3A_35 = tpu.memref_slice %arg16[%dma_start3A_33, %dma_start3A_34] : memref<5248x128xf32, #tpu.memory_space<vmem_shared>> -> memref<5120x128xf32, #tpu.memory_space<vmem_shared>>
        tpu.enqueue_dma source(%dma_start3A_35 : memref<5120x128xf32, #tpu.memory_space<vmem_shared>>) target(%dma_start3A_32 : memref<5120x128xf32, #tpu.memory_space<hbm>>) target_semaphore(%run_scoped3A_29 : memref<!tpu.dma_semaphore, #tpu.memory_space<semaphore_mem>>)
        %dma_wait3A = arith.constant 0 : i32
        %dma_wait3A_36 = arith.constant 0 : i32
        %dma_wait3A_37 = tpu.memref_slice %arg8[%arg0, %run_scoped3A, %dma_wait3A, %dma_wait3A_36] : memref<2x2x5120x128xf32, #tpu.memory_space<hbm>> -> memref<1x1x5120x128xf32, #tpu.memory_space<hbm>>
        %dma_wait3A_38 = tpu.memref_squeeze %dma_wait3A_37 : memref<1x1x5120x128xf32, #tpu.memory_space<hbm>> -> memref<5120x128xf32, #tpu.memory_space<hbm>>
        %dma_wait3A_39 = arith.constant 0 : i32
        %dma_wait3A_40 = arith.constant 0 : i32
        %dma_wait3A_41 = tpu.memref_slice %arg16[%dma_wait3A_39, %dma_wait3A_40] : memref<5248x128xf32, #tpu.memory_space<vmem_shared>> -> memref<5120x128xf32, #tpu.memory_space<vmem_shared>>
        tpu.wait_dma2 semaphore(%run_scoped3A_29 : memref<!tpu.dma_semaphore, #tpu.memory_space<semaphore_mem>>) src(%dma_wait3A_41 : memref<5120x128xf32, #tpu.memory_space<vmem_shared>>) dst(%dma_wait3A_38 : memref<5120x128xf32, #tpu.memory_space<hbm>>)
        tpu.yield
      }) : () -> ()
      "tpu.region"() ({
        %run_scoped3A_29 = tpu.sem_alloc : memref<!tpu.dma_semaphore, #tpu.memory_space<semaphore_mem>>
        tpu.enqueue_dma source(%arg7 : memref<5248x128xf32, #tpu.memory_space<hbm>>) target(%arg16 : memref<5248x128xf32, #tpu.memory_space<vmem_shared>>) target_semaphore(%run_scoped3A_29 : memref<!tpu.dma_semaphore, #tpu.memory_space<semaphore_mem>>)
        tpu.wait_dma2 semaphore(%run_scoped3A_29 : memref<!tpu.dma_semaphore, #tpu.memory_space<semaphore_mem>>) src(%arg7 : memref<5248x128xf32, #tpu.memory_space<hbm>>) dst(%arg16 : memref<5248x128xf32, #tpu.memory_space<vmem_shared>>)
        tpu.yield
      }) : () -> ()
    } else {
    }
    %barrier3A_16 = arith.constant 0 : index
    tpu.barrier barrier_id(%barrier3A_16)
    %scan3A_17 = arith.constant 0 : i32
    %scan3A_18 = arith.constant 0 : i32
    %scan3A_19 = arith.constant 40 : i32
    %scan3A_20 = arith.addi %scan3A_18, %scan3A_19 : i32
    %scan3A_21 = arith.constant 1 : i32
    scf.for %scan3A_29 = %scan3A_18 to %scan3A_20 step %scan3A_21  : i32 {
      %add3A_30 = arith.addi %mul3A_2, %scan3A_29 : i32
      %mul3A_31 = arith.constant 128 : i32
      %mul3A_32 = arith.muli %add3A_30, %mul3A_31 : i32
      "tpu.region"() ({
        %run_scoped3A_178 = tpu.sem_alloc : memref<!tpu.dma_semaphore, #tpu.memory_space<semaphore_mem>>
        %dma_start3A = arith.constant 0 : i32
        %dma_start3A_179 = tpu.memref_slice %arg9[%mul3A_32, %dma_start3A] : memref<163840x128xf32, #tpu.memory_space<hbm>> -> memref<128x128xf32, #tpu.memory_space<hbm>>
        %dma_start3A_180 = arith.constant 0 : i32
        %dma_start3A_181 = tpu.memref_slice %arg9[%mul3A_32, %dma_start3A_180] : memref<163840x128xf32, #tpu.memory_space<hbm>> -> memref<128x128xf32, #tpu.memory_space<hbm>>
        tpu.enqueue_dma source(%dma_start3A_181 : memref<128x128xf32, #tpu.memory_space<hbm>>) target(%arg13 : memref<128x128xf32, #tpu.memory_space<vmem>>) target_semaphore(%run_scoped3A_178 : memref<!tpu.dma_semaphore, #tpu.memory_space<semaphore_mem>>)
        %dma_wait3A = arith.constant 0 : i32
        %dma_wait3A_182 = tpu.memref_slice %arg9[%mul3A_32, %dma_wait3A] : memref<163840x128xf32, #tpu.memory_space<hbm>> -> memref<128x128xf32, #tpu.memory_space<hbm>>
        %dma_wait3A_183 = arith.constant 0 : i32
        %dma_wait3A_184 = tpu.memref_slice %arg9[%mul3A_32, %dma_wait3A_183] : memref<163840x128xf32, #tpu.memory_space<hbm>> -> memref<128x128xf32, #tpu.memory_space<hbm>>
        tpu.wait_dma2 semaphore(%run_scoped3A_178 : memref<!tpu.dma_semaphore, #tpu.memory_space<semaphore_mem>>) src(%dma_wait3A_184 : memref<128x128xf32, #tpu.memory_space<hbm>>) dst(%arg13 : memref<128x128xf32, #tpu.memory_space<vmem>>)
        tpu.yield
      }) : () -> ()
      %get3A = arith.index_cast %scan3A_29 : i32 to index
      %get3A_33 = arith.constant 0 : index
      %get3A_34 = tpu.vector_load %arg11[%get3A, %get3A_33] {strides = array<i32>} : memref<40x128xi32, #tpu.memory_space<vmem>>, vector<1x16xi32>,
      %get3A_35 = vector.shape_cast %get3A_34 : vector<1x16xi32> to vector<16xi32>
      %lt3A = arith.constant 5120 : i32
      %lt3A_36 = vector.broadcast %lt3A : i32 to vector<16xi32>
      %lt3A_37 = arith.cmpi slt, %get3A_35, %lt3A_36 : vector<16xi32>
      %sub3A = arith.constant 5120 : i32
      %sub3A_38 = vector.broadcast %sub3A : i32 to vector<16xi32>
      %sub3A_39 = arith.subi %get3A_35, %sub3A_38 : vector<16xi32>
      %jit3A = arith.constant 5120 : i32
      %broadcast_in_dim3A = vector.broadcast %jit3A : i32 to vector<16xi32>
      %select_n3A = arith.select %lt3A_37, %broadcast_in_dim3A, %sub3A_39 : vector<16xi1>, vector<16xi32>
      %swap3A = arith.constant 0 : i32
      %swap3A_40 = arith.index_cast %swap3A : i32 to index
      %swap3A_41 = arith.constant 0 : index
      %swap3A_42 = tpu.vector_load %arg12[%swap3A_40, %swap3A_41] {strides = array<i32>} : memref<1x128xi32, #tpu.memory_space<vmem>>, vector<1x16xi32>,
      %swap3A_43 = vector.shape_cast %swap3A_42 : vector<1x16xi32> to vector<16xi32>
      %swap3A_44 = vector.shape_cast %select_n3A : vector<16xi32> to vector<1x16xi32>
      tpu.vector_store %arg12[%swap3A_40, %swap3A_41], %swap3A_44 {strides = array<i32>} : memref<1x128xi32, #tpu.memory_space<vmem>>, vector<1x16xi32>,
      %get3A_45 = arith.index_cast %scan3A_29 : i32 to index
      %get3A_46 = arith.constant 16 : index
      %get3A_47 = tpu.vector_load %arg11[%get3A_45, %get3A_46] {strides = array<i32>} : memref<40x128xi32, #tpu.memory_space<vmem>>, vector<1x16xi32>,
      %get3A_48 = vector.shape_cast %get3A_47 : vector<1x16xi32> to vector<16xi32>
      %lt3A_49 = arith.constant 5120 : i32
      %lt3A_50 = vector.broadcast %lt3A_49 : i32 to vector<16xi32>
      %lt3A_51 = arith.cmpi slt, %get3A_48, %lt3A_50 : vector<16xi32>
      %sub3A_52 = arith.constant 5120 : i32
      %sub3A_53 = vector.broadcast %sub3A_52 : i32 to vector<16xi32>
      %sub3A_54 = arith.subi %get3A_48, %sub3A_53 : vector<16xi32>
      %jit3A_55 = arith.constant 5120 : i32
      %broadcast_in_dim3A_56 = vector.broadcast %jit3A_55 : i32 to vector<16xi32>
      %select_n3A_57 = arith.select %lt3A_51, %broadcast_in_dim3A_56, %sub3A_54 : vector<16xi1>, vector<16xi32>
      %swap3A_58 = arith.constant 0 : i32
      %swap3A_59 = arith.index_cast %swap3A_58 : i32 to index
      %swap3A_60 = arith.constant 16 : index
      %swap3A_61 = tpu.vector_load %arg12[%swap3A_59, %swap3A_60] {strides = array<i32>} : memref<1x128xi32, #tpu.memory_space<vmem>>, vector<1x16xi32>,
      %swap3A_62 = vector.shape_cast %swap3A_61 : vector<1x16xi32> to vector<16xi32>
      %swap3A_63 = vector.shape_cast %select_n3A_57 : vector<16xi32> to vector<1x16xi32>
      tpu.vector_store %arg12[%swap3A_59, %swap3A_60], %swap3A_63 {strides = array<i32>} : memref<1x128xi32, #tpu.memory_space<vmem>>, vector<1x16xi32>,
      %get3A_64 = arith.index_cast %scan3A_29 : i32 to index
      %get3A_65 = arith.constant 32 : index
      %get3A_66 = tpu.vector_load %arg11[%get3A_64, %get3A_65] {strides = array<i32>} : memref<40x128xi32, #tpu.memory_space<vmem>>, vector<1x16xi32>,
      %get3A_67 = vector.shape_cast %get3A_66 : vector<1x16xi32> to vector<16xi32>
      %lt3A_68 = arith.constant 5120 : i32
      %lt3A_69 = vector.broadcast %lt3A_68 : i32 to vector<16xi32>
      %lt3A_70 = arith.cmpi slt, %get3A_67, %lt3A_69 : vector<16xi32>
      %sub3A_71 = arith.constant 5120 : i32
      %sub3A_72 = vector.broadcast %sub3A_71 : i32 to vector<16xi32>
      %sub3A_73 = arith.subi %get3A_67, %sub3A_72 : vector<16xi32>
      %jit3A_74 = arith.constant 5120 : i32
      %broadcast_in_dim3A_75 = vector.broadcast %jit3A_74 : i32 to vector<16xi32>
      %select_n3A_76 = arith.select %lt3A_70, %broadcast_in_dim3A_75, %sub3A_73 : vector<16xi1>, vector<16xi32>
      %swap3A_77 = arith.constant 0 : i32
      %swap3A_78 = arith.index_cast %swap3A_77 : i32 to index
      %swap3A_79 = arith.constant 32 : index
      %swap3A_80 = tpu.vector_load %arg12[%swap3A_78, %swap3A_79] {strides = array<i32>} : memref<1x128xi32, #tpu.memory_space<vmem>>, vector<1x16xi32>,
      %swap3A_81 = vector.shape_cast %swap3A_80 : vector<1x16xi32> to vector<16xi32>
      %swap3A_82 = vector.shape_cast %select_n3A_76 : vector<16xi32> to vector<1x16xi32>
      tpu.vector_store %arg12[%swap3A_78, %swap3A_79], %swap3A_82 {strides = array<i32>} : memref<1x128xi32, #tpu.memory_space<vmem>>, vector<1x16xi32>,
      %get3A_83 = arith.index_cast %scan3A_29 : i32 to index
      %get3A_84 = arith.constant 48 : index
      %get3A_85 = tpu.vector_load %arg11[%get3A_83, %get3A_84] {strides = array<i32>} : memref<40x128xi32, #tpu.memory_space<vmem>>, vector<1x16xi32>,
      %get3A_86 = vector.shape_cast %get3A_85 : vector<1x16xi32> to vector<16xi32>
      %lt3A_87 = arith.constant 5120 : i32
      %lt3A_88 = vector.broadcast %lt3A_87 : i32 to vector<16xi32>
      %lt3A_89 = arith.cmpi slt, %get3A_86, %lt3A_88 : vector<16xi32>
      %sub3A_90 = arith.constant 5120 : i32
      %sub3A_91 = vector.broadcast %sub3A_90 : i32 to vector<16xi32>
      %sub3A_92 = arith.subi %get3A_86, %sub3A_91 : vector<16xi32>
      %jit3A_93 = arith.constant 5120 : i32
      %broadcast_in_dim3A_94 = vector.broadcast %jit3A_93 : i32 to vector<16xi32>
      %select_n3A_95 = arith.select %lt3A_89, %broadcast_in_dim3A_94, %sub3A_92 : vector<16xi1>, vector<16xi32>
      %swap3A_96 = arith.constant 0 : i32
      %swap3A_97 = arith.index_cast %swap3A_96 : i32 to index
      %swap3A_98 = arith.constant 48 : index
      %swap3A_99 = tpu.vector_load %arg12[%swap3A_97, %swap3A_98] {strides = array<i32>} : memref<1x128xi32, #tpu.memory_space<vmem>>, vector<1x16xi32>,
      %swap3A_100 = vector.shape_cast %swap3A_99 : vector<1x16xi32> to vector<16xi32>
      %swap3A_101 = vector.shape_cast %select_n3A_95 : vector<16xi32> to vector<1x16xi32>
      tpu.vector_store %arg12[%swap3A_97, %swap3A_98], %swap3A_101 {strides = array<i32>} : memref<1x128xi32, #tpu.memory_space<vmem>>, vector<1x16xi32>,
      %get3A_102 = arith.index_cast %scan3A_29 : i32 to index
      %get3A_103 = arith.constant 64 : index
      %get3A_104 = tpu.vector_load %arg11[%get3A_102, %get3A_103] {strides = array<i32>} : memref<40x128xi32, #tpu.memory_space<vmem>>, vector<1x16xi32>,
      %get3A_105 = vector.shape_cast %get3A_104 : vector<1x16xi32> to vector<16xi32>
      %lt3A_106 = arith.constant 5120 : i32
      %lt3A_107 = vector.broadcast %lt3A_106 : i32 to vector<16xi32>
      %lt3A_108 = arith.cmpi slt, %get3A_105, %lt3A_107 : vector<16xi32>
      %sub3A_109 = arith.constant 5120 : i32
      %sub3A_110 = vector.broadcast %sub3A_109 : i32 to vector<16xi32>
      %sub3A_111 = arith.subi %get3A_105, %sub3A_110 : vector<16xi32>
      %jit3A_112 = arith.constant 5120 : i32
      %broadcast_in_dim3A_113 = vector.broadcast %jit3A_112 : i32 to vector<16xi32>
      %select_n3A_114 = arith.select %lt3A_108, %broadcast_in_dim3A_113, %sub3A_111 : vector<16xi1>, vector<16xi32>
      %swap3A_115 = arith.constant 0 : i32
      %swap3A_116 = arith.index_cast %swap3A_115 : i32 to index
      %swap3A_117 = arith.constant 64 : index
      %swap3A_118 = tpu.vector_load %arg12[%swap3A_116, %swap3A_117] {strides = array<i32>} : memref<1x128xi32, #tpu.memory_space<vmem>>, vector<1x16xi32>,
      %swap3A_119 = vector.shape_cast %swap3A_118 : vector<1x16xi32> to vector<16xi32>
      %swap3A_120 = vector.shape_cast %select_n3A_114 : vector<16xi32> to vector<1x16xi32>
      tpu.vector_store %arg12[%swap3A_116, %swap3A_117], %swap3A_120 {strides = array<i32>} : memref<1x128xi32, #tpu.memory_space<vmem>>, vector<1x16xi32>,
      %get3A_121 = arith.index_cast %scan3A_29 : i32 to index
      %get3A_122 = arith.constant 80 : index
      %get3A_123 = tpu.vector_load %arg11[%get3A_121, %get3A_122] {strides = array<i32>} : memref<40x128xi32, #tpu.memory_space<vmem>>, vector<1x16xi32>,
      %get3A_124 = vector.shape_cast %get3A_123 : vector<1x16xi32> to vector<16xi32>
      %lt3A_125 = arith.constant 5120 : i32
      %lt3A_126 = vector.broadcast %lt3A_125 : i32 to vector<16xi32>
      %lt3A_127 = arith.cmpi slt, %get3A_124, %lt3A_126 : vector<16xi32>
      %sub3A_128 = arith.constant 5120 : i32
      %sub3A_129 = vector.broadcast %sub3A_128 : i32 to vector<16xi32>
      %sub3A_130 = arith.subi %get3A_124, %sub3A_129 : vector<16xi32>
      %jit3A_131 = arith.constant 5120 : i32
      %broadcast_in_dim3A_132 = vector.broadcast %jit3A_131 : i32 to vector<16xi32>
      %select_n3A_133 = arith.select %lt3A_127, %broadcast_in_dim3A_132, %sub3A_130 : vector<16xi1>, vector<16xi32>
      %swap3A_134 = arith.constant 0 : i32
      %swap3A_135 = arith.index_cast %swap3A_134 : i32 to index
      %swap3A_136 = arith.constant 80 : index
      %swap3A_137 = tpu.vector_load %arg12[%swap3A_135, %swap3A_136] {strides = array<i32>} : memref<1x128xi32, #tpu.memory_space<vmem>>, vector<1x16xi32>,
      %swap3A_138 = vector.shape_cast %swap3A_137 : vector<1x16xi32> to vector<16xi32>
      %swap3A_139 = vector.shape_cast %select_n3A_133 : vector<16xi32> to vector<1x16xi32>
      tpu.vector_store %arg12[%swap3A_135, %swap3A_136], %swap3A_139 {strides = array<i32>} : memref<1x128xi32, #tpu.memory_space<vmem>>, vector<1x16xi32>,
      %get3A_140 = arith.index_cast %scan3A_29 : i32 to index
      %get3A_141 = arith.constant 96 : index
      %get3A_142 = tpu.vector_load %arg11[%get3A_140, %get3A_141] {strides = array<i32>} : memref<40x128xi32, #tpu.memory_space<vmem>>, vector<1x16xi32>,
      %get3A_143 = vector.shape_cast %get3A_142 : vector<1x16xi32> to vector<16xi32>
      %lt3A_144 = arith.constant 5120 : i32
      %lt3A_145 = vector.broadcast %lt3A_144 : i32 to vector<16xi32>
      %lt3A_146 = arith.cmpi slt, %get3A_143, %lt3A_145 : vector<16xi32>
      %sub3A_147 = arith.constant 5120 : i32
      %sub3A_148 = vector.broadcast %sub3A_147 : i32 to vector<16xi32>
      %sub3A_149 = arith.subi %get3A_143, %sub3A_148 : vector<16xi32>
      %jit3A_150 = arith.constant 5120 : i32
      %broadcast_in_dim3A_151 = vector.broadcast %jit3A_150 : i32 to vector<16xi32>
      %select_n3A_152 = arith.select %lt3A_146, %broadcast_in_dim3A_151, %sub3A_149 : vector<16xi1>, vector<16xi32>
      %swap3A_153 = arith.constant 0 : i32
      %swap3A_154 = arith.index_cast %swap3A_153 : i32 to index
      %swap3A_155 = arith.constant 96 : index
      %swap3A_156 = tpu.vector_load %arg12[%swap3A_154, %swap3A_155] {strides = array<i32>} : memref<1x128xi32, #tpu.memory_space<vmem>>, vector<1x16xi32>,
      %swap3A_157 = vector.shape_cast %swap3A_156 : vector<1x16xi32> to vector<16xi32>
      %swap3A_158 = vector.shape_cast %select_n3A_152 : vector<16xi32> to vector<1x16xi32>
      tpu.vector_store %arg12[%swap3A_154, %swap3A_155], %swap3A_158 {strides = array<i32>} : memref<1x128xi32, #tpu.memory_space<vmem>>, vector<1x16xi32>,
      %get3A_159 = arith.index_cast %scan3A_29 : i32 to index
      %get3A_160 = arith.constant 112 : index
      %get3A_161 = tpu.vector_load %arg11[%get3A_159, %get3A_160] {strides = array<i32>} : memref<40x128xi32, #tpu.memory_space<vmem>>, vector<1x16xi32>,
      %get3A_162 = vector.shape_cast %get3A_161 : vector<1x16xi32> to vector<16xi32>
      %lt3A_163 = arith.constant 5120 : i32
      %lt3A_164 = vector.broadcast %lt3A_163 : i32 to vector<16xi32>
      %lt3A_165 = arith.cmpi slt, %get3A_162, %lt3A_164 : vector<16xi32>
      %sub3A_166 = arith.constant 5120 : i32
      %sub3A_167 = vector.broadcast %sub3A_166 : i32 to vector<16xi32>
      %sub3A_168 = arith.subi %get3A_162, %sub3A_167 : vector<16xi32>
      %jit3A_169 = arith.constant 5120 : i32
      %broadcast_in_dim3A_170 = vector.broadcast %jit3A_169 : i32 to vector<16xi32>
      %select_n3A_171 = arith.select %lt3A_165, %broadcast_in_dim3A_170, %sub3A_168 : vector<16xi1>, vector<16xi32>
      %swap3A_172 = arith.constant 0 : i32
      %swap3A_173 = arith.index_cast %swap3A_172 : i32 to index
      %swap3A_174 = arith.constant 112 : index
      %swap3A_175 = tpu.vector_load %arg12[%swap3A_173, %swap3A_174] {strides = array<i32>} : memref<1x128xi32, #tpu.memory_space<vmem>>, vector<1x16xi32>,
      %swap3A_176 = vector.shape_cast %swap3A_175 : vector<1x16xi32> to vector<16xi32>
      %swap3A_177 = vector.shape_cast %select_n3A_171 : vector<16xi32> to vector<1x16xi32>
      tpu.vector_store %arg12[%swap3A_173, %swap3A_174], %swap3A_177 {strides = array<i32>} : memref<1x128xi32, #tpu.memory_space<vmem>>, vector<1x16xi32>,
      %run_scoped3A = arith.constant 0 : i32
      "tpu.region"() ({
        %run_scoped3A_178 = tpu.sem_alloc : memref<!tpu.dma_semaphore, #tpu.memory_space<semaphore_mem>>
        %dma_start3A = arith.constant 0 : i32
        %dma_start3A_179 = tpu.memref_slice %arg12[%run_scoped3A, %dma_start3A] : memref<1x128xi32, #tpu.memory_space<vmem>> -> memref<1x128xi32, #tpu.memory_space<vmem>>
        %dma_start3A_180 = tpu.memref_squeeze %dma_start3A_179 : memref<1x128xi32, #tpu.memory_space<vmem>> -> memref<128xi32, #tpu.memory_space<vmem>>
        %dma_start3A_181 = arith.constant 0 : i32
        %dma_start3A_182 = arith.constant 0 : i32
        %dma_start3A_183 = tpu.memref_slice %arg16[%dma_start3A_181, %dma_start3A_182] : memref<5248x128xf32, #tpu.memory_space<vmem_shared>> -> memref<5248x128xf32, #tpu.memory_space<vmem_shared>>
        tpu.enqueue_indirect_dma source(%arg13 : memref<128x128xf32, #tpu.memory_space<vmem>>) target(%dma_start3A_183 : memref<5248x128xf32, #tpu.memory_space<vmem_shared>>) offsets(%dma_start3A_180 : memref<128xi32, #tpu.memory_space<vmem>>) semaphore(%run_scoped3A_178 : memref<!tpu.dma_semaphore, #tpu.memory_space<semaphore_mem>>) {add = true}
        %dma_wait3A = arith.constant 0 : i32
        %dma_wait3A_184 = tpu.memref_slice %arg12[%run_scoped3A, %dma_wait3A] : memref<1x128xi32, #tpu.memory_space<vmem>> -> memref<1x128xi32, #tpu.memory_space<vmem>>
        %dma_wait3A_185 = tpu.memref_squeeze %dma_wait3A_184 : memref<1x128xi32, #tpu.memory_space<vmem>> -> memref<128xi32, #tpu.memory_space<vmem>>
        %dma_wait3A_186 = arith.constant 0 : i32
        %dma_wait3A_187 = arith.constant 0 : i32
        %dma_wait3A_188 = tpu.memref_slice %arg16[%dma_wait3A_186, %dma_wait3A_187] : memref<5248x128xf32, #tpu.memory_space<vmem_shared>> -> memref<5248x128xf32, #tpu.memory_space<vmem_shared>>
        tpu.wait_indirect_dma semaphore(%run_scoped3A_178 : memref<!tpu.dma_semaphore, #tpu.memory_space<semaphore_mem>>) src(%arg13 : memref<128x128xf32, #tpu.memory_space<vmem>>) dst(%dma_wait3A_188 : memref<5248x128xf32, #tpu.memory_space<vmem_shared>>)
        tpu.yield
      }) : () -> ()
    }
    %scan3A_22 = arith.constant 40 : i32
    %barrier3A_23 = arith.constant 0 : index
    tpu.barrier barrier_id(%barrier3A_23)
    %eq3A_24 = arith.constant 0 : i32
    %eq3A_25 = arith.cmpi eq, %arg1, %eq3A_24 : i32
    %convert_element_type3A_26 = arith.extui %eq3A_25 : i1 to i32
    %cond3A_27 = arith.constant 0 : i32
    %cond3A_28 = arith.cmpi ne, %convert_element_type3A_26, %cond3A_27 : i32
    scf.if %cond3A_28 {
      %run_scoped3A = arith.constant 1 : i32
      "tpu.region"() ({
        %run_scoped3A_29 = tpu.sem_alloc : memref<!tpu.dma_semaphore, #tpu.memory_space<semaphore_mem>>
        %dma_start3A = arith.constant 0 : i32
        %dma_start3A_30 = arith.constant 0 : i32
        %dma_start3A_31 = tpu.memref_slice %arg8[%arg0, %run_scoped3A, %dma_start3A, %dma_start3A_30] : memref<2x2x5120x128xf32, #tpu.memory_space<hbm>> -> memref<1x1x5120x128xf32, #tpu.memory_space<hbm>>
        %dma_start3A_32 = tpu.memref_squeeze %dma_start3A_31 : memref<1x1x5120x128xf32, #tpu.memory_space<hbm>> -> memref<5120x128xf32, #tpu.memory_space<hbm>>
        %dma_start3A_33 = arith.constant 0 : i32
        %dma_start3A_34 = arith.constant 0 : i32
        %dma_start3A_35 = tpu.memref_slice %arg16[%dma_start3A_33, %dma_start3A_34] : memref<5248x128xf32, #tpu.memory_space<vmem_shared>> -> memref<5120x128xf32, #tpu.memory_space<vmem_shared>>
        tpu.enqueue_dma source(%dma_start3A_35 : memref<5120x128xf32, #tpu.memory_space<vmem_shared>>) target(%dma_start3A_32 : memref<5120x128xf32, #tpu.memory_space<hbm>>) target_semaphore(%run_scoped3A_29 : memref<!tpu.dma_semaphore, #tpu.memory_space<semaphore_mem>>)
        %dma_wait3A = arith.constant 0 : i32
        %dma_wait3A_36 = arith.constant 0 : i32
        %dma_wait3A_37 = tpu.memref_slice %arg8[%arg0, %run_scoped3A, %dma_wait3A, %dma_wait3A_36] : memref<2x2x5120x128xf32, #tpu.memory_space<hbm>> -> memref<1x1x5120x128xf32, #tpu.memory_space<hbm>>
        %dma_wait3A_38 = tpu.memref_squeeze %dma_wait3A_37 : memref<1x1x5120x128xf32, #tpu.memory_space<hbm>> -> memref<5120x128xf32, #tpu.memory_space<hbm>>
        %dma_wait3A_39 = arith.constant 0 : i32
        %dma_wait3A_40 = arith.constant 0 : i32
        %dma_wait3A_41 = tpu.memref_slice %arg16[%dma_wait3A_39, %dma_wait3A_40] : memref<5248x128xf32, #tpu.memory_space<vmem_shared>> -> memref<5120x128xf32, #tpu.memory_space<vmem_shared>>
        tpu.wait_dma2 semaphore(%run_scoped3A_29 : memref<!tpu.dma_semaphore, #tpu.memory_space<semaphore_mem>>) src(%dma_wait3A_41 : memref<5120x128xf32, #tpu.memory_space<vmem_shared>>) dst(%dma_wait3A_38 : memref<5120x128xf32, #tpu.memory_space<hbm>>)
        tpu.yield
      }) : () -> ()
    } else {
    }
    return
  }
}

#map = affine_map<(d0, d1) -> (0, 0)>
#map1 = affine_map<(d0, d1) -> (0, 0, 0, 0)>
module attributes {stable_mosaic.version = 14 : i64} {
  func.func @k(%arg0: i32, %arg1: i32, %arg2: memref<10112x128xf32, #tpu.memory_space<hbm>>, %arg3: memref<10112x128xf32, #tpu.memory_space<hbm>>, %arg4: memref<163840x128xf32, #tpu.memory_space<hbm>>, %arg5: memref<1280x128xi32, #tpu.memory_space<hbm>>, %arg6: memref<1280x128xi32, #tpu.memory_space<hbm>>, %arg7: memref<5248x128xf32, #tpu.memory_space<hbm>>, %arg8: memref<2x2x5120x128xf32, #tpu.memory_space<hbm>>, %arg9: memref<163840x128xf32, #tpu.memory_space<hbm>>, %arg10: memref<40x128xi32, #tpu.memory_space<vmem>>, %arg11: memref<40x128xi32, #tpu.memory_space<vmem>>, %arg12: memref<1x128xi32, #tpu.memory_space<vmem>>, %arg13: memref<128x128xf32, #tpu.memory_space<vmem>>, %arg14: memref<128x128xf32, #tpu.memory_space<vmem>>, %arg15: memref<128x128xf32, #tpu.memory_space<vmem>>, %arg16: memref<5248x128xf32, #tpu.memory_space<vmem_shared>>, %arg17: memref<!tpu.dma_semaphore, #tpu.memory_space<semaphore_mem>>, %arg18: memref<!tpu.dma_semaphore, #tpu.memory_space<semaphore_mem>>, %arg19: memref<!tpu.dma_semaphore, #tpu.memory_space<semaphore_mem>>) attributes {dimension_semantics = [#tpu.dimension_semantics<core_parallel>, #tpu.dimension_semantics<subcore_parallel>], iteration_bounds = array<i64: 2, 16>, scalar_prefetch = 0 : i64, scratch_operands = 10 : i64, tpu.core_type = #tpu.core_type<sc_vector_subcore>, window_params = [{transform_indices = #map}, {transform_indices = #map}, {transform_indices = #map}, {transform_indices = #map}, {transform_indices = #map}, {transform_indices = #map}, {transform_indices = #map1}, {transform_indices = #map}]} {
    %mul3A = arith.constant 16 : i32
    %mul3A_0 = arith.muli %arg0, %mul3A : i32
    %add3A = arith.addi %mul3A_0, %arg1 : i32
    %mul3A_1 = arith.constant 40 : i32
    %mul3A_2 = arith.muli %add3A, %mul3A_1 : i32
    "tpu.region"() ({
      %run_scoped3A = tpu.sem_alloc : memref<!tpu.dma_semaphore, #tpu.memory_space<semaphore_mem>>
      %dma_start3A = arith.constant 0 : i32
      %dma_start3A_29 = tpu.memref_slice %arg5[%mul3A_2, %dma_start3A] : memref<1280x128xi32, #tpu.memory_space<hbm>> -> memref<40x128xi32, #tpu.memory_space<hbm>>
      %dma_start3A_30 = arith.constant 0 : i32
      %dma_start3A_31 = tpu.memref_slice %arg5[%mul3A_2, %dma_start3A_30] : memref<1280x128xi32, #tpu.memory_space<hbm>> -> memref<40x128xi32, #tpu.memory_space<hbm>>
      tpu.enqueue_dma source(%dma_start3A_31 : memref<40x128xi32, #tpu.memory_space<hbm>>) target(%arg10 : memref<40x128xi32, #tpu.memory_space<vmem>>) target_semaphore(%run_scoped3A : memref<!tpu.dma_semaphore, #tpu.memory_space<semaphore_mem>>)
      %dma_wait3A = arith.constant 0 : i32
      %dma_wait3A_32 = tpu.memref_slice %arg5[%mul3A_2, %dma_wait3A] : memref<1280x128xi32, #tpu.memory_space<hbm>> -> memref<40x128xi32, #tpu.memory_space<hbm>>
      %dma_wait3A_33 = arith.constant 0 : i32
      %dma_wait3A_34 = tpu.memref_slice %arg5[%mul3A_2, %dma_wait3A_33] : memref<1280x128xi32, #tpu.memory_space<hbm>> -> memref<40x128xi32, #tpu.memory_space<hbm>>
      tpu.wait_dma2 semaphore(%run_scoped3A : memref<!tpu.dma_semaphore, #tpu.memory_space<semaphore_mem>>) src(%dma_wait3A_34 : memref<40x128xi32, #tpu.memory_space<hbm>>) dst(%arg10 : memref<40x128xi32, #tpu.memory_space<vmem>>)
      tpu.yield
    }) : () -> ()
    "tpu.region"() ({
      %run_scoped3A = tpu.sem_alloc : memref<!tpu.dma_semaphore, #tpu.memory_space<semaphore_mem>>
      %dma_start3A = arith.constant 0 : i32
      %dma_start3A_29 = tpu.memref_slice %arg6[%mul3A_2, %dma_start3A] : memref<1280x128xi32, #tpu.memory_space<hbm>> -> memref<40x128xi32, #tpu.memory_space<hbm>>
      %dma_start3A_30 = arith.constant 0 : i32
      %dma_start3A_31 = tpu.memref_slice %arg6[%mul3A_2, %dma_start3A_30] : memref<1280x128xi32, #tpu.memory_space<hbm>> -> memref<40x128xi32, #tpu.memory_space<hbm>>
      tpu.enqueue_dma source(%dma_start3A_31 : memref<40x128xi32, #tpu.memory_space<hbm>>) target(%arg11 : memref<40x128xi32, #tpu.memory_space<vmem>>) target_semaphore(%run_scoped3A : memref<!tpu.dma_semaphore, #tpu.memory_space<semaphore_mem>>)
      %dma_wait3A = arith.constant 0 : i32
      %dma_wait3A_32 = tpu.memref_slice %arg6[%mul3A_2, %dma_wait3A] : memref<1280x128xi32, #tpu.memory_space<hbm>> -> memref<40x128xi32, #tpu.memory_space<hbm>>
      %dma_wait3A_33 = arith.constant 0 : i32
      %dma_wait3A_34 = tpu.memref_slice %arg6[%mul3A_2, %dma_wait3A_33] : memref<1280x128xi32, #tpu.memory_space<hbm>> -> memref<40x128xi32, #tpu.memory_space<hbm>>
      tpu.wait_dma2 semaphore(%run_scoped3A : memref<!tpu.dma_semaphore, #tpu.memory_space<semaphore_mem>>) src(%dma_wait3A_34 : memref<40x128xi32, #tpu.memory_space<hbm>>) dst(%arg11 : memref<40x128xi32, #tpu.memory_space<vmem>>)
      tpu.yield
    }) : () -> ()
    %eq3A = arith.constant 0 : i32
    %eq3A_3 = arith.cmpi eq, %arg1, %eq3A : i32
    %convert_element_type3A = arith.extui %eq3A_3 : i1 to i32
    %cond3A = arith.constant 0 : i32
    %cond3A_4 = arith.cmpi ne, %convert_element_type3A, %cond3A : i32
    scf.if %cond3A_4 {
      "tpu.region"() ({
        %run_scoped3A = tpu.sem_alloc : memref<!tpu.dma_semaphore, #tpu.memory_space<semaphore_mem>>
        tpu.enqueue_dma source(%arg7 : memref<5248x128xf32, #tpu.memory_space<hbm>>) target(%arg16 : memref<5248x128xf32, #tpu.memory_space<vmem_shared>>) target_semaphore(%run_scoped3A : memref<!tpu.dma_semaphore, #tpu.memory_space<semaphore_mem>>)
        tpu.wait_dma2 semaphore(%run_scoped3A : memref<!tpu.dma_semaphore, #tpu.memory_space<semaphore_mem>>) src(%arg7 : memref<5248x128xf32, #tpu.memory_space<hbm>>) dst(%arg16 : memref<5248x128xf32, #tpu.memory_space<vmem_shared>>)
        tpu.yield
      }) : () -> ()
    } else {
    }
    %barrier3A = arith.constant 0 : index
    tpu.barrier barrier_id(%barrier3A)
    %scan3A = arith.constant 0 : i32
    %scan3A_5 = arith.constant 0 : i32
    %scan3A_6 = arith.constant 40 : i32
    %scan3A_7 = arith.addi %scan3A_5, %scan3A_6 : i32
    %scan3A_8 = arith.constant 1 : i32
    scf.for %scan3A_29 = %scan3A_5 to %scan3A_7 step %scan3A_8  : i32 {
      %dma_start3A = arith.constant 0 : i32
      %dma_start3A_30 = tpu.memref_slice %arg10[%scan3A_29, %dma_start3A] : memref<40x128xi32, #tpu.memory_space<vmem>> -> memref<1x128xi32, #tpu.memory_space<vmem>>
      %dma_start3A_31 = tpu.memref_squeeze %dma_start3A_30 : memref<1x128xi32, #tpu.memory_space<vmem>> -> memref<128xi32, #tpu.memory_space<vmem>>
      %dma_start3A_32 = arith.constant 0 : i32
      %dma_start3A_33 = arith.constant 0 : i32
      %dma_start3A_34 = tpu.memref_slice %arg2[%dma_start3A_32, %dma_start3A_33] : memref<10112x128xf32, #tpu.memory_space<hbm>> -> memref<10112x128xf32, #tpu.memory_space<hbm>>
      tpu.enqueue_indirect_dma source(%dma_start3A_34 : memref<10112x128xf32, #tpu.memory_space<hbm>>) target(%arg13 : memref<128x128xf32, #tpu.memory_space<vmem>>) offsets(%dma_start3A_31 : memref<128xi32, #tpu.memory_space<vmem>>) semaphore(%arg17 : memref<!tpu.dma_semaphore, #tpu.memory_space<semaphore_mem>>)
      %dma_start3A_35 = arith.constant 0 : i32
      %dma_start3A_36 = tpu.memref_slice %arg11[%scan3A_29, %dma_start3A_35] : memref<40x128xi32, #tpu.memory_space<vmem>> -> memref<1x128xi32, #tpu.memory_space<vmem>>
      %dma_start3A_37 = tpu.memref_squeeze %dma_start3A_36 : memref<1x128xi32, #tpu.memory_space<vmem>> -> memref<128xi32, #tpu.memory_space<vmem>>
      %dma_start3A_38 = arith.constant 0 : i32
      %dma_start3A_39 = arith.constant 0 : i32
      %dma_start3A_40 = tpu.memref_slice %arg3[%dma_start3A_38, %dma_start3A_39] : memref<10112x128xf32, #tpu.memory_space<hbm>> -> memref<10112x128xf32, #tpu.memory_space<hbm>>
      tpu.enqueue_indirect_dma source(%dma_start3A_40 : memref<10112x128xf32, #tpu.memory_space<hbm>>) target(%arg14 : memref<128x128xf32, #tpu.memory_space<vmem>>) offsets(%dma_start3A_37 : memref<128xi32, #tpu.memory_space<vmem>>) semaphore(%arg18 : memref<!tpu.dma_semaphore, #tpu.memory_space<semaphore_mem>>)
      %add3A_41 = arith.addi %mul3A_2, %scan3A_29 : i32
      %mul3A_42 = arith.constant 128 : i32
      %mul3A_43 = arith.muli %add3A_41, %mul3A_42 : i32
      %dma_start3A_44 = arith.constant 0 : i32
      %dma_start3A_45 = tpu.memref_slice %arg4[%mul3A_43, %dma_start3A_44] : memref<163840x128xf32, #tpu.memory_space<hbm>> -> memref<128x128xf32, #tpu.memory_space<hbm>>
      %dma_start3A_46 = arith.constant 0 : i32
      %dma_start3A_47 = tpu.memref_slice %arg4[%mul3A_43, %dma_start3A_46] : memref<163840x128xf32, #tpu.memory_space<hbm>> -> memref<128x128xf32, #tpu.memory_space<hbm>>
      tpu.enqueue_dma source(%dma_start3A_47 : memref<128x128xf32, #tpu.memory_space<hbm>>) target(%arg15 : memref<128x128xf32, #tpu.memory_space<vmem>>) target_semaphore(%arg19 : memref<!tpu.dma_semaphore, #tpu.memory_space<semaphore_mem>>)
      %dma_wait3A = arith.constant 0 : i32
      %dma_wait3A_48 = tpu.memref_slice %arg10[%scan3A_29, %dma_wait3A] : memref<40x128xi32, #tpu.memory_space<vmem>> -> memref<1x128xi32, #tpu.memory_space<vmem>>
      %dma_wait3A_49 = tpu.memref_squeeze %dma_wait3A_48 : memref<1x128xi32, #tpu.memory_space<vmem>> -> memref<128xi32, #tpu.memory_space<vmem>>
      %dma_wait3A_50 = arith.constant 0 : i32
      %dma_wait3A_51 = arith.constant 0 : i32
      %dma_wait3A_52 = tpu.memref_slice %arg2[%dma_wait3A_50, %dma_wait3A_51] : memref<10112x128xf32, #tpu.memory_space<hbm>> -> memref<10112x128xf32, #tpu.memory_space<hbm>>
      tpu.wait_indirect_dma semaphore(%arg17 : memref<!tpu.dma_semaphore, #tpu.memory_space<semaphore_mem>>) src(%dma_wait3A_52 : memref<10112x128xf32, #tpu.memory_space<hbm>>) dst(%arg13 : memref<128x128xf32, #tpu.memory_space<vmem>>)
      %dma_wait3A_53 = arith.constant 0 : i32
      %dma_wait3A_54 = tpu.memref_slice %arg11[%scan3A_29, %dma_wait3A_53] : memref<40x128xi32, #tpu.memory_space<vmem>> -> memref<1x128xi32, #tpu.memory_space<vmem>>
      %dma_wait3A_55 = tpu.memref_squeeze %dma_wait3A_54 : memref<1x128xi32, #tpu.memory_space<vmem>> -> memref<128xi32, #tpu.memory_space<vmem>>
      %dma_wait3A_56 = arith.constant 0 : i32
      %dma_wait3A_57 = arith.constant 0 : i32
      %dma_wait3A_58 = tpu.memref_slice %arg3[%dma_wait3A_56, %dma_wait3A_57] : memref<10112x128xf32, #tpu.memory_space<hbm>> -> memref<10112x128xf32, #tpu.memory_space<hbm>>
      tpu.wait_indirect_dma semaphore(%arg18 : memref<!tpu.dma_semaphore, #tpu.memory_space<semaphore_mem>>) src(%dma_wait3A_58 : memref<10112x128xf32, #tpu.memory_space<hbm>>) dst(%arg14 : memref<128x128xf32, #tpu.memory_space<vmem>>)
      %dma_wait3A_59 = arith.constant 0 : i32
      %dma_wait3A_60 = tpu.memref_slice %arg4[%mul3A_43, %dma_wait3A_59] : memref<163840x128xf32, #tpu.memory_space<hbm>> -> memref<128x128xf32, #tpu.memory_space<hbm>>
      %dma_wait3A_61 = arith.constant 0 : i32
      %dma_wait3A_62 = tpu.memref_slice %arg4[%mul3A_43, %dma_wait3A_61] : memref<163840x128xf32, #tpu.memory_space<hbm>> -> memref<128x128xf32, #tpu.memory_space<hbm>>
      tpu.wait_dma2 semaphore(%arg19 : memref<!tpu.dma_semaphore, #tpu.memory_space<semaphore_mem>>) src(%dma_wait3A_62 : memref<128x128xf32, #tpu.memory_space<hbm>>) dst(%arg15 : memref<128x128xf32, #tpu.memory_space<vmem>>)
      %scan3A_63 = arith.constant 0 : i32
      %scan3A_64 = arith.constant 0 : i32
      %scan3A_65 = arith.constant 128 : i32
      %scan3A_66 = arith.addi %scan3A_64, %scan3A_65 : i32
      %scan3A_67 = arith.constant 1 : i32
      scf.for %scan3A_173 = %scan3A_64 to %scan3A_66 step %scan3A_67  : i32 {
        %get3A_174 = arith.index_cast %scan3A_173 : i32 to index
        %get3A_175 = arith.constant 0 : index
        %get3A_176 = tpu.vector_load %arg13[%get3A_174, %get3A_175] {strides = array<i32>} : memref<128x128xf32, #tpu.memory_space<vmem>>, vector<1x16xf32>,
        %get3A_177 = vector.shape_cast %get3A_176 : vector<1x16xf32> to vector<16xf32>
        %get3A_178 = arith.index_cast %scan3A_173 : i32 to index
        %get3A_179 = arith.constant 0 : index
        %get3A_180 = tpu.vector_load %arg14[%get3A_178, %get3A_179] {strides = array<i32>} : memref<128x128xf32, #tpu.memory_space<vmem>>, vector<1x16xf32>,
        %get3A_181 = vector.shape_cast %get3A_180 : vector<1x16xf32> to vector<16xf32>
        %add3A_182 = arith.addf %get3A_177, %get3A_181 : vector<16xf32>
        %get3A_183 = arith.index_cast %scan3A_173 : i32 to index
        %get3A_184 = arith.constant 0 : index
        %get3A_185 = tpu.vector_load %arg15[%get3A_183, %get3A_184] {strides = array<i32>} : memref<128x128xf32, #tpu.memory_space<vmem>>, vector<1x16xf32>,
        %get3A_186 = vector.shape_cast %get3A_185 : vector<1x16xf32> to vector<16xf32>
        %add3A_187 = arith.addf %add3A_182, %get3A_186 : vector<16xf32>
        %max3A = arith.constant 0.000000e+00 : f32
        %max3A_188 = vector.broadcast %max3A : f32 to vector<16xf32>
        %max3A_189 = arith.maximumf %add3A_187, %max3A_188 : vector<16xf32>
        %swap3A_190 = arith.index_cast %scan3A_173 : i32 to index
        %swap3A_191 = arith.constant 0 : index
        %swap3A_192 = tpu.vector_load %arg13[%swap3A_190, %swap3A_191] {strides = array<i32>} : memref<128x128xf32, #tpu.memory_space<vmem>>, vector<1x16xf32>,
        %swap3A_193 = vector.shape_cast %swap3A_192 : vector<1x16xf32> to vector<16xf32>
        %swap3A_194 = vector.shape_cast %max3A_189 : vector<16xf32> to vector<1x16xf32>
        tpu.vector_store %arg13[%swap3A_190, %swap3A_191], %swap3A_194 {strides = array<i32>} : memref<128x128xf32, #tpu.memory_space<vmem>>, vector<1x16xf32>,
        %get3A_195 = arith.index_cast %scan3A_173 : i32 to index
        %get3A_196 = arith.constant 16 : index
        %get3A_197 = tpu.vector_load %arg13[%get3A_195, %get3A_196] {strides = array<i32>} : memref<128x128xf32, #tpu.memory_space<vmem>>, vector<1x16xf32>,
        %get3A_198 = vector.shape_cast %get3A_197 : vector<1x16xf32> to vector<16xf32>
        %get3A_199 = arith.index_cast %scan3A_173 : i32 to index
        %get3A_200 = arith.constant 16 : index
        %get3A_201 = tpu.vector_load %arg14[%get3A_199, %get3A_200] {strides = array<i32>} : memref<128x128xf32, #tpu.memory_space<vmem>>, vector<1x16xf32>,
        %get3A_202 = vector.shape_cast %get3A_201 : vector<1x16xf32> to vector<16xf32>
        %add3A_203 = arith.addf %get3A_198, %get3A_202 : vector<16xf32>
        %get3A_204 = arith.index_cast %scan3A_173 : i32 to index
        %get3A_205 = arith.constant 16 : index
        %get3A_206 = tpu.vector_load %arg15[%get3A_204, %get3A_205] {strides = array<i32>} : memref<128x128xf32, #tpu.memory_space<vmem>>, vector<1x16xf32>,
        %get3A_207 = vector.shape_cast %get3A_206 : vector<1x16xf32> to vector<16xf32>
        %add3A_208 = arith.addf %add3A_203, %get3A_207 : vector<16xf32>
        %max3A_209 = arith.constant 0.000000e+00 : f32
        %max3A_210 = vector.broadcast %max3A_209 : f32 to vector<16xf32>
        %max3A_211 = arith.maximumf %add3A_208, %max3A_210 : vector<16xf32>
        %swap3A_212 = arith.index_cast %scan3A_173 : i32 to index
        %swap3A_213 = arith.constant 16 : index
        %swap3A_214 = tpu.vector_load %arg13[%swap3A_212, %swap3A_213] {strides = array<i32>} : memref<128x128xf32, #tpu.memory_space<vmem>>, vector<1x16xf32>,
        %swap3A_215 = vector.shape_cast %swap3A_214 : vector<1x16xf32> to vector<16xf32>
        %swap3A_216 = vector.shape_cast %max3A_211 : vector<16xf32> to vector<1x16xf32>
        tpu.vector_store %arg13[%swap3A_212, %swap3A_213], %swap3A_216 {strides = array<i32>} : memref<128x128xf32, #tpu.memory_space<vmem>>, vector<1x16xf32>,
        %get3A_217 = arith.index_cast %scan3A_173 : i32 to index
        %get3A_218 = arith.constant 32 : index
        %get3A_219 = tpu.vector_load %arg13[%get3A_217, %get3A_218] {strides = array<i32>} : memref<128x128xf32, #tpu.memory_space<vmem>>, vector<1x16xf32>,
        %get3A_220 = vector.shape_cast %get3A_219 : vector<1x16xf32> to vector<16xf32>
        %get3A_221 = arith.index_cast %scan3A_173 : i32 to index
        %get3A_222 = arith.constant 32 : index
        %get3A_223 = tpu.vector_load %arg14[%get3A_221, %get3A_222] {strides = array<i32>} : memref<128x128xf32, #tpu.memory_space<vmem>>, vector<1x16xf32>,
        %get3A_224 = vector.shape_cast %get3A_223 : vector<1x16xf32> to vector<16xf32>
        %add3A_225 = arith.addf %get3A_220, %get3A_224 : vector<16xf32>
        %get3A_226 = arith.index_cast %scan3A_173 : i32 to index
        %get3A_227 = arith.constant 32 : index
        %get3A_228 = tpu.vector_load %arg15[%get3A_226, %get3A_227] {strides = array<i32>} : memref<128x128xf32, #tpu.memory_space<vmem>>, vector<1x16xf32>,
        %get3A_229 = vector.shape_cast %get3A_228 : vector<1x16xf32> to vector<16xf32>
        %add3A_230 = arith.addf %add3A_225, %get3A_229 : vector<16xf32>
        %max3A_231 = arith.constant 0.000000e+00 : f32
        %max3A_232 = vector.broadcast %max3A_231 : f32 to vector<16xf32>
        %max3A_233 = arith.maximumf %add3A_230, %max3A_232 : vector<16xf32>
        %swap3A_234 = arith.index_cast %scan3A_173 : i32 to index
        %swap3A_235 = arith.constant 32 : index
        %swap3A_236 = tpu.vector_load %arg13[%swap3A_234, %swap3A_235] {strides = array<i32>} : memref<128x128xf32, #tpu.memory_space<vmem>>, vector<1x16xf32>,
        %swap3A_237 = vector.shape_cast %swap3A_236 : vector<1x16xf32> to vector<16xf32>
        %swap3A_238 = vector.shape_cast %max3A_233 : vector<16xf32> to vector<1x16xf32>
        tpu.vector_store %arg13[%swap3A_234, %swap3A_235], %swap3A_238 {strides = array<i32>} : memref<128x128xf32, #tpu.memory_space<vmem>>, vector<1x16xf32>,
        %get3A_239 = arith.index_cast %scan3A_173 : i32 to index
        %get3A_240 = arith.constant 48 : index
        %get3A_241 = tpu.vector_load %arg13[%get3A_239, %get3A_240] {strides = array<i32>} : memref<128x128xf32, #tpu.memory_space<vmem>>, vector<1x16xf32>,
        %get3A_242 = vector.shape_cast %get3A_241 : vector<1x16xf32> to vector<16xf32>
        %get3A_243 = arith.index_cast %scan3A_173 : i32 to index
        %get3A_244 = arith.constant 48 : index
        %get3A_245 = tpu.vector_load %arg14[%get3A_243, %get3A_244] {strides = array<i32>} : memref<128x128xf32, #tpu.memory_space<vmem>>, vector<1x16xf32>,
        %get3A_246 = vector.shape_cast %get3A_245 : vector<1x16xf32> to vector<16xf32>
        %add3A_247 = arith.addf %get3A_242, %get3A_246 : vector<16xf32>
        %get3A_248 = arith.index_cast %scan3A_173 : i32 to index
        %get3A_249 = arith.constant 48 : index
        %get3A_250 = tpu.vector_load %arg15[%get3A_248, %get3A_249] {strides = array<i32>} : memref<128x128xf32, #tpu.memory_space<vmem>>, vector<1x16xf32>,
        %get3A_251 = vector.shape_cast %get3A_250 : vector<1x16xf32> to vector<16xf32>
        %add3A_252 = arith.addf %add3A_247, %get3A_251 : vector<16xf32>
        %max3A_253 = arith.constant 0.000000e+00 : f32
        %max3A_254 = vector.broadcast %max3A_253 : f32 to vector<16xf32>
        %max3A_255 = arith.maximumf %add3A_252, %max3A_254 : vector<16xf32>
        %swap3A_256 = arith.index_cast %scan3A_173 : i32 to index
        %swap3A_257 = arith.constant 48 : index
        %swap3A_258 = tpu.vector_load %arg13[%swap3A_256, %swap3A_257] {strides = array<i32>} : memref<128x128xf32, #tpu.memory_space<vmem>>, vector<1x16xf32>,
        %swap3A_259 = vector.shape_cast %swap3A_258 : vector<1x16xf32> to vector<16xf32>
        %swap3A_260 = vector.shape_cast %max3A_255 : vector<16xf32> to vector<1x16xf32>
        tpu.vector_store %arg13[%swap3A_256, %swap3A_257], %swap3A_260 {strides = array<i32>} : memref<128x128xf32, #tpu.memory_space<vmem>>, vector<1x16xf32>,
        %get3A_261 = arith.index_cast %scan3A_173 : i32 to index
        %get3A_262 = arith.constant 64 : index
        %get3A_263 = tpu.vector_load %arg13[%get3A_261, %get3A_262] {strides = array<i32>} : memref<128x128xf32, #tpu.memory_space<vmem>>, vector<1x16xf32>,
        %get3A_264 = vector.shape_cast %get3A_263 : vector<1x16xf32> to vector<16xf32>
        %get3A_265 = arith.index_cast %scan3A_173 : i32 to index
        %get3A_266 = arith.constant 64 : index
        %get3A_267 = tpu.vector_load %arg14[%get3A_265, %get3A_266] {strides = array<i32>} : memref<128x128xf32, #tpu.memory_space<vmem>>, vector<1x16xf32>,
        %get3A_268 = vector.shape_cast %get3A_267 : vector<1x16xf32> to vector<16xf32>
        %add3A_269 = arith.addf %get3A_264, %get3A_268 : vector<16xf32>
        %get3A_270 = arith.index_cast %scan3A_173 : i32 to index
        %get3A_271 = arith.constant 64 : index
        %get3A_272 = tpu.vector_load %arg15[%get3A_270, %get3A_271] {strides = array<i32>} : memref<128x128xf32, #tpu.memory_space<vmem>>, vector<1x16xf32>,
        %get3A_273 = vector.shape_cast %get3A_272 : vector<1x16xf32> to vector<16xf32>
        %add3A_274 = arith.addf %add3A_269, %get3A_273 : vector<16xf32>
        %max3A_275 = arith.constant 0.000000e+00 : f32
        %max3A_276 = vector.broadcast %max3A_275 : f32 to vector<16xf32>
        %max3A_277 = arith.maximumf %add3A_274, %max3A_276 : vector<16xf32>
        %swap3A_278 = arith.index_cast %scan3A_173 : i32 to index
        %swap3A_279 = arith.constant 64 : index
        %swap3A_280 = tpu.vector_load %arg13[%swap3A_278, %swap3A_279] {strides = array<i32>} : memref<128x128xf32, #tpu.memory_space<vmem>>, vector<1x16xf32>,
        %swap3A_281 = vector.shape_cast %swap3A_280 : vector<1x16xf32> to vector<16xf32>
        %swap3A_282 = vector.shape_cast %max3A_277 : vector<16xf32> to vector<1x16xf32>
        tpu.vector_store %arg13[%swap3A_278, %swap3A_279], %swap3A_282 {strides = array<i32>} : memref<128x128xf32, #tpu.memory_space<vmem>>, vector<1x16xf32>,
        %get3A_283 = arith.index_cast %scan3A_173 : i32 to index
        %get3A_284 = arith.constant 80 : index
        %get3A_285 = tpu.vector_load %arg13[%get3A_283, %get3A_284] {strides = array<i32>} : memref<128x128xf32, #tpu.memory_space<vmem>>, vector<1x16xf32>,
        %get3A_286 = vector.shape_cast %get3A_285 : vector<1x16xf32> to vector<16xf32>
        %get3A_287 = arith.index_cast %scan3A_173 : i32 to index
        %get3A_288 = arith.constant 80 : index
        %get3A_289 = tpu.vector_load %arg14[%get3A_287, %get3A_288] {strides = array<i32>} : memref<128x128xf32, #tpu.memory_space<vmem>>, vector<1x16xf32>,
        %get3A_290 = vector.shape_cast %get3A_289 : vector<1x16xf32> to vector<16xf32>
        %add3A_291 = arith.addf %get3A_286, %get3A_290 : vector<16xf32>
        %get3A_292 = arith.index_cast %scan3A_173 : i32 to index
        %get3A_293 = arith.constant 80 : index
        %get3A_294 = tpu.vector_load %arg15[%get3A_292, %get3A_293] {strides = array<i32>} : memref<128x128xf32, #tpu.memory_space<vmem>>, vector<1x16xf32>,
        %get3A_295 = vector.shape_cast %get3A_294 : vector<1x16xf32> to vector<16xf32>
        %add3A_296 = arith.addf %add3A_291, %get3A_295 : vector<16xf32>
        %max3A_297 = arith.constant 0.000000e+00 : f32
        %max3A_298 = vector.broadcast %max3A_297 : f32 to vector<16xf32>
        %max3A_299 = arith.maximumf %add3A_296, %max3A_298 : vector<16xf32>
        %swap3A_300 = arith.index_cast %scan3A_173 : i32 to index
        %swap3A_301 = arith.constant 80 : index
        %swap3A_302 = tpu.vector_load %arg13[%swap3A_300, %swap3A_301] {strides = array<i32>} : memref<128x128xf32, #tpu.memory_space<vmem>>, vector<1x16xf32>,
        %swap3A_303 = vector.shape_cast %swap3A_302 : vector<1x16xf32> to vector<16xf32>
        %swap3A_304 = vector.shape_cast %max3A_299 : vector<16xf32> to vector<1x16xf32>
        tpu.vector_store %arg13[%swap3A_300, %swap3A_301], %swap3A_304 {strides = array<i32>} : memref<128x128xf32, #tpu.memory_space<vmem>>, vector<1x16xf32>,
        %get3A_305 = arith.index_cast %scan3A_173 : i32 to index
        %get3A_306 = arith.constant 96 : index
        %get3A_307 = tpu.vector_load %arg13[%get3A_305, %get3A_306] {strides = array<i32>} : memref<128x128xf32, #tpu.memory_space<vmem>>, vector<1x16xf32>,
        %get3A_308 = vector.shape_cast %get3A_307 : vector<1x16xf32> to vector<16xf32>
        %get3A_309 = arith.index_cast %scan3A_173 : i32 to index
        %get3A_310 = arith.constant 96 : index
        %get3A_311 = tpu.vector_load %arg14[%get3A_309, %get3A_310] {strides = array<i32>} : memref<128x128xf32, #tpu.memory_space<vmem>>, vector<1x16xf32>,
        %get3A_312 = vector.shape_cast %get3A_311 : vector<1x16xf32> to vector<16xf32>
        %add3A_313 = arith.addf %get3A_308, %get3A_312 : vector<16xf32>
        %get3A_314 = arith.index_cast %scan3A_173 : i32 to index
        %get3A_315 = arith.constant 96 : index
        %get3A_316 = tpu.vector_load %arg15[%get3A_314, %get3A_315] {strides = array<i32>} : memref<128x128xf32, #tpu.memory_space<vmem>>, vector<1x16xf32>,
        %get3A_317 = vector.shape_cast %get3A_316 : vector<1x16xf32> to vector<16xf32>
        %add3A_318 = arith.addf %add3A_313, %get3A_317 : vector<16xf32>
        %max3A_319 = arith.constant 0.000000e+00 : f32
        %max3A_320 = vector.broadcast %max3A_319 : f32 to vector<16xf32>
        %max3A_321 = arith.maximumf %add3A_318, %max3A_320 : vector<16xf32>
        %swap3A_322 = arith.index_cast %scan3A_173 : i32 to index
        %swap3A_323 = arith.constant 96 : index
        %swap3A_324 = tpu.vector_load %arg13[%swap3A_322, %swap3A_323] {strides = array<i32>} : memref<128x128xf32, #tpu.memory_space<vmem>>, vector<1x16xf32>,
        %swap3A_325 = vector.shape_cast %swap3A_324 : vector<1x16xf32> to vector<16xf32>
        %swap3A_326 = vector.shape_cast %max3A_321 : vector<16xf32> to vector<1x16xf32>
        tpu.vector_store %arg13[%swap3A_322, %swap3A_323], %swap3A_326 {strides = array<i32>} : memref<128x128xf32, #tpu.memory_space<vmem>>, vector<1x16xf32>,
        %get3A_327 = arith.index_cast %scan3A_173 : i32 to index
        %get3A_328 = arith.constant 112 : index
        %get3A_329 = tpu.vector_load %arg13[%get3A_327, %get3A_328] {strides = array<i32>} : memref<128x128xf32, #tpu.memory_space<vmem>>, vector<1x16xf32>,
        %get3A_330 = vector.shape_cast %get3A_329 : vector<1x16xf32> to vector<16xf32>
        %get3A_331 = arith.index_cast %scan3A_173 : i32 to index
        %get3A_332 = arith.constant 112 : index
        %get3A_333 = tpu.vector_load %arg14[%get3A_331, %get3A_332] {strides = array<i32>} : memref<128x128xf32, #tpu.memory_space<vmem>>, vector<1x16xf32>,
        %get3A_334 = vector.shape_cast %get3A_333 : vector<1x16xf32> to vector<16xf32>
        %add3A_335 = arith.addf %get3A_330, %get3A_334 : vector<16xf32>
        %get3A_336 = arith.index_cast %scan3A_173 : i32 to index
        %get3A_337 = arith.constant 112 : index
        %get3A_338 = tpu.vector_load %arg15[%get3A_336, %get3A_337] {strides = array<i32>} : memref<128x128xf32, #tpu.memory_space<vmem>>, vector<1x16xf32>,
        %get3A_339 = vector.shape_cast %get3A_338 : vector<1x16xf32> to vector<16xf32>
        %add3A_340 = arith.addf %add3A_335, %get3A_339 : vector<16xf32>
        %max3A_341 = arith.constant 0.000000e+00 : f32
        %max3A_342 = vector.broadcast %max3A_341 : f32 to vector<16xf32>
        %max3A_343 = arith.maximumf %add3A_340, %max3A_342 : vector<16xf32>
        %swap3A_344 = arith.index_cast %scan3A_173 : i32 to index
        %swap3A_345 = arith.constant 112 : index
        %swap3A_346 = tpu.vector_load %arg13[%swap3A_344, %swap3A_345] {strides = array<i32>} : memref<128x128xf32, #tpu.memory_space<vmem>>, vector<1x16xf32>,
        %swap3A_347 = vector.shape_cast %swap3A_346 : vector<1x16xf32> to vector<16xf32>
        %swap3A_348 = vector.shape_cast %max3A_343 : vector<16xf32> to vector<1x16xf32>
        tpu.vector_store %arg13[%swap3A_344, %swap3A_345], %swap3A_348 {strides = array<i32>} : memref<128x128xf32, #tpu.memory_space<vmem>>, vector<1x16xf32>,
      }
      %scan3A_68 = arith.constant 128 : i32
      %add3A_69 = arith.addi %mul3A_2, %scan3A_29 : i32
      %mul3A_70 = arith.constant 128 : i32
      %mul3A_71 = arith.muli %add3A_69, %mul3A_70 : i32
      "tpu.region"() ({
        %run_scoped3A_173 = tpu.sem_alloc : memref<!tpu.dma_semaphore, #tpu.memory_space<semaphore_mem>>
        %dma_start3A_174 = arith.constant 0 : i32
        %dma_start3A_175 = tpu.memref_slice %arg9[%mul3A_71, %dma_start3A_174] : memref<163840x128xf32, #tpu.memory_space<hbm>> -> memref<128x128xf32, #tpu.memory_space<hbm>>
        %dma_start3A_176 = arith.constant 0 : i32
        %dma_start3A_177 = tpu.memref_slice %arg9[%mul3A_71, %dma_start3A_176] : memref<163840x128xf32, #tpu.memory_space<hbm>> -> memref<128x128xf32, #tpu.memory_space<hbm>>
        tpu.enqueue_dma source(%arg13 : memref<128x128xf32, #tpu.memory_space<vmem>>) target(%dma_start3A_177 : memref<128x128xf32, #tpu.memory_space<hbm>>) target_semaphore(%run_scoped3A_173 : memref<!tpu.dma_semaphore, #tpu.memory_space<semaphore_mem>>)
        %dma_wait3A_178 = arith.constant 0 : i32
        %dma_wait3A_179 = tpu.memref_slice %arg9[%mul3A_71, %dma_wait3A_178] : memref<163840x128xf32, #tpu.memory_space<hbm>> -> memref<128x128xf32, #tpu.memory_space<hbm>>
        %dma_wait3A_180 = arith.constant 0 : i32
        %dma_wait3A_181 = tpu.memref_slice %arg9[%mul3A_71, %dma_wait3A_180] : memref<163840x128xf32, #tpu.memory_space<hbm>> -> memref<128x128xf32, #tpu.memory_space<hbm>>
        tpu.wait_dma2 semaphore(%run_scoped3A_173 : memref<!tpu.dma_semaphore, #tpu.memory_space<semaphore_mem>>) src(%arg13 : memref<128x128xf32, #tpu.memory_space<vmem>>) dst(%dma_wait3A_181 : memref<128x128xf32, #tpu.memory_space<hbm>>)
        tpu.yield
      }) : () -> ()
      %get3A = arith.index_cast %scan3A_29 : i32 to index
      %get3A_72 = arith.constant 0 : index
      %get3A_73 = tpu.vector_load %arg11[%get3A, %get3A_72] {strides = array<i32>} : memref<40x128xi32, #tpu.memory_space<vmem>>, vector<1x16xi32>,
      %get3A_74 = vector.shape_cast %get3A_73 : vector<1x16xi32> to vector<16xi32>
      %min3A = arith.constant 5120 : i32
      %min3A_75 = vector.broadcast %min3A : i32 to vector<16xi32>
      %min3A_76 = arith.minsi %get3A_74, %min3A_75 : vector<16xi32>
      %swap3A = arith.constant 0 : i32
      %swap3A_77 = arith.index_cast %swap3A : i32 to index
      %swap3A_78 = arith.constant 0 : index
      %swap3A_79 = tpu.vector_load %arg12[%swap3A_77, %swap3A_78] {strides = array<i32>} : memref<1x128xi32, #tpu.memory_space<vmem>>, vector<1x16xi32>,
      %swap3A_80 = vector.shape_cast %swap3A_79 : vector<1x16xi32> to vector<16xi32>
      %swap3A_81 = vector.shape_cast %min3A_76 : vector<16xi32> to vector<1x16xi32>
      tpu.vector_store %arg12[%swap3A_77, %swap3A_78], %swap3A_81 {strides = array<i32>} : memref<1x128xi32, #tpu.memory_space<vmem>>, vector<1x16xi32>,
      %get3A_82 = arith.index_cast %scan3A_29 : i32 to index
      %get3A_83 = arith.constant 16 : index
      %get3A_84 = tpu.vector_load %arg11[%get3A_82, %get3A_83] {strides = array<i32>} : memref<40x128xi32, #tpu.memory_space<vmem>>, vector<1x16xi32>,
      %get3A_85 = vector.shape_cast %get3A_84 : vector<1x16xi32> to vector<16xi32>
      %min3A_86 = arith.constant 5120 : i32
      %min3A_87 = vector.broadcast %min3A_86 : i32 to vector<16xi32>
      %min3A_88 = arith.minsi %get3A_85, %min3A_87 : vector<16xi32>
      %swap3A_89 = arith.constant 0 : i32
      %swap3A_90 = arith.index_cast %swap3A_89 : i32 to index
      %swap3A_91 = arith.constant 16 : index
      %swap3A_92 = tpu.vector_load %arg12[%swap3A_90, %swap3A_91] {strides = array<i32>} : memref<1x128xi32, #tpu.memory_space<vmem>>, vector<1x16xi32>,
      %swap3A_93 = vector.shape_cast %swap3A_92 : vector<1x16xi32> to vector<16xi32>
      %swap3A_94 = vector.shape_cast %min3A_88 : vector<16xi32> to vector<1x16xi32>
      tpu.vector_store %arg12[%swap3A_90, %swap3A_91], %swap3A_94 {strides = array<i32>} : memref<1x128xi32, #tpu.memory_space<vmem>>, vector<1x16xi32>,
      %get3A_95 = arith.index_cast %scan3A_29 : i32 to index
      %get3A_96 = arith.constant 32 : index
      %get3A_97 = tpu.vector_load %arg11[%get3A_95, %get3A_96] {strides = array<i32>} : memref<40x128xi32, #tpu.memory_space<vmem>>, vector<1x16xi32>,
      %get3A_98 = vector.shape_cast %get3A_97 : vector<1x16xi32> to vector<16xi32>
      %min3A_99 = arith.constant 5120 : i32
      %min3A_100 = vector.broadcast %min3A_99 : i32 to vector<16xi32>
      %min3A_101 = arith.minsi %get3A_98, %min3A_100 : vector<16xi32>
      %swap3A_102 = arith.constant 0 : i32
      %swap3A_103 = arith.index_cast %swap3A_102 : i32 to index
      %swap3A_104 = arith.constant 32 : index
      %swap3A_105 = tpu.vector_load %arg12[%swap3A_103, %swap3A_104] {strides = array<i32>} : memref<1x128xi32, #tpu.memory_space<vmem>>, vector<1x16xi32>,
      %swap3A_106 = vector.shape_cast %swap3A_105 : vector<1x16xi32> to vector<16xi32>
      %swap3A_107 = vector.shape_cast %min3A_101 : vector<16xi32> to vector<1x16xi32>
      tpu.vector_store %arg12[%swap3A_103, %swap3A_104], %swap3A_107 {strides = array<i32>} : memref<1x128xi32, #tpu.memory_space<vmem>>, vector<1x16xi32>,
      %get3A_108 = arith.index_cast %scan3A_29 : i32 to index
      %get3A_109 = arith.constant 48 : index
      %get3A_110 = tpu.vector_load %arg11[%get3A_108, %get3A_109] {strides = array<i32>} : memref<40x128xi32, #tpu.memory_space<vmem>>, vector<1x16xi32>,
      %get3A_111 = vector.shape_cast %get3A_110 : vector<1x16xi32> to vector<16xi32>
      %min3A_112 = arith.constant 5120 : i32
      %min3A_113 = vector.broadcast %min3A_112 : i32 to vector<16xi32>
      %min3A_114 = arith.minsi %get3A_111, %min3A_113 : vector<16xi32>
      %swap3A_115 = arith.constant 0 : i32
      %swap3A_116 = arith.index_cast %swap3A_115 : i32 to index
      %swap3A_117 = arith.constant 48 : index
      %swap3A_118 = tpu.vector_load %arg12[%swap3A_116, %swap3A_117] {strides = array<i32>} : memref<1x128xi32, #tpu.memory_space<vmem>>, vector<1x16xi32>,
      %swap3A_119 = vector.shape_cast %swap3A_118 : vector<1x16xi32> to vector<16xi32>
      %swap3A_120 = vector.shape_cast %min3A_114 : vector<16xi32> to vector<1x16xi32>
      tpu.vector_store %arg12[%swap3A_116, %swap3A_117], %swap3A_120 {strides = array<i32>} : memref<1x128xi32, #tpu.memory_space<vmem>>, vector<1x16xi32>,
      %get3A_121 = arith.index_cast %scan3A_29 : i32 to index
      %get3A_122 = arith.constant 64 : index
      %get3A_123 = tpu.vector_load %arg11[%get3A_121, %get3A_122] {strides = array<i32>} : memref<40x128xi32, #tpu.memory_space<vmem>>, vector<1x16xi32>,
      %get3A_124 = vector.shape_cast %get3A_123 : vector<1x16xi32> to vector<16xi32>
      %min3A_125 = arith.constant 5120 : i32
      %min3A_126 = vector.broadcast %min3A_125 : i32 to vector<16xi32>
      %min3A_127 = arith.minsi %get3A_124, %min3A_126 : vector<16xi32>
      %swap3A_128 = arith.constant 0 : i32
      %swap3A_129 = arith.index_cast %swap3A_128 : i32 to index
      %swap3A_130 = arith.constant 64 : index
      %swap3A_131 = tpu.vector_load %arg12[%swap3A_129, %swap3A_130] {strides = array<i32>} : memref<1x128xi32, #tpu.memory_space<vmem>>, vector<1x16xi32>,
      %swap3A_132 = vector.shape_cast %swap3A_131 : vector<1x16xi32> to vector<16xi32>
      %swap3A_133 = vector.shape_cast %min3A_127 : vector<16xi32> to vector<1x16xi32>
      tpu.vector_store %arg12[%swap3A_129, %swap3A_130], %swap3A_133 {strides = array<i32>} : memref<1x128xi32, #tpu.memory_space<vmem>>, vector<1x16xi32>,
      %get3A_134 = arith.index_cast %scan3A_29 : i32 to index
      %get3A_135 = arith.constant 80 : index
      %get3A_136 = tpu.vector_load %arg11[%get3A_134, %get3A_135] {strides = array<i32>} : memref<40x128xi32, #tpu.memory_space<vmem>>, vector<1x16xi32>,
      %get3A_137 = vector.shape_cast %get3A_136 : vector<1x16xi32> to vector<16xi32>
      %min3A_138 = arith.constant 5120 : i32
      %min3A_139 = vector.broadcast %min3A_138 : i32 to vector<16xi32>
      %min3A_140 = arith.minsi %get3A_137, %min3A_139 : vector<16xi32>
      %swap3A_141 = arith.constant 0 : i32
      %swap3A_142 = arith.index_cast %swap3A_141 : i32 to index
      %swap3A_143 = arith.constant 80 : index
      %swap3A_144 = tpu.vector_load %arg12[%swap3A_142, %swap3A_143] {strides = array<i32>} : memref<1x128xi32, #tpu.memory_space<vmem>>, vector<1x16xi32>,
      %swap3A_145 = vector.shape_cast %swap3A_144 : vector<1x16xi32> to vector<16xi32>
      %swap3A_146 = vector.shape_cast %min3A_140 : vector<16xi32> to vector<1x16xi32>
      tpu.vector_store %arg12[%swap3A_142, %swap3A_143], %swap3A_146 {strides = array<i32>} : memref<1x128xi32, #tpu.memory_space<vmem>>, vector<1x16xi32>,
      %get3A_147 = arith.index_cast %scan3A_29 : i32 to index
      %get3A_148 = arith.constant 96 : index
      %get3A_149 = tpu.vector_load %arg11[%get3A_147, %get3A_148] {strides = array<i32>} : memref<40x128xi32, #tpu.memory_space<vmem>>, vector<1x16xi32>,
      %get3A_150 = vector.shape_cast %get3A_149 : vector<1x16xi32> to vector<16xi32>
      %min3A_151 = arith.constant 5120 : i32
      %min3A_152 = vector.broadcast %min3A_151 : i32 to vector<16xi32>
      %min3A_153 = arith.minsi %get3A_150, %min3A_152 : vector<16xi32>
      %swap3A_154 = arith.constant 0 : i32
      %swap3A_155 = arith.index_cast %swap3A_154 : i32 to index
      %swap3A_156 = arith.constant 96 : index
      %swap3A_157 = tpu.vector_load %arg12[%swap3A_155, %swap3A_156] {strides = array<i32>} : memref<1x128xi32, #tpu.memory_space<vmem>>, vector<1x16xi32>,
      %swap3A_158 = vector.shape_cast %swap3A_157 : vector<1x16xi32> to vector<16xi32>
      %swap3A_159 = vector.shape_cast %min3A_153 : vector<16xi32> to vector<1x16xi32>
      tpu.vector_store %arg12[%swap3A_155, %swap3A_156], %swap3A_159 {strides = array<i32>} : memref<1x128xi32, #tpu.memory_space<vmem>>, vector<1x16xi32>,
      %get3A_160 = arith.index_cast %scan3A_29 : i32 to index
      %get3A_161 = arith.constant 112 : index
      %get3A_162 = tpu.vector_load %arg11[%get3A_160, %get3A_161] {strides = array<i32>} : memref<40x128xi32, #tpu.memory_space<vmem>>, vector<1x16xi32>,
      %get3A_163 = vector.shape_cast %get3A_162 : vector<1x16xi32> to vector<16xi32>
      %min3A_164 = arith.constant 5120 : i32
      %min3A_165 = vector.broadcast %min3A_164 : i32 to vector<16xi32>
      %min3A_166 = arith.minsi %get3A_163, %min3A_165 : vector<16xi32>
      %swap3A_167 = arith.constant 0 : i32
      %swap3A_168 = arith.index_cast %swap3A_167 : i32 to index
      %swap3A_169 = arith.constant 112 : index
      %swap3A_170 = tpu.vector_load %arg12[%swap3A_168, %swap3A_169] {strides = array<i32>} : memref<1x128xi32, #tpu.memory_space<vmem>>, vector<1x16xi32>,
      %swap3A_171 = vector.shape_cast %swap3A_170 : vector<1x16xi32> to vector<16xi32>
      %swap3A_172 = vector.shape_cast %min3A_166 : vector<16xi32> to vector<1x16xi32>
      tpu.vector_store %arg12[%swap3A_168, %swap3A_169], %swap3A_172 {strides = array<i32>} : memref<1x128xi32, #tpu.memory_space<vmem>>, vector<1x16xi32>,
      %run_scoped3A = arith.constant 0 : i32
      "tpu.region"() ({
        %run_scoped3A_173 = tpu.sem_alloc : memref<!tpu.dma_semaphore, #tpu.memory_space<semaphore_mem>>
        %dma_start3A_174 = arith.constant 0 : i32
        %dma_start3A_175 = tpu.memref_slice %arg12[%run_scoped3A, %dma_start3A_174] : memref<1x128xi32, #tpu.memory_space<vmem>> -> memref<1x128xi32, #tpu.memory_space<vmem>>
        %dma_start3A_176 = tpu.memref_squeeze %dma_start3A_175 : memref<1x128xi32, #tpu.memory_space<vmem>> -> memref<128xi32, #tpu.memory_space<vmem>>
        %dma_start3A_177 = arith.constant 0 : i32
        %dma_start3A_178 = arith.constant 0 : i32
        %dma_start3A_179 = tpu.memref_slice %arg16[%dma_start3A_177, %dma_start3A_178] : memref<5248x128xf32, #tpu.memory_space<vmem_shared>> -> memref<5248x128xf32, #tpu.memory_space<vmem_shared>>
        tpu.enqueue_indirect_dma source(%arg13 : memref<128x128xf32, #tpu.memory_space<vmem>>) target(%dma_start3A_179 : memref<5248x128xf32, #tpu.memory_space<vmem_shared>>) offsets(%dma_start3A_176 : memref<128xi32, #tpu.memory_space<vmem>>) semaphore(%run_scoped3A_173 : memref<!tpu.dma_semaphore, #tpu.memory_space<semaphore_mem>>) {add = true}
        %dma_wait3A_180 = arith.constant 0 : i32
        %dma_wait3A_181 = tpu.memref_slice %arg12[%run_scoped3A, %dma_wait3A_180] : memref<1x128xi32, #tpu.memory_space<vmem>> -> memref<1x128xi32, #tpu.memory_space<vmem>>
        %dma_wait3A_182 = tpu.memref_squeeze %dma_wait3A_181 : memref<1x128xi32, #tpu.memory_space<vmem>> -> memref<128xi32, #tpu.memory_space<vmem>>
        %dma_wait3A_183 = arith.constant 0 : i32
        %dma_wait3A_184 = arith.constant 0 : i32
        %dma_wait3A_185 = tpu.memref_slice %arg16[%dma_wait3A_183, %dma_wait3A_184] : memref<5248x128xf32, #tpu.memory_space<vmem_shared>> -> memref<5248x128xf32, #tpu.memory_space<vmem_shared>>
        tpu.wait_indirect_dma semaphore(%run_scoped3A_173 : memref<!tpu.dma_semaphore, #tpu.memory_space<semaphore_mem>>) src(%arg13 : memref<128x128xf32, #tpu.memory_space<vmem>>) dst(%dma_wait3A_185 : memref<5248x128xf32, #tpu.memory_space<vmem_shared>>)
        tpu.yield
      }) : () -> ()
    }
    %scan3A_9 = arith.constant 40 : i32
    %barrier3A_10 = arith.constant 0 : index
    tpu.barrier barrier_id(%barrier3A_10)
    %eq3A_11 = arith.constant 0 : i32
    %eq3A_12 = arith.cmpi eq, %arg1, %eq3A_11 : i32
    %convert_element_type3A_13 = arith.extui %eq3A_12 : i1 to i32
    %cond3A_14 = arith.constant 0 : i32
    %cond3A_15 = arith.cmpi ne, %convert_element_type3A_13, %cond3A_14 : i32
    scf.if %cond3A_15 {
      %run_scoped3A = arith.constant 0 : i32
      "tpu.region"() ({
        %run_scoped3A_29 = tpu.sem_alloc : memref<!tpu.dma_semaphore, #tpu.memory_space<semaphore_mem>>
        %dma_start3A = arith.constant 0 : i32
        %dma_start3A_30 = arith.constant 0 : i32
        %dma_start3A_31 = tpu.memref_slice %arg8[%arg0, %run_scoped3A, %dma_start3A, %dma_start3A_30] : memref<2x2x5120x128xf32, #tpu.memory_space<hbm>> -> memref<1x1x5120x128xf32, #tpu.memory_space<hbm>>
        %dma_start3A_32 = tpu.memref_squeeze %dma_start3A_31 : memref<1x1x5120x128xf32, #tpu.memory_space<hbm>> -> memref<5120x128xf32, #tpu.memory_space<hbm>>
        %dma_start3A_33 = arith.constant 0 : i32
        %dma_start3A_34 = arith.constant 0 : i32
        %dma_start3A_35 = tpu.memref_slice %arg16[%dma_start3A_33, %dma_start3A_34] : memref<5248x128xf32, #tpu.memory_space<vmem_shared>> -> memref<5120x128xf32, #tpu.memory_space<vmem_shared>>
        tpu.enqueue_dma source(%dma_start3A_35 : memref<5120x128xf32, #tpu.memory_space<vmem_shared>>) target(%dma_start3A_32 : memref<5120x128xf32, #tpu.memory_space<hbm>>) target_semaphore(%run_scoped3A_29 : memref<!tpu.dma_semaphore, #tpu.memory_space<semaphore_mem>>)
        %dma_wait3A = arith.constant 0 : i32
        %dma_wait3A_36 = arith.constant 0 : i32
        %dma_wait3A_37 = tpu.memref_slice %arg8[%arg0, %run_scoped3A, %dma_wait3A, %dma_wait3A_36] : memref<2x2x5120x128xf32, #tpu.memory_space<hbm>> -> memref<1x1x5120x128xf32, #tpu.memory_space<hbm>>
        %dma_wait3A_38 = tpu.memref_squeeze %dma_wait3A_37 : memref<1x1x5120x128xf32, #tpu.memory_space<hbm>> -> memref<5120x128xf32, #tpu.memory_space<hbm>>
        %dma_wait3A_39 = arith.constant 0 : i32
        %dma_wait3A_40 = arith.constant 0 : i32
        %dma_wait3A_41 = tpu.memref_slice %arg16[%dma_wait3A_39, %dma_wait3A_40] : memref<5248x128xf32, #tpu.memory_space<vmem_shared>> -> memref<5120x128xf32, #tpu.memory_space<vmem_shared>>
        tpu.wait_dma2 semaphore(%run_scoped3A_29 : memref<!tpu.dma_semaphore, #tpu.memory_space<semaphore_mem>>) src(%dma_wait3A_41 : memref<5120x128xf32, #tpu.memory_space<vmem_shared>>) dst(%dma_wait3A_38 : memref<5120x128xf32, #tpu.memory_space<hbm>>)
        tpu.yield
      }) : () -> ()
      "tpu.region"() ({
        %run_scoped3A_29 = tpu.sem_alloc : memref<!tpu.dma_semaphore, #tpu.memory_space<semaphore_mem>>
        tpu.enqueue_dma source(%arg7 : memref<5248x128xf32, #tpu.memory_space<hbm>>) target(%arg16 : memref<5248x128xf32, #tpu.memory_space<vmem_shared>>) target_semaphore(%run_scoped3A_29 : memref<!tpu.dma_semaphore, #tpu.memory_space<semaphore_mem>>)
        tpu.wait_dma2 semaphore(%run_scoped3A_29 : memref<!tpu.dma_semaphore, #tpu.memory_space<semaphore_mem>>) src(%arg7 : memref<5248x128xf32, #tpu.memory_space<hbm>>) dst(%arg16 : memref<5248x128xf32, #tpu.memory_space<vmem_shared>>)
        tpu.yield
      }) : () -> ()
    } else {
    }
    %barrier3A_16 = arith.constant 0 : index
    tpu.barrier barrier_id(%barrier3A_16)
    %scan3A_17 = arith.constant 0 : i32
    %scan3A_18 = arith.constant 0 : i32
    %scan3A_19 = arith.constant 40 : i32
    %scan3A_20 = arith.addi %scan3A_18, %scan3A_19 : i32
    %scan3A_21 = arith.constant 1 : i32
    scf.for %scan3A_29 = %scan3A_18 to %scan3A_20 step %scan3A_21  : i32 {
      %add3A_30 = arith.addi %mul3A_2, %scan3A_29 : i32
      %mul3A_31 = arith.constant 128 : i32
      %mul3A_32 = arith.muli %add3A_30, %mul3A_31 : i32
      "tpu.region"() ({
        %run_scoped3A_178 = tpu.sem_alloc : memref<!tpu.dma_semaphore, #tpu.memory_space<semaphore_mem>>
        %dma_start3A = arith.constant 0 : i32
        %dma_start3A_179 = tpu.memref_slice %arg9[%mul3A_32, %dma_start3A] : memref<163840x128xf32, #tpu.memory_space<hbm>> -> memref<128x128xf32, #tpu.memory_space<hbm>>
        %dma_start3A_180 = arith.constant 0 : i32
        %dma_start3A_181 = tpu.memref_slice %arg9[%mul3A_32, %dma_start3A_180] : memref<163840x128xf32, #tpu.memory_space<hbm>> -> memref<128x128xf32, #tpu.memory_space<hbm>>
        tpu.enqueue_dma source(%dma_start3A_181 : memref<128x128xf32, #tpu.memory_space<hbm>>) target(%arg13 : memref<128x128xf32, #tpu.memory_space<vmem>>) target_semaphore(%run_scoped3A_178 : memref<!tpu.dma_semaphore, #tpu.memory_space<semaphore_mem>>)
        %dma_wait3A = arith.constant 0 : i32
        %dma_wait3A_182 = tpu.memref_slice %arg9[%mul3A_32, %dma_wait3A] : memref<163840x128xf32, #tpu.memory_space<hbm>> -> memref<128x128xf32, #tpu.memory_space<hbm>>
        %dma_wait3A_183 = arith.constant 0 : i32
        %dma_wait3A_184 = tpu.memref_slice %arg9[%mul3A_32, %dma_wait3A_183] : memref<163840x128xf32, #tpu.memory_space<hbm>> -> memref<128x128xf32, #tpu.memory_space<hbm>>
        tpu.wait_dma2 semaphore(%run_scoped3A_178 : memref<!tpu.dma_semaphore, #tpu.memory_space<semaphore_mem>>) src(%dma_wait3A_184 : memref<128x128xf32, #tpu.memory_space<hbm>>) dst(%arg13 : memref<128x128xf32, #tpu.memory_space<vmem>>)
        tpu.yield
      }) : () -> ()
      %get3A = arith.index_cast %scan3A_29 : i32 to index
      %get3A_33 = arith.constant 0 : index
      %get3A_34 = tpu.vector_load %arg11[%get3A, %get3A_33] {strides = array<i32>} : memref<40x128xi32, #tpu.memory_space<vmem>>, vector<1x16xi32>,
      %get3A_35 = vector.shape_cast %get3A_34 : vector<1x16xi32> to vector<16xi32>
      %lt3A = arith.constant 5120 : i32
      %lt3A_36 = vector.broadcast %lt3A : i32 to vector<16xi32>
      %lt3A_37 = arith.cmpi slt, %get3A_35, %lt3A_36 : vector<16xi32>
      %sub3A = arith.constant 5120 : i32
      %sub3A_38 = vector.broadcast %sub3A : i32 to vector<16xi32>
      %sub3A_39 = arith.subi %get3A_35, %sub3A_38 : vector<16xi32>
      %jit3A = arith.constant 5120 : i32
      %broadcast_in_dim3A = vector.broadcast %jit3A : i32 to vector<16xi32>
      %select_n3A = arith.select %lt3A_37, %broadcast_in_dim3A, %sub3A_39 : vector<16xi1>, vector<16xi32>
      %swap3A = arith.constant 0 : i32
      %swap3A_40 = arith.index_cast %swap3A : i32 to index
      %swap3A_41 = arith.constant 0 : index
      %swap3A_42 = tpu.vector_load %arg12[%swap3A_40, %swap3A_41] {strides = array<i32>} : memref<1x128xi32, #tpu.memory_space<vmem>>, vector<1x16xi32>,
      %swap3A_43 = vector.shape_cast %swap3A_42 : vector<1x16xi32> to vector<16xi32>
      %swap3A_44 = vector.shape_cast %select_n3A : vector<16xi32> to vector<1x16xi32>
      tpu.vector_store %arg12[%swap3A_40, %swap3A_41], %swap3A_44 {strides = array<i32>} : memref<1x128xi32, #tpu.memory_space<vmem>>, vector<1x16xi32>,
      %get3A_45 = arith.index_cast %scan3A_29 : i32 to index
      %get3A_46 = arith.constant 16 : index
      %get3A_47 = tpu.vector_load %arg11[%get3A_45, %get3A_46] {strides = array<i32>} : memref<40x128xi32, #tpu.memory_space<vmem>>, vector<1x16xi32>,
      %get3A_48 = vector.shape_cast %get3A_47 : vector<1x16xi32> to vector<16xi32>
      %lt3A_49 = arith.constant 5120 : i32
      %lt3A_50 = vector.broadcast %lt3A_49 : i32 to vector<16xi32>
      %lt3A_51 = arith.cmpi slt, %get3A_48, %lt3A_50 : vector<16xi32>
      %sub3A_52 = arith.constant 5120 : i32
      %sub3A_53 = vector.broadcast %sub3A_52 : i32 to vector<16xi32>
      %sub3A_54 = arith.subi %get3A_48, %sub3A_53 : vector<16xi32>
      %jit3A_55 = arith.constant 5120 : i32
      %broadcast_in_dim3A_56 = vector.broadcast %jit3A_55 : i32 to vector<16xi32>
      %select_n3A_57 = arith.select %lt3A_51, %broadcast_in_dim3A_56, %sub3A_54 : vector<16xi1>, vector<16xi32>
      %swap3A_58 = arith.constant 0 : i32
      %swap3A_59 = arith.index_cast %swap3A_58 : i32 to index
      %swap3A_60 = arith.constant 16 : index
      %swap3A_61 = tpu.vector_load %arg12[%swap3A_59, %swap3A_60] {strides = array<i32>} : memref<1x128xi32, #tpu.memory_space<vmem>>, vector<1x16xi32>,
      %swap3A_62 = vector.shape_cast %swap3A_61 : vector<1x16xi32> to vector<16xi32>
      %swap3A_63 = vector.shape_cast %select_n3A_57 : vector<16xi32> to vector<1x16xi32>
      tpu.vector_store %arg12[%swap3A_59, %swap3A_60], %swap3A_63 {strides = array<i32>} : memref<1x128xi32, #tpu.memory_space<vmem>>, vector<1x16xi32>,
      %get3A_64 = arith.index_cast %scan3A_29 : i32 to index
      %get3A_65 = arith.constant 32 : index
      %get3A_66 = tpu.vector_load %arg11[%get3A_64, %get3A_65] {strides = array<i32>} : memref<40x128xi32, #tpu.memory_space<vmem>>, vector<1x16xi32>,
      %get3A_67 = vector.shape_cast %get3A_66 : vector<1x16xi32> to vector<16xi32>
      %lt3A_68 = arith.constant 5120 : i32
      %lt3A_69 = vector.broadcast %lt3A_68 : i32 to vector<16xi32>
      %lt3A_70 = arith.cmpi slt, %get3A_67, %lt3A_69 : vector<16xi32>
      %sub3A_71 = arith.constant 5120 : i32
      %sub3A_72 = vector.broadcast %sub3A_71 : i32 to vector<16xi32>
      %sub3A_73 = arith.subi %get3A_67, %sub3A_72 : vector<16xi32>
      %jit3A_74 = arith.constant 5120 : i32
      %broadcast_in_dim3A_75 = vector.broadcast %jit3A_74 : i32 to vector<16xi32>
      %select_n3A_76 = arith.select %lt3A_70, %broadcast_in_dim3A_75, %sub3A_73 : vector<16xi1>, vector<16xi32>
      %swap3A_77 = arith.constant 0 : i32
      %swap3A_78 = arith.index_cast %swap3A_77 : i32 to index
      %swap3A_79 = arith.constant 32 : index
      %swap3A_80 = tpu.vector_load %arg12[%swap3A_78, %swap3A_79] {strides = array<i32>} : memref<1x128xi32, #tpu.memory_space<vmem>>, vector<1x16xi32>,
      %swap3A_81 = vector.shape_cast %swap3A_80 : vector<1x16xi32> to vector<16xi32>
      %swap3A_82 = vector.shape_cast %select_n3A_76 : vector<16xi32> to vector<1x16xi32>
      tpu.vector_store %arg12[%swap3A_78, %swap3A_79], %swap3A_82 {strides = array<i32>} : memref<1x128xi32, #tpu.memory_space<vmem>>, vector<1x16xi32>,
      %get3A_83 = arith.index_cast %scan3A_29 : i32 to index
      %get3A_84 = arith.constant 48 : index
      %get3A_85 = tpu.vector_load %arg11[%get3A_83, %get3A_84] {strides = array<i32>} : memref<40x128xi32, #tpu.memory_space<vmem>>, vector<1x16xi32>,
      %get3A_86 = vector.shape_cast %get3A_85 : vector<1x16xi32> to vector<16xi32>
      %lt3A_87 = arith.constant 5120 : i32
      %lt3A_88 = vector.broadcast %lt3A_87 : i32 to vector<16xi32>
      %lt3A_89 = arith.cmpi slt, %get3A_86, %lt3A_88 : vector<16xi32>
      %sub3A_90 = arith.constant 5120 : i32
      %sub3A_91 = vector.broadcast %sub3A_90 : i32 to vector<16xi32>
      %sub3A_92 = arith.subi %get3A_86, %sub3A_91 : vector<16xi32>
      %jit3A_93 = arith.constant 5120 : i32
      %broadcast_in_dim3A_94 = vector.broadcast %jit3A_93 : i32 to vector<16xi32>
      %select_n3A_95 = arith.select %lt3A_89, %broadcast_in_dim3A_94, %sub3A_92 : vector<16xi1>, vector<16xi32>
      %swap3A_96 = arith.constant 0 : i32
      %swap3A_97 = arith.index_cast %swap3A_96 : i32 to index
      %swap3A_98 = arith.constant 48 : index
      %swap3A_99 = tpu.vector_load %arg12[%swap3A_97, %swap3A_98] {strides = array<i32>} : memref<1x128xi32, #tpu.memory_space<vmem>>, vector<1x16xi32>,
      %swap3A_100 = vector.shape_cast %swap3A_99 : vector<1x16xi32> to vector<16xi32>
      %swap3A_101 = vector.shape_cast %select_n3A_95 : vector<16xi32> to vector<1x16xi32>
      tpu.vector_store %arg12[%swap3A_97, %swap3A_98], %swap3A_101 {strides = array<i32>} : memref<1x128xi32, #tpu.memory_space<vmem>>, vector<1x16xi32>,
      %get3A_102 = arith.index_cast %scan3A_29 : i32 to index
      %get3A_103 = arith.constant 64 : index
      %get3A_104 = tpu.vector_load %arg11[%get3A_102, %get3A_103] {strides = array<i32>} : memref<40x128xi32, #tpu.memory_space<vmem>>, vector<1x16xi32>,
      %get3A_105 = vector.shape_cast %get3A_104 : vector<1x16xi32> to vector<16xi32>
      %lt3A_106 = arith.constant 5120 : i32
      %lt3A_107 = vector.broadcast %lt3A_106 : i32 to vector<16xi32>
      %lt3A_108 = arith.cmpi slt, %get3A_105, %lt3A_107 : vector<16xi32>
      %sub3A_109 = arith.constant 5120 : i32
      %sub3A_110 = vector.broadcast %sub3A_109 : i32 to vector<16xi32>
      %sub3A_111 = arith.subi %get3A_105, %sub3A_110 : vector<16xi32>
      %jit3A_112 = arith.constant 5120 : i32
      %broadcast_in_dim3A_113 = vector.broadcast %jit3A_112 : i32 to vector<16xi32>
      %select_n3A_114 = arith.select %lt3A_108, %broadcast_in_dim3A_113, %sub3A_111 : vector<16xi1>, vector<16xi32>
      %swap3A_115 = arith.constant 0 : i32
      %swap3A_116 = arith.index_cast %swap3A_115 : i32 to index
      %swap3A_117 = arith.constant 64 : index
      %swap3A_118 = tpu.vector_load %arg12[%swap3A_116, %swap3A_117] {strides = array<i32>} : memref<1x128xi32, #tpu.memory_space<vmem>>, vector<1x16xi32>,
      %swap3A_119 = vector.shape_cast %swap3A_118 : vector<1x16xi32> to vector<16xi32>
      %swap3A_120 = vector.shape_cast %select_n3A_114 : vector<16xi32> to vector<1x16xi32>
      tpu.vector_store %arg12[%swap3A_116, %swap3A_117], %swap3A_120 {strides = array<i32>} : memref<1x128xi32, #tpu.memory_space<vmem>>, vector<1x16xi32>,
      %get3A_121 = arith.index_cast %scan3A_29 : i32 to index
      %get3A_122 = arith.constant 80 : index
      %get3A_123 = tpu.vector_load %arg11[%get3A_121, %get3A_122] {strides = array<i32>} : memref<40x128xi32, #tpu.memory_space<vmem>>, vector<1x16xi32>,
      %get3A_124 = vector.shape_cast %get3A_123 : vector<1x16xi32> to vector<16xi32>
      %lt3A_125 = arith.constant 5120 : i32
      %lt3A_126 = vector.broadcast %lt3A_125 : i32 to vector<16xi32>
      %lt3A_127 = arith.cmpi slt, %get3A_124, %lt3A_126 : vector<16xi32>
      %sub3A_128 = arith.constant 5120 : i32
      %sub3A_129 = vector.broadcast %sub3A_128 : i32 to vector<16xi32>
      %sub3A_130 = arith.subi %get3A_124, %sub3A_129 : vector<16xi32>
      %jit3A_131 = arith.constant 5120 : i32
      %broadcast_in_dim3A_132 = vector.broadcast %jit3A_131 : i32 to vector<16xi32>
      %select_n3A_133 = arith.select %lt3A_127, %broadcast_in_dim3A_132, %sub3A_130 : vector<16xi1>, vector<16xi32>
      %swap3A_134 = arith.constant 0 : i32
      %swap3A_135 = arith.index_cast %swap3A_134 : i32 to index
      %swap3A_136 = arith.constant 80 : index
      %swap3A_137 = tpu.vector_load %arg12[%swap3A_135, %swap3A_136] {strides = array<i32>} : memref<1x128xi32, #tpu.memory_space<vmem>>, vector<1x16xi32>,
      %swap3A_138 = vector.shape_cast %swap3A_137 : vector<1x16xi32> to vector<16xi32>
      %swap3A_139 = vector.shape_cast %select_n3A_133 : vector<16xi32> to vector<1x16xi32>
      tpu.vector_store %arg12[%swap3A_135, %swap3A_136], %swap3A_139 {strides = array<i32>} : memref<1x128xi32, #tpu.memory_space<vmem>>, vector<1x16xi32>,
      %get3A_140 = arith.index_cast %scan3A_29 : i32 to index
      %get3A_141 = arith.constant 96 : index
      %get3A_142 = tpu.vector_load %arg11[%get3A_140, %get3A_141] {strides = array<i32>} : memref<40x128xi32, #tpu.memory_space<vmem>>, vector<1x16xi32>,
      %get3A_143 = vector.shape_cast %get3A_142 : vector<1x16xi32> to vector<16xi32>
      %lt3A_144 = arith.constant 5120 : i32
      %lt3A_145 = vector.broadcast %lt3A_144 : i32 to vector<16xi32>
      %lt3A_146 = arith.cmpi slt, %get3A_143, %lt3A_145 : vector<16xi32>
      %sub3A_147 = arith.constant 5120 : i32
      %sub3A_148 = vector.broadcast %sub3A_147 : i32 to vector<16xi32>
      %sub3A_149 = arith.subi %get3A_143, %sub3A_148 : vector<16xi32>
      %jit3A_150 = arith.constant 5120 : i32
      %broadcast_in_dim3A_151 = vector.broadcast %jit3A_150 : i32 to vector<16xi32>
      %select_n3A_152 = arith.select %lt3A_146, %broadcast_in_dim3A_151, %sub3A_149 : vector<16xi1>, vector<16xi32>
      %swap3A_153 = arith.constant 0 : i32
      %swap3A_154 = arith.index_cast %swap3A_153 : i32 to index
      %swap3A_155 = arith.constant 96 : index
      %swap3A_156 = tpu.vector_load %arg12[%swap3A_154, %swap3A_155] {strides = array<i32>} : memref<1x128xi32, #tpu.memory_space<vmem>>, vector<1x16xi32>,
      %swap3A_157 = vector.shape_cast %swap3A_156 : vector<1x16xi32> to vector<16xi32>
      %swap3A_158 = vector.shape_cast %select_n3A_152 : vector<16xi32> to vector<1x16xi32>
      tpu.vector_store %arg12[%swap3A_154, %swap3A_155], %swap3A_158 {strides = array<i32>} : memref<1x128xi32, #tpu.memory_space<vmem>>, vector<1x16xi32>,
      %get3A_159 = arith.index_cast %scan3A_29 : i32 to index
      %get3A_160 = arith.constant 112 : index
      %get3A_161 = tpu.vector_load %arg11[%get3A_159, %get3A_160] {strides = array<i32>} : memref<40x128xi32, #tpu.memory_space<vmem>>, vector<1x16xi32>,
      %get3A_162 = vector.shape_cast %get3A_161 : vector<1x16xi32> to vector<16xi32>
      %lt3A_163 = arith.constant 5120 : i32
      %lt3A_164 = vector.broadcast %lt3A_163 : i32 to vector<16xi32>
      %lt3A_165 = arith.cmpi slt, %get3A_162, %lt3A_164 : vector<16xi32>
      %sub3A_166 = arith.constant 5120 : i32
      %sub3A_167 = vector.broadcast %sub3A_166 : i32 to vector<16xi32>
      %sub3A_168 = arith.subi %get3A_162, %sub3A_167 : vector<16xi32>
      %jit3A_169 = arith.constant 5120 : i32
      %broadcast_in_dim3A_170 = vector.broadcast %jit3A_169 : i32 to vector<16xi32>
      %select_n3A_171 = arith.select %lt3A_165, %broadcast_in_dim3A_170, %sub3A_168 : vector<16xi1>, vector<16xi32>
      %swap3A_172 = arith.constant 0 : i32
      %swap3A_173 = arith.index_cast %swap3A_172 : i32 to index
      %swap3A_174 = arith.constant 112 : index
      %swap3A_175 = tpu.vector_load %arg12[%swap3A_173, %swap3A_174] {strides = array<i32>} : memref<1x128xi32, #tpu.memory_space<vmem>>, vector<1x16xi32>,
      %swap3A_176 = vector.shape_cast %swap3A_175 : vector<1x16xi32> to vector<16xi32>
      %swap3A_177 = vector.shape_cast %select_n3A_171 : vector<16xi32> to vector<1x16xi32>
      tpu.vector_store %arg12[%swap3A_173, %swap3A_174], %swap3A_177 {strides = array<i32>} : memref<1x128xi32, #tpu.memory_space<vmem>>, vector<1x16xi32>,
      %run_scoped3A = arith.constant 0 : i32
      "tpu.region"() ({
        %run_scoped3A_178 = tpu.sem_alloc : memref<!tpu.dma_semaphore, #tpu.memory_space<semaphore_mem>>
        %dma_start3A = arith.constant 0 : i32
        %dma_start3A_179 = tpu.memref_slice %arg12[%run_scoped3A, %dma_start3A] : memref<1x128xi32, #tpu.memory_space<vmem>> -> memref<1x128xi32, #tpu.memory_space<vmem>>
        %dma_start3A_180 = tpu.memref_squeeze %dma_start3A_179 : memref<1x128xi32, #tpu.memory_space<vmem>> -> memref<128xi32, #tpu.memory_space<vmem>>
        %dma_start3A_181 = arith.constant 0 : i32
        %dma_start3A_182 = arith.constant 0 : i32
        %dma_start3A_183 = tpu.memref_slice %arg16[%dma_start3A_181, %dma_start3A_182] : memref<5248x128xf32, #tpu.memory_space<vmem_shared>> -> memref<5248x128xf32, #tpu.memory_space<vmem_shared>>
        tpu.enqueue_indirect_dma source(%arg13 : memref<128x128xf32, #tpu.memory_space<vmem>>) target(%dma_start3A_183 : memref<5248x128xf32, #tpu.memory_space<vmem_shared>>) offsets(%dma_start3A_180 : memref<128xi32, #tpu.memory_space<vmem>>) semaphore(%run_scoped3A_178 : memref<!tpu.dma_semaphore, #tpu.memory_space<semaphore_mem>>) {add = true}
        %dma_wait3A = arith.constant 0 : i32
        %dma_wait3A_184 = tpu.memref_slice %arg12[%run_scoped3A, %dma_wait3A] : memref<1x128xi32, #tpu.memory_space<vmem>> -> memref<1x128xi32, #tpu.memory_space<vmem>>
        %dma_wait3A_185 = tpu.memref_squeeze %dma_wait3A_184 : memref<1x128xi32, #tpu.memory_space<vmem>> -> memref<128xi32, #tpu.memory_space<vmem>>
        %dma_wait3A_186 = arith.constant 0 : i32
        %dma_wait3A_187 = arith.constant 0 : i32
        %dma_wait3A_188 = tpu.memref_slice %arg16[%dma_wait3A_186, %dma_wait3A_187] : memref<5248x128xf32, #tpu.memory_space<vmem_shared>> -> memref<5248x128xf32, #tpu.memory_space<vmem_shared>>
        tpu.wait_indirect_dma semaphore(%run_scoped3A_178 : memref<!tpu.dma_semaphore, #tpu.memory_space<semaphore_mem>>) src(%arg13 : memref<128x128xf32, #tpu.memory_space<vmem>>) dst(%dma_wait3A_188 : memref<5248x128xf32, #tpu.memory_space<vmem_shared>>)
        tpu.yield
      }) : () -> ()
    }
    %scan3A_22 = arith.constant 40 : i32
    %barrier3A_23 = arith.constant 0 : index
    tpu.barrier barrier_id(%barrier3A_23)
    %eq3A_24 = arith.constant 0 : i32
    %eq3A_25 = arith.cmpi eq, %arg1, %eq3A_24 : i32
    %convert_element_type3A_26 = arith.extui %eq3A_25 : i1 to i32
    %cond3A_27 = arith.constant 0 : i32
    %cond3A_28 = arith.cmpi ne, %convert_element_type3A_26, %cond3A_27 : i32
    scf.if %cond3A_28 {
      %run_scoped3A = arith.constant 1 : i32
      "tpu.region"() ({
        %run_scoped3A_29 = tpu.sem_alloc : memref<!tpu.dma_semaphore, #tpu.memory_space<semaphore_mem>>
        %dma_start3A = arith.constant 0 : i32
        %dma_start3A_30 = arith.constant 0 : i32
        %dma_start3A_31 = tpu.memref_slice %arg8[%arg0, %run_scoped3A, %dma_start3A, %dma_start3A_30] : memref<2x2x5120x128xf32, #tpu.memory_space<hbm>> -> memref<1x1x5120x128xf32, #tpu.memory_space<hbm>>
        %dma_start3A_32 = tpu.memref_squeeze %dma_start3A_31 : memref<1x1x5120x128xf32, #tpu.memory_space<hbm>> -> memref<5120x128xf32, #tpu.memory_space<hbm>>
        %dma_start3A_33 = arith.constant 0 : i32
        %dma_start3A_34 = arith.constant 0 : i32
        %dma_start3A_35 = tpu.memref_slice %arg16[%dma_start3A_33, %dma_start3A_34] : memref<5248x128xf32, #tpu.memory_space<vmem_shared>> -> memref<5120x128xf32, #tpu.memory_space<vmem_shared>>
        tpu.enqueue_dma source(%dma_start3A_35 : memref<5120x128xf32, #tpu.memory_space<vmem_shared>>) target(%dma_start3A_32 : memref<5120x128xf32, #tpu.memory_space<hbm>>) target_semaphore(%run_scoped3A_29 : memref<!tpu.dma_semaphore, #tpu.memory_space<semaphore_mem>>)
        %dma_wait3A = arith.constant 0 : i32
        %dma_wait3A_36 = arith.constant 0 : i32
        %dma_wait3A_37 = tpu.memref_slice %arg8[%arg0, %run_scoped3A, %dma_wait3A, %dma_wait3A_36] : memref<2x2x5120x128xf32, #tpu.memory_space<hbm>> -> memref<1x1x5120x128xf32, #tpu.memory_space<hbm>>
        %dma_wait3A_38 = tpu.memref_squeeze %dma_wait3A_37 : memref<1x1x5120x128xf32, #tpu.memory_space<hbm>> -> memref<5120x128xf32, #tpu.memory_space<hbm>>
        %dma_wait3A_39 = arith.constant 0 : i32
        %dma_wait3A_40 = arith.constant 0 : i32
        %dma_wait3A_41 = tpu.memref_slice %arg16[%dma_wait3A_39, %dma_wait3A_40] : memref<5248x128xf32, #tpu.memory_space<vmem_shared>> -> memref<5120x128xf32, #tpu.memory_space<vmem_shared>>
        tpu.wait_dma2 semaphore(%run_scoped3A_29 : memref<!tpu.dma_semaphore, #tpu.memory_space<semaphore_mem>>) src(%dma_wait3A_41 : memref<5120x128xf32, #tpu.memory_space<vmem_shared>>) dst(%dma_wait3A_38 : memref<5120x128xf32, #tpu.memory_space<hbm>>)
        tpu.yield
      }) : () -> ()
    } else {
    }
    return
  }
}

#map = affine_map<(d0, d1) -> (0, 0)>
#map1 = affine_map<(d0, d1) -> (0, 0, 0, 0)>
module attributes {stable_mosaic.version = 14 : i64} {
  func.func @k(%arg0: i32, %arg1: i32, %arg2: memref<10112x128xf32, #tpu.memory_space<hbm>>, %arg3: memref<10112x128xf32, #tpu.memory_space<hbm>>, %arg4: memref<163840x128xf32, #tpu.memory_space<hbm>>, %arg5: memref<1280x128xi32, #tpu.memory_space<hbm>>, %arg6: memref<1280x128xi32, #tpu.memory_space<hbm>>, %arg7: memref<5248x128xf32, #tpu.memory_space<hbm>>, %arg8: memref<2x2x5120x128xf32, #tpu.memory_space<hbm>>, %arg9: memref<163840x128xf32, #tpu.memory_space<hbm>>, %arg10: memref<40x128xi32, #tpu.memory_space<vmem>>, %arg11: memref<40x128xi32, #tpu.memory_space<vmem>>, %arg12: memref<1x128xi32, #tpu.memory_space<vmem>>, %arg13: memref<128x128xf32, #tpu.memory_space<vmem>>, %arg14: memref<128x128xf32, #tpu.memory_space<vmem>>, %arg15: memref<128x128xf32, #tpu.memory_space<vmem>>, %arg16: memref<5248x128xf32, #tpu.memory_space<vmem_shared>>, %arg17: memref<!tpu.dma_semaphore, #tpu.memory_space<semaphore_mem>>, %arg18: memref<!tpu.dma_semaphore, #tpu.memory_space<semaphore_mem>>, %arg19: memref<!tpu.dma_semaphore, #tpu.memory_space<semaphore_mem>>) attributes {dimension_semantics = [#tpu.dimension_semantics<core_parallel>, #tpu.dimension_semantics<subcore_parallel>], iteration_bounds = array<i64: 2, 16>, scalar_prefetch = 0 : i64, scratch_operands = 10 : i64, tpu.core_type = #tpu.core_type<sc_vector_subcore>, window_params = [{transform_indices = #map}, {transform_indices = #map}, {transform_indices = #map}, {transform_indices = #map}, {transform_indices = #map}, {transform_indices = #map}, {transform_indices = #map1}, {transform_indices = #map}]} {
    %mul3A = arith.constant 16 : i32
    %mul3A_0 = arith.muli %arg0, %mul3A : i32
    %add3A = arith.addi %mul3A_0, %arg1 : i32
    %mul3A_1 = arith.constant 40 : i32
    %mul3A_2 = arith.muli %add3A, %mul3A_1 : i32
    "tpu.region"() ({
      %run_scoped3A = tpu.sem_alloc : memref<!tpu.dma_semaphore, #tpu.memory_space<semaphore_mem>>
      %dma_start3A = arith.constant 0 : i32
      %dma_start3A_29 = tpu.memref_slice %arg5[%mul3A_2, %dma_start3A] : memref<1280x128xi32, #tpu.memory_space<hbm>> -> memref<40x128xi32, #tpu.memory_space<hbm>>
      %dma_start3A_30 = arith.constant 0 : i32
      %dma_start3A_31 = tpu.memref_slice %arg5[%mul3A_2, %dma_start3A_30] : memref<1280x128xi32, #tpu.memory_space<hbm>> -> memref<40x128xi32, #tpu.memory_space<hbm>>
      tpu.enqueue_dma source(%dma_start3A_31 : memref<40x128xi32, #tpu.memory_space<hbm>>) target(%arg10 : memref<40x128xi32, #tpu.memory_space<vmem>>) target_semaphore(%run_scoped3A : memref<!tpu.dma_semaphore, #tpu.memory_space<semaphore_mem>>)
      %dma_wait3A = arith.constant 0 : i32
      %dma_wait3A_32 = tpu.memref_slice %arg5[%mul3A_2, %dma_wait3A] : memref<1280x128xi32, #tpu.memory_space<hbm>> -> memref<40x128xi32, #tpu.memory_space<hbm>>
      %dma_wait3A_33 = arith.constant 0 : i32
      %dma_wait3A_34 = tpu.memref_slice %arg5[%mul3A_2, %dma_wait3A_33] : memref<1280x128xi32, #tpu.memory_space<hbm>> -> memref<40x128xi32, #tpu.memory_space<hbm>>
      tpu.wait_dma2 semaphore(%run_scoped3A : memref<!tpu.dma_semaphore, #tpu.memory_space<semaphore_mem>>) src(%dma_wait3A_34 : memref<40x128xi32, #tpu.memory_space<hbm>>) dst(%arg10 : memref<40x128xi32, #tpu.memory_space<vmem>>)
      tpu.yield
    }) : () -> ()
    "tpu.region"() ({
      %run_scoped3A = tpu.sem_alloc : memref<!tpu.dma_semaphore, #tpu.memory_space<semaphore_mem>>
      %dma_start3A = arith.constant 0 : i32
      %dma_start3A_29 = tpu.memref_slice %arg6[%mul3A_2, %dma_start3A] : memref<1280x128xi32, #tpu.memory_space<hbm>> -> memref<40x128xi32, #tpu.memory_space<hbm>>
      %dma_start3A_30 = arith.constant 0 : i32
      %dma_start3A_31 = tpu.memref_slice %arg6[%mul3A_2, %dma_start3A_30] : memref<1280x128xi32, #tpu.memory_space<hbm>> -> memref<40x128xi32, #tpu.memory_space<hbm>>
      tpu.enqueue_dma source(%dma_start3A_31 : memref<40x128xi32, #tpu.memory_space<hbm>>) target(%arg11 : memref<40x128xi32, #tpu.memory_space<vmem>>) target_semaphore(%run_scoped3A : memref<!tpu.dma_semaphore, #tpu.memory_space<semaphore_mem>>)
      %dma_wait3A = arith.constant 0 : i32
      %dma_wait3A_32 = tpu.memref_slice %arg6[%mul3A_2, %dma_wait3A] : memref<1280x128xi32, #tpu.memory_space<hbm>> -> memref<40x128xi32, #tpu.memory_space<hbm>>
      %dma_wait3A_33 = arith.constant 0 : i32
      %dma_wait3A_34 = tpu.memref_slice %arg6[%mul3A_2, %dma_wait3A_33] : memref<1280x128xi32, #tpu.memory_space<hbm>> -> memref<40x128xi32, #tpu.memory_space<hbm>>
      tpu.wait_dma2 semaphore(%run_scoped3A : memref<!tpu.dma_semaphore, #tpu.memory_space<semaphore_mem>>) src(%dma_wait3A_34 : memref<40x128xi32, #tpu.memory_space<hbm>>) dst(%arg11 : memref<40x128xi32, #tpu.memory_space<vmem>>)
      tpu.yield
    }) : () -> ()
    %eq3A = arith.constant 0 : i32
    %eq3A_3 = arith.cmpi eq, %arg1, %eq3A : i32
    %convert_element_type3A = arith.extui %eq3A_3 : i1 to i32
    %cond3A = arith.constant 0 : i32
    %cond3A_4 = arith.cmpi ne, %convert_element_type3A, %cond3A : i32
    scf.if %cond3A_4 {
      "tpu.region"() ({
        %run_scoped3A = tpu.sem_alloc : memref<!tpu.dma_semaphore, #tpu.memory_space<semaphore_mem>>
        tpu.enqueue_dma source(%arg7 : memref<5248x128xf32, #tpu.memory_space<hbm>>) target(%arg16 : memref<5248x128xf32, #tpu.memory_space<vmem_shared>>) target_semaphore(%run_scoped3A : memref<!tpu.dma_semaphore, #tpu.memory_space<semaphore_mem>>)
        tpu.wait_dma2 semaphore(%run_scoped3A : memref<!tpu.dma_semaphore, #tpu.memory_space<semaphore_mem>>) src(%arg7 : memref<5248x128xf32, #tpu.memory_space<hbm>>) dst(%arg16 : memref<5248x128xf32, #tpu.memory_space<vmem_shared>>)
        tpu.yield
      }) : () -> ()
    } else {
    }
    %barrier3A = arith.constant 0 : index
    tpu.barrier barrier_id(%barrier3A)
    %scan3A = arith.constant 0 : i32
    %scan3A_5 = arith.constant 0 : i32
    %scan3A_6 = arith.constant 40 : i32
    %scan3A_7 = arith.addi %scan3A_5, %scan3A_6 : i32
    %scan3A_8 = arith.constant 1 : i32
    scf.for %scan3A_29 = %scan3A_5 to %scan3A_7 step %scan3A_8  : i32 {
      %dma_start3A = arith.constant 0 : i32
      %dma_start3A_30 = tpu.memref_slice %arg10[%scan3A_29, %dma_start3A] : memref<40x128xi32, #tpu.memory_space<vmem>> -> memref<1x128xi32, #tpu.memory_space<vmem>>
      %dma_start3A_31 = tpu.memref_squeeze %dma_start3A_30 : memref<1x128xi32, #tpu.memory_space<vmem>> -> memref<128xi32, #tpu.memory_space<vmem>>
      %dma_start3A_32 = arith.constant 0 : i32
      %dma_start3A_33 = arith.constant 0 : i32
      %dma_start3A_34 = tpu.memref_slice %arg2[%dma_start3A_32, %dma_start3A_33] : memref<10112x128xf32, #tpu.memory_space<hbm>> -> memref<10112x128xf32, #tpu.memory_space<hbm>>
      tpu.enqueue_indirect_dma source(%dma_start3A_34 : memref<10112x128xf32, #tpu.memory_space<hbm>>) target(%arg13 : memref<128x128xf32, #tpu.memory_space<vmem>>) offsets(%dma_start3A_31 : memref<128xi32, #tpu.memory_space<vmem>>) semaphore(%arg17 : memref<!tpu.dma_semaphore, #tpu.memory_space<semaphore_mem>>)
      %dma_start3A_35 = arith.constant 0 : i32
      %dma_start3A_36 = tpu.memref_slice %arg11[%scan3A_29, %dma_start3A_35] : memref<40x128xi32, #tpu.memory_space<vmem>> -> memref<1x128xi32, #tpu.memory_space<vmem>>
      %dma_start3A_37 = tpu.memref_squeeze %dma_start3A_36 : memref<1x128xi32, #tpu.memory_space<vmem>> -> memref<128xi32, #tpu.memory_space<vmem>>
      %dma_start3A_38 = arith.constant 0 : i32
      %dma_start3A_39 = arith.constant 0 : i32
      %dma_start3A_40 = tpu.memref_slice %arg3[%dma_start3A_38, %dma_start3A_39] : memref<10112x128xf32, #tpu.memory_space<hbm>> -> memref<10112x128xf32, #tpu.memory_space<hbm>>
      tpu.enqueue_indirect_dma source(%dma_start3A_40 : memref<10112x128xf32, #tpu.memory_space<hbm>>) target(%arg14 : memref<128x128xf32, #tpu.memory_space<vmem>>) offsets(%dma_start3A_37 : memref<128xi32, #tpu.memory_space<vmem>>) semaphore(%arg18 : memref<!tpu.dma_semaphore, #tpu.memory_space<semaphore_mem>>)
      %add3A_41 = arith.addi %mul3A_2, %scan3A_29 : i32
      %mul3A_42 = arith.constant 128 : i32
      %mul3A_43 = arith.muli %add3A_41, %mul3A_42 : i32
      %dma_start3A_44 = arith.constant 0 : i32
      %dma_start3A_45 = tpu.memref_slice %arg4[%mul3A_43, %dma_start3A_44] : memref<163840x128xf32, #tpu.memory_space<hbm>> -> memref<128x128xf32, #tpu.memory_space<hbm>>
      %dma_start3A_46 = arith.constant 0 : i32
      %dma_start3A_47 = tpu.memref_slice %arg4[%mul3A_43, %dma_start3A_46] : memref<163840x128xf32, #tpu.memory_space<hbm>> -> memref<128x128xf32, #tpu.memory_space<hbm>>
      tpu.enqueue_dma source(%dma_start3A_47 : memref<128x128xf32, #tpu.memory_space<hbm>>) target(%arg15 : memref<128x128xf32, #tpu.memory_space<vmem>>) target_semaphore(%arg19 : memref<!tpu.dma_semaphore, #tpu.memory_space<semaphore_mem>>)
      %dma_wait3A = arith.constant 0 : i32
      %dma_wait3A_48 = tpu.memref_slice %arg10[%scan3A_29, %dma_wait3A] : memref<40x128xi32, #tpu.memory_space<vmem>> -> memref<1x128xi32, #tpu.memory_space<vmem>>
      %dma_wait3A_49 = tpu.memref_squeeze %dma_wait3A_48 : memref<1x128xi32, #tpu.memory_space<vmem>> -> memref<128xi32, #tpu.memory_space<vmem>>
      %dma_wait3A_50 = arith.constant 0 : i32
      %dma_wait3A_51 = arith.constant 0 : i32
      %dma_wait3A_52 = tpu.memref_slice %arg2[%dma_wait3A_50, %dma_wait3A_51] : memref<10112x128xf32, #tpu.memory_space<hbm>> -> memref<10112x128xf32, #tpu.memory_space<hbm>>
      tpu.wait_indirect_dma semaphore(%arg17 : memref<!tpu.dma_semaphore, #tpu.memory_space<semaphore_mem>>) src(%dma_wait3A_52 : memref<10112x128xf32, #tpu.memory_space<hbm>>) dst(%arg13 : memref<128x128xf32, #tpu.memory_space<vmem>>)
      %dma_wait3A_53 = arith.constant 0 : i32
      %dma_wait3A_54 = tpu.memref_slice %arg11[%scan3A_29, %dma_wait3A_53] : memref<40x128xi32, #tpu.memory_space<vmem>> -> memref<1x128xi32, #tpu.memory_space<vmem>>
      %dma_wait3A_55 = tpu.memref_squeeze %dma_wait3A_54 : memref<1x128xi32, #tpu.memory_space<vmem>> -> memref<128xi32, #tpu.memory_space<vmem>>
      %dma_wait3A_56 = arith.constant 0 : i32
      %dma_wait3A_57 = arith.constant 0 : i32
      %dma_wait3A_58 = tpu.memref_slice %arg3[%dma_wait3A_56, %dma_wait3A_57] : memref<10112x128xf32, #tpu.memory_space<hbm>> -> memref<10112x128xf32, #tpu.memory_space<hbm>>
      tpu.wait_indirect_dma semaphore(%arg18 : memref<!tpu.dma_semaphore, #tpu.memory_space<semaphore_mem>>) src(%dma_wait3A_58 : memref<10112x128xf32, #tpu.memory_space<hbm>>) dst(%arg14 : memref<128x128xf32, #tpu.memory_space<vmem>>)
      %dma_wait3A_59 = arith.constant 0 : i32
      %dma_wait3A_60 = tpu.memref_slice %arg4[%mul3A_43, %dma_wait3A_59] : memref<163840x128xf32, #tpu.memory_space<hbm>> -> memref<128x128xf32, #tpu.memory_space<hbm>>
      %dma_wait3A_61 = arith.constant 0 : i32
      %dma_wait3A_62 = tpu.memref_slice %arg4[%mul3A_43, %dma_wait3A_61] : memref<163840x128xf32, #tpu.memory_space<hbm>> -> memref<128x128xf32, #tpu.memory_space<hbm>>
      tpu.wait_dma2 semaphore(%arg19 : memref<!tpu.dma_semaphore, #tpu.memory_space<semaphore_mem>>) src(%dma_wait3A_62 : memref<128x128xf32, #tpu.memory_space<hbm>>) dst(%arg15 : memref<128x128xf32, #tpu.memory_space<vmem>>)
      %scan3A_63 = arith.constant 0 : i32
      %scan3A_64 = arith.constant 0 : i32
      %scan3A_65 = arith.constant 128 : i32
      %scan3A_66 = arith.addi %scan3A_64, %scan3A_65 : i32
      %scan3A_67 = arith.constant 1 : i32
      scf.for %scan3A_173 = %scan3A_64 to %scan3A_66 step %scan3A_67  : i32 {
        %get3A_174 = arith.index_cast %scan3A_173 : i32 to index
        %get3A_175 = arith.constant 0 : index
        %get3A_176 = tpu.vector_load %arg13[%get3A_174, %get3A_175] {strides = array<i32>} : memref<128x128xf32, #tpu.memory_space<vmem>>, vector<1x16xf32>,
        %get3A_177 = vector.shape_cast %get3A_176 : vector<1x16xf32> to vector<16xf32>
        %get3A_178 = arith.index_cast %scan3A_173 : i32 to index
        %get3A_179 = arith.constant 0 : index
        %get3A_180 = tpu.vector_load %arg14[%get3A_178, %get3A_179] {strides = array<i32>} : memref<128x128xf32, #tpu.memory_space<vmem>>, vector<1x16xf32>,
        %get3A_181 = vector.shape_cast %get3A_180 : vector<1x16xf32> to vector<16xf32>
        %add3A_182 = arith.addf %get3A_177, %get3A_181 : vector<16xf32>
        %get3A_183 = arith.index_cast %scan3A_173 : i32 to index
        %get3A_184 = arith.constant 0 : index
        %get3A_185 = tpu.vector_load %arg15[%get3A_183, %get3A_184] {strides = array<i32>} : memref<128x128xf32, #tpu.memory_space<vmem>>, vector<1x16xf32>,
        %get3A_186 = vector.shape_cast %get3A_185 : vector<1x16xf32> to vector<16xf32>
        %add3A_187 = arith.addf %add3A_182, %get3A_186 : vector<16xf32>
        %max3A = arith.constant 0.000000e+00 : f32
        %max3A_188 = vector.broadcast %max3A : f32 to vector<16xf32>
        %max3A_189 = arith.maximumf %add3A_187, %max3A_188 : vector<16xf32>
        %swap3A_190 = arith.index_cast %scan3A_173 : i32 to index
        %swap3A_191 = arith.constant 0 : index
        %swap3A_192 = tpu.vector_load %arg13[%swap3A_190, %swap3A_191] {strides = array<i32>} : memref<128x128xf32, #tpu.memory_space<vmem>>, vector<1x16xf32>,
        %swap3A_193 = vector.shape_cast %swap3A_192 : vector<1x16xf32> to vector<16xf32>
        %swap3A_194 = vector.shape_cast %max3A_189 : vector<16xf32> to vector<1x16xf32>
        tpu.vector_store %arg13[%swap3A_190, %swap3A_191], %swap3A_194 {strides = array<i32>} : memref<128x128xf32, #tpu.memory_space<vmem>>, vector<1x16xf32>,
        %get3A_195 = arith.index_cast %scan3A_173 : i32 to index
        %get3A_196 = arith.constant 16 : index
        %get3A_197 = tpu.vector_load %arg13[%get3A_195, %get3A_196] {strides = array<i32>} : memref<128x128xf32, #tpu.memory_space<vmem>>, vector<1x16xf32>,
        %get3A_198 = vector.shape_cast %get3A_197 : vector<1x16xf32> to vector<16xf32>
        %get3A_199 = arith.index_cast %scan3A_173 : i32 to index
        %get3A_200 = arith.constant 16 : index
        %get3A_201 = tpu.vector_load %arg14[%get3A_199, %get3A_200] {strides = array<i32>} : memref<128x128xf32, #tpu.memory_space<vmem>>, vector<1x16xf32>,
        %get3A_202 = vector.shape_cast %get3A_201 : vector<1x16xf32> to vector<16xf32>
        %add3A_203 = arith.addf %get3A_198, %get3A_202 : vector<16xf32>
        %get3A_204 = arith.index_cast %scan3A_173 : i32 to index
        %get3A_205 = arith.constant 16 : index
        %get3A_206 = tpu.vector_load %arg15[%get3A_204, %get3A_205] {strides = array<i32>} : memref<128x128xf32, #tpu.memory_space<vmem>>, vector<1x16xf32>,
        %get3A_207 = vector.shape_cast %get3A_206 : vector<1x16xf32> to vector<16xf32>
        %add3A_208 = arith.addf %add3A_203, %get3A_207 : vector<16xf32>
        %max3A_209 = arith.constant 0.000000e+00 : f32
        %max3A_210 = vector.broadcast %max3A_209 : f32 to vector<16xf32>
        %max3A_211 = arith.maximumf %add3A_208, %max3A_210 : vector<16xf32>
        %swap3A_212 = arith.index_cast %scan3A_173 : i32 to index
        %swap3A_213 = arith.constant 16 : index
        %swap3A_214 = tpu.vector_load %arg13[%swap3A_212, %swap3A_213] {strides = array<i32>} : memref<128x128xf32, #tpu.memory_space<vmem>>, vector<1x16xf32>,
        %swap3A_215 = vector.shape_cast %swap3A_214 : vector<1x16xf32> to vector<16xf32>
        %swap3A_216 = vector.shape_cast %max3A_211 : vector<16xf32> to vector<1x16xf32>
        tpu.vector_store %arg13[%swap3A_212, %swap3A_213], %swap3A_216 {strides = array<i32>} : memref<128x128xf32, #tpu.memory_space<vmem>>, vector<1x16xf32>,
        %get3A_217 = arith.index_cast %scan3A_173 : i32 to index
        %get3A_218 = arith.constant 32 : index
        %get3A_219 = tpu.vector_load %arg13[%get3A_217, %get3A_218] {strides = array<i32>} : memref<128x128xf32, #tpu.memory_space<vmem>>, vector<1x16xf32>,
        %get3A_220 = vector.shape_cast %get3A_219 : vector<1x16xf32> to vector<16xf32>
        %get3A_221 = arith.index_cast %scan3A_173 : i32 to index
        %get3A_222 = arith.constant 32 : index
        %get3A_223 = tpu.vector_load %arg14[%get3A_221, %get3A_222] {strides = array<i32>} : memref<128x128xf32, #tpu.memory_space<vmem>>, vector<1x16xf32>,
        %get3A_224 = vector.shape_cast %get3A_223 : vector<1x16xf32> to vector<16xf32>
        %add3A_225 = arith.addf %get3A_220, %get3A_224 : vector<16xf32>
        %get3A_226 = arith.index_cast %scan3A_173 : i32 to index
        %get3A_227 = arith.constant 32 : index
        %get3A_228 = tpu.vector_load %arg15[%get3A_226, %get3A_227] {strides = array<i32>} : memref<128x128xf32, #tpu.memory_space<vmem>>, vector<1x16xf32>,
        %get3A_229 = vector.shape_cast %get3A_228 : vector<1x16xf32> to vector<16xf32>
        %add3A_230 = arith.addf %add3A_225, %get3A_229 : vector<16xf32>
        %max3A_231 = arith.constant 0.000000e+00 : f32
        %max3A_232 = vector.broadcast %max3A_231 : f32 to vector<16xf32>
        %max3A_233 = arith.maximumf %add3A_230, %max3A_232 : vector<16xf32>
        %swap3A_234 = arith.index_cast %scan3A_173 : i32 to index
        %swap3A_235 = arith.constant 32 : index
        %swap3A_236 = tpu.vector_load %arg13[%swap3A_234, %swap3A_235] {strides = array<i32>} : memref<128x128xf32, #tpu.memory_space<vmem>>, vector<1x16xf32>,
        %swap3A_237 = vector.shape_cast %swap3A_236 : vector<1x16xf32> to vector<16xf32>
        %swap3A_238 = vector.shape_cast %max3A_233 : vector<16xf32> to vector<1x16xf32>
        tpu.vector_store %arg13[%swap3A_234, %swap3A_235], %swap3A_238 {strides = array<i32>} : memref<128x128xf32, #tpu.memory_space<vmem>>, vector<1x16xf32>,
        %get3A_239 = arith.index_cast %scan3A_173 : i32 to index
        %get3A_240 = arith.constant 48 : index
        %get3A_241 = tpu.vector_load %arg13[%get3A_239, %get3A_240] {strides = array<i32>} : memref<128x128xf32, #tpu.memory_space<vmem>>, vector<1x16xf32>,
        %get3A_242 = vector.shape_cast %get3A_241 : vector<1x16xf32> to vector<16xf32>
        %get3A_243 = arith.index_cast %scan3A_173 : i32 to index
        %get3A_244 = arith.constant 48 : index
        %get3A_245 = tpu.vector_load %arg14[%get3A_243, %get3A_244] {strides = array<i32>} : memref<128x128xf32, #tpu.memory_space<vmem>>, vector<1x16xf32>,
        %get3A_246 = vector.shape_cast %get3A_245 : vector<1x16xf32> to vector<16xf32>
        %add3A_247 = arith.addf %get3A_242, %get3A_246 : vector<16xf32>
        %get3A_248 = arith.index_cast %scan3A_173 : i32 to index
        %get3A_249 = arith.constant 48 : index
        %get3A_250 = tpu.vector_load %arg15[%get3A_248, %get3A_249] {strides = array<i32>} : memref<128x128xf32, #tpu.memory_space<vmem>>, vector<1x16xf32>,
        %get3A_251 = vector.shape_cast %get3A_250 : vector<1x16xf32> to vector<16xf32>
        %add3A_252 = arith.addf %add3A_247, %get3A_251 : vector<16xf32>
        %max3A_253 = arith.constant 0.000000e+00 : f32
        %max3A_254 = vector.broadcast %max3A_253 : f32 to vector<16xf32>
        %max3A_255 = arith.maximumf %add3A_252, %max3A_254 : vector<16xf32>
        %swap3A_256 = arith.index_cast %scan3A_173 : i32 to index
        %swap3A_257 = arith.constant 48 : index
        %swap3A_258 = tpu.vector_load %arg13[%swap3A_256, %swap3A_257] {strides = array<i32>} : memref<128x128xf32, #tpu.memory_space<vmem>>, vector<1x16xf32>,
        %swap3A_259 = vector.shape_cast %swap3A_258 : vector<1x16xf32> to vector<16xf32>
        %swap3A_260 = vector.shape_cast %max3A_255 : vector<16xf32> to vector<1x16xf32>
        tpu.vector_store %arg13[%swap3A_256, %swap3A_257], %swap3A_260 {strides = array<i32>} : memref<128x128xf32, #tpu.memory_space<vmem>>, vector<1x16xf32>,
        %get3A_261 = arith.index_cast %scan3A_173 : i32 to index
        %get3A_262 = arith.constant 64 : index
        %get3A_263 = tpu.vector_load %arg13[%get3A_261, %get3A_262] {strides = array<i32>} : memref<128x128xf32, #tpu.memory_space<vmem>>, vector<1x16xf32>,
        %get3A_264 = vector.shape_cast %get3A_263 : vector<1x16xf32> to vector<16xf32>
        %get3A_265 = arith.index_cast %scan3A_173 : i32 to index
        %get3A_266 = arith.constant 64 : index
        %get3A_267 = tpu.vector_load %arg14[%get3A_265, %get3A_266] {strides = array<i32>} : memref<128x128xf32, #tpu.memory_space<vmem>>, vector<1x16xf32>,
        %get3A_268 = vector.shape_cast %get3A_267 : vector<1x16xf32> to vector<16xf32>
        %add3A_269 = arith.addf %get3A_264, %get3A_268 : vector<16xf32>
        %get3A_270 = arith.index_cast %scan3A_173 : i32 to index
        %get3A_271 = arith.constant 64 : index
        %get3A_272 = tpu.vector_load %arg15[%get3A_270, %get3A_271] {strides = array<i32>} : memref<128x128xf32, #tpu.memory_space<vmem>>, vector<1x16xf32>,
        %get3A_273 = vector.shape_cast %get3A_272 : vector<1x16xf32> to vector<16xf32>
        %add3A_274 = arith.addf %add3A_269, %get3A_273 : vector<16xf32>
        %max3A_275 = arith.constant 0.000000e+00 : f32
        %max3A_276 = vector.broadcast %max3A_275 : f32 to vector<16xf32>
        %max3A_277 = arith.maximumf %add3A_274, %max3A_276 : vector<16xf32>
        %swap3A_278 = arith.index_cast %scan3A_173 : i32 to index
        %swap3A_279 = arith.constant 64 : index
        %swap3A_280 = tpu.vector_load %arg13[%swap3A_278, %swap3A_279] {strides = array<i32>} : memref<128x128xf32, #tpu.memory_space<vmem>>, vector<1x16xf32>,
        %swap3A_281 = vector.shape_cast %swap3A_280 : vector<1x16xf32> to vector<16xf32>
        %swap3A_282 = vector.shape_cast %max3A_277 : vector<16xf32> to vector<1x16xf32>
        tpu.vector_store %arg13[%swap3A_278, %swap3A_279], %swap3A_282 {strides = array<i32>} : memref<128x128xf32, #tpu.memory_space<vmem>>, vector<1x16xf32>,
        %get3A_283 = arith.index_cast %scan3A_173 : i32 to index
        %get3A_284 = arith.constant 80 : index
        %get3A_285 = tpu.vector_load %arg13[%get3A_283, %get3A_284] {strides = array<i32>} : memref<128x128xf32, #tpu.memory_space<vmem>>, vector<1x16xf32>,
        %get3A_286 = vector.shape_cast %get3A_285 : vector<1x16xf32> to vector<16xf32>
        %get3A_287 = arith.index_cast %scan3A_173 : i32 to index
        %get3A_288 = arith.constant 80 : index
        %get3A_289 = tpu.vector_load %arg14[%get3A_287, %get3A_288] {strides = array<i32>} : memref<128x128xf32, #tpu.memory_space<vmem>>, vector<1x16xf32>,
        %get3A_290 = vector.shape_cast %get3A_289 : vector<1x16xf32> to vector<16xf32>
        %add3A_291 = arith.addf %get3A_286, %get3A_290 : vector<16xf32>
        %get3A_292 = arith.index_cast %scan3A_173 : i32 to index
        %get3A_293 = arith.constant 80 : index
        %get3A_294 = tpu.vector_load %arg15[%get3A_292, %get3A_293] {strides = array<i32>} : memref<128x128xf32, #tpu.memory_space<vmem>>, vector<1x16xf32>,
        %get3A_295 = vector.shape_cast %get3A_294 : vector<1x16xf32> to vector<16xf32>
        %add3A_296 = arith.addf %add3A_291, %get3A_295 : vector<16xf32>
        %max3A_297 = arith.constant 0.000000e+00 : f32
        %max3A_298 = vector.broadcast %max3A_297 : f32 to vector<16xf32>
        %max3A_299 = arith.maximumf %add3A_296, %max3A_298 : vector<16xf32>
        %swap3A_300 = arith.index_cast %scan3A_173 : i32 to index
        %swap3A_301 = arith.constant 80 : index
        %swap3A_302 = tpu.vector_load %arg13[%swap3A_300, %swap3A_301] {strides = array<i32>} : memref<128x128xf32, #tpu.memory_space<vmem>>, vector<1x16xf32>,
        %swap3A_303 = vector.shape_cast %swap3A_302 : vector<1x16xf32> to vector<16xf32>
        %swap3A_304 = vector.shape_cast %max3A_299 : vector<16xf32> to vector<1x16xf32>
        tpu.vector_store %arg13[%swap3A_300, %swap3A_301], %swap3A_304 {strides = array<i32>} : memref<128x128xf32, #tpu.memory_space<vmem>>, vector<1x16xf32>,
        %get3A_305 = arith.index_cast %scan3A_173 : i32 to index
        %get3A_306 = arith.constant 96 : index
        %get3A_307 = tpu.vector_load %arg13[%get3A_305, %get3A_306] {strides = array<i32>} : memref<128x128xf32, #tpu.memory_space<vmem>>, vector<1x16xf32>,
        %get3A_308 = vector.shape_cast %get3A_307 : vector<1x16xf32> to vector<16xf32>
        %get3A_309 = arith.index_cast %scan3A_173 : i32 to index
        %get3A_310 = arith.constant 96 : index
        %get3A_311 = tpu.vector_load %arg14[%get3A_309, %get3A_310] {strides = array<i32>} : memref<128x128xf32, #tpu.memory_space<vmem>>, vector<1x16xf32>,
        %get3A_312 = vector.shape_cast %get3A_311 : vector<1x16xf32> to vector<16xf32>
        %add3A_313 = arith.addf %get3A_308, %get3A_312 : vector<16xf32>
        %get3A_314 = arith.index_cast %scan3A_173 : i32 to index
        %get3A_315 = arith.constant 96 : index
        %get3A_316 = tpu.vector_load %arg15[%get3A_314, %get3A_315] {strides = array<i32>} : memref<128x128xf32, #tpu.memory_space<vmem>>, vector<1x16xf32>,
        %get3A_317 = vector.shape_cast %get3A_316 : vector<1x16xf32> to vector<16xf32>
        %add3A_318 = arith.addf %add3A_313, %get3A_317 : vector<16xf32>
        %max3A_319 = arith.constant 0.000000e+00 : f32
        %max3A_320 = vector.broadcast %max3A_319 : f32 to vector<16xf32>
        %max3A_321 = arith.maximumf %add3A_318, %max3A_320 : vector<16xf32>
        %swap3A_322 = arith.index_cast %scan3A_173 : i32 to index
        %swap3A_323 = arith.constant 96 : index
        %swap3A_324 = tpu.vector_load %arg13[%swap3A_322, %swap3A_323] {strides = array<i32>} : memref<128x128xf32, #tpu.memory_space<vmem>>, vector<1x16xf32>,
        %swap3A_325 = vector.shape_cast %swap3A_324 : vector<1x16xf32> to vector<16xf32>
        %swap3A_326 = vector.shape_cast %max3A_321 : vector<16xf32> to vector<1x16xf32>
        tpu.vector_store %arg13[%swap3A_322, %swap3A_323], %swap3A_326 {strides = array<i32>} : memref<128x128xf32, #tpu.memory_space<vmem>>, vector<1x16xf32>,
        %get3A_327 = arith.index_cast %scan3A_173 : i32 to index
        %get3A_328 = arith.constant 112 : index
        %get3A_329 = tpu.vector_load %arg13[%get3A_327, %get3A_328] {strides = array<i32>} : memref<128x128xf32, #tpu.memory_space<vmem>>, vector<1x16xf32>,
        %get3A_330 = vector.shape_cast %get3A_329 : vector<1x16xf32> to vector<16xf32>
        %get3A_331 = arith.index_cast %scan3A_173 : i32 to index
        %get3A_332 = arith.constant 112 : index
        %get3A_333 = tpu.vector_load %arg14[%get3A_331, %get3A_332] {strides = array<i32>} : memref<128x128xf32, #tpu.memory_space<vmem>>, vector<1x16xf32>,
        %get3A_334 = vector.shape_cast %get3A_333 : vector<1x16xf32> to vector<16xf32>
        %add3A_335 = arith.addf %get3A_330, %get3A_334 : vector<16xf32>
        %get3A_336 = arith.index_cast %scan3A_173 : i32 to index
        %get3A_337 = arith.constant 112 : index
        %get3A_338 = tpu.vector_load %arg15[%get3A_336, %get3A_337] {strides = array<i32>} : memref<128x128xf32, #tpu.memory_space<vmem>>, vector<1x16xf32>,
        %get3A_339 = vector.shape_cast %get3A_338 : vector<1x16xf32> to vector<16xf32>
        %add3A_340 = arith.addf %add3A_335, %get3A_339 : vector<16xf32>
        %max3A_341 = arith.constant 0.000000e+00 : f32
        %max3A_342 = vector.broadcast %max3A_341 : f32 to vector<16xf32>
        %max3A_343 = arith.maximumf %add3A_340, %max3A_342 : vector<16xf32>
        %swap3A_344 = arith.index_cast %scan3A_173 : i32 to index
        %swap3A_345 = arith.constant 112 : index
        %swap3A_346 = tpu.vector_load %arg13[%swap3A_344, %swap3A_345] {strides = array<i32>} : memref<128x128xf32, #tpu.memory_space<vmem>>, vector<1x16xf32>,
        %swap3A_347 = vector.shape_cast %swap3A_346 : vector<1x16xf32> to vector<16xf32>
        %swap3A_348 = vector.shape_cast %max3A_343 : vector<16xf32> to vector<1x16xf32>
        tpu.vector_store %arg13[%swap3A_344, %swap3A_345], %swap3A_348 {strides = array<i32>} : memref<128x128xf32, #tpu.memory_space<vmem>>, vector<1x16xf32>,
      }
      %scan3A_68 = arith.constant 128 : i32
      %add3A_69 = arith.addi %mul3A_2, %scan3A_29 : i32
      %mul3A_70 = arith.constant 128 : i32
      %mul3A_71 = arith.muli %add3A_69, %mul3A_70 : i32
      "tpu.region"() ({
        %run_scoped3A_173 = tpu.sem_alloc : memref<!tpu.dma_semaphore, #tpu.memory_space<semaphore_mem>>
        %dma_start3A_174 = arith.constant 0 : i32
        %dma_start3A_175 = tpu.memref_slice %arg9[%mul3A_71, %dma_start3A_174] : memref<163840x128xf32, #tpu.memory_space<hbm>> -> memref<128x128xf32, #tpu.memory_space<hbm>>
        %dma_start3A_176 = arith.constant 0 : i32
        %dma_start3A_177 = tpu.memref_slice %arg9[%mul3A_71, %dma_start3A_176] : memref<163840x128xf32, #tpu.memory_space<hbm>> -> memref<128x128xf32, #tpu.memory_space<hbm>>
        tpu.enqueue_dma source(%arg13 : memref<128x128xf32, #tpu.memory_space<vmem>>) target(%dma_start3A_177 : memref<128x128xf32, #tpu.memory_space<hbm>>) target_semaphore(%run_scoped3A_173 : memref<!tpu.dma_semaphore, #tpu.memory_space<semaphore_mem>>)
        %dma_wait3A_178 = arith.constant 0 : i32
        %dma_wait3A_179 = tpu.memref_slice %arg9[%mul3A_71, %dma_wait3A_178] : memref<163840x128xf32, #tpu.memory_space<hbm>> -> memref<128x128xf32, #tpu.memory_space<hbm>>
        %dma_wait3A_180 = arith.constant 0 : i32
        %dma_wait3A_181 = tpu.memref_slice %arg9[%mul3A_71, %dma_wait3A_180] : memref<163840x128xf32, #tpu.memory_space<hbm>> -> memref<128x128xf32, #tpu.memory_space<hbm>>
        tpu.wait_dma2 semaphore(%run_scoped3A_173 : memref<!tpu.dma_semaphore, #tpu.memory_space<semaphore_mem>>) src(%arg13 : memref<128x128xf32, #tpu.memory_space<vmem>>) dst(%dma_wait3A_181 : memref<128x128xf32, #tpu.memory_space<hbm>>)
        tpu.yield
      }) : () -> ()
      %get3A = arith.index_cast %scan3A_29 : i32 to index
      %get3A_72 = arith.constant 0 : index
      %get3A_73 = tpu.vector_load %arg11[%get3A, %get3A_72] {strides = array<i32>} : memref<40x128xi32, #tpu.memory_space<vmem>>, vector<1x16xi32>,
      %get3A_74 = vector.shape_cast %get3A_73 : vector<1x16xi32> to vector<16xi32>
      %min3A = arith.constant 5120 : i32
      %min3A_75 = vector.broadcast %min3A : i32 to vector<16xi32>
      %min3A_76 = arith.minsi %get3A_74, %min3A_75 : vector<16xi32>
      %swap3A = arith.constant 0 : i32
      %swap3A_77 = arith.index_cast %swap3A : i32 to index
      %swap3A_78 = arith.constant 0 : index
      %swap3A_79 = tpu.vector_load %arg12[%swap3A_77, %swap3A_78] {strides = array<i32>} : memref<1x128xi32, #tpu.memory_space<vmem>>, vector<1x16xi32>,
      %swap3A_80 = vector.shape_cast %swap3A_79 : vector<1x16xi32> to vector<16xi32>
      %swap3A_81 = vector.shape_cast %min3A_76 : vector<16xi32> to vector<1x16xi32>
      tpu.vector_store %arg12[%swap3A_77, %swap3A_78], %swap3A_81 {strides = array<i32>} : memref<1x128xi32, #tpu.memory_space<vmem>>, vector<1x16xi32>,
      %get3A_82 = arith.index_cast %scan3A_29 : i32 to index
      %get3A_83 = arith.constant 16 : index
      %get3A_84 = tpu.vector_load %arg11[%get3A_82, %get3A_83] {strides = array<i32>} : memref<40x128xi32, #tpu.memory_space<vmem>>, vector<1x16xi32>,
      %get3A_85 = vector.shape_cast %get3A_84 : vector<1x16xi32> to vector<16xi32>
      %min3A_86 = arith.constant 5120 : i32
      %min3A_87 = vector.broadcast %min3A_86 : i32 to vector<16xi32>
      %min3A_88 = arith.minsi %get3A_85, %min3A_87 : vector<16xi32>
      %swap3A_89 = arith.constant 0 : i32
      %swap3A_90 = arith.index_cast %swap3A_89 : i32 to index
      %swap3A_91 = arith.constant 16 : index
      %swap3A_92 = tpu.vector_load %arg12[%swap3A_90, %swap3A_91] {strides = array<i32>} : memref<1x128xi32, #tpu.memory_space<vmem>>, vector<1x16xi32>,
      %swap3A_93 = vector.shape_cast %swap3A_92 : vector<1x16xi32> to vector<16xi32>
      %swap3A_94 = vector.shape_cast %min3A_88 : vector<16xi32> to vector<1x16xi32>
      tpu.vector_store %arg12[%swap3A_90, %swap3A_91], %swap3A_94 {strides = array<i32>} : memref<1x128xi32, #tpu.memory_space<vmem>>, vector<1x16xi32>,
      %get3A_95 = arith.index_cast %scan3A_29 : i32 to index
      %get3A_96 = arith.constant 32 : index
      %get3A_97 = tpu.vector_load %arg11[%get3A_95, %get3A_96] {strides = array<i32>} : memref<40x128xi32, #tpu.memory_space<vmem>>, vector<1x16xi32>,
      %get3A_98 = vector.shape_cast %get3A_97 : vector<1x16xi32> to vector<16xi32>
      %min3A_99 = arith.constant 5120 : i32
      %min3A_100 = vector.broadcast %min3A_99 : i32 to vector<16xi32>
      %min3A_101 = arith.minsi %get3A_98, %min3A_100 : vector<16xi32>
      %swap3A_102 = arith.constant 0 : i32
      %swap3A_103 = arith.index_cast %swap3A_102 : i32 to index
      %swap3A_104 = arith.constant 32 : index
      %swap3A_105 = tpu.vector_load %arg12[%swap3A_103, %swap3A_104] {strides = array<i32>} : memref<1x128xi32, #tpu.memory_space<vmem>>, vector<1x16xi32>,
      %swap3A_106 = vector.shape_cast %swap3A_105 : vector<1x16xi32> to vector<16xi32>
      %swap3A_107 = vector.shape_cast %min3A_101 : vector<16xi32> to vector<1x16xi32>
      tpu.vector_store %arg12[%swap3A_103, %swap3A_104], %swap3A_107 {strides = array<i32>} : memref<1x128xi32, #tpu.memory_space<vmem>>, vector<1x16xi32>,
      %get3A_108 = arith.index_cast %scan3A_29 : i32 to index
      %get3A_109 = arith.constant 48 : index
      %get3A_110 = tpu.vector_load %arg11[%get3A_108, %get3A_109] {strides = array<i32>} : memref<40x128xi32, #tpu.memory_space<vmem>>, vector<1x16xi32>,
      %get3A_111 = vector.shape_cast %get3A_110 : vector<1x16xi32> to vector<16xi32>
      %min3A_112 = arith.constant 5120 : i32
      %min3A_113 = vector.broadcast %min3A_112 : i32 to vector<16xi32>
      %min3A_114 = arith.minsi %get3A_111, %min3A_113 : vector<16xi32>
      %swap3A_115 = arith.constant 0 : i32
      %swap3A_116 = arith.index_cast %swap3A_115 : i32 to index
      %swap3A_117 = arith.constant 48 : index
      %swap3A_118 = tpu.vector_load %arg12[%swap3A_116, %swap3A_117] {strides = array<i32>} : memref<1x128xi32, #tpu.memory_space<vmem>>, vector<1x16xi32>,
      %swap3A_119 = vector.shape_cast %swap3A_118 : vector<1x16xi32> to vector<16xi32>
      %swap3A_120 = vector.shape_cast %min3A_114 : vector<16xi32> to vector<1x16xi32>
      tpu.vector_store %arg12[%swap3A_116, %swap3A_117], %swap3A_120 {strides = array<i32>} : memref<1x128xi32, #tpu.memory_space<vmem>>, vector<1x16xi32>,
      %get3A_121 = arith.index_cast %scan3A_29 : i32 to index
      %get3A_122 = arith.constant 64 : index
      %get3A_123 = tpu.vector_load %arg11[%get3A_121, %get3A_122] {strides = array<i32>} : memref<40x128xi32, #tpu.memory_space<vmem>>, vector<1x16xi32>,
      %get3A_124 = vector.shape_cast %get3A_123 : vector<1x16xi32> to vector<16xi32>
      %min3A_125 = arith.constant 5120 : i32
      %min3A_126 = vector.broadcast %min3A_125 : i32 to vector<16xi32>
      %min3A_127 = arith.minsi %get3A_124, %min3A_126 : vector<16xi32>
      %swap3A_128 = arith.constant 0 : i32
      %swap3A_129 = arith.index_cast %swap3A_128 : i32 to index
      %swap3A_130 = arith.constant 64 : index
      %swap3A_131 = tpu.vector_load %arg12[%swap3A_129, %swap3A_130] {strides = array<i32>} : memref<1x128xi32, #tpu.memory_space<vmem>>, vector<1x16xi32>,
      %swap3A_132 = vector.shape_cast %swap3A_131 : vector<1x16xi32> to vector<16xi32>
      %swap3A_133 = vector.shape_cast %min3A_127 : vector<16xi32> to vector<1x16xi32>
      tpu.vector_store %arg12[%swap3A_129, %swap3A_130], %swap3A_133 {strides = array<i32>} : memref<1x128xi32, #tpu.memory_space<vmem>>, vector<1x16xi32>,
      %get3A_134 = arith.index_cast %scan3A_29 : i32 to index
      %get3A_135 = arith.constant 80 : index
      %get3A_136 = tpu.vector_load %arg11[%get3A_134, %get3A_135] {strides = array<i32>} : memref<40x128xi32, #tpu.memory_space<vmem>>, vector<1x16xi32>,
      %get3A_137 = vector.shape_cast %get3A_136 : vector<1x16xi32> to vector<16xi32>
      %min3A_138 = arith.constant 5120 : i32
      %min3A_139 = vector.broadcast %min3A_138 : i32 to vector<16xi32>
      %min3A_140 = arith.minsi %get3A_137, %min3A_139 : vector<16xi32>
      %swap3A_141 = arith.constant 0 : i32
      %swap3A_142 = arith.index_cast %swap3A_141 : i32 to index
      %swap3A_143 = arith.constant 80 : index
      %swap3A_144 = tpu.vector_load %arg12[%swap3A_142, %swap3A_143] {strides = array<i32>} : memref<1x128xi32, #tpu.memory_space<vmem>>, vector<1x16xi32>,
      %swap3A_145 = vector.shape_cast %swap3A_144 : vector<1x16xi32> to vector<16xi32>
      %swap3A_146 = vector.shape_cast %min3A_140 : vector<16xi32> to vector<1x16xi32>
      tpu.vector_store %arg12[%swap3A_142, %swap3A_143], %swap3A_146 {strides = array<i32>} : memref<1x128xi32, #tpu.memory_space<vmem>>, vector<1x16xi32>,
      %get3A_147 = arith.index_cast %scan3A_29 : i32 to index
      %get3A_148 = arith.constant 96 : index
      %get3A_149 = tpu.vector_load %arg11[%get3A_147, %get3A_148] {strides = array<i32>} : memref<40x128xi32, #tpu.memory_space<vmem>>, vector<1x16xi32>,
      %get3A_150 = vector.shape_cast %get3A_149 : vector<1x16xi32> to vector<16xi32>
      %min3A_151 = arith.constant 5120 : i32
      %min3A_152 = vector.broadcast %min3A_151 : i32 to vector<16xi32>
      %min3A_153 = arith.minsi %get3A_150, %min3A_152 : vector<16xi32>
      %swap3A_154 = arith.constant 0 : i32
      %swap3A_155 = arith.index_cast %swap3A_154 : i32 to index
      %swap3A_156 = arith.constant 96 : index
      %swap3A_157 = tpu.vector_load %arg12[%swap3A_155, %swap3A_156] {strides = array<i32>} : memref<1x128xi32, #tpu.memory_space<vmem>>, vector<1x16xi32>,
      %swap3A_158 = vector.shape_cast %swap3A_157 : vector<1x16xi32> to vector<16xi32>
      %swap3A_159 = vector.shape_cast %min3A_153 : vector<16xi32> to vector<1x16xi32>
      tpu.vector_store %arg12[%swap3A_155, %swap3A_156], %swap3A_159 {strides = array<i32>} : memref<1x128xi32, #tpu.memory_space<vmem>>, vector<1x16xi32>,
      %get3A_160 = arith.index_cast %scan3A_29 : i32 to index
      %get3A_161 = arith.constant 112 : index
      %get3A_162 = tpu.vector_load %arg11[%get3A_160, %get3A_161] {strides = array<i32>} : memref<40x128xi32, #tpu.memory_space<vmem>>, vector<1x16xi32>,
      %get3A_163 = vector.shape_cast %get3A_162 : vector<1x16xi32> to vector<16xi32>
      %min3A_164 = arith.constant 5120 : i32
      %min3A_165 = vector.broadcast %min3A_164 : i32 to vector<16xi32>
      %min3A_166 = arith.minsi %get3A_163, %min3A_165 : vector<16xi32>
      %swap3A_167 = arith.constant 0 : i32
      %swap3A_168 = arith.index_cast %swap3A_167 : i32 to index
      %swap3A_169 = arith.constant 112 : index
      %swap3A_170 = tpu.vector_load %arg12[%swap3A_168, %swap3A_169] {strides = array<i32>} : memref<1x128xi32, #tpu.memory_space<vmem>>, vector<1x16xi32>,
      %swap3A_171 = vector.shape_cast %swap3A_170 : vector<1x16xi32> to vector<16xi32>
      %swap3A_172 = vector.shape_cast %min3A_166 : vector<16xi32> to vector<1x16xi32>
      tpu.vector_store %arg12[%swap3A_168, %swap3A_169], %swap3A_172 {strides = array<i32>} : memref<1x128xi32, #tpu.memory_space<vmem>>, vector<1x16xi32>,
      %run_scoped3A = arith.constant 0 : i32
      "tpu.region"() ({
        %run_scoped3A_173 = tpu.sem_alloc : memref<!tpu.dma_semaphore, #tpu.memory_space<semaphore_mem>>
        %dma_start3A_174 = arith.constant 0 : i32
        %dma_start3A_175 = tpu.memref_slice %arg12[%run_scoped3A, %dma_start3A_174] : memref<1x128xi32, #tpu.memory_space<vmem>> -> memref<1x128xi32, #tpu.memory_space<vmem>>
        %dma_start3A_176 = tpu.memref_squeeze %dma_start3A_175 : memref<1x128xi32, #tpu.memory_space<vmem>> -> memref<128xi32, #tpu.memory_space<vmem>>
        %dma_start3A_177 = arith.constant 0 : i32
        %dma_start3A_178 = arith.constant 0 : i32
        %dma_start3A_179 = tpu.memref_slice %arg16[%dma_start3A_177, %dma_start3A_178] : memref<5248x128xf32, #tpu.memory_space<vmem_shared>> -> memref<5248x128xf32, #tpu.memory_space<vmem_shared>>
        tpu.enqueue_indirect_dma source(%arg13 : memref<128x128xf32, #tpu.memory_space<vmem>>) target(%dma_start3A_179 : memref<5248x128xf32, #tpu.memory_space<vmem_shared>>) offsets(%dma_start3A_176 : memref<128xi32, #tpu.memory_space<vmem>>) semaphore(%run_scoped3A_173 : memref<!tpu.dma_semaphore, #tpu.memory_space<semaphore_mem>>) {add = true}
        %dma_wait3A_180 = arith.constant 0 : i32
        %dma_wait3A_181 = tpu.memref_slice %arg12[%run_scoped3A, %dma_wait3A_180] : memref<1x128xi32, #tpu.memory_space<vmem>> -> memref<1x128xi32, #tpu.memory_space<vmem>>
        %dma_wait3A_182 = tpu.memref_squeeze %dma_wait3A_181 : memref<1x128xi32, #tpu.memory_space<vmem>> -> memref<128xi32, #tpu.memory_space<vmem>>
        %dma_wait3A_183 = arith.constant 0 : i32
        %dma_wait3A_184 = arith.constant 0 : i32
        %dma_wait3A_185 = tpu.memref_slice %arg16[%dma_wait3A_183, %dma_wait3A_184] : memref<5248x128xf32, #tpu.memory_space<vmem_shared>> -> memref<5248x128xf32, #tpu.memory_space<vmem_shared>>
        tpu.wait_indirect_dma semaphore(%run_scoped3A_173 : memref<!tpu.dma_semaphore, #tpu.memory_space<semaphore_mem>>) src(%arg13 : memref<128x128xf32, #tpu.memory_space<vmem>>) dst(%dma_wait3A_185 : memref<5248x128xf32, #tpu.memory_space<vmem_shared>>)
        tpu.yield
      }) : () -> ()
    }
    %scan3A_9 = arith.constant 40 : i32
    %barrier3A_10 = arith.constant 0 : index
    tpu.barrier barrier_id(%barrier3A_10)
    %eq3A_11 = arith.constant 0 : i32
    %eq3A_12 = arith.cmpi eq, %arg1, %eq3A_11 : i32
    %convert_element_type3A_13 = arith.extui %eq3A_12 : i1 to i32
    %cond3A_14 = arith.constant 0 : i32
    %cond3A_15 = arith.cmpi ne, %convert_element_type3A_13, %cond3A_14 : i32
    scf.if %cond3A_15 {
      %run_scoped3A = arith.constant 0 : i32
      "tpu.region"() ({
        %run_scoped3A_29 = tpu.sem_alloc : memref<!tpu.dma_semaphore, #tpu.memory_space<semaphore_mem>>
        %dma_start3A = arith.constant 0 : i32
        %dma_start3A_30 = arith.constant 0 : i32
        %dma_start3A_31 = tpu.memref_slice %arg8[%arg0, %run_scoped3A, %dma_start3A, %dma_start3A_30] : memref<2x2x5120x128xf32, #tpu.memory_space<hbm>> -> memref<1x1x5120x128xf32, #tpu.memory_space<hbm>>
        %dma_start3A_32 = tpu.memref_squeeze %dma_start3A_31 : memref<1x1x5120x128xf32, #tpu.memory_space<hbm>> -> memref<5120x128xf32, #tpu.memory_space<hbm>>
        %dma_start3A_33 = arith.constant 0 : i32
        %dma_start3A_34 = arith.constant 0 : i32
        %dma_start3A_35 = tpu.memref_slice %arg16[%dma_start3A_33, %dma_start3A_34] : memref<5248x128xf32, #tpu.memory_space<vmem_shared>> -> memref<5120x128xf32, #tpu.memory_space<vmem_shared>>
        tpu.enqueue_dma source(%dma_start3A_35 : memref<5120x128xf32, #tpu.memory_space<vmem_shared>>) target(%dma_start3A_32 : memref<5120x128xf32, #tpu.memory_space<hbm>>) target_semaphore(%run_scoped3A_29 : memref<!tpu.dma_semaphore, #tpu.memory_space<semaphore_mem>>)
        %dma_wait3A = arith.constant 0 : i32
        %dma_wait3A_36 = arith.constant 0 : i32
        %dma_wait3A_37 = tpu.memref_slice %arg8[%arg0, %run_scoped3A, %dma_wait3A, %dma_wait3A_36] : memref<2x2x5120x128xf32, #tpu.memory_space<hbm>> -> memref<1x1x5120x128xf32, #tpu.memory_space<hbm>>
        %dma_wait3A_38 = tpu.memref_squeeze %dma_wait3A_37 : memref<1x1x5120x128xf32, #tpu.memory_space<hbm>> -> memref<5120x128xf32, #tpu.memory_space<hbm>>
        %dma_wait3A_39 = arith.constant 0 : i32
        %dma_wait3A_40 = arith.constant 0 : i32
        %dma_wait3A_41 = tpu.memref_slice %arg16[%dma_wait3A_39, %dma_wait3A_40] : memref<5248x128xf32, #tpu.memory_space<vmem_shared>> -> memref<5120x128xf32, #tpu.memory_space<vmem_shared>>
        tpu.wait_dma2 semaphore(%run_scoped3A_29 : memref<!tpu.dma_semaphore, #tpu.memory_space<semaphore_mem>>) src(%dma_wait3A_41 : memref<5120x128xf32, #tpu.memory_space<vmem_shared>>) dst(%dma_wait3A_38 : memref<5120x128xf32, #tpu.memory_space<hbm>>)
        tpu.yield
      }) : () -> ()
      "tpu.region"() ({
        %run_scoped3A_29 = tpu.sem_alloc : memref<!tpu.dma_semaphore, #tpu.memory_space<semaphore_mem>>
        tpu.enqueue_dma source(%arg7 : memref<5248x128xf32, #tpu.memory_space<hbm>>) target(%arg16 : memref<5248x128xf32, #tpu.memory_space<vmem_shared>>) target_semaphore(%run_scoped3A_29 : memref<!tpu.dma_semaphore, #tpu.memory_space<semaphore_mem>>)
        tpu.wait_dma2 semaphore(%run_scoped3A_29 : memref<!tpu.dma_semaphore, #tpu.memory_space<semaphore_mem>>) src(%arg7 : memref<5248x128xf32, #tpu.memory_space<hbm>>) dst(%arg16 : memref<5248x128xf32, #tpu.memory_space<vmem_shared>>)
        tpu.yield
      }) : () -> ()
    } else {
    }
    %barrier3A_16 = arith.constant 0 : index
    tpu.barrier barrier_id(%barrier3A_16)
    %scan3A_17 = arith.constant 0 : i32
    %scan3A_18 = arith.constant 0 : i32
    %scan3A_19 = arith.constant 40 : i32
    %scan3A_20 = arith.addi %scan3A_18, %scan3A_19 : i32
    %scan3A_21 = arith.constant 1 : i32
    scf.for %scan3A_29 = %scan3A_18 to %scan3A_20 step %scan3A_21  : i32 {
      %add3A_30 = arith.addi %mul3A_2, %scan3A_29 : i32
      %mul3A_31 = arith.constant 128 : i32
      %mul3A_32 = arith.muli %add3A_30, %mul3A_31 : i32
      "tpu.region"() ({
        %run_scoped3A_178 = tpu.sem_alloc : memref<!tpu.dma_semaphore, #tpu.memory_space<semaphore_mem>>
        %dma_start3A = arith.constant 0 : i32
        %dma_start3A_179 = tpu.memref_slice %arg9[%mul3A_32, %dma_start3A] : memref<163840x128xf32, #tpu.memory_space<hbm>> -> memref<128x128xf32, #tpu.memory_space<hbm>>
        %dma_start3A_180 = arith.constant 0 : i32
        %dma_start3A_181 = tpu.memref_slice %arg9[%mul3A_32, %dma_start3A_180] : memref<163840x128xf32, #tpu.memory_space<hbm>> -> memref<128x128xf32, #tpu.memory_space<hbm>>
        tpu.enqueue_dma source(%dma_start3A_181 : memref<128x128xf32, #tpu.memory_space<hbm>>) target(%arg13 : memref<128x128xf32, #tpu.memory_space<vmem>>) target_semaphore(%run_scoped3A_178 : memref<!tpu.dma_semaphore, #tpu.memory_space<semaphore_mem>>)
        %dma_wait3A = arith.constant 0 : i32
        %dma_wait3A_182 = tpu.memref_slice %arg9[%mul3A_32, %dma_wait3A] : memref<163840x128xf32, #tpu.memory_space<hbm>> -> memref<128x128xf32, #tpu.memory_space<hbm>>
        %dma_wait3A_183 = arith.constant 0 : i32
        %dma_wait3A_184 = tpu.memref_slice %arg9[%mul3A_32, %dma_wait3A_183] : memref<163840x128xf32, #tpu.memory_space<hbm>> -> memref<128x128xf32, #tpu.memory_space<hbm>>
        tpu.wait_dma2 semaphore(%run_scoped3A_178 : memref<!tpu.dma_semaphore, #tpu.memory_space<semaphore_mem>>) src(%dma_wait3A_184 : memref<128x128xf32, #tpu.memory_space<hbm>>) dst(%arg13 : memref<128x128xf32, #tpu.memory_space<vmem>>)
        tpu.yield
      }) : () -> ()
      %get3A = arith.index_cast %scan3A_29 : i32 to index
      %get3A_33 = arith.constant 0 : index
      %get3A_34 = tpu.vector_load %arg11[%get3A, %get3A_33] {strides = array<i32>} : memref<40x128xi32, #tpu.memory_space<vmem>>, vector<1x16xi32>,
      %get3A_35 = vector.shape_cast %get3A_34 : vector<1x16xi32> to vector<16xi32>
      %lt3A = arith.constant 5120 : i32
      %lt3A_36 = vector.broadcast %lt3A : i32 to vector<16xi32>
      %lt3A_37 = arith.cmpi slt, %get3A_35, %lt3A_36 : vector<16xi32>
      %sub3A = arith.constant 5120 : i32
      %sub3A_38 = vector.broadcast %sub3A : i32 to vector<16xi32>
      %sub3A_39 = arith.subi %get3A_35, %sub3A_38 : vector<16xi32>
      %jit3A = arith.constant 5120 : i32
      %broadcast_in_dim3A = vector.broadcast %jit3A : i32 to vector<16xi32>
      %select_n3A = arith.select %lt3A_37, %broadcast_in_dim3A, %sub3A_39 : vector<16xi1>, vector<16xi32>
      %swap3A = arith.constant 0 : i32
      %swap3A_40 = arith.index_cast %swap3A : i32 to index
      %swap3A_41 = arith.constant 0 : index
      %swap3A_42 = tpu.vector_load %arg12[%swap3A_40, %swap3A_41] {strides = array<i32>} : memref<1x128xi32, #tpu.memory_space<vmem>>, vector<1x16xi32>,
      %swap3A_43 = vector.shape_cast %swap3A_42 : vector<1x16xi32> to vector<16xi32>
      %swap3A_44 = vector.shape_cast %select_n3A : vector<16xi32> to vector<1x16xi32>
      tpu.vector_store %arg12[%swap3A_40, %swap3A_41], %swap3A_44 {strides = array<i32>} : memref<1x128xi32, #tpu.memory_space<vmem>>, vector<1x16xi32>,
      %get3A_45 = arith.index_cast %scan3A_29 : i32 to index
      %get3A_46 = arith.constant 16 : index
      %get3A_47 = tpu.vector_load %arg11[%get3A_45, %get3A_46] {strides = array<i32>} : memref<40x128xi32, #tpu.memory_space<vmem>>, vector<1x16xi32>,
      %get3A_48 = vector.shape_cast %get3A_47 : vector<1x16xi32> to vector<16xi32>
      %lt3A_49 = arith.constant 5120 : i32
      %lt3A_50 = vector.broadcast %lt3A_49 : i32 to vector<16xi32>
      %lt3A_51 = arith.cmpi slt, %get3A_48, %lt3A_50 : vector<16xi32>
      %sub3A_52 = arith.constant 5120 : i32
      %sub3A_53 = vector.broadcast %sub3A_52 : i32 to vector<16xi32>
      %sub3A_54 = arith.subi %get3A_48, %sub3A_53 : vector<16xi32>
      %jit3A_55 = arith.constant 5120 : i32
      %broadcast_in_dim3A_56 = vector.broadcast %jit3A_55 : i32 to vector<16xi32>
      %select_n3A_57 = arith.select %lt3A_51, %broadcast_in_dim3A_56, %sub3A_54 : vector<16xi1>, vector<16xi32>
      %swap3A_58 = arith.constant 0 : i32
      %swap3A_59 = arith.index_cast %swap3A_58 : i32 to index
      %swap3A_60 = arith.constant 16 : index
      %swap3A_61 = tpu.vector_load %arg12[%swap3A_59, %swap3A_60] {strides = array<i32>} : memref<1x128xi32, #tpu.memory_space<vmem>>, vector<1x16xi32>,
      %swap3A_62 = vector.shape_cast %swap3A_61 : vector<1x16xi32> to vector<16xi32>
      %swap3A_63 = vector.shape_cast %select_n3A_57 : vector<16xi32> to vector<1x16xi32>
      tpu.vector_store %arg12[%swap3A_59, %swap3A_60], %swap3A_63 {strides = array<i32>} : memref<1x128xi32, #tpu.memory_space<vmem>>, vector<1x16xi32>,
      %get3A_64 = arith.index_cast %scan3A_29 : i32 to index
      %get3A_65 = arith.constant 32 : index
      %get3A_66 = tpu.vector_load %arg11[%get3A_64, %get3A_65] {strides = array<i32>} : memref<40x128xi32, #tpu.memory_space<vmem>>, vector<1x16xi32>,
      %get3A_67 = vector.shape_cast %get3A_66 : vector<1x16xi32> to vector<16xi32>
      %lt3A_68 = arith.constant 5120 : i32
      %lt3A_69 = vector.broadcast %lt3A_68 : i32 to vector<16xi32>
      %lt3A_70 = arith.cmpi slt, %get3A_67, %lt3A_69 : vector<16xi32>
      %sub3A_71 = arith.constant 5120 : i32
      %sub3A_72 = vector.broadcast %sub3A_71 : i32 to vector<16xi32>
      %sub3A_73 = arith.subi %get3A_67, %sub3A_72 : vector<16xi32>
      %jit3A_74 = arith.constant 5120 : i32
      %broadcast_in_dim3A_75 = vector.broadcast %jit3A_74 : i32 to vector<16xi32>
      %select_n3A_76 = arith.select %lt3A_70, %broadcast_in_dim3A_75, %sub3A_73 : vector<16xi1>, vector<16xi32>
      %swap3A_77 = arith.constant 0 : i32
      %swap3A_78 = arith.index_cast %swap3A_77 : i32 to index
      %swap3A_79 = arith.constant 32 : index
      %swap3A_80 = tpu.vector_load %arg12[%swap3A_78, %swap3A_79] {strides = array<i32>} : memref<1x128xi32, #tpu.memory_space<vmem>>, vector<1x16xi32>,
      %swap3A_81 = vector.shape_cast %swap3A_80 : vector<1x16xi32> to vector<16xi32>
      %swap3A_82 = vector.shape_cast %select_n3A_76 : vector<16xi32> to vector<1x16xi32>
      tpu.vector_store %arg12[%swap3A_78, %swap3A_79], %swap3A_82 {strides = array<i32>} : memref<1x128xi32, #tpu.memory_space<vmem>>, vector<1x16xi32>,
      %get3A_83 = arith.index_cast %scan3A_29 : i32 to index
      %get3A_84 = arith.constant 48 : index
      %get3A_85 = tpu.vector_load %arg11[%get3A_83, %get3A_84] {strides = array<i32>} : memref<40x128xi32, #tpu.memory_space<vmem>>, vector<1x16xi32>,
      %get3A_86 = vector.shape_cast %get3A_85 : vector<1x16xi32> to vector<16xi32>
      %lt3A_87 = arith.constant 5120 : i32
      %lt3A_88 = vector.broadcast %lt3A_87 : i32 to vector<16xi32>
      %lt3A_89 = arith.cmpi slt, %get3A_86, %lt3A_88 : vector<16xi32>
      %sub3A_90 = arith.constant 5120 : i32
      %sub3A_91 = vector.broadcast %sub3A_90 : i32 to vector<16xi32>
      %sub3A_92 = arith.subi %get3A_86, %sub3A_91 : vector<16xi32>
      %jit3A_93 = arith.constant 5120 : i32
      %broadcast_in_dim3A_94 = vector.broadcast %jit3A_93 : i32 to vector<16xi32>
      %select_n3A_95 = arith.select %lt3A_89, %broadcast_in_dim3A_94, %sub3A_92 : vector<16xi1>, vector<16xi32>
      %swap3A_96 = arith.constant 0 : i32
      %swap3A_97 = arith.index_cast %swap3A_96 : i32 to index
      %swap3A_98 = arith.constant 48 : index
      %swap3A_99 = tpu.vector_load %arg12[%swap3A_97, %swap3A_98] {strides = array<i32>} : memref<1x128xi32, #tpu.memory_space<vmem>>, vector<1x16xi32>,
      %swap3A_100 = vector.shape_cast %swap3A_99 : vector<1x16xi32> to vector<16xi32>
      %swap3A_101 = vector.shape_cast %select_n3A_95 : vector<16xi32> to vector<1x16xi32>
      tpu.vector_store %arg12[%swap3A_97, %swap3A_98], %swap3A_101 {strides = array<i32>} : memref<1x128xi32, #tpu.memory_space<vmem>>, vector<1x16xi32>,
      %get3A_102 = arith.index_cast %scan3A_29 : i32 to index
      %get3A_103 = arith.constant 64 : index
      %get3A_104 = tpu.vector_load %arg11[%get3A_102, %get3A_103] {strides = array<i32>} : memref<40x128xi32, #tpu.memory_space<vmem>>, vector<1x16xi32>,
      %get3A_105 = vector.shape_cast %get3A_104 : vector<1x16xi32> to vector<16xi32>
      %lt3A_106 = arith.constant 5120 : i32
      %lt3A_107 = vector.broadcast %lt3A_106 : i32 to vector<16xi32>
      %lt3A_108 = arith.cmpi slt, %get3A_105, %lt3A_107 : vector<16xi32>
      %sub3A_109 = arith.constant 5120 : i32
      %sub3A_110 = vector.broadcast %sub3A_109 : i32 to vector<16xi32>
      %sub3A_111 = arith.subi %get3A_105, %sub3A_110 : vector<16xi32>
      %jit3A_112 = arith.constant 5120 : i32
      %broadcast_in_dim3A_113 = vector.broadcast %jit3A_112 : i32 to vector<16xi32>
      %select_n3A_114 = arith.select %lt3A_108, %broadcast_in_dim3A_113, %sub3A_111 : vector<16xi1>, vector<16xi32>
      %swap3A_115 = arith.constant 0 : i32
      %swap3A_116 = arith.index_cast %swap3A_115 : i32 to index
      %swap3A_117 = arith.constant 64 : index
      %swap3A_118 = tpu.vector_load %arg12[%swap3A_116, %swap3A_117] {strides = array<i32>} : memref<1x128xi32, #tpu.memory_space<vmem>>, vector<1x16xi32>,
      %swap3A_119 = vector.shape_cast %swap3A_118 : vector<1x16xi32> to vector<16xi32>
      %swap3A_120 = vector.shape_cast %select_n3A_114 : vector<16xi32> to vector<1x16xi32>
      tpu.vector_store %arg12[%swap3A_116, %swap3A_117], %swap3A_120 {strides = array<i32>} : memref<1x128xi32, #tpu.memory_space<vmem>>, vector<1x16xi32>,
      %get3A_121 = arith.index_cast %scan3A_29 : i32 to index
      %get3A_122 = arith.constant 80 : index
      %get3A_123 = tpu.vector_load %arg11[%get3A_121, %get3A_122] {strides = array<i32>} : memref<40x128xi32, #tpu.memory_space<vmem>>, vector<1x16xi32>,
      %get3A_124 = vector.shape_cast %get3A_123 : vector<1x16xi32> to vector<16xi32>
      %lt3A_125 = arith.constant 5120 : i32
      %lt3A_126 = vector.broadcast %lt3A_125 : i32 to vector<16xi32>
      %lt3A_127 = arith.cmpi slt, %get3A_124, %lt3A_126 : vector<16xi32>
      %sub3A_128 = arith.constant 5120 : i32
      %sub3A_129 = vector.broadcast %sub3A_128 : i32 to vector<16xi32>
      %sub3A_130 = arith.subi %get3A_124, %sub3A_129 : vector<16xi32>
      %jit3A_131 = arith.constant 5120 : i32
      %broadcast_in_dim3A_132 = vector.broadcast %jit3A_131 : i32 to vector<16xi32>
      %select_n3A_133 = arith.select %lt3A_127, %broadcast_in_dim3A_132, %sub3A_130 : vector<16xi1>, vector<16xi32>
      %swap3A_134 = arith.constant 0 : i32
      %swap3A_135 = arith.index_cast %swap3A_134 : i32 to index
      %swap3A_136 = arith.constant 80 : index
      %swap3A_137 = tpu.vector_load %arg12[%swap3A_135, %swap3A_136] {strides = array<i32>} : memref<1x128xi32, #tpu.memory_space<vmem>>, vector<1x16xi32>,
      %swap3A_138 = vector.shape_cast %swap3A_137 : vector<1x16xi32> to vector<16xi32>
      %swap3A_139 = vector.shape_cast %select_n3A_133 : vector<16xi32> to vector<1x16xi32>
      tpu.vector_store %arg12[%swap3A_135, %swap3A_136], %swap3A_139 {strides = array<i32>} : memref<1x128xi32, #tpu.memory_space<vmem>>, vector<1x16xi32>,
      %get3A_140 = arith.index_cast %scan3A_29 : i32 to index
      %get3A_141 = arith.constant 96 : index
      %get3A_142 = tpu.vector_load %arg11[%get3A_140, %get3A_141] {strides = array<i32>} : memref<40x128xi32, #tpu.memory_space<vmem>>, vector<1x16xi32>,
      %get3A_143 = vector.shape_cast %get3A_142 : vector<1x16xi32> to vector<16xi32>
      %lt3A_144 = arith.constant 5120 : i32
      %lt3A_145 = vector.broadcast %lt3A_144 : i32 to vector<16xi32>
      %lt3A_146 = arith.cmpi slt, %get3A_143, %lt3A_145 : vector<16xi32>
      %sub3A_147 = arith.constant 5120 : i32
      %sub3A_148 = vector.broadcast %sub3A_147 : i32 to vector<16xi32>
      %sub3A_149 = arith.subi %get3A_143, %sub3A_148 : vector<16xi32>
      %jit3A_150 = arith.constant 5120 : i32
      %broadcast_in_dim3A_151 = vector.broadcast %jit3A_150 : i32 to vector<16xi32>
      %select_n3A_152 = arith.select %lt3A_146, %broadcast_in_dim3A_151, %sub3A_149 : vector<16xi1>, vector<16xi32>
      %swap3A_153 = arith.constant 0 : i32
      %swap3A_154 = arith.index_cast %swap3A_153 : i32 to index
      %swap3A_155 = arith.constant 96 : index
      %swap3A_156 = tpu.vector_load %arg12[%swap3A_154, %swap3A_155] {strides = array<i32>} : memref<1x128xi32, #tpu.memory_space<vmem>>, vector<1x16xi32>,
      %swap3A_157 = vector.shape_cast %swap3A_156 : vector<1x16xi32> to vector<16xi32>
      %swap3A_158 = vector.shape_cast %select_n3A_152 : vector<16xi32> to vector<1x16xi32>
      tpu.vector_store %arg12[%swap3A_154, %swap3A_155], %swap3A_158 {strides = array<i32>} : memref<1x128xi32, #tpu.memory_space<vmem>>, vector<1x16xi32>,
      %get3A_159 = arith.index_cast %scan3A_29 : i32 to index
      %get3A_160 = arith.constant 112 : index
      %get3A_161 = tpu.vector_load %arg11[%get3A_159, %get3A_160] {strides = array<i32>} : memref<40x128xi32, #tpu.memory_space<vmem>>, vector<1x16xi32>,
      %get3A_162 = vector.shape_cast %get3A_161 : vector<1x16xi32> to vector<16xi32>
      %lt3A_163 = arith.constant 5120 : i32
      %lt3A_164 = vector.broadcast %lt3A_163 : i32 to vector<16xi32>
      %lt3A_165 = arith.cmpi slt, %get3A_162, %lt3A_164 : vector<16xi32>
      %sub3A_166 = arith.constant 5120 : i32
      %sub3A_167 = vector.broadcast %sub3A_166 : i32 to vector<16xi32>
      %sub3A_168 = arith.subi %get3A_162, %sub3A_167 : vector<16xi32>
      %jit3A_169 = arith.constant 5120 : i32
      %broadcast_in_dim3A_170 = vector.broadcast %jit3A_169 : i32 to vector<16xi32>
      %select_n3A_171 = arith.select %lt3A_165, %broadcast_in_dim3A_170, %sub3A_168 : vector<16xi1>, vector<16xi32>
      %swap3A_172 = arith.constant 0 : i32
      %swap3A_173 = arith.index_cast %swap3A_172 : i32 to index
      %swap3A_174 = arith.constant 112 : index
      %swap3A_175 = tpu.vector_load %arg12[%swap3A_173, %swap3A_174] {strides = array<i32>} : memref<1x128xi32, #tpu.memory_space<vmem>>, vector<1x16xi32>,
      %swap3A_176 = vector.shape_cast %swap3A_175 : vector<1x16xi32> to vector<16xi32>
      %swap3A_177 = vector.shape_cast %select_n3A_171 : vector<16xi32> to vector<1x16xi32>
      tpu.vector_store %arg12[%swap3A_173, %swap3A_174], %swap3A_177 {strides = array<i32>} : memref<1x128xi32, #tpu.memory_space<vmem>>, vector<1x16xi32>,
      %run_scoped3A = arith.constant 0 : i32
      "tpu.region"() ({
        %run_scoped3A_178 = tpu.sem_alloc : memref<!tpu.dma_semaphore, #tpu.memory_space<semaphore_mem>>
        %dma_start3A = arith.constant 0 : i32
        %dma_start3A_179 = tpu.memref_slice %arg12[%run_scoped3A, %dma_start3A] : memref<1x128xi32, #tpu.memory_space<vmem>> -> memref<1x128xi32, #tpu.memory_space<vmem>>
        %dma_start3A_180 = tpu.memref_squeeze %dma_start3A_179 : memref<1x128xi32, #tpu.memory_space<vmem>> -> memref<128xi32, #tpu.memory_space<vmem>>
        %dma_start3A_181 = arith.constant 0 : i32
        %dma_start3A_182 = arith.constant 0 : i32
        %dma_start3A_183 = tpu.memref_slice %arg16[%dma_start3A_181, %dma_start3A_182] : memref<5248x128xf32, #tpu.memory_space<vmem_shared>> -> memref<5248x128xf32, #tpu.memory_space<vmem_shared>>
        tpu.enqueue_indirect_dma source(%arg13 : memref<128x128xf32, #tpu.memory_space<vmem>>) target(%dma_start3A_183 : memref<5248x128xf32, #tpu.memory_space<vmem_shared>>) offsets(%dma_start3A_180 : memref<128xi32, #tpu.memory_space<vmem>>) semaphore(%run_scoped3A_178 : memref<!tpu.dma_semaphore, #tpu.memory_space<semaphore_mem>>) {add = true}
        %dma_wait3A = arith.constant 0 : i32
        %dma_wait3A_184 = tpu.memref_slice %arg12[%run_scoped3A, %dma_wait3A] : memref<1x128xi32, #tpu.memory_space<vmem>> -> memref<1x128xi32, #tpu.memory_space<vmem>>
        %dma_wait3A_185 = tpu.memref_squeeze %dma_wait3A_184 : memref<1x128xi32, #tpu.memory_space<vmem>> -> memref<128xi32, #tpu.memory_space<vmem>>
        %dma_wait3A_186 = arith.constant 0 : i32
        %dma_wait3A_187 = arith.constant 0 : i32
        %dma_wait3A_188 = tpu.memref_slice %arg16[%dma_wait3A_186, %dma_wait3A_187] : memref<5248x128xf32, #tpu.memory_space<vmem_shared>> -> memref<5248x128xf32, #tpu.memory_space<vmem_shared>>
        tpu.wait_indirect_dma semaphore(%run_scoped3A_178 : memref<!tpu.dma_semaphore, #tpu.memory_space<semaphore_mem>>) src(%arg13 : memref<128x128xf32, #tpu.memory_space<vmem>>) dst(%dma_wait3A_188 : memref<5248x128xf32, #tpu.memory_space<vmem_shared>>)
        tpu.yield
      }) : () -> ()
    }
    %scan3A_22 = arith.constant 40 : i32
    %barrier3A_23 = arith.constant 0 : index
    tpu.barrier barrier_id(%barrier3A_23)
    %eq3A_24 = arith.constant 0 : i32
    %eq3A_25 = arith.cmpi eq, %arg1, %eq3A_24 : i32
    %convert_element_type3A_26 = arith.extui %eq3A_25 : i1 to i32
    %cond3A_27 = arith.constant 0 : i32
    %cond3A_28 = arith.cmpi ne, %convert_element_type3A_26, %cond3A_27 : i32
    scf.if %cond3A_28 {
      %run_scoped3A = arith.constant 1 : i32
      "tpu.region"() ({
        %run_scoped3A_29 = tpu.sem_alloc : memref<!tpu.dma_semaphore, #tpu.memory_space<semaphore_mem>>
        %dma_start3A = arith.constant 0 : i32
        %dma_start3A_30 = arith.constant 0 : i32
        %dma_start3A_31 = tpu.memref_slice %arg8[%arg0, %run_scoped3A, %dma_start3A, %dma_start3A_30] : memref<2x2x5120x128xf32, #tpu.memory_space<hbm>> -> memref<1x1x5120x128xf32, #tpu.memory_space<hbm>>
        %dma_start3A_32 = tpu.memref_squeeze %dma_start3A_31 : memref<1x1x5120x128xf32, #tpu.memory_space<hbm>> -> memref<5120x128xf32, #tpu.memory_space<hbm>>
        %dma_start3A_33 = arith.constant 0 : i32
        %dma_start3A_34 = arith.constant 0 : i32
        %dma_start3A_35 = tpu.memref_slice %arg16[%dma_start3A_33, %dma_start3A_34] : memref<5248x128xf32, #tpu.memory_space<vmem_shared>> -> memref<5120x128xf32, #tpu.memory_space<vmem_shared>>
        tpu.enqueue_dma source(%dma_start3A_35 : memref<5120x128xf32, #tpu.memory_space<vmem_shared>>) target(%dma_start3A_32 : memref<5120x128xf32, #tpu.memory_space<hbm>>) target_semaphore(%run_scoped3A_29 : memref<!tpu.dma_semaphore, #tpu.memory_space<semaphore_mem>>)
        %dma_wait3A = arith.constant 0 : i32
        %dma_wait3A_36 = arith.constant 0 : i32
        %dma_wait3A_37 = tpu.memref_slice %arg8[%arg0, %run_scoped3A, %dma_wait3A, %dma_wait3A_36] : memref<2x2x5120x128xf32, #tpu.memory_space<hbm>> -> memref<1x1x5120x128xf32, #tpu.memory_space<hbm>>
        %dma_wait3A_38 = tpu.memref_squeeze %dma_wait3A_37 : memref<1x1x5120x128xf32, #tpu.memory_space<hbm>> -> memref<5120x128xf32, #tpu.memory_space<hbm>>
        %dma_wait3A_39 = arith.constant 0 : i32
        %dma_wait3A_40 = arith.constant 0 : i32
        %dma_wait3A_41 = tpu.memref_slice %arg16[%dma_wait3A_39, %dma_wait3A_40] : memref<5248x128xf32, #tpu.memory_space<vmem_shared>> -> memref<5120x128xf32, #tpu.memory_space<vmem_shared>>
        tpu.wait_dma2 semaphore(%run_scoped3A_29 : memref<!tpu.dma_semaphore, #tpu.memory_space<semaphore_mem>>) src(%dma_wait3A_41 : memref<5120x128xf32, #tpu.memory_space<vmem_shared>>) dst(%dma_wait3A_38 : memref<5120x128xf32, #tpu.memory_space<hbm>>)
        tpu.yield
      }) : () -> ()
    } else {
    }
    return
  }
}

#map = affine_map<(d0, d1) -> (0, 0)>
#map1 = affine_map<(d0, d1) -> (0, 0, 0, 0)>
module attributes {stable_mosaic.version = 14 : i64} {
  func.func @k(%arg0: i32, %arg1: i32, %arg2: memref<10112x128xf32, #tpu.memory_space<hbm>>, %arg3: memref<10112x128xf32, #tpu.memory_space<hbm>>, %arg4: memref<163840x128xf32, #tpu.memory_space<hbm>>, %arg5: memref<1280x128xi32, #tpu.memory_space<hbm>>, %arg6: memref<1280x128xi32, #tpu.memory_space<hbm>>, %arg7: memref<5248x128xf32, #tpu.memory_space<hbm>>, %arg8: memref<2x2x5120x128xf32, #tpu.memory_space<hbm>>, %arg9: memref<163840x128xf32, #tpu.memory_space<hbm>>, %arg10: memref<40x128xi32, #tpu.memory_space<vmem>>, %arg11: memref<40x128xi32, #tpu.memory_space<vmem>>, %arg12: memref<1x128xi32, #tpu.memory_space<vmem>>, %arg13: memref<128x128xf32, #tpu.memory_space<vmem>>, %arg14: memref<128x128xf32, #tpu.memory_space<vmem>>, %arg15: memref<128x128xf32, #tpu.memory_space<vmem>>, %arg16: memref<5248x128xf32, #tpu.memory_space<vmem_shared>>, %arg17: memref<!tpu.dma_semaphore, #tpu.memory_space<semaphore_mem>>, %arg18: memref<!tpu.dma_semaphore, #tpu.memory_space<semaphore_mem>>, %arg19: memref<!tpu.dma_semaphore, #tpu.memory_space<semaphore_mem>>) attributes {dimension_semantics = [#tpu.dimension_semantics<core_parallel>, #tpu.dimension_semantics<subcore_parallel>], iteration_bounds = array<i64: 2, 16>, scalar_prefetch = 0 : i64, scratch_operands = 10 : i64, tpu.core_type = #tpu.core_type<sc_vector_subcore>, window_params = [{transform_indices = #map}, {transform_indices = #map}, {transform_indices = #map}, {transform_indices = #map}, {transform_indices = #map}, {transform_indices = #map}, {transform_indices = #map1}, {transform_indices = #map}]} {
    %mul3A = arith.constant 16 : i32
    %mul3A_0 = arith.muli %arg0, %mul3A : i32
    %add3A = arith.addi %mul3A_0, %arg1 : i32
    %mul3A_1 = arith.constant 40 : i32
    %mul3A_2 = arith.muli %add3A, %mul3A_1 : i32
    "tpu.region"() ({
      %run_scoped3A = tpu.sem_alloc : memref<!tpu.dma_semaphore, #tpu.memory_space<semaphore_mem>>
      %dma_start3A = arith.constant 0 : i32
      %dma_start3A_29 = tpu.memref_slice %arg5[%mul3A_2, %dma_start3A] : memref<1280x128xi32, #tpu.memory_space<hbm>> -> memref<40x128xi32, #tpu.memory_space<hbm>>
      %dma_start3A_30 = arith.constant 0 : i32
      %dma_start3A_31 = tpu.memref_slice %arg5[%mul3A_2, %dma_start3A_30] : memref<1280x128xi32, #tpu.memory_space<hbm>> -> memref<40x128xi32, #tpu.memory_space<hbm>>
      tpu.enqueue_dma source(%dma_start3A_31 : memref<40x128xi32, #tpu.memory_space<hbm>>) target(%arg10 : memref<40x128xi32, #tpu.memory_space<vmem>>) target_semaphore(%run_scoped3A : memref<!tpu.dma_semaphore, #tpu.memory_space<semaphore_mem>>)
      %dma_wait3A = arith.constant 0 : i32
      %dma_wait3A_32 = tpu.memref_slice %arg5[%mul3A_2, %dma_wait3A] : memref<1280x128xi32, #tpu.memory_space<hbm>> -> memref<40x128xi32, #tpu.memory_space<hbm>>
      %dma_wait3A_33 = arith.constant 0 : i32
      %dma_wait3A_34 = tpu.memref_slice %arg5[%mul3A_2, %dma_wait3A_33] : memref<1280x128xi32, #tpu.memory_space<hbm>> -> memref<40x128xi32, #tpu.memory_space<hbm>>
      tpu.wait_dma2 semaphore(%run_scoped3A : memref<!tpu.dma_semaphore, #tpu.memory_space<semaphore_mem>>) src(%dma_wait3A_34 : memref<40x128xi32, #tpu.memory_space<hbm>>) dst(%arg10 : memref<40x128xi32, #tpu.memory_space<vmem>>)
      tpu.yield
    }) : () -> ()
    "tpu.region"() ({
      %run_scoped3A = tpu.sem_alloc : memref<!tpu.dma_semaphore, #tpu.memory_space<semaphore_mem>>
      %dma_start3A = arith.constant 0 : i32
      %dma_start3A_29 = tpu.memref_slice %arg6[%mul3A_2, %dma_start3A] : memref<1280x128xi32, #tpu.memory_space<hbm>> -> memref<40x128xi32, #tpu.memory_space<hbm>>
      %dma_start3A_30 = arith.constant 0 : i32
      %dma_start3A_31 = tpu.memref_slice %arg6[%mul3A_2, %dma_start3A_30] : memref<1280x128xi32, #tpu.memory_space<hbm>> -> memref<40x128xi32, #tpu.memory_space<hbm>>
      tpu.enqueue_dma source(%dma_start3A_31 : memref<40x128xi32, #tpu.memory_space<hbm>>) target(%arg11 : memref<40x128xi32, #tpu.memory_space<vmem>>) target_semaphore(%run_scoped3A : memref<!tpu.dma_semaphore, #tpu.memory_space<semaphore_mem>>)
      %dma_wait3A = arith.constant 0 : i32
      %dma_wait3A_32 = tpu.memref_slice %arg6[%mul3A_2, %dma_wait3A] : memref<1280x128xi32, #tpu.memory_space<hbm>> -> memref<40x128xi32, #tpu.memory_space<hbm>>
      %dma_wait3A_33 = arith.constant 0 : i32
      %dma_wait3A_34 = tpu.memref_slice %arg6[%mul3A_2, %dma_wait3A_33] : memref<1280x128xi32, #tpu.memory_space<hbm>> -> memref<40x128xi32, #tpu.memory_space<hbm>>
      tpu.wait_dma2 semaphore(%run_scoped3A : memref<!tpu.dma_semaphore, #tpu.memory_space<semaphore_mem>>) src(%dma_wait3A_34 : memref<40x128xi32, #tpu.memory_space<hbm>>) dst(%arg11 : memref<40x128xi32, #tpu.memory_space<vmem>>)
      tpu.yield
    }) : () -> ()
    %eq3A = arith.constant 0 : i32
    %eq3A_3 = arith.cmpi eq, %arg1, %eq3A : i32
    %convert_element_type3A = arith.extui %eq3A_3 : i1 to i32
    %cond3A = arith.constant 0 : i32
    %cond3A_4 = arith.cmpi ne, %convert_element_type3A, %cond3A : i32
    scf.if %cond3A_4 {
      "tpu.region"() ({
        %run_scoped3A = tpu.sem_alloc : memref<!tpu.dma_semaphore, #tpu.memory_space<semaphore_mem>>
        tpu.enqueue_dma source(%arg7 : memref<5248x128xf32, #tpu.memory_space<hbm>>) target(%arg16 : memref<5248x128xf32, #tpu.memory_space<vmem_shared>>) target_semaphore(%run_scoped3A : memref<!tpu.dma_semaphore, #tpu.memory_space<semaphore_mem>>)
        tpu.wait_dma2 semaphore(%run_scoped3A : memref<!tpu.dma_semaphore, #tpu.memory_space<semaphore_mem>>) src(%arg7 : memref<5248x128xf32, #tpu.memory_space<hbm>>) dst(%arg16 : memref<5248x128xf32, #tpu.memory_space<vmem_shared>>)
        tpu.yield
      }) : () -> ()
    } else {
    }
    %barrier3A = arith.constant 0 : index
    tpu.barrier barrier_id(%barrier3A)
    %scan3A = arith.constant 0 : i32
    %scan3A_5 = arith.constant 0 : i32
    %scan3A_6 = arith.constant 40 : i32
    %scan3A_7 = arith.addi %scan3A_5, %scan3A_6 : i32
    %scan3A_8 = arith.constant 1 : i32
    scf.for %scan3A_29 = %scan3A_5 to %scan3A_7 step %scan3A_8  : i32 {
      %dma_start3A = arith.constant 0 : i32
      %dma_start3A_30 = tpu.memref_slice %arg10[%scan3A_29, %dma_start3A] : memref<40x128xi32, #tpu.memory_space<vmem>> -> memref<1x128xi32, #tpu.memory_space<vmem>>
      %dma_start3A_31 = tpu.memref_squeeze %dma_start3A_30 : memref<1x128xi32, #tpu.memory_space<vmem>> -> memref<128xi32, #tpu.memory_space<vmem>>
      %dma_start3A_32 = arith.constant 0 : i32
      %dma_start3A_33 = arith.constant 0 : i32
      %dma_start3A_34 = tpu.memref_slice %arg2[%dma_start3A_32, %dma_start3A_33] : memref<10112x128xf32, #tpu.memory_space<hbm>> -> memref<10112x128xf32, #tpu.memory_space<hbm>>
      tpu.enqueue_indirect_dma source(%dma_start3A_34 : memref<10112x128xf32, #tpu.memory_space<hbm>>) target(%arg13 : memref<128x128xf32, #tpu.memory_space<vmem>>) offsets(%dma_start3A_31 : memref<128xi32, #tpu.memory_space<vmem>>) semaphore(%arg17 : memref<!tpu.dma_semaphore, #tpu.memory_space<semaphore_mem>>)
      %dma_start3A_35 = arith.constant 0 : i32
      %dma_start3A_36 = tpu.memref_slice %arg11[%scan3A_29, %dma_start3A_35] : memref<40x128xi32, #tpu.memory_space<vmem>> -> memref<1x128xi32, #tpu.memory_space<vmem>>
      %dma_start3A_37 = tpu.memref_squeeze %dma_start3A_36 : memref<1x128xi32, #tpu.memory_space<vmem>> -> memref<128xi32, #tpu.memory_space<vmem>>
      %dma_start3A_38 = arith.constant 0 : i32
      %dma_start3A_39 = arith.constant 0 : i32
      %dma_start3A_40 = tpu.memref_slice %arg3[%dma_start3A_38, %dma_start3A_39] : memref<10112x128xf32, #tpu.memory_space<hbm>> -> memref<10112x128xf32, #tpu.memory_space<hbm>>
      tpu.enqueue_indirect_dma source(%dma_start3A_40 : memref<10112x128xf32, #tpu.memory_space<hbm>>) target(%arg14 : memref<128x128xf32, #tpu.memory_space<vmem>>) offsets(%dma_start3A_37 : memref<128xi32, #tpu.memory_space<vmem>>) semaphore(%arg18 : memref<!tpu.dma_semaphore, #tpu.memory_space<semaphore_mem>>)
      %add3A_41 = arith.addi %mul3A_2, %scan3A_29 : i32
      %mul3A_42 = arith.constant 128 : i32
      %mul3A_43 = arith.muli %add3A_41, %mul3A_42 : i32
      %dma_start3A_44 = arith.constant 0 : i32
      %dma_start3A_45 = tpu.memref_slice %arg4[%mul3A_43, %dma_start3A_44] : memref<163840x128xf32, #tpu.memory_space<hbm>> -> memref<128x128xf32, #tpu.memory_space<hbm>>
      %dma_start3A_46 = arith.constant 0 : i32
      %dma_start3A_47 = tpu.memref_slice %arg4[%mul3A_43, %dma_start3A_46] : memref<163840x128xf32, #tpu.memory_space<hbm>> -> memref<128x128xf32, #tpu.memory_space<hbm>>
      tpu.enqueue_dma source(%dma_start3A_47 : memref<128x128xf32, #tpu.memory_space<hbm>>) target(%arg15 : memref<128x128xf32, #tpu.memory_space<vmem>>) target_semaphore(%arg19 : memref<!tpu.dma_semaphore, #tpu.memory_space<semaphore_mem>>)
      %dma_wait3A = arith.constant 0 : i32
      %dma_wait3A_48 = tpu.memref_slice %arg10[%scan3A_29, %dma_wait3A] : memref<40x128xi32, #tpu.memory_space<vmem>> -> memref<1x128xi32, #tpu.memory_space<vmem>>
      %dma_wait3A_49 = tpu.memref_squeeze %dma_wait3A_48 : memref<1x128xi32, #tpu.memory_space<vmem>> -> memref<128xi32, #tpu.memory_space<vmem>>
      %dma_wait3A_50 = arith.constant 0 : i32
      %dma_wait3A_51 = arith.constant 0 : i32
      %dma_wait3A_52 = tpu.memref_slice %arg2[%dma_wait3A_50, %dma_wait3A_51] : memref<10112x128xf32, #tpu.memory_space<hbm>> -> memref<10112x128xf32, #tpu.memory_space<hbm>>
      tpu.wait_indirect_dma semaphore(%arg17 : memref<!tpu.dma_semaphore, #tpu.memory_space<semaphore_mem>>) src(%dma_wait3A_52 : memref<10112x128xf32, #tpu.memory_space<hbm>>) dst(%arg13 : memref<128x128xf32, #tpu.memory_space<vmem>>)
      %dma_wait3A_53 = arith.constant 0 : i32
      %dma_wait3A_54 = tpu.memref_slice %arg11[%scan3A_29, %dma_wait3A_53] : memref<40x128xi32, #tpu.memory_space<vmem>> -> memref<1x128xi32, #tpu.memory_space<vmem>>
      %dma_wait3A_55 = tpu.memref_squeeze %dma_wait3A_54 : memref<1x128xi32, #tpu.memory_space<vmem>> -> memref<128xi32, #tpu.memory_space<vmem>>
      %dma_wait3A_56 = arith.constant 0 : i32
      %dma_wait3A_57 = arith.constant 0 : i32
      %dma_wait3A_58 = tpu.memref_slice %arg3[%dma_wait3A_56, %dma_wait3A_57] : memref<10112x128xf32, #tpu.memory_space<hbm>> -> memref<10112x128xf32, #tpu.memory_space<hbm>>
      tpu.wait_indirect_dma semaphore(%arg18 : memref<!tpu.dma_semaphore, #tpu.memory_space<semaphore_mem>>) src(%dma_wait3A_58 : memref<10112x128xf32, #tpu.memory_space<hbm>>) dst(%arg14 : memref<128x128xf32, #tpu.memory_space<vmem>>)
      %dma_wait3A_59 = arith.constant 0 : i32
      %dma_wait3A_60 = tpu.memref_slice %arg4[%mul3A_43, %dma_wait3A_59] : memref<163840x128xf32, #tpu.memory_space<hbm>> -> memref<128x128xf32, #tpu.memory_space<hbm>>
      %dma_wait3A_61 = arith.constant 0 : i32
      %dma_wait3A_62 = tpu.memref_slice %arg4[%mul3A_43, %dma_wait3A_61] : memref<163840x128xf32, #tpu.memory_space<hbm>> -> memref<128x128xf32, #tpu.memory_space<hbm>>
      tpu.wait_dma2 semaphore(%arg19 : memref<!tpu.dma_semaphore, #tpu.memory_space<semaphore_mem>>) src(%dma_wait3A_62 : memref<128x128xf32, #tpu.memory_space<hbm>>) dst(%arg15 : memref<128x128xf32, #tpu.memory_space<vmem>>)
      %scan3A_63 = arith.constant 0 : i32
      %scan3A_64 = arith.constant 0 : i32
      %scan3A_65 = arith.constant 128 : i32
      %scan3A_66 = arith.addi %scan3A_64, %scan3A_65 : i32
      %scan3A_67 = arith.constant 1 : i32
      scf.for %scan3A_173 = %scan3A_64 to %scan3A_66 step %scan3A_67  : i32 {
        %get3A_174 = arith.index_cast %scan3A_173 : i32 to index
        %get3A_175 = arith.constant 0 : index
        %get3A_176 = tpu.vector_load %arg13[%get3A_174, %get3A_175] {strides = array<i32>} : memref<128x128xf32, #tpu.memory_space<vmem>>, vector<1x16xf32>,
        %get3A_177 = vector.shape_cast %get3A_176 : vector<1x16xf32> to vector<16xf32>
        %get3A_178 = arith.index_cast %scan3A_173 : i32 to index
        %get3A_179 = arith.constant 0 : index
        %get3A_180 = tpu.vector_load %arg14[%get3A_178, %get3A_179] {strides = array<i32>} : memref<128x128xf32, #tpu.memory_space<vmem>>, vector<1x16xf32>,
        %get3A_181 = vector.shape_cast %get3A_180 : vector<1x16xf32> to vector<16xf32>
        %add3A_182 = arith.addf %get3A_177, %get3A_181 : vector<16xf32>
        %get3A_183 = arith.index_cast %scan3A_173 : i32 to index
        %get3A_184 = arith.constant 0 : index
        %get3A_185 = tpu.vector_load %arg15[%get3A_183, %get3A_184] {strides = array<i32>} : memref<128x128xf32, #tpu.memory_space<vmem>>, vector<1x16xf32>,
        %get3A_186 = vector.shape_cast %get3A_185 : vector<1x16xf32> to vector<16xf32>
        %add3A_187 = arith.addf %add3A_182, %get3A_186 : vector<16xf32>
        %max3A = arith.constant 0.000000e+00 : f32
        %max3A_188 = vector.broadcast %max3A : f32 to vector<16xf32>
        %max3A_189 = arith.maximumf %add3A_187, %max3A_188 : vector<16xf32>
        %swap3A_190 = arith.index_cast %scan3A_173 : i32 to index
        %swap3A_191 = arith.constant 0 : index
        %swap3A_192 = tpu.vector_load %arg13[%swap3A_190, %swap3A_191] {strides = array<i32>} : memref<128x128xf32, #tpu.memory_space<vmem>>, vector<1x16xf32>,
        %swap3A_193 = vector.shape_cast %swap3A_192 : vector<1x16xf32> to vector<16xf32>
        %swap3A_194 = vector.shape_cast %max3A_189 : vector<16xf32> to vector<1x16xf32>
        tpu.vector_store %arg13[%swap3A_190, %swap3A_191], %swap3A_194 {strides = array<i32>} : memref<128x128xf32, #tpu.memory_space<vmem>>, vector<1x16xf32>,
        %get3A_195 = arith.index_cast %scan3A_173 : i32 to index
        %get3A_196 = arith.constant 16 : index
        %get3A_197 = tpu.vector_load %arg13[%get3A_195, %get3A_196] {strides = array<i32>} : memref<128x128xf32, #tpu.memory_space<vmem>>, vector<1x16xf32>,
        %get3A_198 = vector.shape_cast %get3A_197 : vector<1x16xf32> to vector<16xf32>
        %get3A_199 = arith.index_cast %scan3A_173 : i32 to index
        %get3A_200 = arith.constant 16 : index
        %get3A_201 = tpu.vector_load %arg14[%get3A_199, %get3A_200] {strides = array<i32>} : memref<128x128xf32, #tpu.memory_space<vmem>>, vector<1x16xf32>,
        %get3A_202 = vector.shape_cast %get3A_201 : vector<1x16xf32> to vector<16xf32>
        %add3A_203 = arith.addf %get3A_198, %get3A_202 : vector<16xf32>
        %get3A_204 = arith.index_cast %scan3A_173 : i32 to index
        %get3A_205 = arith.constant 16 : index
        %get3A_206 = tpu.vector_load %arg15[%get3A_204, %get3A_205] {strides = array<i32>} : memref<128x128xf32, #tpu.memory_space<vmem>>, vector<1x16xf32>,
        %get3A_207 = vector.shape_cast %get3A_206 : vector<1x16xf32> to vector<16xf32>
        %add3A_208 = arith.addf %add3A_203, %get3A_207 : vector<16xf32>
        %max3A_209 = arith.constant 0.000000e+00 : f32
        %max3A_210 = vector.broadcast %max3A_209 : f32 to vector<16xf32>
        %max3A_211 = arith.maximumf %add3A_208, %max3A_210 : vector<16xf32>
        %swap3A_212 = arith.index_cast %scan3A_173 : i32 to index
        %swap3A_213 = arith.constant 16 : index
        %swap3A_214 = tpu.vector_load %arg13[%swap3A_212, %swap3A_213] {strides = array<i32>} : memref<128x128xf32, #tpu.memory_space<vmem>>, vector<1x16xf32>,
        %swap3A_215 = vector.shape_cast %swap3A_214 : vector<1x16xf32> to vector<16xf32>
        %swap3A_216 = vector.shape_cast %max3A_211 : vector<16xf32> to vector<1x16xf32>
        tpu.vector_store %arg13[%swap3A_212, %swap3A_213], %swap3A_216 {strides = array<i32>} : memref<128x128xf32, #tpu.memory_space<vmem>>, vector<1x16xf32>,
        %get3A_217 = arith.index_cast %scan3A_173 : i32 to index
        %get3A_218 = arith.constant 32 : index
        %get3A_219 = tpu.vector_load %arg13[%get3A_217, %get3A_218] {strides = array<i32>} : memref<128x128xf32, #tpu.memory_space<vmem>>, vector<1x16xf32>,
        %get3A_220 = vector.shape_cast %get3A_219 : vector<1x16xf32> to vector<16xf32>
        %get3A_221 = arith.index_cast %scan3A_173 : i32 to index
        %get3A_222 = arith.constant 32 : index
        %get3A_223 = tpu.vector_load %arg14[%get3A_221, %get3A_222] {strides = array<i32>} : memref<128x128xf32, #tpu.memory_space<vmem>>, vector<1x16xf32>,
        %get3A_224 = vector.shape_cast %get3A_223 : vector<1x16xf32> to vector<16xf32>
        %add3A_225 = arith.addf %get3A_220, %get3A_224 : vector<16xf32>
        %get3A_226 = arith.index_cast %scan3A_173 : i32 to index
        %get3A_227 = arith.constant 32 : index
        %get3A_228 = tpu.vector_load %arg15[%get3A_226, %get3A_227] {strides = array<i32>} : memref<128x128xf32, #tpu.memory_space<vmem>>, vector<1x16xf32>,
        %get3A_229 = vector.shape_cast %get3A_228 : vector<1x16xf32> to vector<16xf32>
        %add3A_230 = arith.addf %add3A_225, %get3A_229 : vector<16xf32>
        %max3A_231 = arith.constant 0.000000e+00 : f32
        %max3A_232 = vector.broadcast %max3A_231 : f32 to vector<16xf32>
        %max3A_233 = arith.maximumf %add3A_230, %max3A_232 : vector<16xf32>
        %swap3A_234 = arith.index_cast %scan3A_173 : i32 to index
        %swap3A_235 = arith.constant 32 : index
        %swap3A_236 = tpu.vector_load %arg13[%swap3A_234, %swap3A_235] {strides = array<i32>} : memref<128x128xf32, #tpu.memory_space<vmem>>, vector<1x16xf32>,
        %swap3A_237 = vector.shape_cast %swap3A_236 : vector<1x16xf32> to vector<16xf32>
        %swap3A_238 = vector.shape_cast %max3A_233 : vector<16xf32> to vector<1x16xf32>
        tpu.vector_store %arg13[%swap3A_234, %swap3A_235], %swap3A_238 {strides = array<i32>} : memref<128x128xf32, #tpu.memory_space<vmem>>, vector<1x16xf32>,
        %get3A_239 = arith.index_cast %scan3A_173 : i32 to index
        %get3A_240 = arith.constant 48 : index
        %get3A_241 = tpu.vector_load %arg13[%get3A_239, %get3A_240] {strides = array<i32>} : memref<128x128xf32, #tpu.memory_space<vmem>>, vector<1x16xf32>,
        %get3A_242 = vector.shape_cast %get3A_241 : vector<1x16xf32> to vector<16xf32>
        %get3A_243 = arith.index_cast %scan3A_173 : i32 to index
        %get3A_244 = arith.constant 48 : index
        %get3A_245 = tpu.vector_load %arg14[%get3A_243, %get3A_244] {strides = array<i32>} : memref<128x128xf32, #tpu.memory_space<vmem>>, vector<1x16xf32>,
        %get3A_246 = vector.shape_cast %get3A_245 : vector<1x16xf32> to vector<16xf32>
        %add3A_247 = arith.addf %get3A_242, %get3A_246 : vector<16xf32>
        %get3A_248 = arith.index_cast %scan3A_173 : i32 to index
        %get3A_249 = arith.constant 48 : index
        %get3A_250 = tpu.vector_load %arg15[%get3A_248, %get3A_249] {strides = array<i32>} : memref<128x128xf32, #tpu.memory_space<vmem>>, vector<1x16xf32>,
        %get3A_251 = vector.shape_cast %get3A_250 : vector<1x16xf32> to vector<16xf32>
        %add3A_252 = arith.addf %add3A_247, %get3A_251 : vector<16xf32>
        %max3A_253 = arith.constant 0.000000e+00 : f32
        %max3A_254 = vector.broadcast %max3A_253 : f32 to vector<16xf32>
        %max3A_255 = arith.maximumf %add3A_252, %max3A_254 : vector<16xf32>
        %swap3A_256 = arith.index_cast %scan3A_173 : i32 to index
        %swap3A_257 = arith.constant 48 : index
        %swap3A_258 = tpu.vector_load %arg13[%swap3A_256, %swap3A_257] {strides = array<i32>} : memref<128x128xf32, #tpu.memory_space<vmem>>, vector<1x16xf32>,
        %swap3A_259 = vector.shape_cast %swap3A_258 : vector<1x16xf32> to vector<16xf32>
        %swap3A_260 = vector.shape_cast %max3A_255 : vector<16xf32> to vector<1x16xf32>
        tpu.vector_store %arg13[%swap3A_256, %swap3A_257], %swap3A_260 {strides = array<i32>} : memref<128x128xf32, #tpu.memory_space<vmem>>, vector<1x16xf32>,
        %get3A_261 = arith.index_cast %scan3A_173 : i32 to index
        %get3A_262 = arith.constant 64 : index
        %get3A_263 = tpu.vector_load %arg13[%get3A_261, %get3A_262] {strides = array<i32>} : memref<128x128xf32, #tpu.memory_space<vmem>>, vector<1x16xf32>,
        %get3A_264 = vector.shape_cast %get3A_263 : vector<1x16xf32> to vector<16xf32>
        %get3A_265 = arith.index_cast %scan3A_173 : i32 to index
        %get3A_266 = arith.constant 64 : index
        %get3A_267 = tpu.vector_load %arg14[%get3A_265, %get3A_266] {strides = array<i32>} : memref<128x128xf32, #tpu.memory_space<vmem>>, vector<1x16xf32>,
        %get3A_268 = vector.shape_cast %get3A_267 : vector<1x16xf32> to vector<16xf32>
        %add3A_269 = arith.addf %get3A_264, %get3A_268 : vector<16xf32>
        %get3A_270 = arith.index_cast %scan3A_173 : i32 to index
        %get3A_271 = arith.constant 64 : index
        %get3A_272 = tpu.vector_load %arg15[%get3A_270, %get3A_271] {strides = array<i32>} : memref<128x128xf32, #tpu.memory_space<vmem>>, vector<1x16xf32>,
        %get3A_273 = vector.shape_cast %get3A_272 : vector<1x16xf32> to vector<16xf32>
        %add3A_274 = arith.addf %add3A_269, %get3A_273 : vector<16xf32>
        %max3A_275 = arith.constant 0.000000e+00 : f32
        %max3A_276 = vector.broadcast %max3A_275 : f32 to vector<16xf32>
        %max3A_277 = arith.maximumf %add3A_274, %max3A_276 : vector<16xf32>
        %swap3A_278 = arith.index_cast %scan3A_173 : i32 to index
        %swap3A_279 = arith.constant 64 : index
        %swap3A_280 = tpu.vector_load %arg13[%swap3A_278, %swap3A_279] {strides = array<i32>} : memref<128x128xf32, #tpu.memory_space<vmem>>, vector<1x16xf32>,
        %swap3A_281 = vector.shape_cast %swap3A_280 : vector<1x16xf32> to vector<16xf32>
        %swap3A_282 = vector.shape_cast %max3A_277 : vector<16xf32> to vector<1x16xf32>
        tpu.vector_store %arg13[%swap3A_278, %swap3A_279], %swap3A_282 {strides = array<i32>} : memref<128x128xf32, #tpu.memory_space<vmem>>, vector<1x16xf32>,
        %get3A_283 = arith.index_cast %scan3A_173 : i32 to index
        %get3A_284 = arith.constant 80 : index
        %get3A_285 = tpu.vector_load %arg13[%get3A_283, %get3A_284] {strides = array<i32>} : memref<128x128xf32, #tpu.memory_space<vmem>>, vector<1x16xf32>,
        %get3A_286 = vector.shape_cast %get3A_285 : vector<1x16xf32> to vector<16xf32>
        %get3A_287 = arith.index_cast %scan3A_173 : i32 to index
        %get3A_288 = arith.constant 80 : index
        %get3A_289 = tpu.vector_load %arg14[%get3A_287, %get3A_288] {strides = array<i32>} : memref<128x128xf32, #tpu.memory_space<vmem>>, vector<1x16xf32>,
        %get3A_290 = vector.shape_cast %get3A_289 : vector<1x16xf32> to vector<16xf32>
        %add3A_291 = arith.addf %get3A_286, %get3A_290 : vector<16xf32>
        %get3A_292 = arith.index_cast %scan3A_173 : i32 to index
        %get3A_293 = arith.constant 80 : index
        %get3A_294 = tpu.vector_load %arg15[%get3A_292, %get3A_293] {strides = array<i32>} : memref<128x128xf32, #tpu.memory_space<vmem>>, vector<1x16xf32>,
        %get3A_295 = vector.shape_cast %get3A_294 : vector<1x16xf32> to vector<16xf32>
        %add3A_296 = arith.addf %add3A_291, %get3A_295 : vector<16xf32>
        %max3A_297 = arith.constant 0.000000e+00 : f32
        %max3A_298 = vector.broadcast %max3A_297 : f32 to vector<16xf32>
        %max3A_299 = arith.maximumf %add3A_296, %max3A_298 : vector<16xf32>
        %swap3A_300 = arith.index_cast %scan3A_173 : i32 to index
        %swap3A_301 = arith.constant 80 : index
        %swap3A_302 = tpu.vector_load %arg13[%swap3A_300, %swap3A_301] {strides = array<i32>} : memref<128x128xf32, #tpu.memory_space<vmem>>, vector<1x16xf32>,
        %swap3A_303 = vector.shape_cast %swap3A_302 : vector<1x16xf32> to vector<16xf32>
        %swap3A_304 = vector.shape_cast %max3A_299 : vector<16xf32> to vector<1x16xf32>
        tpu.vector_store %arg13[%swap3A_300, %swap3A_301], %swap3A_304 {strides = array<i32>} : memref<128x128xf32, #tpu.memory_space<vmem>>, vector<1x16xf32>,
        %get3A_305 = arith.index_cast %scan3A_173 : i32 to index
        %get3A_306 = arith.constant 96 : index
        %get3A_307 = tpu.vector_load %arg13[%get3A_305, %get3A_306] {strides = array<i32>} : memref<128x128xf32, #tpu.memory_space<vmem>>, vector<1x16xf32>,
        %get3A_308 = vector.shape_cast %get3A_307 : vector<1x16xf32> to vector<16xf32>
        %get3A_309 = arith.index_cast %scan3A_173 : i32 to index
        %get3A_310 = arith.constant 96 : index
        %get3A_311 = tpu.vector_load %arg14[%get3A_309, %get3A_310] {strides = array<i32>} : memref<128x128xf32, #tpu.memory_space<vmem>>, vector<1x16xf32>,
        %get3A_312 = vector.shape_cast %get3A_311 : vector<1x16xf32> to vector<16xf32>
        %add3A_313 = arith.addf %get3A_308, %get3A_312 : vector<16xf32>
        %get3A_314 = arith.index_cast %scan3A_173 : i32 to index
        %get3A_315 = arith.constant 96 : index
        %get3A_316 = tpu.vector_load %arg15[%get3A_314, %get3A_315] {strides = array<i32>} : memref<128x128xf32, #tpu.memory_space<vmem>>, vector<1x16xf32>,
        %get3A_317 = vector.shape_cast %get3A_316 : vector<1x16xf32> to vector<16xf32>
        %add3A_318 = arith.addf %add3A_313, %get3A_317 : vector<16xf32>
        %max3A_319 = arith.constant 0.000000e+00 : f32
        %max3A_320 = vector.broadcast %max3A_319 : f32 to vector<16xf32>
        %max3A_321 = arith.maximumf %add3A_318, %max3A_320 : vector<16xf32>
        %swap3A_322 = arith.index_cast %scan3A_173 : i32 to index
        %swap3A_323 = arith.constant 96 : index
        %swap3A_324 = tpu.vector_load %arg13[%swap3A_322, %swap3A_323] {strides = array<i32>} : memref<128x128xf32, #tpu.memory_space<vmem>>, vector<1x16xf32>,
        %swap3A_325 = vector.shape_cast %swap3A_324 : vector<1x16xf32> to vector<16xf32>
        %swap3A_326 = vector.shape_cast %max3A_321 : vector<16xf32> to vector<1x16xf32>
        tpu.vector_store %arg13[%swap3A_322, %swap3A_323], %swap3A_326 {strides = array<i32>} : memref<128x128xf32, #tpu.memory_space<vmem>>, vector<1x16xf32>,
        %get3A_327 = arith.index_cast %scan3A_173 : i32 to index
        %get3A_328 = arith.constant 112 : index
        %get3A_329 = tpu.vector_load %arg13[%get3A_327, %get3A_328] {strides = array<i32>} : memref<128x128xf32, #tpu.memory_space<vmem>>, vector<1x16xf32>,
        %get3A_330 = vector.shape_cast %get3A_329 : vector<1x16xf32> to vector<16xf32>
        %get3A_331 = arith.index_cast %scan3A_173 : i32 to index
        %get3A_332 = arith.constant 112 : index
        %get3A_333 = tpu.vector_load %arg14[%get3A_331, %get3A_332] {strides = array<i32>} : memref<128x128xf32, #tpu.memory_space<vmem>>, vector<1x16xf32>,
        %get3A_334 = vector.shape_cast %get3A_333 : vector<1x16xf32> to vector<16xf32>
        %add3A_335 = arith.addf %get3A_330, %get3A_334 : vector<16xf32>
        %get3A_336 = arith.index_cast %scan3A_173 : i32 to index
        %get3A_337 = arith.constant 112 : index
        %get3A_338 = tpu.vector_load %arg15[%get3A_336, %get3A_337] {strides = array<i32>} : memref<128x128xf32, #tpu.memory_space<vmem>>, vector<1x16xf32>,
        %get3A_339 = vector.shape_cast %get3A_338 : vector<1x16xf32> to vector<16xf32>
        %add3A_340 = arith.addf %add3A_335, %get3A_339 : vector<16xf32>
        %max3A_341 = arith.constant 0.000000e+00 : f32
        %max3A_342 = vector.broadcast %max3A_341 : f32 to vector<16xf32>
        %max3A_343 = arith.maximumf %add3A_340, %max3A_342 : vector<16xf32>
        %swap3A_344 = arith.index_cast %scan3A_173 : i32 to index
        %swap3A_345 = arith.constant 112 : index
        %swap3A_346 = tpu.vector_load %arg13[%swap3A_344, %swap3A_345] {strides = array<i32>} : memref<128x128xf32, #tpu.memory_space<vmem>>, vector<1x16xf32>,
        %swap3A_347 = vector.shape_cast %swap3A_346 : vector<1x16xf32> to vector<16xf32>
        %swap3A_348 = vector.shape_cast %max3A_343 : vector<16xf32> to vector<1x16xf32>
        tpu.vector_store %arg13[%swap3A_344, %swap3A_345], %swap3A_348 {strides = array<i32>} : memref<128x128xf32, #tpu.memory_space<vmem>>, vector<1x16xf32>,
      }
      %scan3A_68 = arith.constant 128 : i32
      %add3A_69 = arith.addi %mul3A_2, %scan3A_29 : i32
      %mul3A_70 = arith.constant 128 : i32
      %mul3A_71 = arith.muli %add3A_69, %mul3A_70 : i32
      "tpu.region"() ({
        %run_scoped3A_173 = tpu.sem_alloc : memref<!tpu.dma_semaphore, #tpu.memory_space<semaphore_mem>>
        %dma_start3A_174 = arith.constant 0 : i32
        %dma_start3A_175 = tpu.memref_slice %arg9[%mul3A_71, %dma_start3A_174] : memref<163840x128xf32, #tpu.memory_space<hbm>> -> memref<128x128xf32, #tpu.memory_space<hbm>>
        %dma_start3A_176 = arith.constant 0 : i32
        %dma_start3A_177 = tpu.memref_slice %arg9[%mul3A_71, %dma_start3A_176] : memref<163840x128xf32, #tpu.memory_space<hbm>> -> memref<128x128xf32, #tpu.memory_space<hbm>>
        tpu.enqueue_dma source(%arg13 : memref<128x128xf32, #tpu.memory_space<vmem>>) target(%dma_start3A_177 : memref<128x128xf32, #tpu.memory_space<hbm>>) target_semaphore(%run_scoped3A_173 : memref<!tpu.dma_semaphore, #tpu.memory_space<semaphore_mem>>)
        %dma_wait3A_178 = arith.constant 0 : i32
        %dma_wait3A_179 = tpu.memref_slice %arg9[%mul3A_71, %dma_wait3A_178] : memref<163840x128xf32, #tpu.memory_space<hbm>> -> memref<128x128xf32, #tpu.memory_space<hbm>>
        %dma_wait3A_180 = arith.constant 0 : i32
        %dma_wait3A_181 = tpu.memref_slice %arg9[%mul3A_71, %dma_wait3A_180] : memref<163840x128xf32, #tpu.memory_space<hbm>> -> memref<128x128xf32, #tpu.memory_space<hbm>>
        tpu.wait_dma2 semaphore(%run_scoped3A_173 : memref<!tpu.dma_semaphore, #tpu.memory_space<semaphore_mem>>) src(%arg13 : memref<128x128xf32, #tpu.memory_space<vmem>>) dst(%dma_wait3A_181 : memref<128x128xf32, #tpu.memory_space<hbm>>)
        tpu.yield
      }) : () -> ()
      %get3A = arith.index_cast %scan3A_29 : i32 to index
      %get3A_72 = arith.constant 0 : index
      %get3A_73 = tpu.vector_load %arg11[%get3A, %get3A_72] {strides = array<i32>} : memref<40x128xi32, #tpu.memory_space<vmem>>, vector<1x16xi32>,
      %get3A_74 = vector.shape_cast %get3A_73 : vector<1x16xi32> to vector<16xi32>
      %min3A = arith.constant 5120 : i32
      %min3A_75 = vector.broadcast %min3A : i32 to vector<16xi32>
      %min3A_76 = arith.minsi %get3A_74, %min3A_75 : vector<16xi32>
      %swap3A = arith.constant 0 : i32
      %swap3A_77 = arith.index_cast %swap3A : i32 to index
      %swap3A_78 = arith.constant 0 : index
      %swap3A_79 = tpu.vector_load %arg12[%swap3A_77, %swap3A_78] {strides = array<i32>} : memref<1x128xi32, #tpu.memory_space<vmem>>, vector<1x16xi32>,
      %swap3A_80 = vector.shape_cast %swap3A_79 : vector<1x16xi32> to vector<16xi32>
      %swap3A_81 = vector.shape_cast %min3A_76 : vector<16xi32> to vector<1x16xi32>
      tpu.vector_store %arg12[%swap3A_77, %swap3A_78], %swap3A_81 {strides = array<i32>} : memref<1x128xi32, #tpu.memory_space<vmem>>, vector<1x16xi32>,
      %get3A_82 = arith.index_cast %scan3A_29 : i32 to index
      %get3A_83 = arith.constant 16 : index
      %get3A_84 = tpu.vector_load %arg11[%get3A_82, %get3A_83] {strides = array<i32>} : memref<40x128xi32, #tpu.memory_space<vmem>>, vector<1x16xi32>,
      %get3A_85 = vector.shape_cast %get3A_84 : vector<1x16xi32> to vector<16xi32>
      %min3A_86 = arith.constant 5120 : i32
      %min3A_87 = vector.broadcast %min3A_86 : i32 to vector<16xi32>
      %min3A_88 = arith.minsi %get3A_85, %min3A_87 : vector<16xi32>
      %swap3A_89 = arith.constant 0 : i32
      %swap3A_90 = arith.index_cast %swap3A_89 : i32 to index
      %swap3A_91 = arith.constant 16 : index
      %swap3A_92 = tpu.vector_load %arg12[%swap3A_90, %swap3A_91] {strides = array<i32>} : memref<1x128xi32, #tpu.memory_space<vmem>>, vector<1x16xi32>,
      %swap3A_93 = vector.shape_cast %swap3A_92 : vector<1x16xi32> to vector<16xi32>
      %swap3A_94 = vector.shape_cast %min3A_88 : vector<16xi32> to vector<1x16xi32>
      tpu.vector_store %arg12[%swap3A_90, %swap3A_91], %swap3A_94 {strides = array<i32>} : memref<1x128xi32, #tpu.memory_space<vmem>>, vector<1x16xi32>,
      %get3A_95 = arith.index_cast %scan3A_29 : i32 to index
      %get3A_96 = arith.constant 32 : index
      %get3A_97 = tpu.vector_load %arg11[%get3A_95, %get3A_96] {strides = array<i32>} : memref<40x128xi32, #tpu.memory_space<vmem>>, vector<1x16xi32>,
      %get3A_98 = vector.shape_cast %get3A_97 : vector<1x16xi32> to vector<16xi32>
      %min3A_99 = arith.constant 5120 : i32
      %min3A_100 = vector.broadcast %min3A_99 : i32 to vector<16xi32>
      %min3A_101 = arith.minsi %get3A_98, %min3A_100 : vector<16xi32>
      %swap3A_102 = arith.constant 0 : i32
      %swap3A_103 = arith.index_cast %swap3A_102 : i32 to index
      %swap3A_104 = arith.constant 32 : index
      %swap3A_105 = tpu.vector_load %arg12[%swap3A_103, %swap3A_104] {strides = array<i32>} : memref<1x128xi32, #tpu.memory_space<vmem>>, vector<1x16xi32>,
      %swap3A_106 = vector.shape_cast %swap3A_105 : vector<1x16xi32> to vector<16xi32>
      %swap3A_107 = vector.shape_cast %min3A_101 : vector<16xi32> to vector<1x16xi32>
      tpu.vector_store %arg12[%swap3A_103, %swap3A_104], %swap3A_107 {strides = array<i32>} : memref<1x128xi32, #tpu.memory_space<vmem>>, vector<1x16xi32>,
      %get3A_108 = arith.index_cast %scan3A_29 : i32 to index
      %get3A_109 = arith.constant 48 : index
      %get3A_110 = tpu.vector_load %arg11[%get3A_108, %get3A_109] {strides = array<i32>} : memref<40x128xi32, #tpu.memory_space<vmem>>, vector<1x16xi32>,
      %get3A_111 = vector.shape_cast %get3A_110 : vector<1x16xi32> to vector<16xi32>
      %min3A_112 = arith.constant 5120 : i32
      %min3A_113 = vector.broadcast %min3A_112 : i32 to vector<16xi32>
      %min3A_114 = arith.minsi %get3A_111, %min3A_113 : vector<16xi32>
      %swap3A_115 = arith.constant 0 : i32
      %swap3A_116 = arith.index_cast %swap3A_115 : i32 to index
      %swap3A_117 = arith.constant 48 : index
      %swap3A_118 = tpu.vector_load %arg12[%swap3A_116, %swap3A_117] {strides = array<i32>} : memref<1x128xi32, #tpu.memory_space<vmem>>, vector<1x16xi32>,
      %swap3A_119 = vector.shape_cast %swap3A_118 : vector<1x16xi32> to vector<16xi32>
      %swap3A_120 = vector.shape_cast %min3A_114 : vector<16xi32> to vector<1x16xi32>
      tpu.vector_store %arg12[%swap3A_116, %swap3A_117], %swap3A_120 {strides = array<i32>} : memref<1x128xi32, #tpu.memory_space<vmem>>, vector<1x16xi32>,
      %get3A_121 = arith.index_cast %scan3A_29 : i32 to index
      %get3A_122 = arith.constant 64 : index
      %get3A_123 = tpu.vector_load %arg11[%get3A_121, %get3A_122] {strides = array<i32>} : memref<40x128xi32, #tpu.memory_space<vmem>>, vector<1x16xi32>,
      %get3A_124 = vector.shape_cast %get3A_123 : vector<1x16xi32> to vector<16xi32>
      %min3A_125 = arith.constant 5120 : i32
      %min3A_126 = vector.broadcast %min3A_125 : i32 to vector<16xi32>
      %min3A_127 = arith.minsi %get3A_124, %min3A_126 : vector<16xi32>
      %swap3A_128 = arith.constant 0 : i32
      %swap3A_129 = arith.index_cast %swap3A_128 : i32 to index
      %swap3A_130 = arith.constant 64 : index
      %swap3A_131 = tpu.vector_load %arg12[%swap3A_129, %swap3A_130] {strides = array<i32>} : memref<1x128xi32, #tpu.memory_space<vmem>>, vector<1x16xi32>,
      %swap3A_132 = vector.shape_cast %swap3A_131 : vector<1x16xi32> to vector<16xi32>
      %swap3A_133 = vector.shape_cast %min3A_127 : vector<16xi32> to vector<1x16xi32>
      tpu.vector_store %arg12[%swap3A_129, %swap3A_130], %swap3A_133 {strides = array<i32>} : memref<1x128xi32, #tpu.memory_space<vmem>>, vector<1x16xi32>,
      %get3A_134 = arith.index_cast %scan3A_29 : i32 to index
      %get3A_135 = arith.constant 80 : index
      %get3A_136 = tpu.vector_load %arg11[%get3A_134, %get3A_135] {strides = array<i32>} : memref<40x128xi32, #tpu.memory_space<vmem>>, vector<1x16xi32>,
      %get3A_137 = vector.shape_cast %get3A_136 : vector<1x16xi32> to vector<16xi32>
      %min3A_138 = arith.constant 5120 : i32
      %min3A_139 = vector.broadcast %min3A_138 : i32 to vector<16xi32>
      %min3A_140 = arith.minsi %get3A_137, %min3A_139 : vector<16xi32>
      %swap3A_141 = arith.constant 0 : i32
      %swap3A_142 = arith.index_cast %swap3A_141 : i32 to index
      %swap3A_143 = arith.constant 80 : index
      %swap3A_144 = tpu.vector_load %arg12[%swap3A_142, %swap3A_143] {strides = array<i32>} : memref<1x128xi32, #tpu.memory_space<vmem>>, vector<1x16xi32>,
      %swap3A_145 = vector.shape_cast %swap3A_144 : vector<1x16xi32> to vector<16xi32>
      %swap3A_146 = vector.shape_cast %min3A_140 : vector<16xi32> to vector<1x16xi32>
      tpu.vector_store %arg12[%swap3A_142, %swap3A_143], %swap3A_146 {strides = array<i32>} : memref<1x128xi32, #tpu.memory_space<vmem>>, vector<1x16xi32>,
      %get3A_147 = arith.index_cast %scan3A_29 : i32 to index
      %get3A_148 = arith.constant 96 : index
      %get3A_149 = tpu.vector_load %arg11[%get3A_147, %get3A_148] {strides = array<i32>} : memref<40x128xi32, #tpu.memory_space<vmem>>, vector<1x16xi32>,
      %get3A_150 = vector.shape_cast %get3A_149 : vector<1x16xi32> to vector<16xi32>
      %min3A_151 = arith.constant 5120 : i32
      %min3A_152 = vector.broadcast %min3A_151 : i32 to vector<16xi32>
      %min3A_153 = arith.minsi %get3A_150, %min3A_152 : vector<16xi32>
      %swap3A_154 = arith.constant 0 : i32
      %swap3A_155 = arith.index_cast %swap3A_154 : i32 to index
      %swap3A_156 = arith.constant 96 : index
      %swap3A_157 = tpu.vector_load %arg12[%swap3A_155, %swap3A_156] {strides = array<i32>} : memref<1x128xi32, #tpu.memory_space<vmem>>, vector<1x16xi32>,
      %swap3A_158 = vector.shape_cast %swap3A_157 : vector<1x16xi32> to vector<16xi32>
      %swap3A_159 = vector.shape_cast %min3A_153 : vector<16xi32> to vector<1x16xi32>
      tpu.vector_store %arg12[%swap3A_155, %swap3A_156], %swap3A_159 {strides = array<i32>} : memref<1x128xi32, #tpu.memory_space<vmem>>, vector<1x16xi32>,
      %get3A_160 = arith.index_cast %scan3A_29 : i32 to index
      %get3A_161 = arith.constant 112 : index
      %get3A_162 = tpu.vector_load %arg11[%get3A_160, %get3A_161] {strides = array<i32>} : memref<40x128xi32, #tpu.memory_space<vmem>>, vector<1x16xi32>,
      %get3A_163 = vector.shape_cast %get3A_162 : vector<1x16xi32> to vector<16xi32>
      %min3A_164 = arith.constant 5120 : i32
      %min3A_165 = vector.broadcast %min3A_164 : i32 to vector<16xi32>
      %min3A_166 = arith.minsi %get3A_163, %min3A_165 : vector<16xi32>
      %swap3A_167 = arith.constant 0 : i32
      %swap3A_168 = arith.index_cast %swap3A_167 : i32 to index
      %swap3A_169 = arith.constant 112 : index
      %swap3A_170 = tpu.vector_load %arg12[%swap3A_168, %swap3A_169] {strides = array<i32>} : memref<1x128xi32, #tpu.memory_space<vmem>>, vector<1x16xi32>,
      %swap3A_171 = vector.shape_cast %swap3A_170 : vector<1x16xi32> to vector<16xi32>
      %swap3A_172 = vector.shape_cast %min3A_166 : vector<16xi32> to vector<1x16xi32>
      tpu.vector_store %arg12[%swap3A_168, %swap3A_169], %swap3A_172 {strides = array<i32>} : memref<1x128xi32, #tpu.memory_space<vmem>>, vector<1x16xi32>,
      %run_scoped3A = arith.constant 0 : i32
      "tpu.region"() ({
        %run_scoped3A_173 = tpu.sem_alloc : memref<!tpu.dma_semaphore, #tpu.memory_space<semaphore_mem>>
        %dma_start3A_174 = arith.constant 0 : i32
        %dma_start3A_175 = tpu.memref_slice %arg12[%run_scoped3A, %dma_start3A_174] : memref<1x128xi32, #tpu.memory_space<vmem>> -> memref<1x128xi32, #tpu.memory_space<vmem>>
        %dma_start3A_176 = tpu.memref_squeeze %dma_start3A_175 : memref<1x128xi32, #tpu.memory_space<vmem>> -> memref<128xi32, #tpu.memory_space<vmem>>
        %dma_start3A_177 = arith.constant 0 : i32
        %dma_start3A_178 = arith.constant 0 : i32
        %dma_start3A_179 = tpu.memref_slice %arg16[%dma_start3A_177, %dma_start3A_178] : memref<5248x128xf32, #tpu.memory_space<vmem_shared>> -> memref<5248x128xf32, #tpu.memory_space<vmem_shared>>
        tpu.enqueue_indirect_dma source(%arg13 : memref<128x128xf32, #tpu.memory_space<vmem>>) target(%dma_start3A_179 : memref<5248x128xf32, #tpu.memory_space<vmem_shared>>) offsets(%dma_start3A_176 : memref<128xi32, #tpu.memory_space<vmem>>) semaphore(%run_scoped3A_173 : memref<!tpu.dma_semaphore, #tpu.memory_space<semaphore_mem>>) {add = true}
        %dma_wait3A_180 = arith.constant 0 : i32
        %dma_wait3A_181 = tpu.memref_slice %arg12[%run_scoped3A, %dma_wait3A_180] : memref<1x128xi32, #tpu.memory_space<vmem>> -> memref<1x128xi32, #tpu.memory_space<vmem>>
        %dma_wait3A_182 = tpu.memref_squeeze %dma_wait3A_181 : memref<1x128xi32, #tpu.memory_space<vmem>> -> memref<128xi32, #tpu.memory_space<vmem>>
        %dma_wait3A_183 = arith.constant 0 : i32
        %dma_wait3A_184 = arith.constant 0 : i32
        %dma_wait3A_185 = tpu.memref_slice %arg16[%dma_wait3A_183, %dma_wait3A_184] : memref<5248x128xf32, #tpu.memory_space<vmem_shared>> -> memref<5248x128xf32, #tpu.memory_space<vmem_shared>>
        tpu.wait_indirect_dma semaphore(%run_scoped3A_173 : memref<!tpu.dma_semaphore, #tpu.memory_space<semaphore_mem>>) src(%arg13 : memref<128x128xf32, #tpu.memory_space<vmem>>) dst(%dma_wait3A_185 : memref<5248x128xf32, #tpu.memory_space<vmem_shared>>)
        tpu.yield
      }) : () -> ()
    }
    %scan3A_9 = arith.constant 40 : i32
    %barrier3A_10 = arith.constant 0 : index
    tpu.barrier barrier_id(%barrier3A_10)
    %eq3A_11 = arith.constant 0 : i32
    %eq3A_12 = arith.cmpi eq, %arg1, %eq3A_11 : i32
    %convert_element_type3A_13 = arith.extui %eq3A_12 : i1 to i32
    %cond3A_14 = arith.constant 0 : i32
    %cond3A_15 = arith.cmpi ne, %convert_element_type3A_13, %cond3A_14 : i32
    scf.if %cond3A_15 {
      %run_scoped3A = arith.constant 0 : i32
      "tpu.region"() ({
        %run_scoped3A_29 = tpu.sem_alloc : memref<!tpu.dma_semaphore, #tpu.memory_space<semaphore_mem>>
        %dma_start3A = arith.constant 0 : i32
        %dma_start3A_30 = arith.constant 0 : i32
        %dma_start3A_31 = tpu.memref_slice %arg8[%arg0, %run_scoped3A, %dma_start3A, %dma_start3A_30] : memref<2x2x5120x128xf32, #tpu.memory_space<hbm>> -> memref<1x1x5120x128xf32, #tpu.memory_space<hbm>>
        %dma_start3A_32 = tpu.memref_squeeze %dma_start3A_31 : memref<1x1x5120x128xf32, #tpu.memory_space<hbm>> -> memref<5120x128xf32, #tpu.memory_space<hbm>>
        %dma_start3A_33 = arith.constant 0 : i32
        %dma_start3A_34 = arith.constant 0 : i32
        %dma_start3A_35 = tpu.memref_slice %arg16[%dma_start3A_33, %dma_start3A_34] : memref<5248x128xf32, #tpu.memory_space<vmem_shared>> -> memref<5120x128xf32, #tpu.memory_space<vmem_shared>>
        tpu.enqueue_dma source(%dma_start3A_35 : memref<5120x128xf32, #tpu.memory_space<vmem_shared>>) target(%dma_start3A_32 : memref<5120x128xf32, #tpu.memory_space<hbm>>) target_semaphore(%run_scoped3A_29 : memref<!tpu.dma_semaphore, #tpu.memory_space<semaphore_mem>>)
        %dma_wait3A = arith.constant 0 : i32
        %dma_wait3A_36 = arith.constant 0 : i32
        %dma_wait3A_37 = tpu.memref_slice %arg8[%arg0, %run_scoped3A, %dma_wait3A, %dma_wait3A_36] : memref<2x2x5120x128xf32, #tpu.memory_space<hbm>> -> memref<1x1x5120x128xf32, #tpu.memory_space<hbm>>
        %dma_wait3A_38 = tpu.memref_squeeze %dma_wait3A_37 : memref<1x1x5120x128xf32, #tpu.memory_space<hbm>> -> memref<5120x128xf32, #tpu.memory_space<hbm>>
        %dma_wait3A_39 = arith.constant 0 : i32
        %dma_wait3A_40 = arith.constant 0 : i32
        %dma_wait3A_41 = tpu.memref_slice %arg16[%dma_wait3A_39, %dma_wait3A_40] : memref<5248x128xf32, #tpu.memory_space<vmem_shared>> -> memref<5120x128xf32, #tpu.memory_space<vmem_shared>>
        tpu.wait_dma2 semaphore(%run_scoped3A_29 : memref<!tpu.dma_semaphore, #tpu.memory_space<semaphore_mem>>) src(%dma_wait3A_41 : memref<5120x128xf32, #tpu.memory_space<vmem_shared>>) dst(%dma_wait3A_38 : memref<5120x128xf32, #tpu.memory_space<hbm>>)
        tpu.yield
      }) : () -> ()
      "tpu.region"() ({
        %run_scoped3A_29 = tpu.sem_alloc : memref<!tpu.dma_semaphore, #tpu.memory_space<semaphore_mem>>
        tpu.enqueue_dma source(%arg7 : memref<5248x128xf32, #tpu.memory_space<hbm>>) target(%arg16 : memref<5248x128xf32, #tpu.memory_space<vmem_shared>>) target_semaphore(%run_scoped3A_29 : memref<!tpu.dma_semaphore, #tpu.memory_space<semaphore_mem>>)
        tpu.wait_dma2 semaphore(%run_scoped3A_29 : memref<!tpu.dma_semaphore, #tpu.memory_space<semaphore_mem>>) src(%arg7 : memref<5248x128xf32, #tpu.memory_space<hbm>>) dst(%arg16 : memref<5248x128xf32, #tpu.memory_space<vmem_shared>>)
        tpu.yield
      }) : () -> ()
    } else {
    }
    %barrier3A_16 = arith.constant 0 : index
    tpu.barrier barrier_id(%barrier3A_16)
    %scan3A_17 = arith.constant 0 : i32
    %scan3A_18 = arith.constant 0 : i32
    %scan3A_19 = arith.constant 40 : i32
    %scan3A_20 = arith.addi %scan3A_18, %scan3A_19 : i32
    %scan3A_21 = arith.constant 1 : i32
    scf.for %scan3A_29 = %scan3A_18 to %scan3A_20 step %scan3A_21  : i32 {
      %add3A_30 = arith.addi %mul3A_2, %scan3A_29 : i32
      %mul3A_31 = arith.constant 128 : i32
      %mul3A_32 = arith.muli %add3A_30, %mul3A_31 : i32
      "tpu.region"() ({
        %run_scoped3A_178 = tpu.sem_alloc : memref<!tpu.dma_semaphore, #tpu.memory_space<semaphore_mem>>
        %dma_start3A = arith.constant 0 : i32
        %dma_start3A_179 = tpu.memref_slice %arg9[%mul3A_32, %dma_start3A] : memref<163840x128xf32, #tpu.memory_space<hbm>> -> memref<128x128xf32, #tpu.memory_space<hbm>>
        %dma_start3A_180 = arith.constant 0 : i32
        %dma_start3A_181 = tpu.memref_slice %arg9[%mul3A_32, %dma_start3A_180] : memref<163840x128xf32, #tpu.memory_space<hbm>> -> memref<128x128xf32, #tpu.memory_space<hbm>>
        tpu.enqueue_dma source(%dma_start3A_181 : memref<128x128xf32, #tpu.memory_space<hbm>>) target(%arg13 : memref<128x128xf32, #tpu.memory_space<vmem>>) target_semaphore(%run_scoped3A_178 : memref<!tpu.dma_semaphore, #tpu.memory_space<semaphore_mem>>)
        %dma_wait3A = arith.constant 0 : i32
        %dma_wait3A_182 = tpu.memref_slice %arg9[%mul3A_32, %dma_wait3A] : memref<163840x128xf32, #tpu.memory_space<hbm>> -> memref<128x128xf32, #tpu.memory_space<hbm>>
        %dma_wait3A_183 = arith.constant 0 : i32
        %dma_wait3A_184 = tpu.memref_slice %arg9[%mul3A_32, %dma_wait3A_183] : memref<163840x128xf32, #tpu.memory_space<hbm>> -> memref<128x128xf32, #tpu.memory_space<hbm>>
        tpu.wait_dma2 semaphore(%run_scoped3A_178 : memref<!tpu.dma_semaphore, #tpu.memory_space<semaphore_mem>>) src(%dma_wait3A_184 : memref<128x128xf32, #tpu.memory_space<hbm>>) dst(%arg13 : memref<128x128xf32, #tpu.memory_space<vmem>>)
        tpu.yield
      }) : () -> ()
      %get3A = arith.index_cast %scan3A_29 : i32 to index
      %get3A_33 = arith.constant 0 : index
      %get3A_34 = tpu.vector_load %arg11[%get3A, %get3A_33] {strides = array<i32>} : memref<40x128xi32, #tpu.memory_space<vmem>>, vector<1x16xi32>,
      %get3A_35 = vector.shape_cast %get3A_34 : vector<1x16xi32> to vector<16xi32>
      %lt3A = arith.constant 5120 : i32
      %lt3A_36 = vector.broadcast %lt3A : i32 to vector<16xi32>
      %lt3A_37 = arith.cmpi slt, %get3A_35, %lt3A_36 : vector<16xi32>
      %sub3A = arith.constant 5120 : i32
      %sub3A_38 = vector.broadcast %sub3A : i32 to vector<16xi32>
      %sub3A_39 = arith.subi %get3A_35, %sub3A_38 : vector<16xi32>
      %jit3A = arith.constant 5120 : i32
      %broadcast_in_dim3A = vector.broadcast %jit3A : i32 to vector<16xi32>
      %select_n3A = arith.select %lt3A_37, %broadcast_in_dim3A, %sub3A_39 : vector<16xi1>, vector<16xi32>
      %swap3A = arith.constant 0 : i32
      %swap3A_40 = arith.index_cast %swap3A : i32 to index
      %swap3A_41 = arith.constant 0 : index
      %swap3A_42 = tpu.vector_load %arg12[%swap3A_40, %swap3A_41] {strides = array<i32>} : memref<1x128xi32, #tpu.memory_space<vmem>>, vector<1x16xi32>,
      %swap3A_43 = vector.shape_cast %swap3A_42 : vector<1x16xi32> to vector<16xi32>
      %swap3A_44 = vector.shape_cast %select_n3A : vector<16xi32> to vector<1x16xi32>
      tpu.vector_store %arg12[%swap3A_40, %swap3A_41], %swap3A_44 {strides = array<i32>} : memref<1x128xi32, #tpu.memory_space<vmem>>, vector<1x16xi32>,
      %get3A_45 = arith.index_cast %scan3A_29 : i32 to index
      %get3A_46 = arith.constant 16 : index
      %get3A_47 = tpu.vector_load %arg11[%get3A_45, %get3A_46] {strides = array<i32>} : memref<40x128xi32, #tpu.memory_space<vmem>>, vector<1x16xi32>,
      %get3A_48 = vector.shape_cast %get3A_47 : vector<1x16xi32> to vector<16xi32>
      %lt3A_49 = arith.constant 5120 : i32
      %lt3A_50 = vector.broadcast %lt3A_49 : i32 to vector<16xi32>
      %lt3A_51 = arith.cmpi slt, %get3A_48, %lt3A_50 : vector<16xi32>
      %sub3A_52 = arith.constant 5120 : i32
      %sub3A_53 = vector.broadcast %sub3A_52 : i32 to vector<16xi32>
      %sub3A_54 = arith.subi %get3A_48, %sub3A_53 : vector<16xi32>
      %jit3A_55 = arith.constant 5120 : i32
      %broadcast_in_dim3A_56 = vector.broadcast %jit3A_55 : i32 to vector<16xi32>
      %select_n3A_57 = arith.select %lt3A_51, %broadcast_in_dim3A_56, %sub3A_54 : vector<16xi1>, vector<16xi32>
      %swap3A_58 = arith.constant 0 : i32
      %swap3A_59 = arith.index_cast %swap3A_58 : i32 to index
      %swap3A_60 = arith.constant 16 : index
      %swap3A_61 = tpu.vector_load %arg12[%swap3A_59, %swap3A_60] {strides = array<i32>} : memref<1x128xi32, #tpu.memory_space<vmem>>, vector<1x16xi32>,
      %swap3A_62 = vector.shape_cast %swap3A_61 : vector<1x16xi32> to vector<16xi32>
      %swap3A_63 = vector.shape_cast %select_n3A_57 : vector<16xi32> to vector<1x16xi32>
      tpu.vector_store %arg12[%swap3A_59, %swap3A_60], %swap3A_63 {strides = array<i32>} : memref<1x128xi32, #tpu.memory_space<vmem>>, vector<1x16xi32>,
      %get3A_64 = arith.index_cast %scan3A_29 : i32 to index
      %get3A_65 = arith.constant 32 : index
      %get3A_66 = tpu.vector_load %arg11[%get3A_64, %get3A_65] {strides = array<i32>} : memref<40x128xi32, #tpu.memory_space<vmem>>, vector<1x16xi32>,
      %get3A_67 = vector.shape_cast %get3A_66 : vector<1x16xi32> to vector<16xi32>
      %lt3A_68 = arith.constant 5120 : i32
      %lt3A_69 = vector.broadcast %lt3A_68 : i32 to vector<16xi32>
      %lt3A_70 = arith.cmpi slt, %get3A_67, %lt3A_69 : vector<16xi32>
      %sub3A_71 = arith.constant 5120 : i32
      %sub3A_72 = vector.broadcast %sub3A_71 : i32 to vector<16xi32>
      %sub3A_73 = arith.subi %get3A_67, %sub3A_72 : vector<16xi32>
      %jit3A_74 = arith.constant 5120 : i32
      %broadcast_in_dim3A_75 = vector.broadcast %jit3A_74 : i32 to vector<16xi32>
      %select_n3A_76 = arith.select %lt3A_70, %broadcast_in_dim3A_75, %sub3A_73 : vector<16xi1>, vector<16xi32>
      %swap3A_77 = arith.constant 0 : i32
      %swap3A_78 = arith.index_cast %swap3A_77 : i32 to index
      %swap3A_79 = arith.constant 32 : index
      %swap3A_80 = tpu.vector_load %arg12[%swap3A_78, %swap3A_79] {strides = array<i32>} : memref<1x128xi32, #tpu.memory_space<vmem>>, vector<1x16xi32>,
      %swap3A_81 = vector.shape_cast %swap3A_80 : vector<1x16xi32> to vector<16xi32>
      %swap3A_82 = vector.shape_cast %select_n3A_76 : vector<16xi32> to vector<1x16xi32>
      tpu.vector_store %arg12[%swap3A_78, %swap3A_79], %swap3A_82 {strides = array<i32>} : memref<1x128xi32, #tpu.memory_space<vmem>>, vector<1x16xi32>,
      %get3A_83 = arith.index_cast %scan3A_29 : i32 to index
      %get3A_84 = arith.constant 48 : index
      %get3A_85 = tpu.vector_load %arg11[%get3A_83, %get3A_84] {strides = array<i32>} : memref<40x128xi32, #tpu.memory_space<vmem>>, vector<1x16xi32>,
      %get3A_86 = vector.shape_cast %get3A_85 : vector<1x16xi32> to vector<16xi32>
      %lt3A_87 = arith.constant 5120 : i32
      %lt3A_88 = vector.broadcast %lt3A_87 : i32 to vector<16xi32>
      %lt3A_89 = arith.cmpi slt, %get3A_86, %lt3A_88 : vector<16xi32>
      %sub3A_90 = arith.constant 5120 : i32
      %sub3A_91 = vector.broadcast %sub3A_90 : i32 to vector<16xi32>
      %sub3A_92 = arith.subi %get3A_86, %sub3A_91 : vector<16xi32>
      %jit3A_93 = arith.constant 5120 : i32
      %broadcast_in_dim3A_94 = vector.broadcast %jit3A_93 : i32 to vector<16xi32>
      %select_n3A_95 = arith.select %lt3A_89, %broadcast_in_dim3A_94, %sub3A_92 : vector<16xi1>, vector<16xi32>
      %swap3A_96 = arith.constant 0 : i32
      %swap3A_97 = arith.index_cast %swap3A_96 : i32 to index
      %swap3A_98 = arith.constant 48 : index
      %swap3A_99 = tpu.vector_load %arg12[%swap3A_97, %swap3A_98] {strides = array<i32>} : memref<1x128xi32, #tpu.memory_space<vmem>>, vector<1x16xi32>,
      %swap3A_100 = vector.shape_cast %swap3A_99 : vector<1x16xi32> to vector<16xi32>
      %swap3A_101 = vector.shape_cast %select_n3A_95 : vector<16xi32> to vector<1x16xi32>
      tpu.vector_store %arg12[%swap3A_97, %swap3A_98], %swap3A_101 {strides = array<i32>} : memref<1x128xi32, #tpu.memory_space<vmem>>, vector<1x16xi32>,
      %get3A_102 = arith.index_cast %scan3A_29 : i32 to index
      %get3A_103 = arith.constant 64 : index
      %get3A_104 = tpu.vector_load %arg11[%get3A_102, %get3A_103] {strides = array<i32>} : memref<40x128xi32, #tpu.memory_space<vmem>>, vector<1x16xi32>,
      %get3A_105 = vector.shape_cast %get3A_104 : vector<1x16xi32> to vector<16xi32>
      %lt3A_106 = arith.constant 5120 : i32
      %lt3A_107 = vector.broadcast %lt3A_106 : i32 to vector<16xi32>
      %lt3A_108 = arith.cmpi slt, %get3A_105, %lt3A_107 : vector<16xi32>
      %sub3A_109 = arith.constant 5120 : i32
      %sub3A_110 = vector.broadcast %sub3A_109 : i32 to vector<16xi32>
      %sub3A_111 = arith.subi %get3A_105, %sub3A_110 : vector<16xi32>
      %jit3A_112 = arith.constant 5120 : i32
      %broadcast_in_dim3A_113 = vector.broadcast %jit3A_112 : i32 to vector<16xi32>
      %select_n3A_114 = arith.select %lt3A_108, %broadcast_in_dim3A_113, %sub3A_111 : vector<16xi1>, vector<16xi32>
      %swap3A_115 = arith.constant 0 : i32
      %swap3A_116 = arith.index_cast %swap3A_115 : i32 to index
      %swap3A_117 = arith.constant 64 : index
      %swap3A_118 = tpu.vector_load %arg12[%swap3A_116, %swap3A_117] {strides = array<i32>} : memref<1x128xi32, #tpu.memory_space<vmem>>, vector<1x16xi32>,
      %swap3A_119 = vector.shape_cast %swap3A_118 : vector<1x16xi32> to vector<16xi32>
      %swap3A_120 = vector.shape_cast %select_n3A_114 : vector<16xi32> to vector<1x16xi32>
      tpu.vector_store %arg12[%swap3A_116, %swap3A_117], %swap3A_120 {strides = array<i32>} : memref<1x128xi32, #tpu.memory_space<vmem>>, vector<1x16xi32>,
      %get3A_121 = arith.index_cast %scan3A_29 : i32 to index
      %get3A_122 = arith.constant 80 : index
      %get3A_123 = tpu.vector_load %arg11[%get3A_121, %get3A_122] {strides = array<i32>} : memref<40x128xi32, #tpu.memory_space<vmem>>, vector<1x16xi32>,
      %get3A_124 = vector.shape_cast %get3A_123 : vector<1x16xi32> to vector<16xi32>
      %lt3A_125 = arith.constant 5120 : i32
      %lt3A_126 = vector.broadcast %lt3A_125 : i32 to vector<16xi32>
      %lt3A_127 = arith.cmpi slt, %get3A_124, %lt3A_126 : vector<16xi32>
      %sub3A_128 = arith.constant 5120 : i32
      %sub3A_129 = vector.broadcast %sub3A_128 : i32 to vector<16xi32>
      %sub3A_130 = arith.subi %get3A_124, %sub3A_129 : vector<16xi32>
      %jit3A_131 = arith.constant 5120 : i32
      %broadcast_in_dim3A_132 = vector.broadcast %jit3A_131 : i32 to vector<16xi32>
      %select_n3A_133 = arith.select %lt3A_127, %broadcast_in_dim3A_132, %sub3A_130 : vector<16xi1>, vector<16xi32>
      %swap3A_134 = arith.constant 0 : i32
      %swap3A_135 = arith.index_cast %swap3A_134 : i32 to index
      %swap3A_136 = arith.constant 80 : index
      %swap3A_137 = tpu.vector_load %arg12[%swap3A_135, %swap3A_136] {strides = array<i32>} : memref<1x128xi32, #tpu.memory_space<vmem>>, vector<1x16xi32>,
      %swap3A_138 = vector.shape_cast %swap3A_137 : vector<1x16xi32> to vector<16xi32>
      %swap3A_139 = vector.shape_cast %select_n3A_133 : vector<16xi32> to vector<1x16xi32>
      tpu.vector_store %arg12[%swap3A_135, %swap3A_136], %swap3A_139 {strides = array<i32>} : memref<1x128xi32, #tpu.memory_space<vmem>>, vector<1x16xi32>,
      %get3A_140 = arith.index_cast %scan3A_29 : i32 to index
      %get3A_141 = arith.constant 96 : index
      %get3A_142 = tpu.vector_load %arg11[%get3A_140, %get3A_141] {strides = array<i32>} : memref<40x128xi32, #tpu.memory_space<vmem>>, vector<1x16xi32>,
      %get3A_143 = vector.shape_cast %get3A_142 : vector<1x16xi32> to vector<16xi32>
      %lt3A_144 = arith.constant 5120 : i32
      %lt3A_145 = vector.broadcast %lt3A_144 : i32 to vector<16xi32>
      %lt3A_146 = arith.cmpi slt, %get3A_143, %lt3A_145 : vector<16xi32>
      %sub3A_147 = arith.constant 5120 : i32
      %sub3A_148 = vector.broadcast %sub3A_147 : i32 to vector<16xi32>
      %sub3A_149 = arith.subi %get3A_143, %sub3A_148 : vector<16xi32>
      %jit3A_150 = arith.constant 5120 : i32
      %broadcast_in_dim3A_151 = vector.broadcast %jit3A_150 : i32 to vector<16xi32>
      %select_n3A_152 = arith.select %lt3A_146, %broadcast_in_dim3A_151, %sub3A_149 : vector<16xi1>, vector<16xi32>
      %swap3A_153 = arith.constant 0 : i32
      %swap3A_154 = arith.index_cast %swap3A_153 : i32 to index
      %swap3A_155 = arith.constant 96 : index
      %swap3A_156 = tpu.vector_load %arg12[%swap3A_154, %swap3A_155] {strides = array<i32>} : memref<1x128xi32, #tpu.memory_space<vmem>>, vector<1x16xi32>,
      %swap3A_157 = vector.shape_cast %swap3A_156 : vector<1x16xi32> to vector<16xi32>
      %swap3A_158 = vector.shape_cast %select_n3A_152 : vector<16xi32> to vector<1x16xi32>
      tpu.vector_store %arg12[%swap3A_154, %swap3A_155], %swap3A_158 {strides = array<i32>} : memref<1x128xi32, #tpu.memory_space<vmem>>, vector<1x16xi32>,
      %get3A_159 = arith.index_cast %scan3A_29 : i32 to index
      %get3A_160 = arith.constant 112 : index
      %get3A_161 = tpu.vector_load %arg11[%get3A_159, %get3A_160] {strides = array<i32>} : memref<40x128xi32, #tpu.memory_space<vmem>>, vector<1x16xi32>,
      %get3A_162 = vector.shape_cast %get3A_161 : vector<1x16xi32> to vector<16xi32>
      %lt3A_163 = arith.constant 5120 : i32
      %lt3A_164 = vector.broadcast %lt3A_163 : i32 to vector<16xi32>
      %lt3A_165 = arith.cmpi slt, %get3A_162, %lt3A_164 : vector<16xi32>
      %sub3A_166 = arith.constant 5120 : i32
      %sub3A_167 = vector.broadcast %sub3A_166 : i32 to vector<16xi32>
      %sub3A_168 = arith.subi %get3A_162, %sub3A_167 : vector<16xi32>
      %jit3A_169 = arith.constant 5120 : i32
      %broadcast_in_dim3A_170 = vector.broadcast %jit3A_169 : i32 to vector<16xi32>
      %select_n3A_171 = arith.select %lt3A_165, %broadcast_in_dim3A_170, %sub3A_168 : vector<16xi1>, vector<16xi32>
      %swap3A_172 = arith.constant 0 : i32
      %swap3A_173 = arith.index_cast %swap3A_172 : i32 to index
      %swap3A_174 = arith.constant 112 : index
      %swap3A_175 = tpu.vector_load %arg12[%swap3A_173, %swap3A_174] {strides = array<i32>} : memref<1x128xi32, #tpu.memory_space<vmem>>, vector<1x16xi32>,
      %swap3A_176 = vector.shape_cast %swap3A_175 : vector<1x16xi32> to vector<16xi32>
      %swap3A_177 = vector.shape_cast %select_n3A_171 : vector<16xi32> to vector<1x16xi32>
      tpu.vector_store %arg12[%swap3A_173, %swap3A_174], %swap3A_177 {strides = array<i32>} : memref<1x128xi32, #tpu.memory_space<vmem>>, vector<1x16xi32>,
      %run_scoped3A = arith.constant 0 : i32
      "tpu.region"() ({
        %run_scoped3A_178 = tpu.sem_alloc : memref<!tpu.dma_semaphore, #tpu.memory_space<semaphore_mem>>
        %dma_start3A = arith.constant 0 : i32
        %dma_start3A_179 = tpu.memref_slice %arg12[%run_scoped3A, %dma_start3A] : memref<1x128xi32, #tpu.memory_space<vmem>> -> memref<1x128xi32, #tpu.memory_space<vmem>>
        %dma_start3A_180 = tpu.memref_squeeze %dma_start3A_179 : memref<1x128xi32, #tpu.memory_space<vmem>> -> memref<128xi32, #tpu.memory_space<vmem>>
        %dma_start3A_181 = arith.constant 0 : i32
        %dma_start3A_182 = arith.constant 0 : i32
        %dma_start3A_183 = tpu.memref_slice %arg16[%dma_start3A_181, %dma_start3A_182] : memref<5248x128xf32, #tpu.memory_space<vmem_shared>> -> memref<5248x128xf32, #tpu.memory_space<vmem_shared>>
        tpu.enqueue_indirect_dma source(%arg13 : memref<128x128xf32, #tpu.memory_space<vmem>>) target(%dma_start3A_183 : memref<5248x128xf32, #tpu.memory_space<vmem_shared>>) offsets(%dma_start3A_180 : memref<128xi32, #tpu.memory_space<vmem>>) semaphore(%run_scoped3A_178 : memref<!tpu.dma_semaphore, #tpu.memory_space<semaphore_mem>>) {add = true}
        %dma_wait3A = arith.constant 0 : i32
        %dma_wait3A_184 = tpu.memref_slice %arg12[%run_scoped3A, %dma_wait3A] : memref<1x128xi32, #tpu.memory_space<vmem>> -> memref<1x128xi32, #tpu.memory_space<vmem>>
        %dma_wait3A_185 = tpu.memref_squeeze %dma_wait3A_184 : memref<1x128xi32, #tpu.memory_space<vmem>> -> memref<128xi32, #tpu.memory_space<vmem>>
        %dma_wait3A_186 = arith.constant 0 : i32
        %dma_wait3A_187 = arith.constant 0 : i32
        %dma_wait3A_188 = tpu.memref_slice %arg16[%dma_wait3A_186, %dma_wait3A_187] : memref<5248x128xf32, #tpu.memory_space<vmem_shared>> -> memref<5248x128xf32, #tpu.memory_space<vmem_shared>>
        tpu.wait_indirect_dma semaphore(%run_scoped3A_178 : memref<!tpu.dma_semaphore, #tpu.memory_space<semaphore_mem>>) src(%arg13 : memref<128x128xf32, #tpu.memory_space<vmem>>) dst(%dma_wait3A_188 : memref<5248x128xf32, #tpu.memory_space<vmem_shared>>)
        tpu.yield
      }) : () -> ()
    }
    %scan3A_22 = arith.constant 40 : i32
    %barrier3A_23 = arith.constant 0 : index
    tpu.barrier barrier_id(%barrier3A_23)
    %eq3A_24 = arith.constant 0 : i32
    %eq3A_25 = arith.cmpi eq, %arg1, %eq3A_24 : i32
    %convert_element_type3A_26 = arith.extui %eq3A_25 : i1 to i32
    %cond3A_27 = arith.constant 0 : i32
    %cond3A_28 = arith.cmpi ne, %convert_element_type3A_26, %cond3A_27 : i32
    scf.if %cond3A_28 {
      %run_scoped3A = arith.constant 1 : i32
      "tpu.region"() ({
        %run_scoped3A_29 = tpu.sem_alloc : memref<!tpu.dma_semaphore, #tpu.memory_space<semaphore_mem>>
        %dma_start3A = arith.constant 0 : i32
        %dma_start3A_30 = arith.constant 0 : i32
        %dma_start3A_31 = tpu.memref_slice %arg8[%arg0, %run_scoped3A, %dma_start3A, %dma_start3A_30] : memref<2x2x5120x128xf32, #tpu.memory_space<hbm>> -> memref<1x1x5120x128xf32, #tpu.memory_space<hbm>>
        %dma_start3A_32 = tpu.memref_squeeze %dma_start3A_31 : memref<1x1x5120x128xf32, #tpu.memory_space<hbm>> -> memref<5120x128xf32, #tpu.memory_space<hbm>>
        %dma_start3A_33 = arith.constant 0 : i32
        %dma_start3A_34 = arith.constant 0 : i32
        %dma_start3A_35 = tpu.memref_slice %arg16[%dma_start3A_33, %dma_start3A_34] : memref<5248x128xf32, #tpu.memory_space<vmem_shared>> -> memref<5120x128xf32, #tpu.memory_space<vmem_shared>>
        tpu.enqueue_dma source(%dma_start3A_35 : memref<5120x128xf32, #tpu.memory_space<vmem_shared>>) target(%dma_start3A_32 : memref<5120x128xf32, #tpu.memory_space<hbm>>) target_semaphore(%run_scoped3A_29 : memref<!tpu.dma_semaphore, #tpu.memory_space<semaphore_mem>>)
        %dma_wait3A = arith.constant 0 : i32
        %dma_wait3A_36 = arith.constant 0 : i32
        %dma_wait3A_37 = tpu.memref_slice %arg8[%arg0, %run_scoped3A, %dma_wait3A, %dma_wait3A_36] : memref<2x2x5120x128xf32, #tpu.memory_space<hbm>> -> memref<1x1x5120x128xf32, #tpu.memory_space<hbm>>
        %dma_wait3A_38 = tpu.memref_squeeze %dma_wait3A_37 : memref<1x1x5120x128xf32, #tpu.memory_space<hbm>> -> memref<5120x128xf32, #tpu.memory_space<hbm>>
        %dma_wait3A_39 = arith.constant 0 : i32
        %dma_wait3A_40 = arith.constant 0 : i32
        %dma_wait3A_41 = tpu.memref_slice %arg16[%dma_wait3A_39, %dma_wait3A_40] : memref<5248x128xf32, #tpu.memory_space<vmem_shared>> -> memref<5120x128xf32, #tpu.memory_space<vmem_shared>>
        tpu.wait_dma2 semaphore(%run_scoped3A_29 : memref<!tpu.dma_semaphore, #tpu.memory_space<semaphore_mem>>) src(%dma_wait3A_41 : memref<5120x128xf32, #tpu.memory_space<vmem_shared>>) dst(%dma_wait3A_38 : memref<5120x128xf32, #tpu.memory_space<hbm>>)
        tpu.yield
      }) : () -> ()
    } else {
    }
    return
  }
}

module attributes {stable_mosaic.version = 14 : i64} {
  func.func @_eterm_body(%arg0: i32, %arg1: i32, %arg2: memref<1024x16xf32, #tpu.memory_space<vmem>>, %arg3: memref<1024x1xi32, #tpu.memory_space<vmem>>, %arg4: memref<1x16x128xf32, #tpu.memory_space<vmem>>, %arg5: memref<1x8x128xf32, #tpu.memory_space<vmem>>, %arg6: memref<1x1x128xf32, #tpu.memory_space<vmem>>, %arg7: memref<1x1024x128xf32, #tpu.memory_space<vmem>>) attributes {dimension_semantics = [#tpu.dimension_semantics<arbitrary>, #tpu.dimension_semantics<arbitrary>], iteration_bounds = array<i64: 4, 160>, scalar_prefetch = 0 : i64, scratch_operands = 0 : i64, tpu.core_type = #tpu.core_type<tc>, window_params = [{transform_indices = @transform_0, window_bounds = array<i64: 1024, 16>}, {transform_indices = @transform_1, window_bounds = array<i64: 1024, 1>}, {transform_indices = @transform_2, window_bounds = array<i64: 1, 16, 128>}, {transform_indices = @transform_3, window_bounds = array<i64: 1, 8, 128>}, {transform_indices = @transform_4, window_bounds = array<i64: 1, 1, 128>}, {transform_indices = @transform_5, window_bounds = array<i64: 1, 1024, 128>}]} {
    %get3A = arith.constant 0 : index
    %get3A_0 = arith.constant 0 : index
    %get3A_1 = vector.load %arg2[%get3A, %get3A_0] : memref<1024x16xf32, #tpu.memory_space<vmem>>, vector<1024x16xf32>
    %get3A_2 = arith.constant 0 : index
    %get3A_3 = arith.constant 0 : index
    %get3A_4 = vector.load %arg3[%get3A_2, %get3A_3] : memref<1024x1xi32, #tpu.memory_space<vmem>>, vector<1024x1xi32>
    %iota3A = tpu.iota {dimensions = array<i32: 1>} : vector<1024x8xi32>
    %eq3A = vector.broadcast %get3A_4 : vector<1024x1xi32> to vector<1024x8xi32>
    %eq3A_5 = arith.cmpi eq, %eq3A, %iota3A : vector<1024x8xi32>
    %get3A_6 = arith.constant 0 : index
    %get3A_7 = arith.constant 0 : index
    %get3A_8 = arith.constant 0 : index
    %get3A_9 = vector.load %arg4[%get3A_6, %get3A_7, %get3A_8] : memref<1x16x128xf32, #tpu.memory_space<vmem>>, vector<1x16x128xf32>
    %get3A_10 = vector.shape_cast %get3A_9 : vector<1x16x128xf32> to vector<16x128xf32>
    %dot_general3A = arith.constant dense<0.000000e+00> : vector<1024x128xf32>
    %dot_general3A_11 = tpu.matmul %get3A_1, %get3A_10, %dot_general3A {dimension_numbers = #tpu.dot_dimension_numbers<[1], [0], [0], [1], [0, 0, 1, 1], [], []>, transpose_lhs_hint = false} : vector<1024x16xf32>, vector<16x128xf32>, vector<1024x128xf32> -> vector<1024x128xf32>
    %get3A_12 = arith.constant 0 : index
    %get3A_13 = arith.constant 0 : index
    %get3A_14 = arith.constant 0 : index
    %get3A_15 = vector.load %arg6[%get3A_12, %get3A_13, %get3A_14] : memref<1x1x128xf32, #tpu.memory_space<vmem>>, vector<1x1x128xf32>
    %get3A_16 = vector.shape_cast %get3A_15 : vector<1x1x128xf32> to vector<1x128xf32>
    %add3A = vector.broadcast %get3A_16 : vector<1x128xf32> to vector<1024x128xf32>
    %add3A_17 = arith.addf %dot_general3A_11, %add3A : vector<1024x128xf32>
    %convert_element_type3A = arith.extui %eq3A_5 : vector<1024x8xi1> to vector<1024x8xi32>
    %convert_element_type3A_18 = arith.sitofp %convert_element_type3A : vector<1024x8xi32> to vector<1024x8xf32>
    %get3A_19 = arith.constant 0 : index
    %get3A_20 = arith.constant 0 : index
    %get3A_21 = arith.constant 0 : index
    %get3A_22 = vector.load %arg5[%get3A_19, %get3A_20, %get3A_21] : memref<1x8x128xf32, #tpu.memory_space<vmem>>, vector<1x8x128xf32>
    %get3A_23 = vector.shape_cast %get3A_22 : vector<1x8x128xf32> to vector<8x128xf32>
    %dot_general3A_24 = arith.constant dense<0.000000e+00> : vector<1024x128xf32>
    %dot_general3A_25 = tpu.matmul %convert_element_type3A_18, %get3A_23, %dot_general3A_24 {dimension_numbers = #tpu.dot_dimension_numbers<[1], [0], [0], [1], [0, 0, 1, 1], [], []>, precision = #tpu.contract_precision<fp32>, transpose_lhs_hint = false} : vector<1024x8xf32>, vector<8x128xf32>, vector<1024x128xf32> -> vector<1024x128xf32>
    %add3A_26 = arith.addf %add3A_17, %dot_general3A_25 : vector<1024x128xf32>
    %broadcast_in_dim3A = vector.shape_cast %add3A_26 : vector<1024x128xf32> to vector<1x1024x128xf32>
    %swap3A = arith.constant 0 : index
    %swap3A_27 = arith.constant 0 : index
    %swap3A_28 = arith.constant 0 : index
    %swap3A_29 = vector.load %arg7[%swap3A, %swap3A_27, %swap3A_28] : memref<1x1024x128xf32, #tpu.memory_space<vmem>>, vector<1x1024x128xf32>
    tpu.vector_store %arg7[%swap3A, %swap3A_27, %swap3A_28], %broadcast_in_dim3A {strides = array<i32>} : memref<1x1024x128xf32, #tpu.memory_space<vmem>>, vector<1x1024x128xf32>,
    return
  }
  func.func @transform_0(%arg0: i32, %arg1: i32) -> (i32, i32) {
    %c0_i32 = arith.constant 0 : i32
    %c0_i32_0 = arith.constant 0 : i32
    return %arg1, %c0_i32 : i32, i32
  }
  func.func @transform_1(%arg0: i32, %arg1: i32) -> (i32, i32) {
    %c0_i32 = arith.constant 0 : i32
    %c0_i32_0 = arith.constant 0 : i32
    return %arg1, %c0_i32 : i32, i32
  }
  func.func @transform_2(%arg0: i32, %arg1: i32) -> (i32, i32, i32) {
    %c0_i32 = arith.constant 0 : i32
    %c0_i32_0 = arith.constant 0 : i32
    %c0_i32_1 = arith.constant 0 : i32
    return %arg0, %c0_i32, %c0_i32_0 : i32, i32, i32
  }
  func.func @transform_3(%arg0: i32, %arg1: i32) -> (i32, i32, i32) {
    %c0_i32 = arith.constant 0 : i32
    %c0_i32_0 = arith.constant 0 : i32
    %c0_i32_1 = arith.constant 0 : i32
    return %arg0, %c0_i32, %c0_i32_0 : i32, i32, i32
  }
  func.func @transform_4(%arg0: i32, %arg1: i32) -> (i32, i32, i32) {
    %c0_i32 = arith.constant 0 : i32
    %c0_i32_0 = arith.constant 0 : i32
    %c0_i32_1 = arith.constant 0 : i32
    return %arg0, %c0_i32, %c0_i32_0 : i32, i32, i32
  }
  func.func @transform_5(%arg0: i32, %arg1: i32) -> (i32, i32, i32) {
    %c0_i32 = arith.constant 0 : i32
    %c0_i32_0 = arith.constant 0 : i32
    return %arg0, %arg1, %c0_i32 : i32, i32, i32
  }
}

module attributes {stable_mosaic.version = 14 : i64} {
  func.func @_node_lin_body(%arg0: i32, %arg1: memref<128x128xf32, #tpu.memory_space<vmem>>, %arg2: memref<128x128xf32, #tpu.memory_space<vmem>>, %arg3: memref<1x128xf32, #tpu.memory_space<vmem>>, %arg4: memref<128x128xf32, #tpu.memory_space<vmem>>) attributes {dimension_semantics = [#tpu.dimension_semantics<arbitrary>], iteration_bounds = array<i64: 79>, scalar_prefetch = 0 : i64, scratch_operands = 0 : i64, tpu.core_type = #tpu.core_type<tc>, window_params = [{transform_indices = @transform_0, window_bounds = array<i64: 128, 128>}, {pipeline_mode = #tpu.pipeline_mode<synchronous>, transform_indices = @transform_1, window_bounds = array<i64: 128, 128>}, {pipeline_mode = #tpu.pipeline_mode<synchronous>, transform_indices = @transform_2, window_bounds = array<i64: 1, 128>}, {transform_indices = @transform_3, window_bounds = array<i64: 128, 128>}]} {
    %get3A = arith.constant 0 : index
    %get3A_0 = arith.constant 0 : index
    %get3A_1 = vector.load %arg1[%get3A, %get3A_0] : memref<128x128xf32, #tpu.memory_space<vmem>>, vector<128x128xf32>
    %get3A_2 = arith.constant 0 : index
    %get3A_3 = arith.constant 0 : index
    %get3A_4 = vector.load %arg2[%get3A_2, %get3A_3] : memref<128x128xf32, #tpu.memory_space<vmem>>, vector<128x128xf32>
    %dot_general3A = arith.constant dense<0.000000e+00> : vector<128x128xf32>
    %dot_general3A_5 = tpu.matmul %get3A_1, %get3A_4, %dot_general3A {dimension_numbers = #tpu.dot_dimension_numbers<[1], [0], [0], [1], [0, 0, 1, 1], [], []>, transpose_lhs_hint = false} : vector<128x128xf32>, vector<128x128xf32>, vector<128x128xf32> -> vector<128x128xf32>
    %get3A_6 = arith.constant 0 : index
    %get3A_7 = arith.constant 0 : index
    %get3A_8 = vector.load %arg3[%get3A_6, %get3A_7] : memref<1x128xf32, #tpu.memory_space<vmem>>, vector<1x128xf32>
    %add3A = vector.broadcast %get3A_8 : vector<1x128xf32> to vector<128x128xf32>
    %add3A_9 = arith.addf %dot_general3A_5, %add3A : vector<128x128xf32>
    %swap3A = arith.constant 0 : index
    %swap3A_10 = arith.constant 0 : index
    %swap3A_11 = vector.load %arg4[%swap3A, %swap3A_10] : memref<128x128xf32, #tpu.memory_space<vmem>>, vector<128x128xf32>
    tpu.vector_store %arg4[%swap3A, %swap3A_10], %add3A_9 {strides = array<i32>} : memref<128x128xf32, #tpu.memory_space<vmem>>, vector<128x128xf32>,
    return
  }
  func.func @transform_0(%arg0: i32) -> (i32, i32) {
    %c0_i32 = arith.constant 0 : i32
    %c0_i32_0 = arith.constant 0 : i32
    return %arg0, %c0_i32 : i32, i32
  }
  func.func @transform_1(%arg0: i32) -> (i32, i32) {
    %c0_i32 = arith.constant 0 : i32
    %c0_i32_0 = arith.constant 0 : i32
    %c0_i32_1 = arith.constant 0 : i32
    return %c0_i32, %c0_i32_0 : i32, i32
  }
  func.func @transform_2(%arg0: i32) -> (i32, i32) {
    %c0_i32 = arith.constant 0 : i32
    %c0_i32_0 = arith.constant 0 : i32
    %c0_i32_1 = arith.constant 0 : i32
    return %c0_i32, %c0_i32_0 : i32, i32
  }
  func.func @transform_3(%arg0: i32) -> (i32, i32) {
    %c0_i32 = arith.constant 0 : i32
    %c0_i32_0 = arith.constant 0 : i32
    return %arg0, %c0_i32 : i32, i32
  }
}

module attributes {stable_mosaic.version = 14 : i64} {
  func.func @_pre_body(%arg0: i32, %arg1: memref<128x128xf32, #tpu.memory_space<vmem>>, %arg2: memref<128x128xf32, #tpu.memory_space<vmem>>, %arg3: memref<128x128xf32, #tpu.memory_space<vmem>>, %arg4: memref<64x16xf32, #tpu.memory_space<vmem>>, %arg5: memref<16x128xf32, #tpu.memory_space<vmem>>, %arg6: memref<128x1xi32, #tpu.memory_space<vmem>>, %arg7: memref<128x128xf32, #tpu.memory_space<vmem>>, %arg8: memref<128x128xf32, #tpu.memory_space<vmem>>) attributes {dimension_semantics = [#tpu.dimension_semantics<arbitrary>], iteration_bounds = array<i64: 79>, scalar_prefetch = 0 : i64, scratch_operands = 0 : i64, tpu.core_type = #tpu.core_type<tc>, window_params = [{transform_indices = @transform_0, window_bounds = array<i64: 128, 128>}, {pipeline_mode = #tpu.pipeline_mode<synchronous>, transform_indices = @transform_1, window_bounds = array<i64: 128, 128>}, {pipeline_mode = #tpu.pipeline_mode<synchronous>, transform_indices = @transform_2, window_bounds = array<i64: 128, 128>}, {pipeline_mode = #tpu.pipeline_mode<synchronous>, transform_indices = @transform_3, window_bounds = array<i64: 64, 16>}, {pipeline_mode = #tpu.pipeline_mode<synchronous>, transform_indices = @transform_4, window_bounds = array<i64: 16, 128>}, {transform_indices = @transform_5, window_bounds = array<i64: 128, 1>}, {transform_indices = @transform_6, window_bounds = array<i64: 128, 128>}, {transform_indices = @transform_7, window_bounds = array<i64: 128, 128>}]} {
    %get3A = arith.constant 0 : index
    %get3A_0 = arith.constant 0 : index
    %get3A_1 = vector.load %arg1[%get3A, %get3A_0] : memref<128x128xf32, #tpu.memory_space<vmem>>, vector<128x128xf32>
    %get3A_2 = arith.constant 0 : index
    %get3A_3 = arith.constant 0 : index
    %get3A_4 = vector.load %arg2[%get3A_2, %get3A_3] : memref<128x128xf32, #tpu.memory_space<vmem>>, vector<128x128xf32>
    %dot_general3A = arith.constant dense<0.000000e+00> : vector<128x128xf32>
    %dot_general3A_5 = tpu.matmul %get3A_1, %get3A_4, %dot_general3A {dimension_numbers = #tpu.dot_dimension_numbers<[1], [0], [0], [1], [0, 0, 1, 1], [], []>, transpose_lhs_hint = false} : vector<128x128xf32>, vector<128x128xf32>, vector<128x128xf32> -> vector<128x128xf32>
    %swap3A = arith.constant 0 : index
    %swap3A_6 = arith.constant 0 : index
    %swap3A_7 = vector.load %arg7[%swap3A, %swap3A_6] : memref<128x128xf32, #tpu.memory_space<vmem>>, vector<128x128xf32>
    tpu.vector_store %arg7[%swap3A, %swap3A_6], %dot_general3A_5 {strides = array<i32>} : memref<128x128xf32, #tpu.memory_space<vmem>>, vector<128x128xf32>,
    %get3A_8 = arith.constant 0 : index
    %get3A_9 = arith.constant 0 : index
    %get3A_10 = vector.load %arg6[%get3A_8, %get3A_9] : memref<128x1xi32, #tpu.memory_space<vmem>>, vector<128x1xi32>
    %iota3A = tpu.iota {dimensions = array<i32: 1>} : vector<128x64xi32>
    %eq3A = vector.broadcast %get3A_10 : vector<128x1xi32> to vector<128x64xi32>
    %eq3A_11 = arith.cmpi eq, %eq3A, %iota3A : vector<128x64xi32>
    %convert_element_type3A = arith.extui %eq3A_11 : vector<128x64xi1> to vector<128x64xi32>
    %convert_element_type3A_12 = arith.sitofp %convert_element_type3A : vector<128x64xi32> to vector<128x64xf32>
    %get3A_13 = arith.constant 0 : index
    %get3A_14 = arith.constant 0 : index
    %get3A_15 = vector.load %arg4[%get3A_13, %get3A_14] : memref<64x16xf32, #tpu.memory_space<vmem>>, vector<64x16xf32>
    %dot_general3A_16 = arith.constant dense<0.000000e+00> : vector<128x16xf32>
    %dot_general3A_17 = tpu.matmul %convert_element_type3A_12, %get3A_15, %dot_general3A_16 {dimension_numbers = #tpu.dot_dimension_numbers<[1], [0], [0], [1], [0, 0, 1, 1], [], []>, precision = #tpu.contract_precision<fp32>, transpose_lhs_hint = false} : vector<128x64xf32>, vector<64x16xf32>, vector<128x16xf32> -> vector<128x16xf32>
    %get3A_18 = arith.constant 0 : index
    %get3A_19 = arith.constant 0 : index
    %get3A_20 = vector.load %arg3[%get3A_18, %get3A_19] : memref<128x128xf32, #tpu.memory_space<vmem>>, vector<128x128xf32>
    %dot_general3A_21 = arith.constant dense<0.000000e+00> : vector<128x128xf32>
    %dot_general3A_22 = tpu.matmul %get3A_1, %get3A_20, %dot_general3A_21 {dimension_numbers = #tpu.dot_dimension_numbers<[1], [0], [0], [1], [0, 0, 1, 1], [], []>, transpose_lhs_hint = false} : vector<128x128xf32>, vector<128x128xf32>, vector<128x128xf32> -> vector<128x128xf32>
    %get3A_23 = arith.constant 0 : index
    %get3A_24 = arith.constant 0 : index
    %get3A_25 = vector.load %arg5[%get3A_23, %get3A_24] : memref<16x128xf32, #tpu.memory_space<vmem>>, vector<16x128xf32>
    %dot_general3A_26 = arith.constant dense<0.000000e+00> : vector<128x128xf32>
    %dot_general3A_27 = tpu.matmul %dot_general3A_17, %get3A_25, %dot_general3A_26 {dimension_numbers = #tpu.dot_dimension_numbers<[1], [0], [0], [1], [0, 0, 1, 1], [], []>, transpose_lhs_hint = false} : vector<128x16xf32>, vector<16x128xf32>, vector<128x128xf32> -> vector<128x128xf32>
    %add3A = arith.addf %dot_general3A_22, %dot_general3A_27 : vector<128x128xf32>
    %swap3A_28 = arith.constant 0 : index
    %swap3A_29 = arith.constant 0 : index
    %swap3A_30 = vector.load %arg8[%swap3A_28, %swap3A_29] : memref<128x128xf32, #tpu.memory_space<vmem>>, vector<128x128xf32>
    tpu.vector_store %arg8[%swap3A_28, %swap3A_29], %add3A {strides = array<i32>} : memref<128x128xf32, #tpu.memory_space<vmem>>, vector<128x128xf32>,
    return
  }
  func.func @transform_0(%arg0: i32) -> (i32, i32) {
    %c0_i32 = arith.constant 0 : i32
    %c0_i32_0 = arith.constant 0 : i32
    return %arg0, %c0_i32 : i32, i32
  }
  func.func @transform_1(%arg0: i32) -> (i32, i32) {
    %c0_i32 = arith.constant 0 : i32
    %c0_i32_0 = arith.constant 0 : i32
    %c0_i32_1 = arith.constant 0 : i32
    return %c0_i32, %c0_i32_0 : i32, i32
  }
  func.func @transform_2(%arg0: i32) -> (i32, i32) {
    %c0_i32 = arith.constant 0 : i32
    %c0_i32_0 = arith.constant 0 : i32
    %c0_i32_1 = arith.constant 0 : i32
    return %c0_i32, %c0_i32_0 : i32, i32
  }
  func.func @transform_3(%arg0: i32) -> (i32, i32) {
    %c0_i32 = arith.constant 0 : i32
    %c0_i32_0 = arith.constant 0 : i32
    %c0_i32_1 = arith.constant 0 : i32
    return %c0_i32, %c0_i32_0 : i32, i32
  }
  func.func @transform_4(%arg0: i32) -> (i32, i32) {
    %c0_i32 = arith.constant 0 : i32
    %c0_i32_0 = arith.constant 0 : i32
    %c0_i32_1 = arith.constant 0 : i32
    return %c0_i32, %c0_i32_0 : i32, i32
  }
  func.func @transform_5(%arg0: i32) -> (i32, i32) {
    %c0_i32 = arith.constant 0 : i32
    %c0_i32_0 = arith.constant 0 : i32
    return %arg0, %c0_i32 : i32, i32
  }
  func.func @transform_6(%arg0: i32) -> (i32, i32) {
    %c0_i32 = arith.constant 0 : i32
    %c0_i32_0 = arith.constant 0 : i32
    return %arg0, %c0_i32 : i32, i32
  }
  func.func @transform_7(%arg0: i32) -> (i32, i32) {
    %c0_i32 = arith.constant 0 : i32
    %c0_i32_0 = arith.constant 0 : i32
    return %arg0, %c0_i32 : i32, i32
  }
}

module attributes {stable_mosaic.version = 14 : i64} {
  func.func @_post_body(%arg0: i32, %arg1: memref<128x128xf32, #tpu.memory_space<vmem>>, %arg2: memref<1x128x128xf32, #tpu.memory_space<vmem>>, %arg3: memref<1x128x128xf32, #tpu.memory_space<vmem>>, %arg4: memref<128x128xf32, #tpu.memory_space<vmem>>, %arg5: memref<128x128xf32, #tpu.memory_space<vmem>>, %arg6: memref<1x128xf32, #tpu.memory_space<vmem>>, %arg7: memref<128x128xf32, #tpu.memory_space<vmem>>) attributes {dimension_semantics = [#tpu.dimension_semantics<arbitrary>], iteration_bounds = array<i64: 79>, scalar_prefetch = 0 : i64, scratch_operands = 0 : i64, tpu.core_type = #tpu.core_type<tc>, window_params = [{transform_indices = @transform_0, window_bounds = array<i64: 128, 128>}, {transform_indices = @transform_1, window_bounds = array<i64: 1, 128, 128>}, {transform_indices = @transform_2, window_bounds = array<i64: 1, 128, 128>}, {pipeline_mode = #tpu.pipeline_mode<synchronous>, transform_indices = @transform_3, window_bounds = array<i64: 128, 128>}, {pipeline_mode = #tpu.pipeline_mode<synchronous>, transform_indices = @transform_4, window_bounds = array<i64: 128, 128>}, {pipeline_mode = #tpu.pipeline_mode<synchronous>, transform_indices = @transform_5, window_bounds = array<i64: 1, 128>}, {transform_indices = @transform_6, window_bounds = array<i64: 128, 128>}]} {
    %get3A = arith.constant 0 : index
    %get3A_0 = arith.constant 0 : index
    %get3A_1 = arith.constant 0 : index
    %get3A_2 = vector.load %arg2[%get3A, %get3A_0, %get3A_1] : memref<1x128x128xf32, #tpu.memory_space<vmem>>, vector<1x128x128xf32>
    %get3A_3 = vector.shape_cast %get3A_2 : vector<1x128x128xf32> to vector<128x128xf32>
    %get3A_4 = arith.constant 0 : index
    %get3A_5 = arith.constant 0 : index
    %get3A_6 = arith.constant 0 : index
    %get3A_7 = vector.load %arg3[%get3A_4, %get3A_5, %get3A_6] : memref<1x128x128xf32, #tpu.memory_space<vmem>>, vector<1x128x128xf32>
    %get3A_8 = vector.shape_cast %get3A_7 : vector<1x128x128xf32> to vector<128x128xf32>
    %add3A = arith.addf %get3A_3, %get3A_8 : vector<128x128xf32>
    %get3A_9 = arith.constant 0 : index
    %get3A_10 = arith.constant 0 : index
    %get3A_11 = vector.load %arg1[%get3A_9, %get3A_10] : memref<128x128xf32, #tpu.memory_space<vmem>>, vector<128x128xf32>
    %get3A_12 = arith.constant 0 : index
    %get3A_13 = arith.constant 0 : index
    %get3A_14 = vector.load %arg4[%get3A_12, %get3A_13] : memref<128x128xf32, #tpu.memory_space<vmem>>, vector<128x128xf32>
    %dot_general3A = arith.constant dense<0.000000e+00> : vector<128x128xf32>
    %dot_general3A_15 = tpu.matmul %get3A_11, %get3A_14, %dot_general3A {dimension_numbers = #tpu.dot_dimension_numbers<[1], [0], [0], [1], [0, 0, 1, 1], [], []>, transpose_lhs_hint = false} : vector<128x128xf32>, vector<128x128xf32>, vector<128x128xf32> -> vector<128x128xf32>
    %get3A_16 = arith.constant 0 : index
    %get3A_17 = arith.constant 0 : index
    %get3A_18 = vector.load %arg5[%get3A_16, %get3A_17] : memref<128x128xf32, #tpu.memory_space<vmem>>, vector<128x128xf32>
    %dot_general3A_19 = arith.constant dense<0.000000e+00> : vector<128x128xf32>
    %dot_general3A_20 = tpu.matmul %add3A, %get3A_18, %dot_general3A_19 {dimension_numbers = #tpu.dot_dimension_numbers<[1], [0], [0], [1], [0, 0, 1, 1], [], []>, transpose_lhs_hint = false} : vector<128x128xf32>, vector<128x128xf32>, vector<128x128xf32> -> vector<128x128xf32>
    %add3A_21 = arith.addf %dot_general3A_15, %dot_general3A_20 : vector<128x128xf32>
    %get3A_22 = arith.constant 0 : index
    %get3A_23 = arith.constant 0 : index
    %get3A_24 = vector.load %arg6[%get3A_22, %get3A_23] : memref<1x128xf32, #tpu.memory_space<vmem>>, vector<1x128xf32>
    %add3A_25 = vector.broadcast %get3A_24 : vector<1x128xf32> to vector<128x128xf32>
    %add3A_26 = arith.addf %add3A_21, %add3A_25 : vector<128x128xf32>
    %max3A = arith.constant 0.000000e+00 : f32
    %max3A_27 = vector.broadcast %max3A : f32 to vector<128x128xf32>
    %max3A_28 = arith.maximumf %add3A_26, %max3A_27 : vector<128x128xf32>
    %swap3A = arith.constant 0 : index
    %swap3A_29 = arith.constant 0 : index
    %swap3A_30 = vector.load %arg7[%swap3A, %swap3A_29] : memref<128x128xf32, #tpu.memory_space<vmem>>, vector<128x128xf32>
    tpu.vector_store %arg7[%swap3A, %swap3A_29], %max3A_28 {strides = array<i32>} : memref<128x128xf32, #tpu.memory_space<vmem>>, vector<128x128xf32>,
    return
  }
  func.func @transform_0(%arg0: i32) -> (i32, i32) {
    %c0_i32 = arith.constant 0 : i32
    %c0_i32_0 = arith.constant 0 : i32
    return %arg0, %c0_i32 : i32, i32
  }
  func.func @transform_1(%arg0: i32) -> (i32, i32, i32) {
    %jit3A = arith.constant 40 : i32
    %div3A = arith.divsi %arg0, %jit3A : i32
    %sign3A = arith.constant 0 : i32
    %sign3A_0 = arith.cmpi sgt, %arg0, %sign3A : i32
    %sign3A_1 = arith.extui %sign3A_0 : i1 to i32
    %sign3A_2 = arith.constant 0 : i32
    %sign3A_3 = arith.cmpi slt, %arg0, %sign3A_2 : i32
    %sign3A_4 = arith.extui %sign3A_3 : i1 to i32
    %sign3A_5 = arith.subi %sign3A_1, %sign3A_4 : i32
    %sign3A_6 = arith.constant 0 : i32
    %sign3A_7 = arith.cmpi sgt, %jit3A, %sign3A_6 : i32
    %sign3A_8 = arith.extui %sign3A_7 : i1 to i32
    %sign3A_9 = arith.constant 0 : i32
    %sign3A_10 = arith.cmpi slt, %jit3A, %sign3A_9 : i32
    %sign3A_11 = arith.extui %sign3A_10 : i1 to i32
    %sign3A_12 = arith.subi %sign3A_8, %sign3A_11 : i32
    %ne3A = arith.cmpi ne, %sign3A_5, %sign3A_12 : i32
    %rem3A = arith.remsi %arg0, %jit3A : i32
    %ne3A_13 = arith.constant 0 : i32
    %ne3A_14 = arith.cmpi ne, %rem3A, %ne3A_13 : i32
    %and3A = arith.andi %ne3A, %ne3A_14 : i1
    %sub3A = arith.constant 1 : i32
    %sub3A_15 = arith.subi %div3A, %sub3A : i32
    %select_n3A = arith.select %and3A, %sub3A_15, %div3A : i32
    %jit3A_16 = arith.constant 40 : i32
    %eq3A = arith.constant 0 : i32
    %eq3A_17 = arith.cmpi eq, %jit3A_16, %eq3A : i32
    %jit3A_18 = arith.constant 1 : i32
    %select_n3A_19 = arith.select %eq3A_17, %jit3A_18, %jit3A_16 : i32
    %rem3A_20 = arith.remsi %arg0, %select_n3A_19 : i32
    %ne3A_21 = arith.constant 0 : i32
    %ne3A_22 = arith.cmpi ne, %rem3A_20, %ne3A_21 : i32
    %lt3A = arith.constant 0 : i32
    %lt3A_23 = arith.cmpi slt, %rem3A_20, %lt3A : i32
    %lt3A_24 = arith.constant 0 : i32
    %lt3A_25 = arith.cmpi slt, %select_n3A_19, %lt3A_24 : i32
    %ne3A_26 = arith.xori %lt3A_23, %lt3A_25 : i1
    %and3A_27 = arith.andi %ne3A_26, %ne3A_22 : i1
    %add3A = arith.addi %rem3A_20, %select_n3A_19 : i32
    %select_n3A_28 = arith.select %and3A_27, %add3A, %rem3A_20 : i32
    %c0_i32 = arith.constant 0 : i32
    %c0_i32_29 = arith.constant 0 : i32
    return %select_n3A, %select_n3A_28, %c0_i32 : i32, i32, i32
  }
  func.func @transform_2(%arg0: i32) -> (i32, i32, i32) {
    %jit3A = arith.constant 40 : i32
    %div3A = arith.divsi %arg0, %jit3A : i32
    %sign3A = arith.constant 0 : i32
    %sign3A_0 = arith.cmpi sgt, %arg0, %sign3A : i32
    %sign3A_1 = arith.extui %sign3A_0 : i1 to i32
    %sign3A_2 = arith.constant 0 : i32
    %sign3A_3 = arith.cmpi slt, %arg0, %sign3A_2 : i32
    %sign3A_4 = arith.extui %sign3A_3 : i1 to i32
    %sign3A_5 = arith.subi %sign3A_1, %sign3A_4 : i32
    %sign3A_6 = arith.constant 0 : i32
    %sign3A_7 = arith.cmpi sgt, %jit3A, %sign3A_6 : i32
    %sign3A_8 = arith.extui %sign3A_7 : i1 to i32
    %sign3A_9 = arith.constant 0 : i32
    %sign3A_10 = arith.cmpi slt, %jit3A, %sign3A_9 : i32
    %sign3A_11 = arith.extui %sign3A_10 : i1 to i32
    %sign3A_12 = arith.subi %sign3A_8, %sign3A_11 : i32
    %ne3A = arith.cmpi ne, %sign3A_5, %sign3A_12 : i32
    %rem3A = arith.remsi %arg0, %jit3A : i32
    %ne3A_13 = arith.constant 0 : i32
    %ne3A_14 = arith.cmpi ne, %rem3A, %ne3A_13 : i32
    %and3A = arith.andi %ne3A, %ne3A_14 : i1
    %sub3A = arith.constant 1 : i32
    %sub3A_15 = arith.subi %div3A, %sub3A : i32
    %select_n3A = arith.select %and3A, %sub3A_15, %div3A : i32
    %jit3A_16 = arith.constant 40 : i32
    %eq3A = arith.constant 0 : i32
    %eq3A_17 = arith.cmpi eq, %jit3A_16, %eq3A : i32
    %jit3A_18 = arith.constant 1 : i32
    %select_n3A_19 = arith.select %eq3A_17, %jit3A_18, %jit3A_16 : i32
    %rem3A_20 = arith.remsi %arg0, %select_n3A_19 : i32
    %ne3A_21 = arith.constant 0 : i32
    %ne3A_22 = arith.cmpi ne, %rem3A_20, %ne3A_21 : i32
    %lt3A = arith.constant 0 : i32
    %lt3A_23 = arith.cmpi slt, %rem3A_20, %lt3A : i32
    %lt3A_24 = arith.constant 0 : i32
    %lt3A_25 = arith.cmpi slt, %select_n3A_19, %lt3A_24 : i32
    %ne3A_26 = arith.xori %lt3A_23, %lt3A_25 : i1
    %and3A_27 = arith.andi %ne3A_26, %ne3A_22 : i1
    %add3A = arith.addi %rem3A_20, %select_n3A_19 : i32
    %select_n3A_28 = arith.select %and3A_27, %add3A, %rem3A_20 : i32
    %c0_i32 = arith.constant 0 : i32
    %c0_i32_29 = arith.constant 0 : i32
    return %select_n3A, %select_n3A_28, %c0_i32 : i32, i32, i32
  }
  func.func @transform_3(%arg0: i32) -> (i32, i32) {
    %c0_i32 = arith.constant 0 : i32
    %c0_i32_0 = arith.constant 0 : i32
    %c0_i32_1 = arith.constant 0 : i32
    return %c0_i32, %c0_i32_0 : i32, i32
  }
  func.func @transform_4(%arg0: i32) -> (i32, i32) {
    %c0_i32 = arith.constant 0 : i32
    %c0_i32_0 = arith.constant 0 : i32
    %c0_i32_1 = arith.constant 0 : i32
    return %c0_i32, %c0_i32_0 : i32, i32
  }
  func.func @transform_5(%arg0: i32) -> (i32, i32) {
    %c0_i32 = arith.constant 0 : i32
    %c0_i32_0 = arith.constant 0 : i32
    %c0_i32_1 = arith.constant 0 : i32
    return %c0_i32, %c0_i32_0 : i32, i32
  }
  func.func @transform_6(%arg0: i32) -> (i32, i32) {
    %c0_i32 = arith.constant 0 : i32
    %c0_i32_0 = arith.constant 0 : i32
    return %arg0, %c0_i32 : i32, i32
  }
}

module attributes {stable_mosaic.version = 14 : i64} {
  func.func @_post_body(%arg0: i32, %arg1: memref<128x128xf32, #tpu.memory_space<vmem>>, %arg2: memref<1x128x128xf32, #tpu.memory_space<vmem>>, %arg3: memref<1x128x128xf32, #tpu.memory_space<vmem>>, %arg4: memref<128x128xf32, #tpu.memory_space<vmem>>, %arg5: memref<128x128xf32, #tpu.memory_space<vmem>>, %arg6: memref<1x128xf32, #tpu.memory_space<vmem>>, %arg7: memref<128x128xf32, #tpu.memory_space<vmem>>, %arg8: memref<128x128xf32, #tpu.memory_space<vmem>>) attributes {dimension_semantics = [#tpu.dimension_semantics<arbitrary>], iteration_bounds = array<i64: 79>, scalar_prefetch = 0 : i64, scratch_operands = 0 : i64, tpu.core_type = #tpu.core_type<tc>, window_params = [{transform_indices = @transform_0, window_bounds = array<i64: 128, 128>}, {transform_indices = @transform_1, window_bounds = array<i64: 1, 128, 128>}, {transform_indices = @transform_2, window_bounds = array<i64: 1, 128, 128>}, {pipeline_mode = #tpu.pipeline_mode<synchronous>, transform_indices = @transform_3, window_bounds = array<i64: 128, 128>}, {pipeline_mode = #tpu.pipeline_mode<synchronous>, transform_indices = @transform_4, window_bounds = array<i64: 128, 128>}, {pipeline_mode = #tpu.pipeline_mode<synchronous>, transform_indices = @transform_5, window_bounds = array<i64: 1, 128>}, {transform_indices = @transform_6, window_bounds = array<i64: 128, 128>}, {transform_indices = @transform_7, window_bounds = array<i64: 128, 128>}]} {
    %get3A = arith.constant 0 : index
    %get3A_0 = arith.constant 0 : index
    %get3A_1 = arith.constant 0 : index
    %get3A_2 = vector.load %arg2[%get3A, %get3A_0, %get3A_1] : memref<1x128x128xf32, #tpu.memory_space<vmem>>, vector<1x128x128xf32>
    %get3A_3 = vector.shape_cast %get3A_2 : vector<1x128x128xf32> to vector<128x128xf32>
    %get3A_4 = arith.constant 0 : index
    %get3A_5 = arith.constant 0 : index
    %get3A_6 = arith.constant 0 : index
    %get3A_7 = vector.load %arg3[%get3A_4, %get3A_5, %get3A_6] : memref<1x128x128xf32, #tpu.memory_space<vmem>>, vector<1x128x128xf32>
    %get3A_8 = vector.shape_cast %get3A_7 : vector<1x128x128xf32> to vector<128x128xf32>
    %add3A = arith.addf %get3A_3, %get3A_8 : vector<128x128xf32>
    %get3A_9 = arith.constant 0 : index
    %get3A_10 = arith.constant 0 : index
    %get3A_11 = vector.load %arg1[%get3A_9, %get3A_10] : memref<128x128xf32, #tpu.memory_space<vmem>>, vector<128x128xf32>
    %get3A_12 = arith.constant 0 : index
    %get3A_13 = arith.constant 0 : index
    %get3A_14 = vector.load %arg4[%get3A_12, %get3A_13] : memref<128x128xf32, #tpu.memory_space<vmem>>, vector<128x128xf32>
    %dot_general3A = arith.constant dense<0.000000e+00> : vector<128x128xf32>
    %dot_general3A_15 = tpu.matmul %get3A_11, %get3A_14, %dot_general3A {dimension_numbers = #tpu.dot_dimension_numbers<[1], [0], [0], [1], [0, 0, 1, 1], [], []>, transpose_lhs_hint = false} : vector<128x128xf32>, vector<128x128xf32>, vector<128x128xf32> -> vector<128x128xf32>
    %get3A_16 = arith.constant 0 : index
    %get3A_17 = arith.constant 0 : index
    %get3A_18 = vector.load %arg5[%get3A_16, %get3A_17] : memref<128x128xf32, #tpu.memory_space<vmem>>, vector<128x128xf32>
    %dot_general3A_19 = arith.constant dense<0.000000e+00> : vector<128x128xf32>
    %dot_general3A_20 = tpu.matmul %add3A, %get3A_18, %dot_general3A_19 {dimension_numbers = #tpu.dot_dimension_numbers<[1], [0], [0], [1], [0, 0, 1, 1], [], []>, transpose_lhs_hint = false} : vector<128x128xf32>, vector<128x128xf32>, vector<128x128xf32> -> vector<128x128xf32>
    %add3A_21 = arith.addf %dot_general3A_15, %dot_general3A_20 : vector<128x128xf32>
    %get3A_22 = arith.constant 0 : index
    %get3A_23 = arith.constant 0 : index
    %get3A_24 = vector.load %arg6[%get3A_22, %get3A_23] : memref<1x128xf32, #tpu.memory_space<vmem>>, vector<1x128xf32>
    %add3A_25 = vector.broadcast %get3A_24 : vector<1x128xf32> to vector<128x128xf32>
    %add3A_26 = arith.addf %add3A_21, %add3A_25 : vector<128x128xf32>
    %get3A_27 = arith.constant 0 : index
    %get3A_28 = arith.constant 0 : index
    %get3A_29 = vector.load %arg7[%get3A_27, %get3A_28] : memref<128x128xf32, #tpu.memory_space<vmem>>, vector<128x128xf32>
    %add3A_30 = arith.addf %add3A_26, %get3A_29 : vector<128x128xf32>
    %max3A = arith.constant 0.000000e+00 : f32
    %max3A_31 = vector.broadcast %max3A : f32 to vector<128x128xf32>
    %max3A_32 = arith.maximumf %add3A_30, %max3A_31 : vector<128x128xf32>
    %swap3A = arith.constant 0 : index
    %swap3A_33 = arith.constant 0 : index
    %swap3A_34 = vector.load %arg8[%swap3A, %swap3A_33] : memref<128x128xf32, #tpu.memory_space<vmem>>, vector<128x128xf32>
    tpu.vector_store %arg8[%swap3A, %swap3A_33], %max3A_32 {strides = array<i32>} : memref<128x128xf32, #tpu.memory_space<vmem>>, vector<128x128xf32>,
    return
  }
  func.func @transform_0(%arg0: i32) -> (i32, i32) {
    %c0_i32 = arith.constant 0 : i32
    %c0_i32_0 = arith.constant 0 : i32
    return %arg0, %c0_i32 : i32, i32
  }
  func.func @transform_1(%arg0: i32) -> (i32, i32, i32) {
    %jit3A = arith.constant 40 : i32
    %div3A = arith.divsi %arg0, %jit3A : i32
    %sign3A = arith.constant 0 : i32
    %sign3A_0 = arith.cmpi sgt, %arg0, %sign3A : i32
    %sign3A_1 = arith.extui %sign3A_0 : i1 to i32
    %sign3A_2 = arith.constant 0 : i32
    %sign3A_3 = arith.cmpi slt, %arg0, %sign3A_2 : i32
    %sign3A_4 = arith.extui %sign3A_3 : i1 to i32
    %sign3A_5 = arith.subi %sign3A_1, %sign3A_4 : i32
    %sign3A_6 = arith.constant 0 : i32
    %sign3A_7 = arith.cmpi sgt, %jit3A, %sign3A_6 : i32
    %sign3A_8 = arith.extui %sign3A_7 : i1 to i32
    %sign3A_9 = arith.constant 0 : i32
    %sign3A_10 = arith.cmpi slt, %jit3A, %sign3A_9 : i32
    %sign3A_11 = arith.extui %sign3A_10 : i1 to i32
    %sign3A_12 = arith.subi %sign3A_8, %sign3A_11 : i32
    %ne3A = arith.cmpi ne, %sign3A_5, %sign3A_12 : i32
    %rem3A = arith.remsi %arg0, %jit3A : i32
    %ne3A_13 = arith.constant 0 : i32
    %ne3A_14 = arith.cmpi ne, %rem3A, %ne3A_13 : i32
    %and3A = arith.andi %ne3A, %ne3A_14 : i1
    %sub3A = arith.constant 1 : i32
    %sub3A_15 = arith.subi %div3A, %sub3A : i32
    %select_n3A = arith.select %and3A, %sub3A_15, %div3A : i32
    %jit3A_16 = arith.constant 40 : i32
    %eq3A = arith.constant 0 : i32
    %eq3A_17 = arith.cmpi eq, %jit3A_16, %eq3A : i32
    %jit3A_18 = arith.constant 1 : i32
    %select_n3A_19 = arith.select %eq3A_17, %jit3A_18, %jit3A_16 : i32
    %rem3A_20 = arith.remsi %arg0, %select_n3A_19 : i32
    %ne3A_21 = arith.constant 0 : i32
    %ne3A_22 = arith.cmpi ne, %rem3A_20, %ne3A_21 : i32
    %lt3A = arith.constant 0 : i32
    %lt3A_23 = arith.cmpi slt, %rem3A_20, %lt3A : i32
    %lt3A_24 = arith.constant 0 : i32
    %lt3A_25 = arith.cmpi slt, %select_n3A_19, %lt3A_24 : i32
    %ne3A_26 = arith.xori %lt3A_23, %lt3A_25 : i1
    %and3A_27 = arith.andi %ne3A_26, %ne3A_22 : i1
    %add3A = arith.addi %rem3A_20, %select_n3A_19 : i32
    %select_n3A_28 = arith.select %and3A_27, %add3A, %rem3A_20 : i32
    %c0_i32 = arith.constant 0 : i32
    %c0_i32_29 = arith.constant 0 : i32
    return %select_n3A, %select_n3A_28, %c0_i32 : i32, i32, i32
  }
  func.func @transform_2(%arg0: i32) -> (i32, i32, i32) {
    %jit3A = arith.constant 40 : i32
    %div3A = arith.divsi %arg0, %jit3A : i32
    %sign3A = arith.constant 0 : i32
    %sign3A_0 = arith.cmpi sgt, %arg0, %sign3A : i32
    %sign3A_1 = arith.extui %sign3A_0 : i1 to i32
    %sign3A_2 = arith.constant 0 : i32
    %sign3A_3 = arith.cmpi slt, %arg0, %sign3A_2 : i32
    %sign3A_4 = arith.extui %sign3A_3 : i1 to i32
    %sign3A_5 = arith.subi %sign3A_1, %sign3A_4 : i32
    %sign3A_6 = arith.constant 0 : i32
    %sign3A_7 = arith.cmpi sgt, %jit3A, %sign3A_6 : i32
    %sign3A_8 = arith.extui %sign3A_7 : i1 to i32
    %sign3A_9 = arith.constant 0 : i32
    %sign3A_10 = arith.cmpi slt, %jit3A, %sign3A_9 : i32
    %sign3A_11 = arith.extui %sign3A_10 : i1 to i32
    %sign3A_12 = arith.subi %sign3A_8, %sign3A_11 : i32
    %ne3A = arith.cmpi ne, %sign3A_5, %sign3A_12 : i32
    %rem3A = arith.remsi %arg0, %jit3A : i32
    %ne3A_13 = arith.constant 0 : i32
    %ne3A_14 = arith.cmpi ne, %rem3A, %ne3A_13 : i32
    %and3A = arith.andi %ne3A, %ne3A_14 : i1
    %sub3A = arith.constant 1 : i32
    %sub3A_15 = arith.subi %div3A, %sub3A : i32
    %select_n3A = arith.select %and3A, %sub3A_15, %div3A : i32
    %jit3A_16 = arith.constant 40 : i32
    %eq3A = arith.constant 0 : i32
    %eq3A_17 = arith.cmpi eq, %jit3A_16, %eq3A : i32
    %jit3A_18 = arith.constant 1 : i32
    %select_n3A_19 = arith.select %eq3A_17, %jit3A_18, %jit3A_16 : i32
    %rem3A_20 = arith.remsi %arg0, %select_n3A_19 : i32
    %ne3A_21 = arith.constant 0 : i32
    %ne3A_22 = arith.cmpi ne, %rem3A_20, %ne3A_21 : i32
    %lt3A = arith.constant 0 : i32
    %lt3A_23 = arith.cmpi slt, %rem3A_20, %lt3A : i32
    %lt3A_24 = arith.constant 0 : i32
    %lt3A_25 = arith.cmpi slt, %select_n3A_19, %lt3A_24 : i32
    %ne3A_26 = arith.xori %lt3A_23, %lt3A_25 : i1
    %and3A_27 = arith.andi %ne3A_26, %ne3A_22 : i1
    %add3A = arith.addi %rem3A_20, %select_n3A_19 : i32
    %select_n3A_28 = arith.select %and3A_27, %add3A, %rem3A_20 : i32
    %c0_i32 = arith.constant 0 : i32
    %c0_i32_29 = arith.constant 0 : i32
    return %select_n3A, %select_n3A_28, %c0_i32 : i32, i32, i32
  }
  func.func @transform_3(%arg0: i32) -> (i32, i32) {
    %c0_i32 = arith.constant 0 : i32
    %c0_i32_0 = arith.constant 0 : i32
    %c0_i32_1 = arith.constant 0 : i32
    return %c0_i32, %c0_i32_0 : i32, i32
  }
  func.func @transform_4(%arg0: i32) -> (i32, i32) {
    %c0_i32 = arith.constant 0 : i32
    %c0_i32_0 = arith.constant 0 : i32
    %c0_i32_1 = arith.constant 0 : i32
    return %c0_i32, %c0_i32_0 : i32, i32
  }
  func.func @transform_5(%arg0: i32) -> (i32, i32) {
    %c0_i32 = arith.constant 0 : i32
    %c0_i32_0 = arith.constant 0 : i32
    %c0_i32_1 = arith.constant 0 : i32
    return %c0_i32, %c0_i32_0 : i32, i32
  }
  func.func @transform_6(%arg0: i32) -> (i32, i32) {
    %c0_i32 = arith.constant 0 : i32
    %c0_i32_0 = arith.constant 0 : i32
    return %arg0, %c0_i32 : i32, i32
  }
  func.func @transform_7(%arg0: i32) -> (i32, i32) {
    %c0_i32 = arith.constant 0 : i32
    %c0_i32_0 = arith.constant 0 : i32
    return %arg0, %c0_i32 : i32, i32
  }
}

module attributes {stable_mosaic.version = 14 : i64} {
  func.func @_pass1_body(%arg0: i32, %arg1: memref<128x128xf32, #tpu.memory_space<vmem>>, %arg2: memref<128x1xi32, #tpu.memory_space<vmem>>, %arg3: memref<128x128xf32, #tpu.memory_space<vmem>>, %arg4: memref<1x128xf32, #tpu.memory_space<vmem>>, %arg5: memref<128x128xf32, #tpu.memory_space<vmem>>, %arg6: memref<1x128xf32, #tpu.memory_space<vmem>>, %arg7: memref<128x1xf32, #tpu.memory_space<vmem>>, %arg8: memref<1x1xf32, #tpu.memory_space<vmem>>, %arg9: memref<128x1xf32, #tpu.memory_space<vmem>>, %arg10: memref<8x64xf32, #tpu.memory_space<vmem>>) attributes {dimension_semantics = [#tpu.dimension_semantics<arbitrary>], iteration_bounds = array<i64: 79>, scalar_prefetch = 0 : i64, scratch_operands = 0 : i64, tpu.core_type = #tpu.core_type<tc>, window_params = [{transform_indices = @transform_0, window_bounds = array<i64: 128, 128>}, {transform_indices = @transform_1, window_bounds = array<i64: 128, 1>}, {pipeline_mode = #tpu.pipeline_mode<synchronous>, transform_indices = @transform_2, window_bounds = array<i64: 128, 128>}, {pipeline_mode = #tpu.pipeline_mode<synchronous>, transform_indices = @transform_3, window_bounds = array<i64: 1, 128>}, {pipeline_mode = #tpu.pipeline_mode<synchronous>, transform_indices = @transform_4, window_bounds = array<i64: 128, 128>}, {pipeline_mode = #tpu.pipeline_mode<synchronous>, transform_indices = @transform_5, window_bounds = array<i64: 1, 128>}, {pipeline_mode = #tpu.pipeline_mode<synchronous>, transform_indices = @transform_6, window_bounds = array<i64: 128, 1>}, {pipeline_mode = #tpu.pipeline_mode<synchronous>, transform_indices = @transform_7, window_bounds = array<i64: 1, 1>}, {transform_indices = @transform_8, window_bounds = array<i64: 128, 1>}, {pipeline_mode = #tpu.pipeline_mode<synchronous>, transform_indices = @transform_9, window_bounds = array<i64: 8, 64>}]} {
    %get3A = arith.constant 0 : index
    %get3A_0 = arith.constant 0 : index
    %get3A_1 = vector.load %arg1[%get3A, %get3A_0] : memref<128x128xf32, #tpu.memory_space<vmem>>, vector<128x128xf32>
    %get3A_2 = arith.constant 0 : index
    %get3A_3 = arith.constant 0 : index
    %get3A_4 = vector.load %arg3[%get3A_2, %get3A_3] : memref<128x128xf32, #tpu.memory_space<vmem>>, vector<128x128xf32>
    %dot_general3A = arith.constant dense<0.000000e+00> : vector<128x128xf32>
    %dot_general3A_5 = tpu.matmul %get3A_1, %get3A_4, %dot_general3A {dimension_numbers = #tpu.dot_dimension_numbers<[1], [0], [0], [1], [0, 0, 1, 1], [], []>, transpose_lhs_hint = false} : vector<128x128xf32>, vector<128x128xf32>, vector<128x128xf32> -> vector<128x128xf32>
    %get3A_6 = arith.constant 0 : index
    %get3A_7 = arith.constant 0 : index
    %get3A_8 = vector.load %arg4[%get3A_6, %get3A_7] : memref<1x128xf32, #tpu.memory_space<vmem>>, vector<1x128xf32>
    %add3A = vector.broadcast %get3A_8 : vector<1x128xf32> to vector<128x128xf32>
    %add3A_9 = arith.addf %dot_general3A_5, %add3A : vector<128x128xf32>
    %max3A = arith.constant 0.000000e+00 : f32
    %max3A_10 = vector.broadcast %max3A : f32 to vector<128x128xf32>
    %max3A_11 = arith.maximumf %add3A_9, %max3A_10 : vector<128x128xf32>
    %get3A_12 = arith.constant 0 : index
    %get3A_13 = arith.constant 0 : index
    %get3A_14 = vector.load %arg5[%get3A_12, %get3A_13] : memref<128x128xf32, #tpu.memory_space<vmem>>, vector<128x128xf32>
    %dot_general3A_15 = arith.constant dense<0.000000e+00> : vector<128x128xf32>
    %dot_general3A_16 = tpu.matmul %max3A_11, %get3A_14, %dot_general3A_15 {dimension_numbers = #tpu.dot_dimension_numbers<[1], [0], [0], [1], [0, 0, 1, 1], [], []>, transpose_lhs_hint = false} : vector<128x128xf32>, vector<128x128xf32>, vector<128x128xf32> -> vector<128x128xf32>
    %get3A_17 = arith.constant 0 : index
    %get3A_18 = arith.constant 0 : index
    %get3A_19 = vector.load %arg6[%get3A_17, %get3A_18] : memref<1x128xf32, #tpu.memory_space<vmem>>, vector<1x128xf32>
    %add3A_20 = vector.broadcast %get3A_19 : vector<1x128xf32> to vector<128x128xf32>
    %add3A_21 = arith.addf %dot_general3A_16, %add3A_20 : vector<128x128xf32>
    %max3A_22 = arith.constant 0.000000e+00 : f32
    %max3A_23 = vector.broadcast %max3A_22 : f32 to vector<128x128xf32>
    %max3A_24 = arith.maximumf %add3A_21, %max3A_23 : vector<128x128xf32>
    %get3A_25 = arith.constant 0 : index
    %get3A_26 = arith.constant 0 : index
    %get3A_27 = vector.load %arg7[%get3A_25, %get3A_26] : memref<128x1xf32, #tpu.memory_space<vmem>>, vector<128x1xf32>
    %dot_general3A_28 = arith.constant dense<0.000000e+00> : vector<128x1xf32>
    %dot_general3A_29 = tpu.matmul %max3A_24, %get3A_27, %dot_general3A_28 {dimension_numbers = #tpu.dot_dimension_numbers<[1], [0], [0], [1], [0, 0, 1, 1], [], []>, transpose_lhs_hint = false} : vector<128x128xf32>, vector<128x1xf32>, vector<128x1xf32> -> vector<128x1xf32>
    %get3A_30 = arith.constant 0 : index
    %get3A_31 = arith.constant 0 : index
    %get3A_32 = vector.load %arg8[%get3A_30, %get3A_31] : memref<1x1xf32, #tpu.memory_space<vmem>>, vector<1x1xf32>
    %add3A_33 = vector.broadcast %get3A_32 : vector<1x1xf32> to vector<128x1xf32>
    %add3A_34 = arith.addf %dot_general3A_29, %add3A_33 : vector<128x1xf32>
    %swap3A = arith.constant 0 : index
    %swap3A_35 = arith.constant 0 : index
    %swap3A_36 = vector.load %arg9[%swap3A, %swap3A_35] : memref<128x1xf32, #tpu.memory_space<vmem>>, vector<128x1xf32>
    tpu.vector_store %arg9[%swap3A, %swap3A_35], %add3A_34 {strides = array<i32>} : memref<128x1xf32, #tpu.memory_space<vmem>>, vector<128x1xf32>,
    %get3A_37 = arith.constant 0 : index
    %get3A_38 = arith.constant 0 : index
    %get3A_39 = vector.load %arg2[%get3A_37, %get3A_38] : memref<128x1xi32, #tpu.memory_space<vmem>>, vector<128x1xi32>
    %iota3A = tpu.iota {dimensions = array<i32: 1>} : vector<128x64xi32>
    %eq3A = vector.broadcast %get3A_39 : vector<128x1xi32> to vector<128x64xi32>
    %eq3A_40 = arith.cmpi eq, %eq3A, %iota3A : vector<128x64xi32>
    %jit3A = arith.constant -1.000000e+30 : f32
    %broadcast_in_dim3A = vector.shape_cast %add3A_34 : vector<128x1xf32> to vector<128x1xf32>
    %broadcast_in_dim3A_41 = vector.broadcast %broadcast_in_dim3A : vector<128x1xf32> to vector<128x64xf32>
    %broadcast_in_dim3A_42 = vector.broadcast %jit3A : f32 to vector<128x64xf32>
    %select_n3A = arith.select %eq3A_40, %broadcast_in_dim3A_41, %broadcast_in_dim3A_42 : vector<128x64xi1>, vector<128x64xf32>
    %reduce_max3A = arith.constant dense<0xFF800000> : vector<64xf32>
    %reduce_max3A_43 = vector.multi_reduction <maximumf>, %select_n3A, %reduce_max3A [0] : vector<128x64xf32> to vector<64xf32>
    %broadcast_in_dim3A_44 = vector.shape_cast %reduce_max3A_43 : vector<64xf32> to vector<1x64xf32>
    %eq3A_45 = arith.constant 0 : i32
    %eq3A_46 = arith.cmpi eq, %arg0, %eq3A_45 : i32
    %convert_element_type3A = arith.extui %eq3A_46 : i1 to i32
    %cond3A = arith.constant 0 : i32
    %cond3A_47 = arith.cmpi ne, %convert_element_type3A, %cond3A : i32
    scf.if %cond3A_47 {
      %broadcast_in_dim3A_57 = arith.constant -1.000000e+30 : f32
      %broadcast_in_dim3A_58 = vector.broadcast %broadcast_in_dim3A_57 : f32 to vector<8x64xf32>
      %swap3A_59 = arith.constant 0 : index
      %swap3A_60 = arith.constant 0 : index
      %swap3A_61 = vector.load %arg10[%swap3A_59, %swap3A_60] : memref<8x64xf32, #tpu.memory_space<vmem>>, vector<8x64xf32>
      tpu.vector_store %arg10[%swap3A_59, %swap3A_60], %broadcast_in_dim3A_58 {strides = array<i32>} : memref<8x64xf32, #tpu.memory_space<vmem>>, vector<8x64xf32>,
    } else {
    }
    %get3A_48 = arith.constant 0 : index
    %get3A_49 = arith.constant 0 : index
    %get3A_50 = vector.load %arg10[%get3A_48, %get3A_49] : memref<8x64xf32, #tpu.memory_space<vmem>>, vector<8x64xf32>
    %broadcast_in_dim3A_51 = vector.shape_cast %broadcast_in_dim3A_44 : vector<1x64xf32> to vector<1x64xf32>
    %broadcast_in_dim3A_52 = vector.broadcast %broadcast_in_dim3A_51 : vector<1x64xf32> to vector<8x64xf32>
    %max3A_53 = arith.maximumf %get3A_50, %broadcast_in_dim3A_52 : vector<8x64xf32>
    %swap3A_54 = arith.constant 0 : index
    %swap3A_55 = arith.constant 0 : index
    %swap3A_56 = vector.load %arg10[%swap3A_54, %swap3A_55] : memref<8x64xf32, #tpu.memory_space<vmem>>, vector<8x64xf32>
    tpu.vector_store %arg10[%swap3A_54, %swap3A_55], %max3A_53 {strides = array<i32>} : memref<8x64xf32, #tpu.memory_space<vmem>>, vector<8x64xf32>,
    return
  }
  func.func @transform_0(%arg0: i32) -> (i32, i32) {
    %c0_i32 = arith.constant 0 : i32
    %c0_i32_0 = arith.constant 0 : i32
    return %arg0, %c0_i32 : i32, i32
  }
  func.func @transform_1(%arg0: i32) -> (i32, i32) {
    %c0_i32 = arith.constant 0 : i32
    %c0_i32_0 = arith.constant 0 : i32
    return %arg0, %c0_i32 : i32, i32
  }
  func.func @transform_2(%arg0: i32) -> (i32, i32) {
    %c0_i32 = arith.constant 0 : i32
    %c0_i32_0 = arith.constant 0 : i32
    %c0_i32_1 = arith.constant 0 : i32
    return %c0_i32, %c0_i32_0 : i32, i32
  }
  func.func @transform_3(%arg0: i32) -> (i32, i32) {
    %c0_i32 = arith.constant 0 : i32
    %c0_i32_0 = arith.constant 0 : i32
    %c0_i32_1 = arith.constant 0 : i32
    return %c0_i32, %c0_i32_0 : i32, i32
  }
  func.func @transform_4(%arg0: i32) -> (i32, i32) {
    %c0_i32 = arith.constant 0 : i32
    %c0_i32_0 = arith.constant 0 : i32
    %c0_i32_1 = arith.constant 0 : i32
    return %c0_i32, %c0_i32_0 : i32, i32
  }
  func.func @transform_5(%arg0: i32) -> (i32, i32) {
    %c0_i32 = arith.constant 0 : i32
    %c0_i32_0 = arith.constant 0 : i32
    %c0_i32_1 = arith.constant 0 : i32
    return %c0_i32, %c0_i32_0 : i32, i32
  }
  func.func @transform_6(%arg0: i32) -> (i32, i32) {
    %c0_i32 = arith.constant 0 : i32
    %c0_i32_0 = arith.constant 0 : i32
    %c0_i32_1 = arith.constant 0 : i32
    return %c0_i32, %c0_i32_0 : i32, i32
  }
  func.func @transform_7(%arg0: i32) -> (i32, i32) {
    %c0_i32 = arith.constant 0 : i32
    %c0_i32_0 = arith.constant 0 : i32
    %c0_i32_1 = arith.constant 0 : i32
    return %c0_i32, %c0_i32_0 : i32, i32
  }
  func.func @transform_8(%arg0: i32) -> (i32, i32) {
    %c0_i32 = arith.constant 0 : i32
    %c0_i32_0 = arith.constant 0 : i32
    return %arg0, %c0_i32 : i32, i32
  }
  func.func @transform_9(%arg0: i32) -> (i32, i32) {
    %c0_i32 = arith.constant 0 : i32
    %c0_i32_0 = arith.constant 0 : i32
    %c0_i32_1 = arith.constant 0 : i32
    return %c0_i32, %c0_i32_0 : i32, i32
  }
}

module attributes {stable_mosaic.version = 14 : i64} {
  func.func @_pass2_body(%arg0: i32, %arg1: memref<128x128xf32, #tpu.memory_space<vmem>>, %arg2: memref<128x1xf32, #tpu.memory_space<vmem>>, %arg3: memref<8x64xf32, #tpu.memory_space<vmem>>, %arg4: memref<128x1xi32, #tpu.memory_space<vmem>>, %arg5: memref<128x128xf32, #tpu.memory_space<vmem>>, %arg6: memref<1x128xf32, #tpu.memory_space<vmem>>, %arg7: memref<128x128xf32, #tpu.memory_space<vmem>>, %arg8: memref<1x128xf32, #tpu.memory_space<vmem>>, %arg9: memref<128x1xf32, #tpu.memory_space<vmem>>, %arg10: memref<1x1xf32, #tpu.memory_space<vmem>>, %arg11: memref<64x2xf32, #tpu.memory_space<vmem>>) attributes {dimension_semantics = [#tpu.dimension_semantics<arbitrary>], iteration_bounds = array<i64: 79>, scalar_prefetch = 0 : i64, scratch_operands = 0 : i64, tpu.core_type = #tpu.core_type<tc>, window_params = [{transform_indices = @transform_0, window_bounds = array<i64: 128, 128>}, {transform_indices = @transform_1, window_bounds = array<i64: 128, 1>}, {pipeline_mode = #tpu.pipeline_mode<synchronous>, transform_indices = @transform_2, window_bounds = array<i64: 8, 64>}, {transform_indices = @transform_3, window_bounds = array<i64: 128, 1>}, {pipeline_mode = #tpu.pipeline_mode<synchronous>, transform_indices = @transform_4, window_bounds = array<i64: 128, 128>}, {pipeline_mode = #tpu.pipeline_mode<synchronous>, transform_indices = @transform_5, window_bounds = array<i64: 1, 128>}, {pipeline_mode = #tpu.pipeline_mode<synchronous>, transform_indices = @transform_6, window_bounds = array<i64: 128, 128>}, {pipeline_mode = #tpu.pipeline_mode<synchronous>, transform_indices = @transform_7, window_bounds = array<i64: 1, 128>}, {pipeline_mode = #tpu.pipeline_mode<synchronous>, transform_indices = @transform_8, window_bounds = array<i64: 128, 1>}, {pipeline_mode = #tpu.pipeline_mode<synchronous>, transform_indices = @transform_9, window_bounds = array<i64: 1, 1>}, {pipeline_mode = #tpu.pipeline_mode<synchronous>, transform_indices = @transform_10, window_bounds = array<i64: 64, 2>}]} {
    %get3A = arith.constant 0 : index
    %get3A_0 = arith.constant 0 : index
    %get3A_1 = vector.load %arg1[%get3A, %get3A_0] : memref<128x128xf32, #tpu.memory_space<vmem>>, vector<128x128xf32>
    %get3A_2 = arith.constant 0 : index
    %get3A_3 = arith.constant 0 : index
    %get3A_4 = vector.load %arg5[%get3A_2, %get3A_3] : memref<128x128xf32, #tpu.memory_space<vmem>>, vector<128x128xf32>
    %dot_general3A = arith.constant dense<0.000000e+00> : vector<128x128xf32>
    %dot_general3A_5 = tpu.matmul %get3A_1, %get3A_4, %dot_general3A {dimension_numbers = #tpu.dot_dimension_numbers<[1], [0], [0], [1], [0, 0, 1, 1], [], []>, transpose_lhs_hint = false} : vector<128x128xf32>, vector<128x128xf32>, vector<128x128xf32> -> vector<128x128xf32>
    %get3A_6 = arith.constant 0 : index
    %get3A_7 = arith.constant 0 : index
    %get3A_8 = vector.load %arg6[%get3A_6, %get3A_7] : memref<1x128xf32, #tpu.memory_space<vmem>>, vector<1x128xf32>
    %add3A = vector.broadcast %get3A_8 : vector<1x128xf32> to vector<128x128xf32>
    %add3A_9 = arith.addf %dot_general3A_5, %add3A : vector<128x128xf32>
    %max3A = arith.constant 0.000000e+00 : f32
    %max3A_10 = vector.broadcast %max3A : f32 to vector<128x128xf32>
    %max3A_11 = arith.maximumf %add3A_9, %max3A_10 : vector<128x128xf32>
    %get3A_12 = arith.constant 0 : index
    %get3A_13 = arith.constant 0 : index
    %get3A_14 = vector.load %arg7[%get3A_12, %get3A_13] : memref<128x128xf32, #tpu.memory_space<vmem>>, vector<128x128xf32>
    %dot_general3A_15 = arith.constant dense<0.000000e+00> : vector<128x128xf32>
    %dot_general3A_16 = tpu.matmul %max3A_11, %get3A_14, %dot_general3A_15 {dimension_numbers = #tpu.dot_dimension_numbers<[1], [0], [0], [1], [0, 0, 1, 1], [], []>, transpose_lhs_hint = false} : vector<128x128xf32>, vector<128x128xf32>, vector<128x128xf32> -> vector<128x128xf32>
    %get3A_17 = arith.constant 0 : index
    %get3A_18 = arith.constant 0 : index
    %get3A_19 = vector.load %arg8[%get3A_17, %get3A_18] : memref<1x128xf32, #tpu.memory_space<vmem>>, vector<1x128xf32>
    %add3A_20 = vector.broadcast %get3A_19 : vector<1x128xf32> to vector<128x128xf32>
    %add3A_21 = arith.addf %dot_general3A_16, %add3A_20 : vector<128x128xf32>
    %max3A_22 = arith.constant 0.000000e+00 : f32
    %max3A_23 = vector.broadcast %max3A_22 : f32 to vector<128x128xf32>
    %max3A_24 = arith.maximumf %add3A_21, %max3A_23 : vector<128x128xf32>
    %get3A_25 = arith.constant 0 : index
    %get3A_26 = arith.constant 0 : index
    %get3A_27 = vector.load %arg9[%get3A_25, %get3A_26] : memref<128x1xf32, #tpu.memory_space<vmem>>, vector<128x1xf32>
    %dot_general3A_28 = arith.constant dense<0.000000e+00> : vector<128x1xf32>
    %dot_general3A_29 = tpu.matmul %max3A_24, %get3A_27, %dot_general3A_28 {dimension_numbers = #tpu.dot_dimension_numbers<[1], [0], [0], [1], [0, 0, 1, 1], [], []>, transpose_lhs_hint = false} : vector<128x128xf32>, vector<128x1xf32>, vector<128x1xf32> -> vector<128x1xf32>
    %get3A_30 = arith.constant 0 : index
    %get3A_31 = arith.constant 0 : index
    %get3A_32 = vector.load %arg10[%get3A_30, %get3A_31] : memref<1x1xf32, #tpu.memory_space<vmem>>, vector<1x1xf32>
    %add3A_33 = vector.broadcast %get3A_32 : vector<1x1xf32> to vector<128x1xf32>
    %add3A_34 = arith.addf %dot_general3A_29, %add3A_33 : vector<128x1xf32>
    %get3A_35 = arith.constant 0 : index
    %get3A_36 = arith.constant 0 : index
    %get3A_37 = vector.load %arg4[%get3A_35, %get3A_36] : memref<128x1xi32, #tpu.memory_space<vmem>>, vector<128x1xi32>
    %iota3A = tpu.iota {dimensions = array<i32: 1>} : vector<128x64xi32>
    %eq3A = vector.broadcast %get3A_37 : vector<128x1xi32> to vector<128x64xi32>
    %eq3A_38 = arith.cmpi eq, %eq3A, %iota3A : vector<128x64xi32>
    %convert_element_type3A = arith.extui %eq3A_38 : vector<128x64xi1> to vector<128x64xi32>
    %convert_element_type3A_39 = arith.sitofp %convert_element_type3A : vector<128x64xi32> to vector<128x64xf32>
    %get3A_40 = arith.constant 0 : index
    %get3A_41 = arith.constant 0 : index
    %get3A_42 = vector.load %arg3[%get3A_40, %get3A_41] : memref<8x64xf32, #tpu.memory_space<vmem>>, vector<1x64xf32>
    %mul3A = vector.broadcast %get3A_42 : vector<1x64xf32> to vector<128x64xf32>
    %mul3A_43 = arith.mulf %convert_element_type3A_39, %mul3A : vector<128x64xf32>
    %reduce_sum3A = arith.constant dense<0.000000e+00> : vector<128xf32>
    %reduce_sum3A_44 = vector.multi_reduction <add>, %mul3A_43, %reduce_sum3A [1] : vector<128x64xf32> to vector<128xf32>
    %broadcast_in_dim3A = vector.shape_cast %reduce_sum3A_44 : vector<128xf32> to vector<128x1xf32>
    %lt3A = arith.constant 64 : i32
    %lt3A_45 = vector.broadcast %lt3A : i32 to vector<128x1xi32>
    %lt3A_46 = arith.cmpi slt, %get3A_37, %lt3A_45 : vector<128x1xi32>
    %get3A_47 = arith.constant 0 : index
    %get3A_48 = arith.constant 0 : index
    %get3A_49 = vector.load %arg2[%get3A_47, %get3A_48] : memref<128x1xf32, #tpu.memory_space<vmem>>, vector<128x1xf32>
    %sub3A = arith.subf %get3A_49, %broadcast_in_dim3A : vector<128x1xf32>
    %exp3A = math.exp %sub3A : vector<128x1xf32>
    %jit3A = arith.constant 0.000000e+00 : f32
    %broadcast_in_dim3A_50 = vector.broadcast %jit3A : f32 to vector<128x1xf32>
    %select_n3A = arith.select %lt3A_46, %exp3A, %broadcast_in_dim3A_50 : vector<128x1xi1>, vector<128x1xf32>
    %mul3A_51 = vector.broadcast %select_n3A : vector<128x1xf32> to vector<128x64xf32>
    %mul3A_52 = arith.mulf %convert_element_type3A_39, %mul3A_51 : vector<128x64xf32>
    %broadcast_in_dim3A_53 = arith.constant 1.000000e+00 : f32
    %broadcast_in_dim3A_54 = vector.broadcast %broadcast_in_dim3A_53 : f32 to vector<128x1xf32>
    %concatenate3A = tpu.concatenate %add3A_34, %broadcast_in_dim3A_54 in 1 : vector<128x1xf32>, vector<128x1xf32> -> vector<128x2xf32>
    %dot_general3A_55 = arith.constant dense<0.000000e+00> : vector<64x2xf32>
    %dot_general3A_56 = tpu.matmul %mul3A_52, %concatenate3A, %dot_general3A_55 {dimension_numbers = #tpu.dot_dimension_numbers<[0], [0], [1], [1], [0, 1, 1, 1], [], []>, precision = #tpu.contract_precision<fp32>, transpose_lhs_hint = false} : vector<128x64xf32>, vector<128x2xf32>, vector<64x2xf32> -> vector<64x2xf32>
    %eq3A_57 = arith.constant 0 : i32
    %eq3A_58 = arith.cmpi eq, %arg0, %eq3A_57 : i32
    %convert_element_type3A_59 = arith.extui %eq3A_58 : i1 to i32
    %cond3A = arith.constant 0 : i32
    %cond3A_60 = arith.cmpi ne, %convert_element_type3A_59, %cond3A : i32
    scf.if %cond3A_60 {
      %broadcast_in_dim3A_67 = arith.constant 0.000000e+00 : f32
      %broadcast_in_dim3A_68 = vector.broadcast %broadcast_in_dim3A_67 : f32 to vector<64x2xf32>
      %swap3A_69 = arith.constant 0 : index
      %swap3A_70 = arith.constant 0 : index
      %swap3A_71 = vector.load %arg11[%swap3A_69, %swap3A_70] : memref<64x2xf32, #tpu.memory_space<vmem>>, vector<64x2xf32>
      tpu.vector_store %arg11[%swap3A_69, %swap3A_70], %broadcast_in_dim3A_68 {strides = array<i32>} : memref<64x2xf32, #tpu.memory_space<vmem>>, vector<64x2xf32>,
    } else {
    }
    %get3A_61 = arith.constant 0 : index
    %get3A_62 = arith.constant 0 : index
    %get3A_63 = vector.load %arg11[%get3A_61, %get3A_62] : memref<64x2xf32, #tpu.memory_space<vmem>>, vector<64x2xf32>
    %add3A_64 = arith.addf %get3A_63, %dot_general3A_56 : vector<64x2xf32>
    %swap3A = arith.constant 0 : index
    %swap3A_65 = arith.constant 0 : index
    %swap3A_66 = vector.load %arg11[%swap3A, %swap3A_65] : memref<64x2xf32, #tpu.memory_space<vmem>>, vector<64x2xf32>
    tpu.vector_store %arg11[%swap3A, %swap3A_65], %add3A_64 {strides = array<i32>} : memref<64x2xf32, #tpu.memory_space<vmem>>, vector<64x2xf32>,
    return
  }
  func.func @transform_0(%arg0: i32) -> (i32, i32) {
    %c0_i32 = arith.constant 0 : i32
    %c0_i32_0 = arith.constant 0 : i32
    return %arg0, %c0_i32 : i32, i32
  }
  func.func @transform_1(%arg0: i32) -> (i32, i32) {
    %c0_i32 = arith.constant 0 : i32
    %c0_i32_0 = arith.constant 0 : i32
    return %arg0, %c0_i32 : i32, i32
  }
  func.func @transform_2(%arg0: i32) -> (i32, i32) {
    %c0_i32 = arith.constant 0 : i32
    %c0_i32_0 = arith.constant 0 : i32
    %c0_i32_1 = arith.constant 0 : i32
    return %c0_i32, %c0_i32_0 : i32, i32
  }
  func.func @transform_3(%arg0: i32) -> (i32, i32) {
    %c0_i32 = arith.constant 0 : i32
    %c0_i32_0 = arith.constant 0 : i32
    return %arg0, %c0_i32 : i32, i32
  }
  func.func @transform_4(%arg0: i32) -> (i32, i32) {
    %c0_i32 = arith.constant 0 : i32
    %c0_i32_0 = arith.constant 0 : i32
    %c0_i32_1 = arith.constant 0 : i32
    return %c0_i32, %c0_i32_0 : i32, i32
  }
  func.func @transform_5(%arg0: i32) -> (i32, i32) {
    %c0_i32 = arith.constant 0 : i32
    %c0_i32_0 = arith.constant 0 : i32
    %c0_i32_1 = arith.constant 0 : i32
    return %c0_i32, %c0_i32_0 : i32, i32
  }
  func.func @transform_6(%arg0: i32) -> (i32, i32) {
    %c0_i32 = arith.constant 0 : i32
    %c0_i32_0 = arith.constant 0 : i32
    %c0_i32_1 = arith.constant 0 : i32
    return %c0_i32, %c0_i32_0 : i32, i32
  }
  func.func @transform_7(%arg0: i32) -> (i32, i32) {
    %c0_i32 = arith.constant 0 : i32
    %c0_i32_0 = arith.constant 0 : i32
    %c0_i32_1 = arith.constant 0 : i32
    return %c0_i32, %c0_i32_0 : i32, i32
  }
  func.func @transform_8(%arg0: i32) -> (i32, i32) {
    %c0_i32 = arith.constant 0 : i32
    %c0_i32_0 = arith.constant 0 : i32
    %c0_i32_1 = arith.constant 0 : i32
    return %c0_i32, %c0_i32_0 : i32, i32
  }
  func.func @transform_9(%arg0: i32) -> (i32, i32) {
    %c0_i32 = arith.constant 0 : i32
    %c0_i32_0 = arith.constant 0 : i32
    %c0_i32_1 = arith.constant 0 : i32
    return %c0_i32, %c0_i32_0 : i32, i32
  }
  func.func @transform_10(%arg0: i32) -> (i32, i32) {
    %c0_i32 = arith.constant 0 : i32
    %c0_i32_0 = arith.constant 0 : i32
    %c0_i32_1 = arith.constant 0 : i32
    return %c0_i32, %c0_i32_0 : i32, i32
  }
}

module attributes {stable_mosaic.version = 14 : i64} {
  func.func @_norm_body(%arg0: memref<64x2xf32, #tpu.memory_space<vmem>>, %arg1: memref<64x1xf32, #tpu.memory_space<vmem>>) attributes {dimension_semantics = [], scalar_prefetch = 0 : i64, scratch_operands = 0 : i64, tpu.core_type = #tpu.core_type<tc>} {
    %get3A = arith.constant 0 : index
    %get3A_0 = arith.constant 0 : index
    %get3A_1 = vector.load %arg0[%get3A, %get3A_0] : memref<64x2xf32, #tpu.memory_space<vmem>>, vector<64x1xf32>
    %get3A_2 = arith.constant 0 : index
    %get3A_3 = arith.constant 1 : index
    %get3A_4 = vector.load %arg0[%get3A_2, %get3A_3] : memref<64x2xf32, #tpu.memory_space<vmem>>, vector<64x1xf32>
    %gt3A = arith.constant 0.000000e+00 : f32
    %gt3A_5 = vector.broadcast %gt3A : f32 to vector<64x1xf32>
    %gt3A_6 = arith.cmpf ogt, %get3A_4, %gt3A_5 : vector<64x1xf32>
    %div3A = arith.divf %get3A_1, %get3A_4 : vector<64x1xf32>
    %jit3A = arith.constant 0.000000e+00 : f32
    %broadcast_in_dim3A = vector.broadcast %jit3A : f32 to vector<64x1xf32>
    %select_n3A = arith.select %gt3A_6, %div3A, %broadcast_in_dim3A : vector<64x1xi1>, vector<64x1xf32>
    %swap3A = arith.constant 0 : index
    %swap3A_7 = arith.constant 0 : index
    %swap3A_8 = vector.load %arg1[%swap3A, %swap3A_7] : memref<64x1xf32, #tpu.memory_space<vmem>>, vector<64x1xf32>
    tpu.vector_store %arg1[%swap3A, %swap3A_7], %select_n3A {strides = array<i32>} : memref<64x1xf32, #tpu.memory_space<vmem>>, vector<64x1xf32>,
    return
  }
}

</mosaic_0001>

<sc_bundles>
// kernel: kernel.19.cloned.1.call-start
scs
__scs_entry_jumppad:
0x0: {  	(pc) =	sbr.rel $0x88, $3  }
0x1: {  	(tag) =	ssettag $0x0;
	lr =	simm.s32 $0x1  }
0x2: {  	[smem:$0x3F88] =	sst lr;
	_ =	strace $0xD0000000  }
0x3: {  	_ = 	snop  }
0x4: {  	_ = 	snop  }
0x5: {  	_ = 	snop  }
0x6: {  	_ = 	snop  }
0x7: {  	_ = 	snop  }
__scs_overlays_trampoline_lowered:
0x8: {  	[smem:$0x3F97] =	sst s0  }
0x9: {  	[smem:$0x3F98] =	sst s1  }
0xa: {  	[smem:$0x3F99] =	sst s2  }
0xb: {  	[smem:$0x3F9A] =	sst s3  }
0xc: {  	[smem:$0x3F9B] =	sst s4  }
0xd: {  	[smem:$0x3F9C] =	sst s5  }
0xe: {  	[smem:$0x3F9D] =	sst s6  }
0xf: {  	[smem:$0x3F9E] =	sst s7  }
0x10: {  	[smem:$0x3F9F] =	sst s8  }
0x11: {  	[smem:$0x3FA0] =	sst s9;
	s0 =	simm.s32 @!p0 $0x0  }
0x12: {  	s1 =	sld [smem:$0x3F86];
	s0 =	simm.s32 @p0 $0x1  }
0x13: {  	[smem:$0x3FA1] =	sst s0;
	s0 =	simm.s32 @!p1 $0x0  }
0x14: {  	s2 =	sld [smem:$0x3F85];
	s0 =	simm.s32 @p1 $0x1  }
0x15: {  	[smem:$0x3FA2] =	sst s0;
	s0 =	simm.s32 @!p2 $0x0  }
0x16: {  	s3 =	sld [smem:$0x3FDB];
	s0 =	simm.s32 @p2 $0x1  }
0x17: {  	s4 =	simm.s32 $0x1BF5;
	[smem:$0x3FA4] =	sst s0  }
0x18: {  	s0 =	sld [smem:$0x3F87];
	_ =	swait.ge [sflag:s4], $0x0  }
0x19: {  	s7 =	sld [smem:$0x3F88]  }
0x1a: {  	s8 =	sadd.s32 $0xFFFFE003, lr  }
0x1b: {  	s9 =	sadd.s32 $0xFFFFFEF7, lr;
	s5 =	simm.s32 $0xFFFFFFFF;
	p2 =	slt.u32 s8, $0xFFFFF086  }
0x1c: {  	p1 =	slt.u32 s9, $0xF7A;
	s5 =	simm.s32 @!p2 $0x0  }
0x1d: {  	s5 =	simm.s32 @p1 $0x1;
	p0 =	seq.s32 s7, s2  }
0x1e: {  	s7 =	smul.u32 @!p0 $0xF7A, s2;
	p2 =	seq.s32 @!p0 s5, $0x0  }
0x1f: {  	s9 =	smul.u32 $0xF7A, s1;
	s8 =	simm.s32 @!p0 $0x1BF5;
	p2 =	por !p2, p0  }
0x20: {  	[sflag:s8] =	ssyncset.s32 @!p0 $0xFFFFF086;
	s6 =	sadd.s32 @!p0 s3, s7;
	s7 =	simm.s32 @!p0 $0x108  }
0x21: {  	s3 =	sadd.s32 s3, s9;
	s6 =	sadd.s32 @!p0 $0x88, s6;
	s7 =	simm.s32 @p2 $0x1082  }
0x22: {  	[simem:s7], [sflag:s8] =	dma.local @!p0 [hbm:s6], $0xF7A  }
0x23: {  	s9 =	sor.u32 $0xD0000000, s2;
	s6 =	simm.s32 $0x108;
	_ =	swait.ge @!p0 [sflag:s8], $0x0  }
0x24: {  	s3 =	sadd.s32 $0x88, s3;
	s6 =	simm.s32 @!p1 $0x1082;
	[sflag:s4] =	ssyncset.s32 $0xFFFFF086  }
0x25: {  	[simem:s6], [sflag:s4] =	dma.local [hbm:s3], $0xF7A  }
0x26: {  	[smem:$0x3F88] =	sst s1;
	(tag) =	ssettag s2;
	_ =	strace s9  }
0x27: {  	s1 =	sld [smem:$0x3F98]  }
0x28: {  	s2 =	sld [smem:$0x3F99]  }
0x29: {  	s4 =	sld [smem:$0x3F9B]  }
0x2a: {  	p0 =	seq.s32 s5, $0x0;
	s5 =	sld [smem:$0x3F9C]  }
0x2b: {  	s6 =	sld [smem:$0x3F9D]  }
0x2c: {  	s7 =	sld [smem:$0x3F9E]  }
0x2d: {  	s3 =	simm.s32 $0x108;
	s8 =	sld [smem:$0x3F9F]  }
0x2e: {  	s3 =	simm.s32 @!p0 $0x1082;
	s9 =	sld [smem:$0x3FA0]  }
0x2f: {  	lr =	sadd.s32 s0, s3;
	s0 =	sld [smem:$0x3F97]  }
0x30: {  	s3 =	sld [smem:$0x3F9A]  }
0x31: {  	[smem:$0x3FA3] =	sst s10  }
0x32: {  	s10 =	sld [smem:$0x3FA1];
	_ =	sdelay $0x3  }
0x33: {  	p0 =	seq.s32 s10, $0x1;
	s10 =	sld [smem:$0x3FA3];
	_ =	sdelay $0x3  }
0x34: {  	[smem:$0x3FA3] =	sst s10  }
0x35: {  	s10 =	sld [smem:$0x3FA2];
	_ =	sdelay $0x3  }
0x36: {  	p1 =	seq.s32 s10, $0x1;
	s10 =	sld [smem:$0x3FA3];
	_ =	sdelay $0x3  }
0x37: {  	[smem:$0x3FA3] =	sst s10  }
0x38: {  	s10 =	sld [smem:$0x3FA4]  }
0x39: {  	_ = 	snop;
	(pc) =	sbr.ind lr, $3  }
0x3a: {  	_ = 	snop  }
0x3b: {  	_ = 	snop  }
0x3c: {  	p2 =	seq.s32 s10, $0x1;
	s10 =	sld [smem:$0x3FA3]  }
0x3d: {  	_ =	shalt  }
0x3e: {  	_ =	shalt  }
0x3f: {  	_ =	shalt  }
0x40: {  	_ =	shalt  }
0x41: {  	_ =	shalt  }
0x42: {  	_ =	shalt  }
0x43: {  	_ =	shalt  }
0x44: {  	_ =	shalt  }
0x45: {  	_ =	shalt  }
0x46: {  	_ =	shalt  }
0x47: {  	_ =	shalt  }
0x48: {  	_ =	shalt  }
0x49: {  	_ =	shalt  }
0x4a: {  	_ =	shalt  }
0x4b: {  	_ =	shalt  }
0x4c: {  	_ =	shalt  }
0x4d: {  	_ =	shalt  }
0x4e: {  	_ =	shalt  }
0x4f: {  	_ =	shalt  }
0x50: {  	_ =	shalt  }
0x51: {  	_ =	shalt  }
0x52: {  	_ =	shalt  }
0x53: {  	_ =	shalt  }
0x54: {  	_ =	shalt  }
0x55: {  	_ =	shalt  }
0x56: {  	_ =	shalt  }
0x57: {  	_ =	shalt  }
0x58: {  	_ =	shalt  }
0x59: {  	_ =	shalt  }
0x5a: {  	_ =	shalt  }
0x5b: {  	_ =	shalt  }
0x5c: {  	_ =	shalt  }
0x5d: {  	_ =	shalt  }
0x5e: {  	_ =	shalt  }
0x5f: {  	_ =	shalt  }
0x60: {  	_ =	shalt  }
0x61: {  	_ =	shalt  }
0x62: {  	_ =	shalt  }
0x63: {  	_ =	shalt  }
0x64: {  	_ =	shalt  }
0x65: {  	_ =	shalt  }
0x66: {  	_ =	shalt  }
0x67: {  	_ =	shalt  }
0x68: {  	_ =	shalt  }
0x69: {  	_ =	shalt  }
0x6a: {  	_ =	shalt  }
0x6b: {  	_ =	shalt  }
0x6c: {  	_ =	shalt  }
0x6d: {  	_ =	shalt  }
0x6e: {  	_ =	shalt  }
0x6f: {  	_ =	shalt  }
0x70: {  	_ =	shalt  }
0x71: {  	_ =	shalt  }
0x72: {  	_ =	shalt  }
0x73: {  	_ =	shalt  }
0x74: {  	_ =	shalt  }
0x75: {  	_ =	shalt  }
0x76: {  	_ =	shalt  }
0x77: {  	_ =	shalt  }
0x78: {  	_ =	shalt  }
0x79: {  	_ =	shalt  }
0x7a: {  	_ =	shalt  }
0x7b: {  	_ =	shalt  }
0x7c: {  	_ =	shalt  }
0x7d: {  	_ =	shalt  }
0x7e: {  	_ =	shalt  }
0x7f: {  	_ =	shalt  }
0x80: {  	_ =	shalt  }
0x81: {  	_ =	shalt  }
0x82: {  	_ =	shalt  }
0x83: {  	_ =	shalt  }
0x84: {  	_ =	shalt  }
0x85: {  	_ =	shalt  }
0x86: {  	_ =	shalt  }
0x87: {  	_ =	shalt  }
.Lfunc_end0:
.L_simem_size_0:
called_computation_lowered:
.L_overlay_start_0:
0x88: {  	s2 =	sld [smem:$0x3FD9]  }
0x89: {  	s3 =	sld [smem:$0x3FFE];
	_ =	sdelay $0x1  }
0x8a: {  	s1 =	srdreg.scid  }
0x8b: {  	s0 =	sand.u32 $0x1, s1  }
0x8c: {  	s16 =	sshll.u32 s0, $0xA;
	s2 =	sadd.s32 s3, s2  }
0x8d: {  	s2 =	sadd.s32 s2, s16  }
0x8e: {  	[smem:$0x3FAF] =	sst s2  }
0x8f: {  	_ = 	snop  }
0x90: {  	(tm) =	ssettm $0x1  }
0x91: {  	s17 =	sld [smem:$0x3FFB];
	_ =	sdelay $0x3  }
0x92: {  	_ =	strace s17  }
0x93: {  	s2 =	sld [smem:$0x3FFC];
	_ =	sdelay $0x3  }
0x94: {  	_ =	strace s2  }
0x95: {  	s2 =	sld [smem:$0x3FFD];
	_ =	sdelay $0x3  }
0x96: {  	_ =	strace s2  }
0x97: {  	_ =	strace $0x8FFFFFFF  }
0x98: {  	s18 =	sld [smem:$0x3FDB];
	_ =	sdelay $0x1  }
0x99: {  	s19 =	simm.s32 $_scs_section_size  }
0x9a: {  	s4 =	simm.s32 $_size__tile_overlayer_lowered;
	s5 =	simm.s32 $_tile_overlayer_lowered  }
0x9b: {  	s22 =	simm.s32 $0x1BFF;
	s21 =	sshll.u32 s5, $0x1;
	s2 =	sadd.s32 s19, s18  }
0x9c: {  	s6 =	simm.s32 $0x0;
	s20 =	sshll.u32 s4, $0x1;
	s4 =	sadd.s32 s21, s2  }
0x9d: {  	[timem:s6], [sflag:s22] =	dma.local [hbm:s4], s20  }
0x9e: {  	_ =	swait.ge [sflag:s22], s20  }
0x9f: {  	s3 =	ssub.s32 $0x0, s20;
	[sflag:s22] =	ssyncset.done $0x0  }
0xa0: {  	[sflag:s22] =	ssyncadd.s32 s3;
	_ =	sdelay $0x1  }
0xa1: {  	s23 =	simm.s32 $0x1B8B  }
0xa2: {  	_ =	swait.ge [sflag:s23], $0x1  }
0xa3: {  	[sflag:s23] =	ssyncset.done $0x0  }
0xa4: {  	s25 =	simm.s32 $0x1B8E;
	s24 =	sld [smem:$0x3FFE];
	[sflag:s23] =	ssyncadd.s32 $0xFFFFFFFF  }
0xa5: {  	s26 =	simm.s32 $execute0_lowered;
	[smem:$0x3FD2] =	sst s25  }
0xa6: {  	s4 =	sshll.u32 s26, $0x1;
	_ =	strace $0x80000046;
	[dreg:$0x1] =	wrdreg $0xFFFFFFFF  }
0xa7: {  	s28 =	simm.s32 $_size_execute0_lowered;
	s2 =	sadd.s32 s2, s4;
	[dreg:$0x0] =	wrdreg $0x0  }
0xa8: {  	s4 =	sshll.u32 s28, $0x1;
	[dreg:$0x2] =	wrdreg s2  }
0xa9: {  	[dreg:$0x3] =	wrdreg s4  }
0xaa: {  	[dreg:$0x4] =	wrdreg $0xC0  }
0xab: {  	_ =	task [dreg:s6], $0x5FFFF  }
0xac: {  	[dreg:$0x1] =	wrdreg $0xFFFFFFFF  }
0xad: {  	[dreg:$0x0] =	wrdreg $0x60  }
0xae: {  	[dreg:$0x2] =	wrdreg s24  }
0xaf: {  	[dreg:$0x3] =	wrdreg $0xE8800  }
0xb0: {  	[dreg:$0x4] =	wrdreg $0x9  }
0xb1: {  	_ =	task.clear_ibuf [dreg:s6], $0x5FFFF;
	_ =	strace $0x90000046  }
0xb2: {  	s29 =	simm.s32 $0x9;
	_ =	strace $0x80000048  }
0xb3: {  	_ =	swait.ge [sflag:s29], $0x1  }
0xb4: {  	[sflag:s29] =	ssyncadd.s32 $0xFFFFFFFF  }
0xb5: {  	_ =	strace $0x90000048  }
0xb6: {  	_ =	sfence  }
0xb7: {  	s30 =	sld [smem:$0x0];
	_ =	sdelay $0x2  }
0xb8: {  	s31 =	sshll.u32 s1, $0xD;
	s1 =	sshrl.u32 s1, $0x2  }
0xb9: {  	s3 =	sand.u32 $0x4000, s31;
	s1 =	sadd.s32 s1, s30  }
0xba: {  	s0 =	sor.u32 s3, s0;
	s1 =	sshll.u32 s1, $0x11  }
0xbb: {  	s0 =	sor.u32 s1, s0  }
0xbc: {  	s0 =	sadd.s32 $0x8F2B, s0  }
0xbd: {  	[sflag:s0] =	ssyncadd.remote.s32 $0x1  }
0xbe: {  	_ =	sfence.sel $0xFFFF  }
0xbf: {  	[dreg:$0x0] =	wrdreg $0xFFFFFFFF;
	(pc) =	sbr.abs _section_cstart, $3  }
0xc0: {  	[dreg:$0x1] =	wrdreg $0xFFFFFFFF  }
0xc1: {  	_ =	task.clear_ibuf [dreg:s6], $0x2FFFF;
	_ =	strace $0x9FFFFFFF  }
0xc2: {  	(tm) =	ssettm $0x7FFFFFFF  }
0xc3: {  	_ =	shalt  }
tec
execute0_lowered:
.L_overlay_start_1:
0x0: {  	(tag) =	ssettag $0x1  }
0x1: {  	s0 =	rddreg [dreg:$0x0]  }
0x2: {  	s1 =	rddreg [dreg:$0x1]  }
0x3: {  	s2 =	srdreg.scid;
	s15 =	stileid.u32  }
0x4: {  	s18 =	simm.s32 $0x80;
	s19 =	simm.s32 $0x2880;
	s20 =	simm.s32 $0x6880  }
0x5: {  	s21 =	simm.s32 $0xA880;
	s22 =	simm.s32 $0x1;
	s23 =	simm.s32 $0x2  }
0x6: {  	s24 =	simm.s32 $0x3;
	s25 =	simm.s32 $0x2800;
	s26 =	simm.s32 $0x0  }
0x7: {  	s10 =	sand.u32 $0x1, s2;
	s2 =	simm.s32 $0x0;
	s4 =	sadd.s32 $0x43800, s0  }
0x8: {  	s5 =	sadd.s32 $0x2D2000, s0;
	s12 =	sadd.s32 $0x7F800, s0;
	s7 =	sadd.s32 $0x7D2000, s0  }
0x9: {  	s17 =	smul.u32 $0x14000, s15;
	p0 =	sne.s32 s15, $0x0;
	s3 =	sshll.u32 s10, $0x4  }
0xa: {  	[smem:$0x7FF] =	sst s2;
	s9 =	ssub.s32 $0x2, s10;
	s14 =	smul.u32 $0x140000, s10  }
0xb: {  	s31 =	smul.u32 $0x28000, s10;
	s8 =	sor.u32 s15, s3;
	_ =	strace $0x80000047  }
0xc: {  	s3 =	sadd.s32 $0x11200, s0;
	s13 =	sshrl.u32 s9, $0x1;
	s15 =	simm.s32 $0x4  }
0xd: {  	s6 =	smul.u32 $0x280, s8;
	s30 =	ssub.s32 s9, s13;
	s16 =	sshrl.u32 s14, $0x3  }
0xe: {  	s8 =	smul.u32 $0x28, s8;
	s14 =	sadd.s32 s14, s7;
	s16 =	sadd.s32 s12, s16  }
0xf: {  	s13 =	smax.u32 s30, $0x1;
	s14 =	sadd.s32 s17, s14;
	s11 =	sadd.s32 s6, s0  }
0x10: {  	s17 =	sshrl.u32 @!p0 s1, $0x3;
	s6 =	sadd.s32 $0x6B000, s0;
	s9 =	sadd.s32 $0x3E800, s11  }
0x11: {  	s10 =	sadd.s32 $0x39800, s11;
	s11 =	sadd.s32 s12, s31;
	s12 =	sadd.s32 $0x14000, s16  }
.LBB2_1:
0x12: {  	[tilespmem:s2], [sflag:$0x4] =	stream.linear.gather [hbm4b:s9+s2], $0x1400, $0x38;
	[tilespmem:$0x18C80] =	vst v63  }
0x13: {  	_ =	swait.ge [sflag:s15], $0x1400  }
0x14: {  	[sflag:s15] =	ssyncset.done $0x0  }
0x15: {  	s0 =	simm.s32 $0x1400;
	[sflag:s15] =	ssyncadd.s32 $0xFFFFEC00  }
0x16: {  	[tilespmem:s0], [sflag:$0x4] =	stream.linear.gather [hbm4b:s10+s2], $0x1400, $0x38;
	[tilespmem:$0x18C80] =	vst v63  }
0x17: {  	_ =	swait.ge [sflag:s15], $0x1400  }
0x18: {  	[sflag:s15] =	ssyncset.done $0x0  }
0x19: {  	s0 =	simm.s32 @!p0 $0x1C04;
	[sflag:s15] =	ssyncadd.s32 $0xFFFFEC00  }
0x1a: {  	[spmem:s17], [sflag:s0] =	dma.local @!p0 [hbm:s6], $0x14800  }
0x1b: {  	s0 =	simm.s32 @!p0 $0x4  }
0x1c: {  	_ =	swait.ge @!p0 [sflag:s0], $0x14800  }
0x1d: {  	[sflag:s0] =	ssyncset.done @!p0 $0x0  }
0x1e: {  	[sflag:s0] =	ssyncadd.s32 @!p0 $0xFFFEB800  }
0x1f: {  	s28 =	simm.s32 $0x0;
	[bflag:$0x0] =	sbarrier.arrive $0xFFFF  }
.LBB2_2:
0x20: {  	s29 =	sshll.u32 s28, $0x7;
	s16 =	sadd.s32 s8, s28  }
0x21: {  	[tilespmem:s19], [sflag:$0x1] =	stream.indirect.gather [hbm4b:s3+s18], $0x80, s29, s18, $0xb8;
	[tilespmem:$0x18C80] =	vst v63  }
0x22: {  	s0 =	sadd.s32 $0x1400, s29;
	s30 =	sshll.u32 s16, $0xB  }
0x23: {  	[tilespmem:s20], [sflag:$0x2] =	stream.indirect.gather [hbm4b:s4+s18], $0x80, s0, s18, $0xb8;
	[tilespmem:$0x18C80] =	vst v63  }
0x24: {  	s31 =	simm.s32 $0x0;
	s0 =	sadd.s32 s5, s30  }
0x25: {  	[tilespmem:s21], [sflag:$0x3] =	stream.linear.gather [hbm4b:s0+s31], $0x4000, $0x38;
	[tilespmem:$0x18C80] =	vst v63  }
0x26: {  	_ =	swait.ge [sflag:s22], $0x4000  }
0x27: {  	[sflag:s22] =	ssyncset.done $0x0  }
0x28: {  	[sflag:s22] =	ssyncadd.s32 $0xFFFFC000  }
0x29: {  	_ =	swait.ge [sflag:s23], $0x4000  }
0x2a: {  	[sflag:s23] =	ssyncset.done $0x0  }
0x2b: {  	[sflag:s23] =	ssyncadd.s32 $0xFFFFC000  }
0x2c: {  	_ =	swait.ge [sflag:s24], $0x4000  }
0x2d: {  	[sflag:s24] =	ssyncset.done $0x0  }
0x2e: {  	s31 =	simm.s32 $0x0;
	[sflag:s24] =	ssyncadd.s32 $0xFFFFC000  }
0x2f: {  	v4 =	vld [tilespmem:s31+$0xA880]  }
0x30: {  	v5 =	vld [tilespmem:s31+$0xA890]  }
0x31: {  	v3 =	vld [tilespmem:s31+$0xA8A0]  }
0x32: {  	v2 =	vld [tilespmem:s31+$0xA8B0]  }
0x33: {  	v1 =	vld [tilespmem:s31+$0xA8C0]  }
0x34: {  	v0 =	vld [tilespmem:s31+$0xA8D0]  }
0x35: {  	v12 =	vld [tilespmem:s31+$0x6880]  }
0x36: {  	v17 =	vld [tilespmem:s31+$0x6890]  }
0x37: {  	v11 =	vld [tilespmem:s31+$0x68A0]  }
0x38: {  	v10 =	vld [tilespmem:s31+$0x68B0]  }
0x39: {  	v9 =	vld [tilespmem:s31+$0x68C0]  }
0x3a: {  	v8 =	vld [tilespmem:s31+$0x68D0]  }
0x3b: {  	v7 =	vld [tilespmem:s31+$0x68E0]  }
0x3c: {  	v6 =	vld [tilespmem:s31+$0x68F0]  }
0x3d: {  	v18 =	vld [tilespmem:s31+$0x2880]  }
0x3e: {  	v19 =	vld [tilespmem:s31+$0x2890]  }
0x3f: {  	v16 =	vld [tilespmem:s31+$0x28A0]  }
0x40: {  	v15 =	vld [tilespmem:s31+$0x28B0]  }
0x41: {  	v14 =	vld [tilespmem:s31+$0x28C0]  }
0x42: {  	v13 =	vld [tilespmem:s31+$0x28D0];
	v18 =	vadd.f32 v12, v18  }
0x43: {  	s0 =	simm.s32 $0x200;
	v17 =	vadd.f32 v17, v19;
	v12 =	vld [tilespmem:s31+$0x28E0]  }
.LBB2_3:
0x44: {  	p1 =	sne.s32 s0, $0xFE00;
	v4 =	vadd.f32 v4, v18;
	v11 =	vadd.f32 v11, v16;
	v16 =	vld [tilespmem:s31+$0x28F0]  }
0x45: {  	v5 =	vadd.f32 v5, v17;
	v10 =	vadd.f32 v10, v15;
	v15 =	vld [tilespmem:s31+$0xA8E0]  }
0x46: {  	s16 =	sshra.s32 s0, $0x2;
	v17 =	vmax.f32 v4, $0.0e+00;
	v3 =	vadd.f32 v3, v11;
	v9 =	vadd.f32 v9, v14;
	v11 =	vld [tilespmem:s31+$0xA8F0]  }
0x47: {  	v4 =	vld [tilespmem:s16+$0xA880];
	[tilespmem:s31+$0x2880] =	vst v17;
	v14 =	vmax.f32 v5, $0.0e+00;
	v2 =	vadd.f32 v2, v10;
	v8 =	vadd.f32 v8, v13  }
0x48: {  	v5 =	vld [tilespmem:s16+$0xA890];
	[tilespmem:s31+$0x2890] =	vst v14;
	v10 =	vmax.f32 v3, $0.0e+00;
	v1 =	vadd.f32 v1, v9;
	v7 =	vadd.f32 v7, v12  }
0x49: {  	v3 =	vld [tilespmem:s16+$0xA8A0];
	[tilespmem:s31+$0x28A0] =	vst v10;
	v9 =	vmax.f32 v2, $0.0e+00;
	v0 =	vadd.f32 v0, v8;
	v6 =	vadd.f32 v6, v16  }
0x4a: {  	v2 =	vld [tilespmem:s16+$0xA8B0];
	[tilespmem:s31+$0x28B0] =	vst v9;
	v8 =	vmax.f32 v1, $0.0e+00;
	v7 =	vadd.f32 v15, v7  }
0x4b: {  	v1 =	vld [tilespmem:s16+$0xA8C0];
	[tilespmem:s31+$0x28C0] =	vst v8;
	v8 =	vmax.f32 v0, $0.0e+00;
	v6 =	vadd.f32 v11, v6  }
0x4c: {  	v0 =	vld [tilespmem:s16+$0xA8D0];
	[tilespmem:s31+$0x28D0] =	vst v8;
	v7 =	vmax.f32 v7, $0.0e+00  }
0x4d: {  	v12 =	vld [tilespmem:s16+$0x6880];
	[tilespmem:s31+$0x28E0] =	vst v7;
	v6 =	vmax.f32 v6, $0.0e+00  }
0x4e: {  	v17 =	vld [tilespmem:s16+$0x6890];
	[tilespmem:s31+$0x28F0] =	vst v6;
	s31 =	smov.u32 s16  }
0x4f: {  	v11 =	vld [tilespmem:s31+$0x68A0]  }
0x50: {  	v10 =	vld [tilespmem:s31+$0x68B0]  }
0x51: {  	v9 =	vld [tilespmem:s31+$0x68C0]  }
0x52: {  	v8 =	vld [tilespmem:s31+$0x68D0]  }
0x53: {  	v7 =	vld [tilespmem:s31+$0x68E0]  }
0x54: {  	v6 =	vld [tilespmem:s31+$0x68F0]  }
0x55: {  	v13 =	vld [tilespmem:s31+$0x2880]  }
0x56: {  	v19 =	vld [tilespmem:s31+$0x2890]  }
.Ltmp0:
0x57: {  	v16 =	vld [tilespmem:s31+$0x28A0];
	(pc) =	sbr.rel @p1 .LBB2_3-.Ltmp0, $4  }
0x58: {  	v15 =	vld [tilespmem:s31+$0x28B0]  }
0x59: {  	v14 =	vld [tilespmem:s31+$0x28C0]  }
0x5a: {  	v18 =	vadd.f32 v12, v13;
	v13 =	vld [tilespmem:s31+$0x28D0]  }
0x5b: {  	s0 =	sadd.s32 $0x200, s0;
	v17 =	vadd.f32 v17, v19;
	v12 =	vld [tilespmem:s31+$0x28E0]  }
0x5c: {  	v4 =	vadd.f32 v4, v18;
	v11 =	vadd.f32 v11, v16;
	v52 =	vld [tilespmem:s31+$0x28F0]  }
0x5d: {  	v53 =	vld [tilespmem:s31+$0xA8E0];
	v5 =	vadd.f32 v5, v17;
	v10 =	vadd.f32 v10, v15  }
0x5e: {  	v54 =	vld [tilespmem:s31+$0xA8F0];
	v4 =	vmax.f32 v4, $0.0e+00;
	v3 =	vadd.f32 v3, v11;
	v9 =	vadd.f32 v9, v14  }
0x5f: {  	[tilespmem:s31+$0x2880] =	vst v4;
	v55 =	vmax.f32 v5, $0.0e+00;
	v2 =	vadd.f32 v2, v10;
	v56 =	vadd.f32 v8, v13  }
0x60: {  	[tilespmem:s31+$0x2890] =	vst v55;
	v3 =	vmax.f32 v3, $0.0e+00;
	v1 =	vadd.f32 v1, v9;
	v57 =	vadd.f32 v7, v12  }
0x61: {  	[tilespmem:s31+$0x28A0] =	vst v3;
	v2 =	vmax.f32 v2, $0.0e+00;
	v0 =	vadd.f32 v0, v56;
	v58 =	vadd.f32 v6, v52  }
0x62: {  	[tilespmem:s31+$0x28B0] =	vst v2;
	v1 =	vmax.f32 v1, $0.0e+00;
	v59 =	vadd.f32 v53, v57  }
0x63: {  	[tilespmem:s31+$0x28C0] =	vst v1;
	v0 =	vmax.f32 v0, $0.0e+00;
	v60 =	vadd.f32 v54, v58  }
0x64: {  	[tilespmem:s31+$0x28D0] =	vst v0;
	v61 =	vmax.f32 v59, $0.0e+00  }
0x65: {  	[tilespmem:s31+$0x28E0] =	vst v61;
	v62 =	vmax.f32 v60, $0.0e+00  }
0x66: {  	s0 =	sadd.s32 s7, s30;
	[tilespmem:s31+$0x28F0] =	vst v62  }
0x67: {  	[hbm4b:s0+s2] =	stream.linear.scatter [tilespmem:s19], [sflag:$0x4], $0x4000, $0x38;
	[tilespmem:$0x18C80] =	vst v63  }
0x68: {  	_ =	swait.ge [sflag:s15], $0x4000  }
0x69: {  	[sflag:s15] =	ssyncset.done $0x0  }
0x6a: {  	[sflag:s15] =	ssyncadd.s32 $0xFFFFC000  }
0x6b: {  	v63 =	vld [tilespmem:s29+$0x1400];
	_ =	sdelay $0x4  }
0x6c: {  	vm0 =	vlt.s32 v63, $0x1400  }
0x6d: {  	v0 =	vnsel vm0, $0x1400, v63  }
0x6e: {  	[tilespmem:$0x2800] =	vst v0  }
0x6f: {  	v0 =	vld [tilespmem:s29+$0x1410];
	_ =	sdelay $0x4  }
0x70: {  	vm9 =	vlt.s32 v0, $0x1400  }
0x71: {  	v0 =	vnsel vm9, $0x1400, v0  }
0x72: {  	[tilespmem:$0x2810] =	vst v0  }
0x73: {  	v0 =	vld [tilespmem:s29+$0x1420];
	_ =	sdelay $0x4  }
0x74: {  	vm10 =	vlt.s32 v0, $0x1400  }
0x75: {  	v0 =	vnsel vm10, $0x1400, v0  }
0x76: {  	[tilespmem:$0x2820] =	vst v0  }
0x77: {  	v0 =	vld [tilespmem:s29+$0x1430];
	_ =	sdelay $0x4  }
0x78: {  	vm11 =	vlt.s32 v0, $0x1400  }
0x79: {  	v0 =	vnsel vm11, $0x1400, v0  }
0x7a: {  	[tilespmem:$0x2830] =	vst v0  }
0x7b: {  	v0 =	vld [tilespmem:s29+$0x1440];
	_ =	sdelay $0x4  }
0x7c: {  	vm12 =	vlt.s32 v0, $0x1400  }
0x7d: {  	v0 =	vnsel vm12, $0x1400, v0  }
0x7e: {  	[tilespmem:$0x2840] =	vst v0  }
0x7f: {  	v0 =	vld [tilespmem:s29+$0x1450];
	_ =	sdelay $0x4  }
0x80: {  	vm13 =	vlt.s32 v0, $0x1400  }
0x81: {  	v0 =	vnsel vm13, $0x1400, v0  }
0x82: {  	[tilespmem:$0x2850] =	vst v0  }
0x83: {  	v0 =	vld [tilespmem:s29+$0x1460];
	_ =	sdelay $0x4  }
0x84: {  	vm14 =	vlt.s32 v0, $0x1400  }
0x85: {  	v0 =	vnsel vm14, $0x1400, v0  }
0x86: {  	[tilespmem:$0x2860] =	vst v0  }
0x87: {  	v0 =	vld [tilespmem:s29+$0x1470];
	_ =	sdelay $0x4  }
0x88: {  	s28 =	sadd.s32 $0x1, s28;
	vm15 =	vlt.s32 v0, $0x1400  }
0x89: {  	p1 =	sne.s32 s28, $0x28;
	v0 =	vnsel vm15, $0x1400, v0  }
.Ltmp1:
0x8a: {  	[tilespmem:$0x2870] =	vst v0;
	(pc) =	sbr.rel @p1 .LBB2_2-.Ltmp1, $4  }
0x8b: {  	[spmem:s1] =	stream.indirect.scatter.add.f32 [tilespmem:s19], [sflag:$0x4], $0x80, s25, s18, $0xb8;
	[tilespmem:$0x18C80] =	vst v63  }
0x8c: {  	_ =	swait.ge [sflag:s15], $0x4000  }
0x8d: {  	[sflag:s15] =	ssyncset.done $0x0  }
0x8e: {  	[sflag:s15] =	ssyncadd.s32 $0xFFFFC000  }
0x8f: {  	[bflag:$0x0] =	sbarrier.arrive $0xFFFF;
	s0 =	simm.s32 @!p0 $0x1C04;
	s16 =	simm.s32 @!p0 $0x4  }
0x90: {  	[hbm:s11], [sflag:s0] =	dma.local @!p0 [spmem:s17], $0x14000  }
0x91: {  	_ =	swait.ge @!p0 [sflag:s16], $0x14000  }
0x92: {  	[sflag:s16] =	ssyncset.done @!p0 $0x0  }
0x93: {  	[sflag:s16] =	ssyncadd.s32 @!p0 $0xFFFEC000  }
0x94: {  	[spmem:s17], [sflag:s0] =	dma.local @!p0 [hbm:s6], $0x14800  }
0x95: {  	_ =	swait.ge @!p0 [sflag:s16], $0x14800  }
0x96: {  	[sflag:s16] =	ssyncset.done @!p0 $0x0  }
0x97: {  	[sflag:s16] =	ssyncadd.s32 @!p0 $0xFFFEB800  }
0x98: {  	s30 =	sadd.s32 $0x0, s14;
	[bflag:$0x0] =	sbarrier.arrive $0xFFFF  }
0x99: {  	[tilespmem:s19], [sflag:$0x4] =	stream.linear.gather [hbm4b:s30+s2], $0x4000, $0x38;
	[tilespmem:$0x18C80] =	vst v63  }
0x9a: {  	_ =	swait.ge [sflag:s15], $0x4000  }
0x9b: {  	[sflag:s15] =	ssyncset.done $0x0  }
0x9c: {  	s31 =	simm.s32 $0x1440;
	[sflag:s15] =	ssyncadd.s32 $0xFFFFC000  }
0x9d: {  	v0 =	vld [tilespmem:s31+$0xFFFFFFC0];
	_ =	sdelay $0x4  }
0x9e: {  	vm0 =	vlt.s32 v0, $0x1400;
	v0 =	vadd.s32 $0xFFFFEC00, v0  }
0x9f: {  	v0 =	vsel vm0, $0x1400, v0  }
0xa0: {  	[tilespmem:$0x2800] =	vst v0  }
0xa1: {  	v0 =	vld [tilespmem:s31+$0xFFFFFFD0];
	_ =	sdelay $0x4  }
0xa2: {  	vm9 =	vlt.s32 v0, $0x1400;
	v0 =	vadd.s32 $0xFFFFEC00, v0  }
0xa3: {  	v0 =	vsel vm9, $0x1400, v0  }
0xa4: {  	[tilespmem:$0x2810] =	vst v0  }
0xa5: {  	v0 =	vld [tilespmem:s31+$0xFFFFFFE0];
	_ =	sdelay $0x4  }
0xa6: {  	vm10 =	vlt.s32 v0, $0x1400;
	v0 =	vadd.s32 $0xFFFFEC00, v0  }
0xa7: {  	v0 =	vsel vm10, $0x1400, v0  }
0xa8: {  	[tilespmem:$0x2820] =	vst v0  }
0xa9: {  	v0 =	vld [tilespmem:s31+$0xFFFFFFF0];
	_ =	sdelay $0x4  }
0xaa: {  	vm11 =	vlt.s32 v0, $0x1400;
	v0 =	vadd.s32 $0xFFFFEC00, v0  }
0xab: {  	v0 =	vsel vm11, $0x1400, v0  }
0xac: {  	[tilespmem:$0x2830] =	vst v0  }
0xad: {  	v0 =	vld [tilespmem:s31+$0x0];
	_ =	sdelay $0x4  }
0xae: {  	vm12 =	vlt.s32 v0, $0x1400;
	v0 =	vadd.s32 $0xFFFFEC00, v0  }
0xaf: {  	v0 =	vsel vm12, $0x1400, v0  }
0xb0: {  	[tilespmem:$0x2840] =	vst v0  }
0xb1: {  	v0 =	vld [tilespmem:s31+$0x10];
	_ =	sdelay $0x4  }
0xb2: {  	vm13 =	vlt.s32 v0, $0x1400;
	v0 =	vadd.s32 $0xFFFFEC00, v0  }
0xb3: {  	v0 =	vsel vm13, $0x1400, v0  }
0xb4: {  	[tilespmem:$0x2850] =	vst v0  }
0xb5: {  	v0 =	vld [tilespmem:s31+$0x20];
	_ =	sdelay $0x4  }
0xb6: {  	vm14 =	vlt.s32 v0, $0x1400;
	v0 =	vadd.s32 $0xFFFFEC00, v0  }
0xb7: {  	v0 =	vsel vm14, $0x1400, v0  }
0xb8: {  	[tilespmem:$0x2860] =	vst v0  }
0xb9: {  	v0 =	vld [tilespmem:s31+$0x30];
	_ =	sdelay $0x4  }
0xba: {  	vm15 =	vlt.s32 v0, $0x1400;
	v0 =	vadd.s32 $0xFFFFEC00, v0  }
0xbb: {  	v0 =	vsel vm15, $0x1400, v0  }
0xbc: {  	[tilespmem:$0x2870] =	vst v0  }
0xbd: {  	[spmem:s1] =	stream.indirect.scatter.add.f32 [tilespmem:s19], [sflag:$0x4], $0x80, s25, s18, $0xb8;
	[tilespmem:$0x18C80] =	vst v63  }
0xbe: {  	s29 =	simm.s32 $0x800;
	_ =	swait.ge [sflag:s15], $0x4000  }
0xbf: {  	s28 =	simm.s32 $0x14C0;
	s0 =	simm.s32 $0x1000;
	[sflag:s15] =	ssyncset.done $0x0  }
.LBB2_6:
0xc0: {  	s16 =	sadd.s32 s29, s14  }
0xc1: {  	[sflag:s15] =	ssyncadd.s32 $0xFFFFC000;
	s29 =	smov.u32 s0;
	s30 =	sadd.s32 $0x800, s0  }
0xc2: {  	[tilespmem:s19], [sflag:$0x4] =	stream.linear.gather [hbm4b:s16+s2], $0x4000, $0x38;
	[tilespmem:$0x18C80] =	vst v63  }
0xc3: {  	p1 =	sne.s32 s0, $0x13800;
	_ =	swait.ge [sflag:s15], $0x4000  }
0xc4: {  	[sflag:s15] =	ssyncset.done $0x0  }
0xc5: {  	[sflag:s15] =	ssyncadd.s32 $0xFFFFC000  }
0xc6: {  	v0 =	vld [tilespmem:s28+$0xFFFFFFC0];
	_ =	sdelay $0x4  }
0xc7: {  	vm0 =	vlt.s32 v0, $0x1400;
	v0 =	vadd.s32 $0xFFFFEC00, v0  }
0xc8: {  	v0 =	vsel vm0, $0x1400, v0  }
0xc9: {  	[tilespmem:$0x2800] =	vst v0  }
0xca: {  	v0 =	vld [tilespmem:s28+$0xFFFFFFD0];
	_ =	sdelay $0x4  }
0xcb: {  	vm0 =	vlt.s32 v0, $0x1400;
	v0 =	vadd.s32 $0xFFFFEC00, v0  }
0xcc: {  	v0 =	vsel vm0, $0x1400, v0  }
0xcd: {  	[tilespmem:$0x2810] =	vst v0  }
0xce: {  	v0 =	vld [tilespmem:s28+$0xFFFFFFE0];
	_ =	sdelay $0x4  }
0xcf: {  	vm0 =	vlt.s32 v0, $0x1400;
	v0 =	vadd.s32 $0xFFFFEC00, v0  }
0xd0: {  	v0 =	vsel vm0, $0x1400, v0  }
0xd1: {  	[tilespmem:$0x2820] =	vst v0  }
0xd2: {  	v0 =	vld [tilespmem:s28+$0xFFFFFFF0];
	_ =	sdelay $0x4  }
0xd3: {  	vm0 =	vlt.s32 v0, $0x1400;
	v0 =	vadd.s32 $0xFFFFEC00, v0  }
0xd4: {  	v0 =	vsel vm0, $0x1400, v0  }
0xd5: {  	[tilespmem:$0x2830] =	vst v0  }
0xd6: {  	v0 =	vld [tilespmem:s28+$0x0];
	_ =	sdelay $0x4  }
0xd7: {  	vm0 =	vlt.s32 v0, $0x1400;
	v0 =	vadd.s32 $0xFFFFEC00, v0  }
0xd8: {  	v0 =	vsel vm0, $0x1400, v0  }
0xd9: {  	[tilespmem:$0x2840] =	vst v0  }
0xda: {  	v0 =	vld [tilespmem:s28+$0x10];
	_ =	sdelay $0x4  }
0xdb: {  	vm0 =	vlt.s32 v0, $0x1400;
	v0 =	vadd.s32 $0xFFFFEC00, v0  }
0xdc: {  	v0 =	vsel vm0, $0x1400, v0  }
0xdd: {  	[tilespmem:$0x2850] =	vst v0  }
0xde: {  	v0 =	vld [tilespmem:s28+$0x20];
	_ =	sdelay $0x4  }
0xdf: {  	vm0 =	vlt.s32 v0, $0x1400;
	v0 =	vadd.s32 $0xFFFFEC00, v0  }
0xe0: {  	v0 =	vsel vm0, $0x1400, v0  }
0xe1: {  	[tilespmem:$0x2860] =	vst v0  }
0xe2: {  	v0 =	vld [tilespmem:s28+$0x30];
	_ =	sdelay $0x4  }
0xe3: {  	vm0 =	vlt.s32 v0, $0x1400;
	v0 =	vadd.s32 $0xFFFFEC00, v0  }
.Ltmp2:
0xe4: {  	v0 =	vsel vm0, $0x1400, v0;
	(pc) =	sbr.rel @p1 .LBB2_6-.Ltmp2, $4  }
0xe5: {  	[tilespmem:$0x2870] =	vst v0  }
0xe6: {  	[spmem:s1] =	stream.indirect.scatter.add.f32 [tilespmem:s19], [sflag:$0x4], $0x80, s25, s18, $0xb8;
	[tilespmem:$0x18C80] =	vst v63  }
0xe7: {  	_ =	swait.ge [sflag:s15], $0x4000  }
0xe8: {  	s0 =	smov.u32 s30;
	s28 =	sadd.s32 $0x80, s28;
	[sflag:s15] =	ssyncset.done $0x0  }
0xe9: {  	s0 =	sadd.s32 s29, s14;
	[sflag:s15] =	ssyncadd.s32 $0xFFFFC000  }
0xea: {  	[tilespmem:s19], [sflag:$0x4] =	stream.linear.gather [hbm4b:s0+s2], $0x4000, $0x38;
	[tilespmem:$0x18C80] =	vst v63  }
0xeb: {  	_ =	swait.ge [sflag:s15], $0x4000  }
0xec: {  	[sflag:s15] =	ssyncset.done $0x0  }
0xed: {  	[sflag:s15] =	ssyncadd.s32 $0xFFFFC000  }
0xee: {  	v0 =	vld [tilespmem:s28+$0xFFFFFFC0];
	_ =	sdelay $0x4  }
0xef: {  	vm0 =	vlt.s32 v0, $0x1400;
	v0 =	vadd.s32 $0xFFFFEC00, v0  }
0xf0: {  	v0 =	vsel vm0, $0x1400, v0  }
0xf1: {  	[tilespmem:$0x2800] =	vst v0  }
0xf2: {  	v0 =	vld [tilespmem:s28+$0xFFFFFFD0];
	_ =	sdelay $0x4  }
0xf3: {  	vm9 =	vlt.s32 v0, $0x1400;
	v0 =	vadd.s32 $0xFFFFEC00, v0  }
0xf4: {  	v0 =	vsel vm9, $0x1400, v0  }
0xf5: {  	[tilespmem:$0x2810] =	vst v0  }
0xf6: {  	v0 =	vld [tilespmem:s28+$0xFFFFFFE0];
	_ =	sdelay $0x4  }
0xf7: {  	vm10 =	vlt.s32 v0, $0x1400;
	v0 =	vadd.s32 $0xFFFFEC00, v0  }
0xf8: {  	v0 =	vsel vm10, $0x1400, v0  }
0xf9: {  	[tilespmem:$0x2820] =	vst v0  }
0xfa: {  	v0 =	vld [tilespmem:s28+$0xFFFFFFF0];
	_ =	sdelay $0x4  }
0xfb: {  	vm11 =	vlt.s32 v0, $0x1400;
	v0 =	vadd.s32 $0xFFFFEC00, v0  }
0xfc: {  	v0 =	vsel vm11, $0x1400, v0  }
0xfd: {  	[tilespmem:$0x2830] =	vst v0  }
0xfe: {  	v0 =	vld [tilespmem:s28+$0x0];
	_ =	sdelay $0x4  }
0xff: {  	vm12 =	vlt.s32 v0, $0x1400;
	v0 =	vadd.s32 $0xFFFFEC00, v0  }
0x100: {  	v0 =	vsel vm12, $0x1400, v0  }
0x101: {  	[tilespmem:$0x2840] =	vst v0  }
0x102: {  	v0 =	vld [tilespmem:s28+$0x10];
	_ =	sdelay $0x4  }
0x103: {  	vm13 =	vlt.s32 v0, $0x1400;
	v0 =	vadd.s32 $0xFFFFEC00, v0  }
0x104: {  	v0 =	vsel vm13, $0x1400, v0  }
0x105: {  	[tilespmem:$0x2850] =	vst v0  }
0x106: {  	v0 =	vld [tilespmem:s28+$0x20];
	_ =	sdelay $0x4  }
0x107: {  	vm14 =	vlt.s32 v0, $0x1400;
	v0 =	vadd.s32 $0xFFFFEC00, v0  }
0x108: {  	v0 =	vsel vm14, $0x1400, v0  }
0x109: {  	[tilespmem:$0x2860] =	vst v0  }
0x10a: {  	v0 =	vld [tilespmem:s28+$0x30];
	_ =	sdelay $0x4  }
0x10b: {  	vm15 =	vlt.s32 v0, $0x1400;
	v0 =	vadd.s32 $0xFFFFEC00, v0  }
0x10c: {  	v0 =	vsel vm15, $0x1400, v0  }
0x10d: {  	[tilespmem:$0x2870] =	vst v0  }
0x10e: {  	[spmem:s1] =	stream.indirect.scatter.add.f32 [tilespmem:s19], [sflag:$0x4], $0x80, s25, s18, $0xb8;
	[tilespmem:$0x18C80] =	vst v63  }
0x10f: {  	_ =	swait.ge [sflag:s15], $0x4000  }
0x110: {  	[sflag:s15] =	ssyncset.done $0x0  }
0x111: {  	s26 =	sadd.s32 $0x1, s26;
	[sflag:s15] =	ssyncadd.s32 $0xFFFFC000  }
0x112: {  	s0 =	simm.s32 @!p0 $0x1C04;
	p1 =	sne.s32 s26, s13;
	[bflag:$0x0] =	sbarrier.arrive $0xFFFF  }
0x113: {  	[hbm:s12], [sflag:s0] =	dma.local @!p0 [spmem:s17], $0x14000  }
.Ltmp3:
0x114: {  	_ = 	snop;
	(pc) =	sbr.rel @p1 .LBB2_1-.Ltmp3, $4  }
0x115: {  	s0 =	simm.s32 @!p0 $0x4  }
0x116: {  	_ =	swait.ge @!p0 [sflag:s0], $0x14000  }
0x117: {  	[sflag:s0] =	ssyncset.done @!p0 $0x0  }
0x118: {  	[sflag:s0] =	ssyncadd.s32 @!p0 $0xFFFEC000  }
0x119: {  	_ =	sfence.sel $0x180000  }
0x11a: {  	[bflag:$0x0] =	sbarrier.arrive $0xFFFF  }
0x11b: {  	_ =	strace $0x90000047  }
0x11c: {  	[bflag:$0x2] =	sbarrier.arrive $0xFFFF  }
0x11d: {  	s0 =	rddreg [dreg:$0x2]  }
0x11e: {  	s0 =	sadd.s32 @!p0 $0x100000, s0  }
0x11f: {  	[sflag:s0] =	ssyncadd.tile.s32 @!p0 $0x1;
	_ =	shalt  }
.Lfunc_end2:
_tile_overlayer_lowered:
.L_overlay_start_2:
0x120: {  	(tag) =	ssettag $0x2  }
0x121: {  	s0 =	rddreg [dreg:$0x0];
	s2 =	stileid.u32  }
0x122: {  	s1 =	rddreg [dreg:$0x1];
	p0 =	sne.s32 s2, $0x0  }
0x123: {  	s3 =	rddreg [dreg:$0x2];
	[bflag:$0x3] =	sbarrier.arrive $0xFFFF;
	s2 =	simm.s32 @!p0 $0x1C04  }
0x124: {  	[timem:s3], [sflag:s2] =	dma.local @!p0 [hbm:s0], s1  }
0x125: {  	s0 =	simm.s32 @!p0 $0x4  }
0x126: {  	_ =	swait.ge @!p0 [sflag:s0], s1  }
0x127: {  	s1 =	ssub.s32 @!p0 $0x0, s1;
	[sflag:s0] =	ssyncset.done @!p0 $0x0  }
0x128: {  	[sflag:s0] =	ssyncadd.s32 @!p0 s1  }
0x129: {  	[bflag:$0x3] =	sbarrier.arrive $0xFFFF  }
0x12a: {  	_ =	shalt  }

// kernel: kernel.22.cloned.1.call-start
scs
__scs_entry_jumppad:
0x0: {  	(pc) =	sbr.rel $0x88, $3  }
0x1: {  	(tag) =	ssettag $0x0;
	lr =	simm.s32 $0x1  }
0x2: {  	[smem:$0x3F88] =	sst lr;
	_ =	strace $0xD0000000  }
0x3: {  	_ = 	snop  }
0x4: {  	_ = 	snop  }
0x5: {  	_ = 	snop  }
0x6: {  	_ = 	snop  }
0x7: {  	_ = 	snop  }
__scs_overlays_trampoline_lowered:
0x8: {  	[smem:$0x3F97] =	sst s0  }
0x9: {  	[smem:$0x3F98] =	sst s1  }
0xa: {  	[smem:$0x3F99] =	sst s2  }
0xb: {  	[smem:$0x3F9A] =	sst s3  }
0xc: {  	[smem:$0x3F9B] =	sst s4  }
0xd: {  	[smem:$0x3F9C] =	sst s5  }
0xe: {  	[smem:$0x3F9D] =	sst s6  }
0xf: {  	[smem:$0x3F9E] =	sst s7  }
0x10: {  	[smem:$0x3F9F] =	sst s8  }
0x11: {  	[smem:$0x3FA0] =	sst s9;
	s0 =	simm.s32 @!p0 $0x0  }
0x12: {  	s1 =	sld [smem:$0x3F86];
	s0 =	simm.s32 @p0 $0x1  }
0x13: {  	[smem:$0x3FA1] =	sst s0;
	s0 =	simm.s32 @!p1 $0x0  }
0x14: {  	s2 =	sld [smem:$0x3F85];
	s0 =	simm.s32 @p1 $0x1  }
0x15: {  	[smem:$0x3FA2] =	sst s0;
	s0 =	simm.s32 @!p2 $0x0  }
0x16: {  	s3 =	sld [smem:$0x3FDB];
	s0 =	simm.s32 @p2 $0x1  }
0x17: {  	s4 =	simm.s32 $0x1BF5;
	[smem:$0x3FA4] =	sst s0  }
0x18: {  	s0 =	sld [smem:$0x3F87];
	_ =	swait.ge [sflag:s4], $0x0  }
0x19: {  	s7 =	sld [smem:$0x3F88]  }
0x1a: {  	s8 =	sadd.s32 $0xFFFFE003, lr  }
0x1b: {  	s9 =	sadd.s32 $0xFFFFFEF7, lr;
	s5 =	simm.s32 $0xFFFFFFFF;
	p2 =	slt.u32 s8, $0xFFFFF086  }
0x1c: {  	p1 =	slt.u32 s9, $0xF7A;
	s5 =	simm.s32 @!p2 $0x0  }
0x1d: {  	s5 =	simm.s32 @p1 $0x1;
	p0 =	seq.s32 s7, s2  }
0x1e: {  	s7 =	smul.u32 @!p0 $0xF7A, s2;
	p2 =	seq.s32 @!p0 s5, $0x0  }
0x1f: {  	s9 =	smul.u32 $0xF7A, s1;
	s8 =	simm.s32 @!p0 $0x1BF5;
	p2 =	por !p2, p0  }
0x20: {  	[sflag:s8] =	ssyncset.s32 @!p0 $0xFFFFF086;
	s6 =	sadd.s32 @!p0 s3, s7;
	s7 =	simm.s32 @!p0 $0x108  }
0x21: {  	s3 =	sadd.s32 s3, s9;
	s6 =	sadd.s32 @!p0 $0x88, s6;
	s7 =	simm.s32 @p2 $0x1082  }
0x22: {  	[simem:s7], [sflag:s8] =	dma.local @!p0 [hbm:s6], $0xF7A  }
0x23: {  	s9 =	sor.u32 $0xD0000000, s2;
	s6 =	simm.s32 $0x108;
	_ =	swait.ge @!p0 [sflag:s8], $0x0  }
0x24: {  	s3 =	sadd.s32 $0x88, s3;
	s6 =	simm.s32 @!p1 $0x1082;
	[sflag:s4] =	ssyncset.s32 $0xFFFFF086  }
0x25: {  	[simem:s6], [sflag:s4] =	dma.local [hbm:s3], $0xF7A  }
0x26: {  	[smem:$0x3F88] =	sst s1;
	(tag) =	ssettag s2;
	_ =	strace s9  }
0x27: {  	s1 =	sld [smem:$0x3F98]  }
0x28: {  	s2 =	sld [smem:$0x3F99]  }
0x29: {  	s4 =	sld [smem:$0x3F9B]  }
0x2a: {  	p0 =	seq.s32 s5, $0x0;
	s5 =	sld [smem:$0x3F9C]  }
0x2b: {  	s6 =	sld [smem:$0x3F9D]  }
0x2c: {  	s7 =	sld [smem:$0x3F9E]  }
0x2d: {  	s3 =	simm.s32 $0x108;
	s8 =	sld [smem:$0x3F9F]  }
0x2e: {  	s3 =	simm.s32 @!p0 $0x1082;
	s9 =	sld [smem:$0x3FA0]  }
0x2f: {  	lr =	sadd.s32 s0, s3;
	s0 =	sld [smem:$0x3F97]  }
0x30: {  	s3 =	sld [smem:$0x3F9A]  }
0x31: {  	[smem:$0x3FA3] =	sst s10  }
0x32: {  	s10 =	sld [smem:$0x3FA1];
	_ =	sdelay $0x3  }
0x33: {  	p0 =	seq.s32 s10, $0x1;
	s10 =	sld [smem:$0x3FA3];
	_ =	sdelay $0x3  }
0x34: {  	[smem:$0x3FA3] =	sst s10  }
0x35: {  	s10 =	sld [smem:$0x3FA2];
	_ =	sdelay $0x3  }
0x36: {  	p1 =	seq.s32 s10, $0x1;
	s10 =	sld [smem:$0x3FA3];
	_ =	sdelay $0x3  }
0x37: {  	[smem:$0x3FA3] =	sst s10  }
0x38: {  	s10 =	sld [smem:$0x3FA4]  }
0x39: {  	_ = 	snop;
	(pc) =	sbr.ind lr, $3  }
0x3a: {  	_ = 	snop  }
0x3b: {  	_ = 	snop  }
0x3c: {  	p2 =	seq.s32 s10, $0x1;
	s10 =	sld [smem:$0x3FA3]  }
0x3d: {  	_ =	shalt  }
0x3e: {  	_ =	shalt  }
0x3f: {  	_ =	shalt  }
0x40: {  	_ =	shalt  }
0x41: {  	_ =	shalt  }
0x42: {  	_ =	shalt  }
0x43: {  	_ =	shalt  }
0x44: {  	_ =	shalt  }
0x45: {  	_ =	shalt  }
0x46: {  	_ =	shalt  }
0x47: {  	_ =	shalt  }
0x48: {  	_ =	shalt  }
0x49: {  	_ =	shalt  }
0x4a: {  	_ =	shalt  }
0x4b: {  	_ =	shalt  }
0x4c: {  	_ =	shalt  }
0x4d: {  	_ =	shalt  }
0x4e: {  	_ =	shalt  }
0x4f: {  	_ =	shalt  }
0x50: {  	_ =	shalt  }
0x51: {  	_ =	shalt  }
0x52: {  	_ =	shalt  }
0x53: {  	_ =	shalt  }
0x54: {  	_ =	shalt  }
0x55: {  	_ =	shalt  }
0x56: {  	_ =	shalt  }
0x57: {  	_ =	shalt  }
0x58: {  	_ =	shalt  }
0x59: {  	_ =	shalt  }
0x5a: {  	_ =	shalt  }
0x5b: {  	_ =	shalt  }
0x5c: {  	_ =	shalt  }
0x5d: {  	_ =	shalt  }
0x5e: {  	_ =	shalt  }
0x5f: {  	_ =	shalt  }
0x60: {  	_ =	shalt  }
0x61: {  	_ =	shalt  }
0x62: {  	_ =	shalt  }
0x63: {  	_ =	shalt  }
0x64: {  	_ =	shalt  }
0x65: {  	_ =	shalt  }
0x66: {  	_ =	shalt  }
0x67: {  	_ =	shalt  }
0x68: {  	_ =	shalt  }
0x69: {  	_ =	shalt  }
0x6a: {  	_ =	shalt  }
0x6b: {  	_ =	shalt  }
0x6c: {  	_ =	shalt  }
0x6d: {  	_ =	shalt  }
0x6e: {  	_ =	shalt  }
0x6f: {  	_ =	shalt  }
0x70: {  	_ =	shalt  }
0x71: {  	_ =	shalt  }
0x72: {  	_ =	shalt  }
0x73: {  	_ =	shalt  }
0x74: {  	_ =	shalt  }
0x75: {  	_ =	shalt  }
0x76: {  	_ =	shalt  }
0x77: {  	_ =	shalt  }
0x78: {  	_ =	shalt  }
0x79: {  	_ =	shalt  }
0x7a: {  	_ =	shalt  }
0x7b: {  	_ =	shalt  }
0x7c: {  	_ =	shalt  }
0x7d: {  	_ =	shalt  }
0x7e: {  	_ =	shalt  }
0x7f: {  	_ =	shalt  }
0x80: {  	_ =	shalt  }
0x81: {  	_ =	shalt  }
0x82: {  	_ =	shalt  }
0x83: {  	_ =	shalt  }
0x84: {  	_ =	shalt  }
0x85: {  	_ =	shalt  }
0x86: {  	_ =	shalt  }
0x87: {  	_ =	shalt  }
.Lfunc_end0:
.L_simem_size_0:
called_computation.1_lowered:
.L_overlay_start_0:
0x88: {  	s2 =	sld [smem:$0x3FD9]  }
0x89: {  	s3 =	sld [smem:$0x3FFE];
	_ =	sdelay $0x1  }
0x8a: {  	s1 =	srdreg.scid  }
0x8b: {  	s0 =	sand.u32 $0x1, s1  }
0x8c: {  	s16 =	sshll.u32 s0, $0xA;
	s2 =	sadd.s32 s3, s2  }
0x8d: {  	s2 =	sadd.s32 s2, s16  }
0x8e: {  	[smem:$0x3FAF] =	sst s2  }
0x8f: {  	_ = 	snop  }
0x90: {  	(tm) =	ssettm $0x1  }
0x91: {  	s17 =	sld [smem:$0x3FFB];
	_ =	sdelay $0x3  }
0x92: {  	_ =	strace s17  }
0x93: {  	s2 =	sld [smem:$0x3FFC];
	_ =	sdelay $0x3  }
0x94: {  	_ =	strace s2  }
0x95: {  	s2 =	sld [smem:$0x3FFD];
	_ =	sdelay $0x3  }
0x96: {  	_ =	strace s2  }
0x97: {  	_ =	strace $0x8FFFFFFF  }
0x98: {  	s18 =	sld [smem:$0x3FDB];
	_ =	sdelay $0x1  }
0x99: {  	s19 =	simm.s32 $_scs_section_size  }
0x9a: {  	s4 =	simm.s32 $_size__tile_overlayer_lowered;
	s5 =	simm.s32 $_tile_overlayer_lowered  }
0x9b: {  	s22 =	simm.s32 $0x1BFF;
	s21 =	sshll.u32 s5, $0x1;
	s2 =	sadd.s32 s19, s18  }
0x9c: {  	s6 =	simm.s32 $0x0;
	s20 =	sshll.u32 s4, $0x1;
	s4 =	sadd.s32 s21, s2  }
0x9d: {  	[timem:s6], [sflag:s22] =	dma.local [hbm:s4], s20  }
0x9e: {  	_ =	swait.ge [sflag:s22], s20  }
0x9f: {  	s3 =	ssub.s32 $0x0, s20;
	[sflag:s22] =	ssyncset.done $0x0  }
0xa0: {  	[sflag:s22] =	ssyncadd.s32 s3;
	_ =	sdelay $0x1  }
0xa1: {  	s23 =	simm.s32 $0x1B8B  }
0xa2: {  	_ =	swait.ge [sflag:s23], $0x1  }
0xa3: {  	[sflag:s23] =	ssyncset.done $0x0  }
0xa4: {  	s25 =	simm.s32 $0x1B8E;
	s24 =	sld [smem:$0x3FFE];
	[sflag:s23] =	ssyncadd.s32 $0xFFFFFFFF  }
0xa5: {  	s26 =	simm.s32 $execute0_lowered;
	[smem:$0x3FD2] =	sst s25  }
0xa6: {  	s4 =	sshll.u32 s26, $0x1;
	_ =	strace $0x80000049;
	[dreg:$0x1] =	wrdreg $0xFFFFFFFF  }
0xa7: {  	s28 =	simm.s32 $_size_execute0_lowered;
	s2 =	sadd.s32 s2, s4;
	[dreg:$0x0] =	wrdreg $0x0  }
0xa8: {  	s4 =	sshll.u32 s28, $0x1;
	[dreg:$0x2] =	wrdreg s2  }
0xa9: {  	[dreg:$0x3] =	wrdreg s4  }
0xaa: {  	[dreg:$0x4] =	wrdreg $0xC0  }
0xab: {  	_ =	task [dreg:s6], $0x5FFFF  }
0xac: {  	[dreg:$0x1] =	wrdreg $0xFFFFFFFF  }
0xad: {  	[dreg:$0x0] =	wrdreg $0x60  }
0xae: {  	[dreg:$0x2] =	wrdreg s24  }
0xaf: {  	[dreg:$0x3] =	wrdreg $0xE8800  }
0xb0: {  	[dreg:$0x4] =	wrdreg $0x9  }
0xb1: {  	_ =	task.clear_ibuf [dreg:s6], $0x5FFFF;
	_ =	strace $0x90000049  }
0xb2: {  	s29 =	simm.s32 $0x9;
	_ =	strace $0x8000004B  }
0xb3: {  	_ =	swait.ge [sflag:s29], $0x1  }
0xb4: {  	[sflag:s29] =	ssyncadd.s32 $0xFFFFFFFF  }
0xb5: {  	_ =	strace $0x9000004B  }
0xb6: {  	_ =	sfence  }
0xb7: {  	s30 =	sld [smem:$0x0];
	_ =	sdelay $0x2  }
0xb8: {  	s31 =	sshll.u32 s1, $0xD;
	s1 =	sshrl.u32 s1, $0x2  }
0xb9: {  	s3 =	sand.u32 $0x4000, s31;
	s1 =	sadd.s32 s1, s30  }
0xba: {  	s0 =	sor.u32 s3, s0;
	s1 =	sshll.u32 s1, $0x11  }
0xbb: {  	s0 =	sor.u32 s1, s0  }
0xbc: {  	s0 =	sadd.s32 $0x8F2B, s0  }
0xbd: {  	[sflag:s0] =	ssyncadd.remote.s32 $0x1  }
0xbe: {  	_ =	sfence.sel $0xFFFF  }
0xbf: {  	[dreg:$0x0] =	wrdreg $0xFFFFFFFF;
	(pc) =	sbr.abs _section_cstart, $3  }
0xc0: {  	[dreg:$0x1] =	wrdreg $0xFFFFFFFF  }
0xc1: {  	_ =	task.clear_ibuf [dreg:s6], $0x2FFFF;
	_ =	strace $0x9FFFFFFF  }
0xc2: {  	(tm) =	ssettm $0x7FFFFFFF  }
0xc3: {  	_ =	shalt  }
tec
execute0_lowered:
.L_overlay_start_1:
0x0: {  	(tag) =	ssettag $0x1  }
0x1: {  	s0 =	rddreg [dreg:$0x0]  }
0x2: {  	s1 =	rddreg [dreg:$0x1]  }
0x3: {  	s2 =	srdreg.scid;
	s15 =	stileid.u32  }
0x4: {  	s18 =	simm.s32 $0x80;
	s19 =	simm.s32 $0x2880;
	s20 =	simm.s32 $0x6880  }
0x5: {  	s21 =	simm.s32 $0xA880;
	s22 =	simm.s32 $0x1;
	s23 =	simm.s32 $0x2  }
0x6: {  	s24 =	simm.s32 $0x3;
	s25 =	simm.s32 $0x2800;
	s26 =	simm.s32 $0x0  }
0x7: {  	s10 =	sand.u32 $0x1, s2;
	s2 =	simm.s32 $0x0;
	s4 =	sadd.s32 $0x7F800, s0  }
0x8: {  	s5 =	sadd.s32 $0x552000, s0;
	s12 =	sadd.s32 $0x350800, s0;
	s7 =	sadd.s32 $0xD0800, s0  }
0x9: {  	s17 =	smul.u32 $0x14000, s15;
	p0 =	sne.s32 s15, $0x0;
	s3 =	sshll.u32 s10, $0x4  }
0xa: {  	[smem:$0x7FF] =	sst s2;
	s9 =	ssub.s32 $0x2, s10;
	s14 =	smul.u32 $0x140000, s10  }
0xb: {  	s31 =	smul.u32 $0x28000, s10;
	s8 =	sor.u32 s15, s3;
	_ =	strace $0x8000004A  }
0xc: {  	s3 =	sadd.s32 $0x43800, s0;
	s13 =	sshrl.u32 s9, $0x1;
	s15 =	simm.s32 $0x4  }
0xd: {  	s6 =	smul.u32 $0x280, s8;
	s30 =	ssub.s32 s9, s13;
	s16 =	sshrl.u32 s14, $0x3  }
0xe: {  	s8 =	smul.u32 $0x28, s8;
	s14 =	sadd.s32 s14, s7;
	s16 =	sadd.s32 s12, s16  }
0xf: {  	s13 =	smax.u32 s30, $0x1;
	s14 =	sadd.s32 s17, s14;
	s11 =	sadd.s32 s6, s0  }
0x10: {  	s17 =	sshrl.u32 @!p0 s1, $0x3;
	s6 =	sadd.s32 $0x6B000, s0;
	s9 =	sadd.s32 $0x3E800, s11  }
0x11: {  	s10 =	sadd.s32 $0x39800, s11;
	s11 =	sadd.s32 s12, s31;
	s12 =	sadd.s32 $0x14000, s16  }
.LBB2_1:
0x12: {  	[tilespmem:s2], [sflag:$0x4] =	stream.linear.gather [hbm4b:s9+s2], $0x1400, $0x38;
	[tilespmem:$0x18C80] =	vst v63  }
0x13: {  	_ =	swait.ge [sflag:s15], $0x1400  }
0x14: {  	[sflag:s15] =	ssyncset.done $0x0  }
0x15: {  	s0 =	simm.s32 $0x1400;
	[sflag:s15] =	ssyncadd.s32 $0xFFFFEC00  }
0x16: {  	[tilespmem:s0], [sflag:$0x4] =	stream.linear.gather [hbm4b:s10+s2], $0x1400, $0x38;
	[tilespmem:$0x18C80] =	vst v63  }
0x17: {  	_ =	swait.ge [sflag:s15], $0x1400  }
0x18: {  	[sflag:s15] =	ssyncset.done $0x0  }
0x19: {  	s0 =	simm.s32 @!p0 $0x1C04;
	[sflag:s15] =	ssyncadd.s32 $0xFFFFEC00  }
0x1a: {  	[spmem:s17], [sflag:s0] =	dma.local @!p0 [hbm:s6], $0x14800  }
0x1b: {  	s0 =	simm.s32 @!p0 $0x4  }
0x1c: {  	_ =	swait.ge @!p0 [sflag:s0], $0x14800  }
0x1d: {  	[sflag:s0] =	ssyncset.done @!p0 $0x0  }
0x1e: {  	[sflag:s0] =	ssyncadd.s32 @!p0 $0xFFFEB800  }
0x1f: {  	s28 =	simm.s32 $0x0;
	[bflag:$0x0] =	sbarrier.arrive $0xFFFF  }
.LBB2_2:
0x20: {  	s29 =	sshll.u32 s28, $0x7;
	s16 =	sadd.s32 s8, s28  }
0x21: {  	[tilespmem:s19], [sflag:$0x1] =	stream.indirect.gather [hbm4b:s3+s18], $0x80, s29, s18, $0xb8;
	[tilespmem:$0x18C80] =	vst v63  }
0x22: {  	s0 =	sadd.s32 $0x1400, s29;
	s30 =	sshll.u32 s16, $0xB  }
0x23: {  	[tilespmem:s20], [sflag:$0x2] =	stream.indirect.gather [hbm4b:s4+s18], $0x80, s0, s18, $0xb8;
	[tilespmem:$0x18C80] =	vst v63  }
0x24: {  	s31 =	simm.s32 $0x0;
	s0 =	sadd.s32 s5, s30  }
0x25: {  	[tilespmem:s21], [sflag:$0x3] =	stream.linear.gather [hbm4b:s0+s31], $0x4000, $0x38;
	[tilespmem:$0x18C80] =	vst v63  }
0x26: {  	_ =	swait.ge [sflag:s22], $0x4000  }
0x27: {  	[sflag:s22] =	ssyncset.done $0x0  }
0x28: {  	[sflag:s22] =	ssyncadd.s32 $0xFFFFC000  }
0x29: {  	_ =	swait.ge [sflag:s23], $0x4000  }
0x2a: {  	[sflag:s23] =	ssyncset.done $0x0  }
0x2b: {  	[sflag:s23] =	ssyncadd.s32 $0xFFFFC000  }
0x2c: {  	_ =	swait.ge [sflag:s24], $0x4000  }
0x2d: {  	[sflag:s24] =	ssyncset.done $0x0  }
0x2e: {  	s31 =	simm.s32 $0x0;
	[sflag:s24] =	ssyncadd.s32 $0xFFFFC000  }
0x2f: {  	v4 =	vld [tilespmem:s31+$0xA880]  }
0x30: {  	v5 =	vld [tilespmem:s31+$0xA890]  }
0x31: {  	v3 =	vld [tilespmem:s31+$0xA8A0]  }
0x32: {  	v2 =	vld [tilespmem:s31+$0xA8B0]  }
0x33: {  	v1 =	vld [tilespmem:s31+$0xA8C0]  }
0x34: {  	v0 =	vld [tilespmem:s31+$0xA8D0]  }
0x35: {  	v12 =	vld [tilespmem:s31+$0x6880]  }
0x36: {  	v17 =	vld [tilespmem:s31+$0x6890]  }
0x37: {  	v11 =	vld [tilespmem:s31+$0x68A0]  }
0x38: {  	v10 =	vld [tilespmem:s31+$0x68B0]  }
0x39: {  	v9 =	vld [tilespmem:s31+$0x68C0]  }
0x3a: {  	v8 =	vld [tilespmem:s31+$0x68D0]  }
0x3b: {  	v7 =	vld [tilespmem:s31+$0x68E0]  }
0x3c: {  	v6 =	vld [tilespmem:s31+$0x68F0]  }
0x3d: {  	v18 =	vld [tilespmem:s31+$0x2880]  }
0x3e: {  	v19 =	vld [tilespmem:s31+$0x2890]  }
0x3f: {  	v16 =	vld [tilespmem:s31+$0x28A0]  }
0x40: {  	v15 =	vld [tilespmem:s31+$0x28B0]  }
0x41: {  	v14 =	vld [tilespmem:s31+$0x28C0]  }
0x42: {  	v13 =	vld [tilespmem:s31+$0x28D0];
	v18 =	vadd.f32 v12, v18  }
0x43: {  	s0 =	simm.s32 $0x200;
	v17 =	vadd.f32 v17, v19;
	v12 =	vld [tilespmem:s31+$0x28E0]  }
.LBB2_3:
0x44: {  	p1 =	sne.s32 s0, $0xFE00;
	v4 =	vadd.f32 v4, v18;
	v11 =	vadd.f32 v11, v16;
	v16 =	vld [tilespmem:s31+$0x28F0]  }
0x45: {  	v5 =	vadd.f32 v5, v17;
	v10 =	vadd.f32 v10, v15;
	v15 =	vld [tilespmem:s31+$0xA8E0]  }
0x46: {  	s16 =	sshra.s32 s0, $0x2;
	v17 =	vmax.f32 v4, $0.0e+00;
	v3 =	vadd.f32 v3, v11;
	v9 =	vadd.f32 v9, v14;
	v11 =	vld [tilespmem:s31+$0xA8F0]  }
0x47: {  	v4 =	vld [tilespmem:s16+$0xA880];
	[tilespmem:s31+$0x2880] =	vst v17;
	v14 =	vmax.f32 v5, $0.0e+00;
	v2 =	vadd.f32 v2, v10;
	v8 =	vadd.f32 v8, v13  }
0x48: {  	v5 =	vld [tilespmem:s16+$0xA890];
	[tilespmem:s31+$0x2890] =	vst v14;
	v10 =	vmax.f32 v3, $0.0e+00;
	v1 =	vadd.f32 v1, v9;
	v7 =	vadd.f32 v7, v12  }
0x49: {  	v3 =	vld [tilespmem:s16+$0xA8A0];
	[tilespmem:s31+$0x28A0] =	vst v10;
	v9 =	vmax.f32 v2, $0.0e+00;
	v0 =	vadd.f32 v0, v8;
	v6 =	vadd.f32 v6, v16  }
0x4a: {  	v2 =	vld [tilespmem:s16+$0xA8B0];
	[tilespmem:s31+$0x28B0] =	vst v9;
	v8 =	vmax.f32 v1, $0.0e+00;
	v7 =	vadd.f32 v15, v7  }
0x4b: {  	v1 =	vld [tilespmem:s16+$0xA8C0];
	[tilespmem:s31+$0x28C0] =	vst v8;
	v8 =	vmax.f32 v0, $0.0e+00;
	v6 =	vadd.f32 v11, v6  }
0x4c: {  	v0 =	vld [tilespmem:s16+$0xA8D0];
	[tilespmem:s31+$0x28D0] =	vst v8;
	v7 =	vmax.f32 v7, $0.0e+00  }
0x4d: {  	v12 =	vld [tilespmem:s16+$0x6880];
	[tilespmem:s31+$0x28E0] =	vst v7;
	v6 =	vmax.f32 v6, $0.0e+00  }
0x4e: {  	v17 =	vld [tilespmem:s16+$0x6890];
	[tilespmem:s31+$0x28F0] =	vst v6;
	s31 =	smov.u32 s16  }
0x4f: {  	v11 =	vld [tilespmem:s31+$0x68A0]  }
0x50: {  	v10 =	vld [tilespmem:s31+$0x68B0]  }
0x51: {  	v9 =	vld [tilespmem:s31+$0x68C0]  }
0x52: {  	v8 =	vld [tilespmem:s31+$0x68D0]  }
0x53: {  	v7 =	vld [tilespmem:s31+$0x68E0]  }
0x54: {  	v6 =	vld [tilespmem:s31+$0x68F0]  }
0x55: {  	v13 =	vld [tilespmem:s31+$0x2880]  }
0x56: {  	v19 =	vld [tilespmem:s31+$0x2890]  }
.Ltmp0:
0x57: {  	v16 =	vld [tilespmem:s31+$0x28A0];
	(pc) =	sbr.rel @p1 .LBB2_3-.Ltmp0, $4  }
0x58: {  	v15 =	vld [tilespmem:s31+$0x28B0]  }
0x59: {  	v14 =	vld [tilespmem:s31+$0x28C0]  }
0x5a: {  	v18 =	vadd.f32 v12, v13;
	v13 =	vld [tilespmem:s31+$0x28D0]  }
0x5b: {  	s0 =	sadd.s32 $0x200, s0;
	v17 =	vadd.f32 v17, v19;
	v12 =	vld [tilespmem:s31+$0x28E0]  }
0x5c: {  	v4 =	vadd.f32 v4, v18;
	v11 =	vadd.f32 v11, v16;
	v52 =	vld [tilespmem:s31+$0x28F0]  }
0x5d: {  	v53 =	vld [tilespmem:s31+$0xA8E0];
	v5 =	vadd.f32 v5, v17;
	v10 =	vadd.f32 v10, v15  }
0x5e: {  	v54 =	vld [tilespmem:s31+$0xA8F0];
	v4 =	vmax.f32 v4, $0.0e+00;
	v3 =	vadd.f32 v3, v11;
	v9 =	vadd.f32 v9, v14  }
0x5f: {  	[tilespmem:s31+$0x2880] =	vst v4;
	v55 =	vmax.f32 v5, $0.0e+00;
	v2 =	vadd.f32 v2, v10;
	v56 =	vadd.f32 v8, v13  }
0x60: {  	[tilespmem:s31+$0x2890] =	vst v55;
	v3 =	vmax.f32 v3, $0.0e+00;
	v1 =	vadd.f32 v1, v9;
	v57 =	vadd.f32 v7, v12  }
0x61: {  	[tilespmem:s31+$0x28A0] =	vst v3;
	v2 =	vmax.f32 v2, $0.0e+00;
	v0 =	vadd.f32 v0, v56;
	v58 =	vadd.f32 v6, v52  }
0x62: {  	[tilespmem:s31+$0x28B0] =	vst v2;
	v1 =	vmax.f32 v1, $0.0e+00;
	v59 =	vadd.f32 v53, v57  }
0x63: {  	[tilespmem:s31+$0x28C0] =	vst v1;
	v0 =	vmax.f32 v0, $0.0e+00;
	v60 =	vadd.f32 v54, v58  }
0x64: {  	[tilespmem:s31+$0x28D0] =	vst v0;
	v61 =	vmax.f32 v59, $0.0e+00  }
0x65: {  	[tilespmem:s31+$0x28E0] =	vst v61;
	v62 =	vmax.f32 v60, $0.0e+00  }
0x66: {  	s0 =	sadd.s32 s7, s30;
	[tilespmem:s31+$0x28F0] =	vst v62  }
0x67: {  	[hbm4b:s0+s2] =	stream.linear.scatter [tilespmem:s19], [sflag:$0x4], $0x4000, $0x38;
	[tilespmem:$0x18C80] =	vst v63  }
0x68: {  	_ =	swait.ge [sflag:s15], $0x4000  }
0x69: {  	[sflag:s15] =	ssyncset.done $0x0  }
0x6a: {  	[sflag:s15] =	ssyncadd.s32 $0xFFFFC000  }
0x6b: {  	v63 =	vld [tilespmem:s29+$0x1400];
	_ =	sdelay $0x4  }
0x6c: {  	vm0 =	vlt.s32 v63, $0x1400  }
0x6d: {  	v0 =	vnsel vm0, $0x1400, v63  }
0x6e: {  	[tilespmem:$0x2800] =	vst v0  }
0x6f: {  	v0 =	vld [tilespmem:s29+$0x1410];
	_ =	sdelay $0x4  }
0x70: {  	vm9 =	vlt.s32 v0, $0x1400  }
0x71: {  	v0 =	vnsel vm9, $0x1400, v0  }
0x72: {  	[tilespmem:$0x2810] =	vst v0  }
0x73: {  	v0 =	vld [tilespmem:s29+$0x1420];
	_ =	sdelay $0x4  }
0x74: {  	vm10 =	vlt.s32 v0, $0x1400  }
0x75: {  	v0 =	vnsel vm10, $0x1400, v0  }
0x76: {  	[tilespmem:$0x2820] =	vst v0  }
0x77: {  	v0 =	vld [tilespmem:s29+$0x1430];
	_ =	sdelay $0x4  }
0x78: {  	vm11 =	vlt.s32 v0, $0x1400  }
0x79: {  	v0 =	vnsel vm11, $0x1400, v0  }
0x7a: {  	[tilespmem:$0x2830] =	vst v0  }
0x7b: {  	v0 =	vld [tilespmem:s29+$0x1440];
	_ =	sdelay $0x4  }
0x7c: {  	vm12 =	vlt.s32 v0, $0x1400  }
0x7d: {  	v0 =	vnsel vm12, $0x1400, v0  }
0x7e: {  	[tilespmem:$0x2840] =	vst v0  }
0x7f: {  	v0 =	vld [tilespmem:s29+$0x1450];
	_ =	sdelay $0x4  }
0x80: {  	vm13 =	vlt.s32 v0, $0x1400  }
0x81: {  	v0 =	vnsel vm13, $0x1400, v0  }
0x82: {  	[tilespmem:$0x2850] =	vst v0  }
0x83: {  	v0 =	vld [tilespmem:s29+$0x1460];
	_ =	sdelay $0x4  }
0x84: {  	vm14 =	vlt.s32 v0, $0x1400  }
0x85: {  	v0 =	vnsel vm14, $0x1400, v0  }
0x86: {  	[tilespmem:$0x2860] =	vst v0  }
0x87: {  	v0 =	vld [tilespmem:s29+$0x1470];
	_ =	sdelay $0x4  }
0x88: {  	s28 =	sadd.s32 $0x1, s28;
	vm15 =	vlt.s32 v0, $0x1400  }
0x89: {  	p1 =	sne.s32 s28, $0x28;
	v0 =	vnsel vm15, $0x1400, v0  }
.Ltmp1:
0x8a: {  	[tilespmem:$0x2870] =	vst v0;
	(pc) =	sbr.rel @p1 .LBB2_2-.Ltmp1, $4  }
0x8b: {  	[spmem:s1] =	stream.indirect.scatter.add.f32 [tilespmem:s19], [sflag:$0x4], $0x80, s25, s18, $0xb8;
	[tilespmem:$0x18C80] =	vst v63  }
0x8c: {  	_ =	swait.ge [sflag:s15], $0x4000  }
0x8d: {  	[sflag:s15] =	ssyncset.done $0x0  }
0x8e: {  	[sflag:s15] =	ssyncadd.s32 $0xFFFFC000  }
0x8f: {  	[bflag:$0x0] =	sbarrier.arrive $0xFFFF;
	s0 =	simm.s32 @!p0 $0x1C04;
	s16 =	simm.s32 @!p0 $0x4  }
0x90: {  	[hbm:s11], [sflag:s0] =	dma.local @!p0 [spmem:s17], $0x14000  }
0x91: {  	_ =	swait.ge @!p0 [sflag:s16], $0x14000  }
0x92: {  	[sflag:s16] =	ssyncset.done @!p0 $0x0  }
0x93: {  	[sflag:s16] =	ssyncadd.s32 @!p0 $0xFFFEC000  }
0x94: {  	[spmem:s17], [sflag:s0] =	dma.local @!p0 [hbm:s6], $0x14800  }
0x95: {  	_ =	swait.ge @!p0 [sflag:s16], $0x14800  }
0x96: {  	[sflag:s16] =	ssyncset.done @!p0 $0x0  }
0x97: {  	[sflag:s16] =	ssyncadd.s32 @!p0 $0xFFFEB800  }
0x98: {  	s30 =	sadd.s32 $0x0, s14;
	[bflag:$0x0] =	sbarrier.arrive $0xFFFF  }
0x99: {  	[tilespmem:s19], [sflag:$0x4] =	stream.linear.gather [hbm4b:s30+s2], $0x4000, $0x38;
	[tilespmem:$0x18C80] =	vst v63  }
0x9a: {  	_ =	swait.ge [sflag:s15], $0x4000  }
0x9b: {  	[sflag:s15] =	ssyncset.done $0x0  }
0x9c: {  	s31 =	simm.s32 $0x1440;
	[sflag:s15] =	ssyncadd.s32 $0xFFFFC000  }
0x9d: {  	v0 =	vld [tilespmem:s31+$0xFFFFFFC0];
	_ =	sdelay $0x4  }
0x9e: {  	vm0 =	vlt.s32 v0, $0x1400;
	v0 =	vadd.s32 $0xFFFFEC00, v0  }
0x9f: {  	v0 =	vsel vm0, $0x1400, v0  }
0xa0: {  	[tilespmem:$0x2800] =	vst v0  }
0xa1: {  	v0 =	vld [tilespmem:s31+$0xFFFFFFD0];
	_ =	sdelay $0x4  }
0xa2: {  	vm9 =	vlt.s32 v0, $0x1400;
	v0 =	vadd.s32 $0xFFFFEC00, v0  }
0xa3: {  	v0 =	vsel vm9, $0x1400, v0  }
0xa4: {  	[tilespmem:$0x2810] =	vst v0  }
0xa5: {  	v0 =	vld [tilespmem:s31+$0xFFFFFFE0];
	_ =	sdelay $0x4  }
0xa6: {  	vm10 =	vlt.s32 v0, $0x1400;
	v0 =	vadd.s32 $0xFFFFEC00, v0  }
0xa7: {  	v0 =	vsel vm10, $0x1400, v0  }
0xa8: {  	[tilespmem:$0x2820] =	vst v0  }
0xa9: {  	v0 =	vld [tilespmem:s31+$0xFFFFFFF0];
	_ =	sdelay $0x4  }
0xaa: {  	vm11 =	vlt.s32 v0, $0x1400;
	v0 =	vadd.s32 $0xFFFFEC00, v0  }
0xab: {  	v0 =	vsel vm11, $0x1400, v0  }
0xac: {  	[tilespmem:$0x2830] =	vst v0  }
0xad: {  	v0 =	vld [tilespmem:s31+$0x0];
	_ =	sdelay $0x4  }
0xae: {  	vm12 =	vlt.s32 v0, $0x1400;
	v0 =	vadd.s32 $0xFFFFEC00, v0  }
0xaf: {  	v0 =	vsel vm12, $0x1400, v0  }
0xb0: {  	[tilespmem:$0x2840] =	vst v0  }
0xb1: {  	v0 =	vld [tilespmem:s31+$0x10];
	_ =	sdelay $0x4  }
0xb2: {  	vm13 =	vlt.s32 v0, $0x1400;
	v0 =	vadd.s32 $0xFFFFEC00, v0  }
0xb3: {  	v0 =	vsel vm13, $0x1400, v0  }
0xb4: {  	[tilespmem:$0x2850] =	vst v0  }
0xb5: {  	v0 =	vld [tilespmem:s31+$0x20];
	_ =	sdelay $0x4  }
0xb6: {  	vm14 =	vlt.s32 v0, $0x1400;
	v0 =	vadd.s32 $0xFFFFEC00, v0  }
0xb7: {  	v0 =	vsel vm14, $0x1400, v0  }
0xb8: {  	[tilespmem:$0x2860] =	vst v0  }
0xb9: {  	v0 =	vld [tilespmem:s31+$0x30];
	_ =	sdelay $0x4  }
0xba: {  	vm15 =	vlt.s32 v0, $0x1400;
	v0 =	vadd.s32 $0xFFFFEC00, v0  }
0xbb: {  	v0 =	vsel vm15, $0x1400, v0  }
0xbc: {  	[tilespmem:$0x2870] =	vst v0  }
0xbd: {  	[spmem:s1] =	stream.indirect.scatter.add.f32 [tilespmem:s19], [sflag:$0x4], $0x80, s25, s18, $0xb8;
	[tilespmem:$0x18C80] =	vst v63  }
0xbe: {  	s29 =	simm.s32 $0x800;
	_ =	swait.ge [sflag:s15], $0x4000  }
0xbf: {  	s28 =	simm.s32 $0x14C0;
	s0 =	simm.s32 $0x1000;
	[sflag:s15] =	ssyncset.done $0x0  }
.LBB2_6:
0xc0: {  	s16 =	sadd.s32 s29, s14  }
0xc1: {  	[sflag:s15] =	ssyncadd.s32 $0xFFFFC000;
	s29 =	smov.u32 s0;
	s30 =	sadd.s32 $0x800, s0  }
0xc2: {  	[tilespmem:s19], [sflag:$0x4] =	stream.linear.gather [hbm4b:s16+s2], $0x4000, $0x38;
	[tilespmem:$0x18C80] =	vst v63  }
0xc3: {  	p1 =	sne.s32 s0, $0x13800;
	_ =	swait.ge [sflag:s15], $0x4000  }
0xc4: {  	[sflag:s15] =	ssyncset.done $0x0  }
0xc5: {  	[sflag:s15] =	ssyncadd.s32 $0xFFFFC000  }
0xc6: {  	v0 =	vld [tilespmem:s28+$0xFFFFFFC0];
	_ =	sdelay $0x4  }
0xc7: {  	vm0 =	vlt.s32 v0, $0x1400;
	v0 =	vadd.s32 $0xFFFFEC00, v0  }
0xc8: {  	v0 =	vsel vm0, $0x1400, v0  }
0xc9: {  	[tilespmem:$0x2800] =	vst v0  }
0xca: {  	v0 =	vld [tilespmem:s28+$0xFFFFFFD0];
	_ =	sdelay $0x4  }
0xcb: {  	vm0 =	vlt.s32 v0, $0x1400;
	v0 =	vadd.s32 $0xFFFFEC00, v0  }
0xcc: {  	v0 =	vsel vm0, $0x1400, v0  }
0xcd: {  	[tilespmem:$0x2810] =	vst v0  }
0xce: {  	v0 =	vld [tilespmem:s28+$0xFFFFFFE0];
	_ =	sdelay $0x4  }
0xcf: {  	vm0 =	vlt.s32 v0, $0x1400;
	v0 =	vadd.s32 $0xFFFFEC00, v0  }
0xd0: {  	v0 =	vsel vm0, $0x1400, v0  }
0xd1: {  	[tilespmem:$0x2820] =	vst v0  }
0xd2: {  	v0 =	vld [tilespmem:s28+$0xFFFFFFF0];
	_ =	sdelay $0x4  }
0xd3: {  	vm0 =	vlt.s32 v0, $0x1400;
	v0 =	vadd.s32 $0xFFFFEC00, v0  }
0xd4: {  	v0 =	vsel vm0, $0x1400, v0  }
0xd5: {  	[tilespmem:$0x2830] =	vst v0  }
0xd6: {  	v0 =	vld [tilespmem:s28+$0x0];
	_ =	sdelay $0x4  }
0xd7: {  	vm0 =	vlt.s32 v0, $0x1400;
	v0 =	vadd.s32 $0xFFFFEC00, v0  }
0xd8: {  	v0 =	vsel vm0, $0x1400, v0  }
0xd9: {  	[tilespmem:$0x2840] =	vst v0  }
0xda: {  	v0 =	vld [tilespmem:s28+$0x10];
	_ =	sdelay $0x4  }
0xdb: {  	vm0 =	vlt.s32 v0, $0x1400;
	v0 =	vadd.s32 $0xFFFFEC00, v0  }
0xdc: {  	v0 =	vsel vm0, $0x1400, v0  }
0xdd: {  	[tilespmem:$0x2850] =	vst v0  }
0xde: {  	v0 =	vld [tilespmem:s28+$0x20];
	_ =	sdelay $0x4  }
0xdf: {  	vm0 =	vlt.s32 v0, $0x1400;
	v0 =	vadd.s32 $0xFFFFEC00, v0  }
0xe0: {  	v0 =	vsel vm0, $0x1400, v0  }
0xe1: {  	[tilespmem:$0x2860] =	vst v0  }
0xe2: {  	v0 =	vld [tilespmem:s28+$0x30];
	_ =	sdelay $0x4  }
0xe3: {  	vm0 =	vlt.s32 v0, $0x1400;
	v0 =	vadd.s32 $0xFFFFEC00, v0  }
.Ltmp2:
0xe4: {  	v0 =	vsel vm0, $0x1400, v0;
	(pc) =	sbr.rel @p1 .LBB2_6-.Ltmp2, $4  }
0xe5: {  	[tilespmem:$0x2870] =	vst v0  }
0xe6: {  	[spmem:s1] =	stream.indirect.scatter.add.f32 [tilespmem:s19], [sflag:$0x4], $0x80, s25, s18, $0xb8;
	[tilespmem:$0x18C80] =	vst v63  }
0xe7: {  	_ =	swait.ge [sflag:s15], $0x4000  }
0xe8: {  	s0 =	smov.u32 s30;
	s28 =	sadd.s32 $0x80, s28;
	[sflag:s15] =	ssyncset.done $0x0  }
0xe9: {  	s0 =	sadd.s32 s29, s14;
	[sflag:s15] =	ssyncadd.s32 $0xFFFFC000  }
0xea: {  	[tilespmem:s19], [sflag:$0x4] =	stream.linear.gather [hbm4b:s0+s2], $0x4000, $0x38;
	[tilespmem:$0x18C80] =	vst v63  }
0xeb: {  	_ =	swait.ge [sflag:s15], $0x4000  }
0xec: {  	[sflag:s15] =	ssyncset.done $0x0  }
0xed: {  	[sflag:s15] =	ssyncadd.s32 $0xFFFFC000  }
0xee: {  	v0 =	vld [tilespmem:s28+$0xFFFFFFC0];
	_ =	sdelay $0x4  }
0xef: {  	vm0 =	vlt.s32 v0, $0x1400;
	v0 =	vadd.s32 $0xFFFFEC00, v0  }
0xf0: {  	v0 =	vsel vm0, $0x1400, v0  }
0xf1: {  	[tilespmem:$0x2800] =	vst v0  }
0xf2: {  	v0 =	vld [tilespmem:s28+$0xFFFFFFD0];
	_ =	sdelay $0x4  }
0xf3: {  	vm9 =	vlt.s32 v0, $0x1400;
	v0 =	vadd.s32 $0xFFFFEC00, v0  }
0xf4: {  	v0 =	vsel vm9, $0x1400, v0  }
0xf5: {  	[tilespmem:$0x2810] =	vst v0  }
0xf6: {  	v0 =	vld [tilespmem:s28+$0xFFFFFFE0];
	_ =	sdelay $0x4  }
0xf7: {  	vm10 =	vlt.s32 v0, $0x1400;
	v0 =	vadd.s32 $0xFFFFEC00, v0  }
0xf8: {  	v0 =	vsel vm10, $0x1400, v0  }
0xf9: {  	[tilespmem:$0x2820] =	vst v0  }
0xfa: {  	v0 =	vld [tilespmem:s28+$0xFFFFFFF0];
	_ =	sdelay $0x4  }
0xfb: {  	vm11 =	vlt.s32 v0, $0x1400;
	v0 =	vadd.s32 $0xFFFFEC00, v0  }
0xfc: {  	v0 =	vsel vm11, $0x1400, v0  }
0xfd: {  	[tilespmem:$0x2830] =	vst v0  }
0xfe: {  	v0 =	vld [tilespmem:s28+$0x0];
	_ =	sdelay $0x4  }
0xff: {  	vm12 =	vlt.s32 v0, $0x1400;
	v0 =	vadd.s32 $0xFFFFEC00, v0  }
0x100: {  	v0 =	vsel vm12, $0x1400, v0  }
0x101: {  	[tilespmem:$0x2840] =	vst v0  }
0x102: {  	v0 =	vld [tilespmem:s28+$0x10];
	_ =	sdelay $0x4  }
0x103: {  	vm13 =	vlt.s32 v0, $0x1400;
	v0 =	vadd.s32 $0xFFFFEC00, v0  }
0x104: {  	v0 =	vsel vm13, $0x1400, v0  }
0x105: {  	[tilespmem:$0x2850] =	vst v0  }
0x106: {  	v0 =	vld [tilespmem:s28+$0x20];
	_ =	sdelay $0x4  }
0x107: {  	vm14 =	vlt.s32 v0, $0x1400;
	v0 =	vadd.s32 $0xFFFFEC00, v0  }
0x108: {  	v0 =	vsel vm14, $0x1400, v0  }
0x109: {  	[tilespmem:$0x2860] =	vst v0  }
0x10a: {  	v0 =	vld [tilespmem:s28+$0x30];
	_ =	sdelay $0x4  }
0x10b: {  	vm15 =	vlt.s32 v0, $0x1400;
	v0 =	vadd.s32 $0xFFFFEC00, v0  }
0x10c: {  	v0 =	vsel vm15, $0x1400, v0  }
0x10d: {  	[tilespmem:$0x2870] =	vst v0  }
0x10e: {  	[spmem:s1] =	stream.indirect.scatter.add.f32 [tilespmem:s19], [sflag:$0x4], $0x80, s25, s18, $0xb8;
	[tilespmem:$0x18C80] =	vst v63  }
0x10f: {  	_ =	swait.ge [sflag:s15], $0x4000  }
0x110: {  	[sflag:s15] =	ssyncset.done $0x0  }
0x111: {  	s26 =	sadd.s32 $0x1, s26;
	[sflag:s15] =	ssyncadd.s32 $0xFFFFC000  }
0x112: {  	s0 =	simm.s32 @!p0 $0x1C04;
	p1 =	sne.s32 s26, s13;
	[bflag:$0x0] =	sbarrier.arrive $0xFFFF  }
0x113: {  	[hbm:s12], [sflag:s0] =	dma.local @!p0 [spmem:s17], $0x14000  }
.Ltmp3:
0x114: {  	_ = 	snop;
	(pc) =	sbr.rel @p1 .LBB2_1-.Ltmp3, $4  }
0x115: {  	s0 =	simm.s32 @!p0 $0x4  }
0x116: {  	_ =	swait.ge @!p0 [sflag:s0], $0x14000  }
0x117: {  	[sflag:s0] =	ssyncset.done @!p0 $0x0  }
0x118: {  	[sflag:s0] =	ssyncadd.s32 @!p0 $0xFFFEC000  }
0x119: {  	_ =	sfence.sel $0x180000  }
0x11a: {  	[bflag:$0x0] =	sbarrier.arrive $0xFFFF  }
0x11b: {  	_ =	strace $0x9000004A  }
0x11c: {  	[bflag:$0x2] =	sbarrier.arrive $0xFFFF  }
0x11d: {  	s0 =	rddreg [dreg:$0x2]  }
0x11e: {  	s0 =	sadd.s32 @!p0 $0x100000, s0  }
0x11f: {  	[sflag:s0] =	ssyncadd.tile.s32 @!p0 $0x1;
	_ =	shalt  }
.Lfunc_end2:
_tile_overlayer_lowered:
.L_overlay_start_2:
0x120: {  	(tag) =	ssettag $0x2  }
0x121: {  	s0 =	rddreg [dreg:$0x0];
	s2 =	stileid.u32  }
0x122: {  	s1 =	rddreg [dreg:$0x1];
	p0 =	sne.s32 s2, $0x0  }
0x123: {  	s3 =	rddreg [dreg:$0x2];
	[bflag:$0x3] =	sbarrier.arrive $0xFFFF;
	s2 =	simm.s32 @!p0 $0x1C04  }
0x124: {  	[timem:s3], [sflag:s2] =	dma.local @!p0 [hbm:s0], s1  }
0x125: {  	s0 =	simm.s32 @!p0 $0x4  }
0x126: {  	_ =	swait.ge @!p0 [sflag:s0], s1  }
0x127: {  	s1 =	ssub.s32 @!p0 $0x0, s1;
	[sflag:s0] =	ssyncset.done @!p0 $0x0  }
0x128: {  	[sflag:s0] =	ssyncadd.s32 @!p0 s1  }
0x129: {  	[bflag:$0x3] =	sbarrier.arrive $0xFFFF  }
0x12a: {  	_ =	shalt  }

// kernel: kernel.25.cloned.1.call-start
scs
__scs_entry_jumppad:
0x0: {  	(pc) =	sbr.rel $0x88, $3  }
0x1: {  	(tag) =	ssettag $0x0;
	lr =	simm.s32 $0x1  }
0x2: {  	[smem:$0x3F88] =	sst lr;
	_ =	strace $0xD0000000  }
0x3: {  	_ = 	snop  }
0x4: {  	_ = 	snop  }
0x5: {  	_ = 	snop  }
0x6: {  	_ = 	snop  }
0x7: {  	_ = 	snop  }
__scs_overlays_trampoline_lowered:
0x8: {  	[smem:$0x3F97] =	sst s0  }
0x9: {  	[smem:$0x3F98] =	sst s1  }
0xa: {  	[smem:$0x3F99] =	sst s2  }
0xb: {  	[smem:$0x3F9A] =	sst s3  }
0xc: {  	[smem:$0x3F9B] =	sst s4  }
0xd: {  	[smem:$0x3F9C] =	sst s5  }
0xe: {  	[smem:$0x3F9D] =	sst s6  }
0xf: {  	[smem:$0x3F9E] =	sst s7  }
0x10: {  	[smem:$0x3F9F] =	sst s8  }
0x11: {  	[smem:$0x3FA0] =	sst s9;
	s0 =	simm.s32 @!p0 $0x0  }
0x12: {  	s1 =	sld [smem:$0x3F86];
	s0 =	simm.s32 @p0 $0x1  }
0x13: {  	[smem:$0x3FA1] =	sst s0;
	s0 =	simm.s32 @!p1 $0x0  }
0x14: {  	s2 =	sld [smem:$0x3F85];
	s0 =	simm.s32 @p1 $0x1  }
0x15: {  	[smem:$0x3FA2] =	sst s0;
	s0 =	simm.s32 @!p2 $0x0  }
0x16: {  	s3 =	sld [smem:$0x3FDB];
	s0 =	simm.s32 @p2 $0x1  }
0x17: {  	s4 =	simm.s32 $0x1BF5;
	[smem:$0x3FA4] =	sst s0  }
0x18: {  	s0 =	sld [smem:$0x3F87];
	_ =	swait.ge [sflag:s4], $0x0  }
0x19: {  	s7 =	sld [smem:$0x3F88]  }
0x1a: {  	s8 =	sadd.s32 $0xFFFFE003, lr  }
0x1b: {  	s9 =	sadd.s32 $0xFFFFFEF7, lr;
	s5 =	simm.s32 $0xFFFFFFFF;
	p2 =	slt.u32 s8, $0xFFFFF086  }
0x1c: {  	p1 =	slt.u32 s9, $0xF7A;
	s5 =	simm.s32 @!p2 $0x0  }
0x1d: {  	s5 =	simm.s32 @p1 $0x1;
	p0 =	seq.s32 s7, s2  }
0x1e: {  	s7 =	smul.u32 @!p0 $0xF7A, s2;
	p2 =	seq.s32 @!p0 s5, $0x0  }
0x1f: {  	s9 =	smul.u32 $0xF7A, s1;
	s8 =	simm.s32 @!p0 $0x1BF5;
	p2 =	por !p2, p0  }
0x20: {  	[sflag:s8] =	ssyncset.s32 @!p0 $0xFFFFF086;
	s6 =	sadd.s32 @!p0 s3, s7;
	s7 =	simm.s32 @!p0 $0x108  }
0x21: {  	s3 =	sadd.s32 s3, s9;
	s6 =	sadd.s32 @!p0 $0x88, s6;
	s7 =	simm.s32 @p2 $0x1082  }
0x22: {  	[simem:s7], [sflag:s8] =	dma.local @!p0 [hbm:s6], $0xF7A  }
0x23: {  	s9 =	sor.u32 $0xD0000000, s2;
	s6 =	simm.s32 $0x108;
	_ =	swait.ge @!p0 [sflag:s8], $0x0  }
0x24: {  	s3 =	sadd.s32 $0x88, s3;
	s6 =	simm.s32 @!p1 $0x1082;
	[sflag:s4] =	ssyncset.s32 $0xFFFFF086  }
0x25: {  	[simem:s6], [sflag:s4] =	dma.local [hbm:s3], $0xF7A  }
0x26: {  	[smem:$0x3F88] =	sst s1;
	(tag) =	ssettag s2;
	_ =	strace s9  }
0x27: {  	s1 =	sld [smem:$0x3F98]  }
0x28: {  	s2 =	sld [smem:$0x3F99]  }
0x29: {  	s4 =	sld [smem:$0x3F9B]  }
0x2a: {  	p0 =	seq.s32 s5, $0x0;
	s5 =	sld [smem:$0x3F9C]  }
0x2b: {  	s6 =	sld [smem:$0x3F9D]  }
0x2c: {  	s7 =	sld [smem:$0x3F9E]  }
0x2d: {  	s3 =	simm.s32 $0x108;
	s8 =	sld [smem:$0x3F9F]  }
0x2e: {  	s3 =	simm.s32 @!p0 $0x1082;
	s9 =	sld [smem:$0x3FA0]  }
0x2f: {  	lr =	sadd.s32 s0, s3;
	s0 =	sld [smem:$0x3F97]  }
0x30: {  	s3 =	sld [smem:$0x3F9A]  }
0x31: {  	[smem:$0x3FA3] =	sst s10  }
0x32: {  	s10 =	sld [smem:$0x3FA1];
	_ =	sdelay $0x3  }
0x33: {  	p0 =	seq.s32 s10, $0x1;
	s10 =	sld [smem:$0x3FA3];
	_ =	sdelay $0x3  }
0x34: {  	[smem:$0x3FA3] =	sst s10  }
0x35: {  	s10 =	sld [smem:$0x3FA2];
	_ =	sdelay $0x3  }
0x36: {  	p1 =	seq.s32 s10, $0x1;
	s10 =	sld [smem:$0x3FA3];
	_ =	sdelay $0x3  }
0x37: {  	[smem:$0x3FA3] =	sst s10  }
0x38: {  	s10 =	sld [smem:$0x3FA4]  }
0x39: {  	_ = 	snop;
	(pc) =	sbr.ind lr, $3  }
0x3a: {  	_ = 	snop  }
0x3b: {  	_ = 	snop  }
0x3c: {  	p2 =	seq.s32 s10, $0x1;
	s10 =	sld [smem:$0x3FA3]  }
0x3d: {  	_ =	shalt  }
0x3e: {  	_ =	shalt  }
0x3f: {  	_ =	shalt  }
0x40: {  	_ =	shalt  }
0x41: {  	_ =	shalt  }
0x42: {  	_ =	shalt  }
0x43: {  	_ =	shalt  }
0x44: {  	_ =	shalt  }
0x45: {  	_ =	shalt  }
0x46: {  	_ =	shalt  }
0x47: {  	_ =	shalt  }
0x48: {  	_ =	shalt  }
0x49: {  	_ =	shalt  }
0x4a: {  	_ =	shalt  }
0x4b: {  	_ =	shalt  }
0x4c: {  	_ =	shalt  }
0x4d: {  	_ =	shalt  }
0x4e: {  	_ =	shalt  }
0x4f: {  	_ =	shalt  }
0x50: {  	_ =	shalt  }
0x51: {  	_ =	shalt  }
0x52: {  	_ =	shalt  }
0x53: {  	_ =	shalt  }
0x54: {  	_ =	shalt  }
0x55: {  	_ =	shalt  }
0x56: {  	_ =	shalt  }
0x57: {  	_ =	shalt  }
0x58: {  	_ =	shalt  }
0x59: {  	_ =	shalt  }
0x5a: {  	_ =	shalt  }
0x5b: {  	_ =	shalt  }
0x5c: {  	_ =	shalt  }
0x5d: {  	_ =	shalt  }
0x5e: {  	_ =	shalt  }
0x5f: {  	_ =	shalt  }
0x60: {  	_ =	shalt  }
0x61: {  	_ =	shalt  }
0x62: {  	_ =	shalt  }
0x63: {  	_ =	shalt  }
0x64: {  	_ =	shalt  }
0x65: {  	_ =	shalt  }
0x66: {  	_ =	shalt  }
0x67: {  	_ =	shalt  }
0x68: {  	_ =	shalt  }
0x69: {  	_ =	shalt  }
0x6a: {  	_ =	shalt  }
0x6b: {  	_ =	shalt  }
0x6c: {  	_ =	shalt  }
0x6d: {  	_ =	shalt  }
0x6e: {  	_ =	shalt  }
0x6f: {  	_ =	shalt  }
0x70: {  	_ =	shalt  }
0x71: {  	_ =	shalt  }
0x72: {  	_ =	shalt  }
0x73: {  	_ =	shalt  }
0x74: {  	_ =	shalt  }
0x75: {  	_ =	shalt  }
0x76: {  	_ =	shalt  }
0x77: {  	_ =	shalt  }
0x78: {  	_ =	shalt  }
0x79: {  	_ =	shalt  }
0x7a: {  	_ =	shalt  }
0x7b: {  	_ =	shalt  }
0x7c: {  	_ =	shalt  }
0x7d: {  	_ =	shalt  }
0x7e: {  	_ =	shalt  }
0x7f: {  	_ =	shalt  }
0x80: {  	_ =	shalt  }
0x81: {  	_ =	shalt  }
0x82: {  	_ =	shalt  }
0x83: {  	_ =	shalt  }
0x84: {  	_ =	shalt  }
0x85: {  	_ =	shalt  }
0x86: {  	_ =	shalt  }
0x87: {  	_ =	shalt  }
.Lfunc_end0:
.L_simem_size_0:
called_computation.2_lowered:
.L_overlay_start_0:
0x88: {  	s2 =	sld [smem:$0x3FD9]  }
0x89: {  	s3 =	sld [smem:$0x3FFE];
	_ =	sdelay $0x1  }
0x8a: {  	s1 =	srdreg.scid  }
0x8b: {  	s0 =	sand.u32 $0x1, s1  }
0x8c: {  	s16 =	sshll.u32 s0, $0xA;
	s2 =	sadd.s32 s3, s2  }
0x8d: {  	s2 =	sadd.s32 s2, s16  }
0x8e: {  	[smem:$0x3FAF] =	sst s2  }
0x8f: {  	_ = 	snop  }
0x90: {  	(tm) =	ssettm $0x1  }
0x91: {  	s17 =	sld [smem:$0x3FFB];
	_ =	sdelay $0x3  }
0x92: {  	_ =	strace s17  }
0x93: {  	s2 =	sld [smem:$0x3FFC];
	_ =	sdelay $0x3  }
0x94: {  	_ =	strace s2  }
0x95: {  	s2 =	sld [smem:$0x3FFD];
	_ =	sdelay $0x3  }
0x96: {  	_ =	strace s2  }
0x97: {  	_ =	strace $0x8FFFFFFF  }
0x98: {  	s18 =	sld [smem:$0x3FDB];
	_ =	sdelay $0x1  }
0x99: {  	s19 =	simm.s32 $_scs_section_size  }
0x9a: {  	s4 =	simm.s32 $_size__tile_overlayer_lowered;
	s5 =	simm.s32 $_tile_overlayer_lowered  }
0x9b: {  	s22 =	simm.s32 $0x1BFF;
	s21 =	sshll.u32 s5, $0x1;
	s2 =	sadd.s32 s19, s18  }
0x9c: {  	s6 =	simm.s32 $0x0;
	s20 =	sshll.u32 s4, $0x1;
	s4 =	sadd.s32 s21, s2  }
0x9d: {  	[timem:s6], [sflag:s22] =	dma.local [hbm:s4], s20  }
0x9e: {  	_ =	swait.ge [sflag:s22], s20  }
0x9f: {  	s3 =	ssub.s32 $0x0, s20;
	[sflag:s22] =	ssyncset.done $0x0  }
0xa0: {  	[sflag:s22] =	ssyncadd.s32 s3;
	_ =	sdelay $0x1  }
0xa1: {  	s23 =	simm.s32 $0x1B8B  }
0xa2: {  	_ =	swait.ge [sflag:s23], $0x1  }
0xa3: {  	[sflag:s23] =	ssyncset.done $0x0  }
0xa4: {  	s25 =	simm.s32 $0x1B8E;
	s24 =	sld [smem:$0x3FFE];
	[sflag:s23] =	ssyncadd.s32 $0xFFFFFFFF  }
0xa5: {  	s26 =	simm.s32 $execute0_lowered;
	[smem:$0x3FD2] =	sst s25  }
0xa6: {  	s4 =	sshll.u32 s26, $0x1;
	_ =	strace $0x8000004C;
	[dreg:$0x1] =	wrdreg $0xFFFFFFFF  }
0xa7: {  	s28 =	simm.s32 $_size_execute0_lowered;
	s2 =	sadd.s32 s2, s4;
	[dreg:$0x0] =	wrdreg $0x0  }
0xa8: {  	s4 =	sshll.u32 s28, $0x1;
	[dreg:$0x2] =	wrdreg s2  }
0xa9: {  	[dreg:$0x3] =	wrdreg s4  }
0xaa: {  	[dreg:$0x4] =	wrdreg $0xC0  }
0xab: {  	_ =	task [dreg:s6], $0x5FFFF  }
0xac: {  	[dreg:$0x1] =	wrdreg $0xFFFFFFFF  }
0xad: {  	[dreg:$0x0] =	wrdreg $0x60  }
0xae: {  	[dreg:$0x2] =	wrdreg s24  }
0xaf: {  	[dreg:$0x3] =	wrdreg $0xE8800  }
0xb0: {  	[dreg:$0x4] =	wrdreg $0x9  }
0xb1: {  	_ =	task.clear_ibuf [dreg:s6], $0x5FFFF;
	_ =	strace $0x9000004C  }
0xb2: {  	s29 =	simm.s32 $0x9;
	_ =	strace $0x8000004E  }
0xb3: {  	_ =	swait.ge [sflag:s29], $0x1  }
0xb4: {  	[sflag:s29] =	ssyncadd.s32 $0xFFFFFFFF  }
0xb5: {  	_ =	strace $0x9000004E  }
0xb6: {  	_ =	sfence  }
0xb7: {  	s30 =	sld [smem:$0x0];
	_ =	sdelay $0x2  }
0xb8: {  	s31 =	sshll.u32 s1, $0xD;
	s1 =	sshrl.u32 s1, $0x2  }
0xb9: {  	s3 =	sand.u32 $0x4000, s31;
	s1 =	sadd.s32 s1, s30  }
0xba: {  	s0 =	sor.u32 s3, s0;
	s1 =	sshll.u32 s1, $0x11  }
0xbb: {  	s0 =	sor.u32 s1, s0  }
0xbc: {  	s0 =	sadd.s32 $0x8F2B, s0  }
0xbd: {  	[sflag:s0] =	ssyncadd.remote.s32 $0x1  }
0xbe: {  	_ =	sfence.sel $0xFFFF  }
0xbf: {  	[dreg:$0x0] =	wrdreg $0xFFFFFFFF;
	(pc) =	sbr.abs _section_cstart, $3  }
0xc0: {  	[dreg:$0x1] =	wrdreg $0xFFFFFFFF  }
0xc1: {  	_ =	task.clear_ibuf [dreg:s6], $0x2FFFF;
	_ =	strace $0x9FFFFFFF  }
0xc2: {  	(tm) =	ssettm $0x7FFFFFFF  }
0xc3: {  	_ =	shalt  }
tec
execute0_lowered:
.L_overlay_start_1:
0x0: {  	(tag) =	ssettag $0x1  }
0x1: {  	s0 =	rddreg [dreg:$0x0]  }
0x2: {  	s1 =	rddreg [dreg:$0x1]  }
0x3: {  	s2 =	srdreg.scid;
	s15 =	stileid.u32  }
0x4: {  	s18 =	simm.s32 $0x80;
	s19 =	simm.s32 $0x2880;
	s20 =	simm.s32 $0x6880  }
0x5: {  	s21 =	simm.s32 $0xA880;
	s22 =	simm.s32 $0x1;
	s23 =	simm.s32 $0x2  }
0x6: {  	s24 =	simm.s32 $0x3;
	s25 =	simm.s32 $0x2800;
	s26 =	simm.s32 $0x0  }
0x7: {  	s10 =	sand.u32 $0x1, s2;
	s2 =	simm.s32 $0x0;
	s4 =	sadd.s32 $0x7F800, s0  }
0x8: {  	s5 =	sadd.s32 $0x11D2000, s0;
	s12 =	sadd.s32 $0x350800, s0;
	s7 =	sadd.s32 $0xD0800, s0  }
0x9: {  	s17 =	smul.u32 $0x14000, s15;
	p0 =	sne.s32 s15, $0x0;
	s3 =	sshll.u32 s10, $0x4  }
0xa: {  	[smem:$0x7FF] =	sst s2;
	s9 =	ssub.s32 $0x2, s10;
	s14 =	smul.u32 $0x140000, s10  }
0xb: {  	s31 =	smul.u32 $0x28000, s10;
	s8 =	sor.u32 s15, s3;
	_ =	strace $0x8000004D  }
0xc: {  	s3 =	sadd.s32 $0x43800, s0;
	s13 =	sshrl.u32 s9, $0x1;
	s15 =	simm.s32 $0x4  }
0xd: {  	s6 =	smul.u32 $0x280, s8;
	s30 =	ssub.s32 s9, s13;
	s16 =	sshrl.u32 s14, $0x3  }
0xe: {  	s8 =	smul.u32 $0x28, s8;
	s14 =	sadd.s32 s14, s7;
	s16 =	sadd.s32 s12, s16  }
0xf: {  	s13 =	smax.u32 s30, $0x1;
	s14 =	sadd.s32 s17, s14;
	s11 =	sadd.s32 s6, s0  }
0x10: {  	s17 =	sshrl.u32 @!p0 s1, $0x3;
	s6 =	sadd.s32 $0x6B000, s0;
	s9 =	sadd.s32 $0x3E800, s11  }
0x11: {  	s10 =	sadd.s32 $0x39800, s11;
	s11 =	sadd.s32 s12, s31;
	s12 =	sadd.s32 $0x14000, s16  }
.LBB2_1:
0x12: {  	[tilespmem:s2], [sflag:$0x4] =	stream.linear.gather [hbm4b:s9+s2], $0x1400, $0x38;
	[tilespmem:$0x18C80] =	vst v63  }
0x13: {  	_ =	swait.ge [sflag:s15], $0x1400  }
0x14: {  	[sflag:s15] =	ssyncset.done $0x0  }
0x15: {  	s0 =	simm.s32 $0x1400;
	[sflag:s15] =	ssyncadd.s32 $0xFFFFEC00  }
0x16: {  	[tilespmem:s0], [sflag:$0x4] =	stream.linear.gather [hbm4b:s10+s2], $0x1400, $0x38;
	[tilespmem:$0x18C80] =	vst v63  }
0x17: {  	_ =	swait.ge [sflag:s15], $0x1400  }
0x18: {  	[sflag:s15] =	ssyncset.done $0x0  }
0x19: {  	s0 =	simm.s32 @!p0 $0x1C04;
	[sflag:s15] =	ssyncadd.s32 $0xFFFFEC00  }
0x1a: {  	[spmem:s17], [sflag:s0] =	dma.local @!p0 [hbm:s6], $0x14800  }
0x1b: {  	s0 =	simm.s32 @!p0 $0x4  }
0x1c: {  	_ =	swait.ge @!p0 [sflag:s0], $0x14800  }
0x1d: {  	[sflag:s0] =	ssyncset.done @!p0 $0x0  }
0x1e: {  	[sflag:s0] =	ssyncadd.s32 @!p0 $0xFFFEB800  }
0x1f: {  	s28 =	simm.s32 $0x0;
	[bflag:$0x0] =	sbarrier.arrive $0xFFFF  }
.LBB2_2:
0x20: {  	s29 =	sshll.u32 s28, $0x7;
	s16 =	sadd.s32 s8, s28  }
0x21: {  	[tilespmem:s19], [sflag:$0x1] =	stream.indirect.gather [hbm4b:s3+s18], $0x80, s29, s18, $0xb8;
	[tilespmem:$0x18C80] =	vst v63  }
0x22: {  	s0 =	sadd.s32 $0x1400, s29;
	s30 =	sshll.u32 s16, $0xB  }
0x23: {  	[tilespmem:s20], [sflag:$0x2] =	stream.indirect.gather [hbm4b:s4+s18], $0x80, s0, s18, $0xb8;
	[tilespmem:$0x18C80] =	vst v63  }
0x24: {  	s31 =	simm.s32 $0x0;
	s0 =	sadd.s32 s5, s30  }
0x25: {  	[tilespmem:s21], [sflag:$0x3] =	stream.linear.gather [hbm4b:s0+s31], $0x4000, $0x38;
	[tilespmem:$0x18C80] =	vst v63  }
0x26: {  	_ =	swait.ge [sflag:s22], $0x4000  }
0x27: {  	[sflag:s22] =	ssyncset.done $0x0  }
0x28: {  	[sflag:s22] =	ssyncadd.s32 $0xFFFFC000  }
0x29: {  	_ =	swait.ge [sflag:s23], $0x4000  }
0x2a: {  	[sflag:s23] =	ssyncset.done $0x0  }
0x2b: {  	[sflag:s23] =	ssyncadd.s32 $0xFFFFC000  }
0x2c: {  	_ =	swait.ge [sflag:s24], $0x4000  }
0x2d: {  	[sflag:s24] =	ssyncset.done $0x0  }
0x2e: {  	s31 =	simm.s32 $0x0;
	[sflag:s24] =	ssyncadd.s32 $0xFFFFC000  }
0x2f: {  	v4 =	vld [tilespmem:s31+$0xA880]  }
0x30: {  	v5 =	vld [tilespmem:s31+$0xA890]  }
0x31: {  	v3 =	vld [tilespmem:s31+$0xA8A0]  }
0x32: {  	v2 =	vld [tilespmem:s31+$0xA8B0]  }
0x33: {  	v1 =	vld [tilespmem:s31+$0xA8C0]  }
0x34: {  	v0 =	vld [tilespmem:s31+$0xA8D0]  }
0x35: {  	v12 =	vld [tilespmem:s31+$0x6880]  }
0x36: {  	v17 =	vld [tilespmem:s31+$0x6890]  }
0x37: {  	v11 =	vld [tilespmem:s31+$0x68A0]  }
0x38: {  	v10 =	vld [tilespmem:s31+$0x68B0]  }
0x39: {  	v9 =	vld [tilespmem:s31+$0x68C0]  }
0x3a: {  	v8 =	vld [tilespmem:s31+$0x68D0]  }
0x3b: {  	v7 =	vld [tilespmem:s31+$0x68E0]  }
0x3c: {  	v6 =	vld [tilespmem:s31+$0x68F0]  }
0x3d: {  	v18 =	vld [tilespmem:s31+$0x2880]  }
0x3e: {  	v19 =	vld [tilespmem:s31+$0x2890]  }
0x3f: {  	v16 =	vld [tilespmem:s31+$0x28A0]  }
0x40: {  	v15 =	vld [tilespmem:s31+$0x28B0]  }
0x41: {  	v14 =	vld [tilespmem:s31+$0x28C0]  }
0x42: {  	v13 =	vld [tilespmem:s31+$0x28D0];
	v18 =	vadd.f32 v12, v18  }
0x43: {  	s0 =	simm.s32 $0x200;
	v17 =	vadd.f32 v17, v19;
	v12 =	vld [tilespmem:s31+$0x28E0]  }
.LBB2_3:
0x44: {  	p1 =	sne.s32 s0, $0xFE00;
	v4 =	vadd.f32 v4, v18;
	v11 =	vadd.f32 v11, v16;
	v16 =	vld [tilespmem:s31+$0x28F0]  }
0x45: {  	v5 =	vadd.f32 v5, v17;
	v10 =	vadd.f32 v10, v15;
	v15 =	vld [tilespmem:s31+$0xA8E0]  }
0x46: {  	s16 =	sshra.s32 s0, $0x2;
	v17 =	vmax.f32 v4, $0.0e+00;
	v3 =	vadd.f32 v3, v11;
	v9 =	vadd.f32 v9, v14;
	v11 =	vld [tilespmem:s31+$0xA8F0]  }
0x47: {  	v4 =	vld [tilespmem:s16+$0xA880];
	[tilespmem:s31+$0x2880] =	vst v17;
	v14 =	vmax.f32 v5, $0.0e+00;
	v2 =	vadd.f32 v2, v10;
	v8 =	vadd.f32 v8, v13  }
0x48: {  	v5 =	vld [tilespmem:s16+$0xA890];
	[tilespmem:s31+$0x2890] =	vst v14;
	v10 =	vmax.f32 v3, $0.0e+00;
	v1 =	vadd.f32 v1, v9;
	v7 =	vadd.f32 v7, v12  }
0x49: {  	v3 =	vld [tilespmem:s16+$0xA8A0];
	[tilespmem:s31+$0x28A0] =	vst v10;
	v9 =	vmax.f32 v2, $0.0e+00;
	v0 =	vadd.f32 v0, v8;
	v6 =	vadd.f32 v6, v16  }
0x4a: {  	v2 =	vld [tilespmem:s16+$0xA8B0];
	[tilespmem:s31+$0x28B0] =	vst v9;
	v8 =	vmax.f32 v1, $0.0e+00;
	v7 =	vadd.f32 v15, v7  }
0x4b: {  	v1 =	vld [tilespmem:s16+$0xA8C0];
	[tilespmem:s31+$0x28C0] =	vst v8;
	v8 =	vmax.f32 v0, $0.0e+00;
	v6 =	vadd.f32 v11, v6  }
0x4c: {  	v0 =	vld [tilespmem:s16+$0xA8D0];
	[tilespmem:s31+$0x28D0] =	vst v8;
	v7 =	vmax.f32 v7, $0.0e+00  }
0x4d: {  	v12 =	vld [tilespmem:s16+$0x6880];
	[tilespmem:s31+$0x28E0] =	vst v7;
	v6 =	vmax.f32 v6, $0.0e+00  }
0x4e: {  	v17 =	vld [tilespmem:s16+$0x6890];
	[tilespmem:s31+$0x28F0] =	vst v6;
	s31 =	smov.u32 s16  }
0x4f: {  	v11 =	vld [tilespmem:s31+$0x68A0]  }
0x50: {  	v10 =	vld [tilespmem:s31+$0x68B0]  }
0x51: {  	v9 =	vld [tilespmem:s31+$0x68C0]  }
0x52: {  	v8 =	vld [tilespmem:s31+$0x68D0]  }
0x53: {  	v7 =	vld [tilespmem:s31+$0x68E0]  }
0x54: {  	v6 =	vld [tilespmem:s31+$0x68F0]  }
0x55: {  	v13 =	vld [tilespmem:s31+$0x2880]  }
0x56: {  	v19 =	vld [tilespmem:s31+$0x2890]  }
.Ltmp0:
0x57: {  	v16 =	vld [tilespmem:s31+$0x28A0];
	(pc) =	sbr.rel @p1 .LBB2_3-.Ltmp0, $4  }
0x58: {  	v15 =	vld [tilespmem:s31+$0x28B0]  }
0x59: {  	v14 =	vld [tilespmem:s31+$0x28C0]  }
0x5a: {  	v18 =	vadd.f32 v12, v13;
	v13 =	vld [tilespmem:s31+$0x28D0]  }
0x5b: {  	s0 =	sadd.s32 $0x200, s0;
	v17 =	vadd.f32 v17, v19;
	v12 =	vld [tilespmem:s31+$0x28E0]  }
0x5c: {  	v4 =	vadd.f32 v4, v18;
	v11 =	vadd.f32 v11, v16;
	v52 =	vld [tilespmem:s31+$0x28F0]  }
0x5d: {  	v53 =	vld [tilespmem:s31+$0xA8E0];
	v5 =	vadd.f32 v5, v17;
	v10 =	vadd.f32 v10, v15  }
0x5e: {  	v54 =	vld [tilespmem:s31+$0xA8F0];
	v4 =	vmax.f32 v4, $0.0e+00;
	v3 =	vadd.f32 v3, v11;
	v9 =	vadd.f32 v9, v14  }
0x5f: {  	[tilespmem:s31+$0x2880] =	vst v4;
	v55 =	vmax.f32 v5, $0.0e+00;
	v2 =	vadd.f32 v2, v10;
	v56 =	vadd.f32 v8, v13  }
0x60: {  	[tilespmem:s31+$0x2890] =	vst v55;
	v3 =	vmax.f32 v3, $0.0e+00;
	v1 =	vadd.f32 v1, v9;
	v57 =	vadd.f32 v7, v12  }
0x61: {  	[tilespmem:s31+$0x28A0] =	vst v3;
	v2 =	vmax.f32 v2, $0.0e+00;
	v0 =	vadd.f32 v0, v56;
	v58 =	vadd.f32 v6, v52  }
0x62: {  	[tilespmem:s31+$0x28B0] =	vst v2;
	v1 =	vmax.f32 v1, $0.0e+00;
	v59 =	vadd.f32 v53, v57  }
0x63: {  	[tilespmem:s31+$0x28C0] =	vst v1;
	v0 =	vmax.f32 v0, $0.0e+00;
	v60 =	vadd.f32 v54, v58  }
0x64: {  	[tilespmem:s31+$0x28D0] =	vst v0;
	v61 =	vmax.f32 v59, $0.0e+00  }
0x65: {  	[tilespmem:s31+$0x28E0] =	vst v61;
	v62 =	vmax.f32 v60, $0.0e+00  }
0x66: {  	s0 =	sadd.s32 s7, s30;
	[tilespmem:s31+$0x28F0] =	vst v62  }
0x67: {  	[hbm4b:s0+s2] =	stream.linear.scatter [tilespmem:s19], [sflag:$0x4], $0x4000, $0x38;
	[tilespmem:$0x18C80] =	vst v63  }
0x68: {  	_ =	swait.ge [sflag:s15], $0x4000  }
0x69: {  	[sflag:s15] =	ssyncset.done $0x0  }
0x6a: {  	[sflag:s15] =	ssyncadd.s32 $0xFFFFC000  }
0x6b: {  	v63 =	vld [tilespmem:s29+$0x1400];
	_ =	sdelay $0x4  }
0x6c: {  	vm0 =	vlt.s32 v63, $0x1400  }
0x6d: {  	v0 =	vnsel vm0, $0x1400, v63  }
0x6e: {  	[tilespmem:$0x2800] =	vst v0  }
0x6f: {  	v0 =	vld [tilespmem:s29+$0x1410];
	_ =	sdelay $0x4  }
0x70: {  	vm9 =	vlt.s32 v0, $0x1400  }
0x71: {  	v0 =	vnsel vm9, $0x1400, v0  }
0x72: {  	[tilespmem:$0x2810] =	vst v0  }
0x73: {  	v0 =	vld [tilespmem:s29+$0x1420];
	_ =	sdelay $0x4  }
0x74: {  	vm10 =	vlt.s32 v0, $0x1400  }
0x75: {  	v0 =	vnsel vm10, $0x1400, v0  }
0x76: {  	[tilespmem:$0x2820] =	vst v0  }
0x77: {  	v0 =	vld [tilespmem:s29+$0x1430];
	_ =	sdelay $0x4  }
0x78: {  	vm11 =	vlt.s32 v0, $0x1400  }
0x79: {  	v0 =	vnsel vm11, $0x1400, v0  }
0x7a: {  	[tilespmem:$0x2830] =	vst v0  }
0x7b: {  	v0 =	vld [tilespmem:s29+$0x1440];
	_ =	sdelay $0x4  }
0x7c: {  	vm12 =	vlt.s32 v0, $0x1400  }
0x7d: {  	v0 =	vnsel vm12, $0x1400, v0  }
0x7e: {  	[tilespmem:$0x2840] =	vst v0  }
0x7f: {  	v0 =	vld [tilespmem:s29+$0x1450];
	_ =	sdelay $0x4  }
0x80: {  	vm13 =	vlt.s32 v0, $0x1400  }
0x81: {  	v0 =	vnsel vm13, $0x1400, v0  }
0x82: {  	[tilespmem:$0x2850] =	vst v0  }
0x83: {  	v0 =	vld [tilespmem:s29+$0x1460];
	_ =	sdelay $0x4  }
0x84: {  	vm14 =	vlt.s32 v0, $0x1400  }
0x85: {  	v0 =	vnsel vm14, $0x1400, v0  }
0x86: {  	[tilespmem:$0x2860] =	vst v0  }
0x87: {  	v0 =	vld [tilespmem:s29+$0x1470];
	_ =	sdelay $0x4  }
0x88: {  	s28 =	sadd.s32 $0x1, s28;
	vm15 =	vlt.s32 v0, $0x1400  }
0x89: {  	p1 =	sne.s32 s28, $0x28;
	v0 =	vnsel vm15, $0x1400, v0  }
.Ltmp1:
0x8a: {  	[tilespmem:$0x2870] =	vst v0;
	(pc) =	sbr.rel @p1 .LBB2_2-.Ltmp1, $4  }
0x8b: {  	[spmem:s1] =	stream.indirect.scatter.add.f32 [tilespmem:s19], [sflag:$0x4], $0x80, s25, s18, $0xb8;
	[tilespmem:$0x18C80] =	vst v63  }
0x8c: {  	_ =	swait.ge [sflag:s15], $0x4000  }
0x8d: {  	[sflag:s15] =	ssyncset.done $0x0  }
0x8e: {  	[sflag:s15] =	ssyncadd.s32 $0xFFFFC000  }
0x8f: {  	[bflag:$0x0] =	sbarrier.arrive $0xFFFF;
	s0 =	simm.s32 @!p0 $0x1C04;
	s16 =	simm.s32 @!p0 $0x4  }
0x90: {  	[hbm:s11], [sflag:s0] =	dma.local @!p0 [spmem:s17], $0x14000  }
0x91: {  	_ =	swait.ge @!p0 [sflag:s16], $0x14000  }
0x92: {  	[sflag:s16] =	ssyncset.done @!p0 $0x0  }
0x93: {  	[sflag:s16] =	ssyncadd.s32 @!p0 $0xFFFEC000  }
0x94: {  	[spmem:s17], [sflag:s0] =	dma.local @!p0 [hbm:s6], $0x14800  }
0x95: {  	_ =	swait.ge @!p0 [sflag:s16], $0x14800  }
0x96: {  	[sflag:s16] =	ssyncset.done @!p0 $0x0  }
0x97: {  	[sflag:s16] =	ssyncadd.s32 @!p0 $0xFFFEB800  }
0x98: {  	s30 =	sadd.s32 $0x0, s14;
	[bflag:$0x0] =	sbarrier.arrive $0xFFFF  }
0x99: {  	[tilespmem:s19], [sflag:$0x4] =	stream.linear.gather [hbm4b:s30+s2], $0x4000, $0x38;
	[tilespmem:$0x18C80] =	vst v63  }
0x9a: {  	_ =	swait.ge [sflag:s15], $0x4000  }
0x9b: {  	[sflag:s15] =	ssyncset.done $0x0  }
0x9c: {  	s31 =	simm.s32 $0x1440;
	[sflag:s15] =	ssyncadd.s32 $0xFFFFC000  }
0x9d: {  	v0 =	vld [tilespmem:s31+$0xFFFFFFC0];
	_ =	sdelay $0x4  }
0x9e: {  	vm0 =	vlt.s32 v0, $0x1400;
	v0 =	vadd.s32 $0xFFFFEC00, v0  }
0x9f: {  	v0 =	vsel vm0, $0x1400, v0  }
0xa0: {  	[tilespmem:$0x2800] =	vst v0  }
0xa1: {  	v0 =	vld [tilespmem:s31+$0xFFFFFFD0];
	_ =	sdelay $0x4  }
0xa2: {  	vm9 =	vlt.s32 v0, $0x1400;
	v0 =	vadd.s32 $0xFFFFEC00, v0  }
0xa3: {  	v0 =	vsel vm9, $0x1400, v0  }
0xa4: {  	[tilespmem:$0x2810] =	vst v0  }
0xa5: {  	v0 =	vld [tilespmem:s31+$0xFFFFFFE0];
	_ =	sdelay $0x4  }
0xa6: {  	vm10 =	vlt.s32 v0, $0x1400;
	v0 =	vadd.s32 $0xFFFFEC00, v0  }
0xa7: {  	v0 =	vsel vm10, $0x1400, v0  }
0xa8: {  	[tilespmem:$0x2820] =	vst v0  }
0xa9: {  	v0 =	vld [tilespmem:s31+$0xFFFFFFF0];
	_ =	sdelay $0x4  }
0xaa: {  	vm11 =	vlt.s32 v0, $0x1400;
	v0 =	vadd.s32 $0xFFFFEC00, v0  }
0xab: {  	v0 =	vsel vm11, $0x1400, v0  }
0xac: {  	[tilespmem:$0x2830] =	vst v0  }
0xad: {  	v0 =	vld [tilespmem:s31+$0x0];
	_ =	sdelay $0x4  }
0xae: {  	vm12 =	vlt.s32 v0, $0x1400;
	v0 =	vadd.s32 $0xFFFFEC00, v0  }
0xaf: {  	v0 =	vsel vm12, $0x1400, v0  }
0xb0: {  	[tilespmem:$0x2840] =	vst v0  }
0xb1: {  	v0 =	vld [tilespmem:s31+$0x10];
	_ =	sdelay $0x4  }
0xb2: {  	vm13 =	vlt.s32 v0, $0x1400;
	v0 =	vadd.s32 $0xFFFFEC00, v0  }
0xb3: {  	v0 =	vsel vm13, $0x1400, v0  }
0xb4: {  	[tilespmem:$0x2850] =	vst v0  }
0xb5: {  	v0 =	vld [tilespmem:s31+$0x20];
	_ =	sdelay $0x4  }
0xb6: {  	vm14 =	vlt.s32 v0, $0x1400;
	v0 =	vadd.s32 $0xFFFFEC00, v0  }
0xb7: {  	v0 =	vsel vm14, $0x1400, v0  }
0xb8: {  	[tilespmem:$0x2860] =	vst v0  }
0xb9: {  	v0 =	vld [tilespmem:s31+$0x30];
	_ =	sdelay $0x4  }
0xba: {  	vm15 =	vlt.s32 v0, $0x1400;
	v0 =	vadd.s32 $0xFFFFEC00, v0  }
0xbb: {  	v0 =	vsel vm15, $0x1400, v0  }
0xbc: {  	[tilespmem:$0x2870] =	vst v0  }
0xbd: {  	[spmem:s1] =	stream.indirect.scatter.add.f32 [tilespmem:s19], [sflag:$0x4], $0x80, s25, s18, $0xb8;
	[tilespmem:$0x18C80] =	vst v63  }
0xbe: {  	s29 =	simm.s32 $0x800;
	_ =	swait.ge [sflag:s15], $0x4000  }
0xbf: {  	s28 =	simm.s32 $0x14C0;
	s0 =	simm.s32 $0x1000;
	[sflag:s15] =	ssyncset.done $0x0  }
.LBB2_6:
0xc0: {  	s16 =	sadd.s32 s29, s14  }
0xc1: {  	[sflag:s15] =	ssyncadd.s32 $0xFFFFC000;
	s29 =	smov.u32 s0;
	s30 =	sadd.s32 $0x800, s0  }
0xc2: {  	[tilespmem:s19], [sflag:$0x4] =	stream.linear.gather [hbm4b:s16+s2], $0x4000, $0x38;
	[tilespmem:$0x18C80] =	vst v63  }
0xc3: {  	p1 =	sne.s32 s0, $0x13800;
	_ =	swait.ge [sflag:s15], $0x4000  }
0xc4: {  	[sflag:s15] =	ssyncset.done $0x0  }
0xc5: {  	[sflag:s15] =	ssyncadd.s32 $0xFFFFC000  }
0xc6: {  	v0 =	vld [tilespmem:s28+$0xFFFFFFC0];
	_ =	sdelay $0x4  }
0xc7: {  	vm0 =	vlt.s32 v0, $0x1400;
	v0 =	vadd.s32 $0xFFFFEC00, v0  }
0xc8: {  	v0 =	vsel vm0, $0x1400, v0  }
0xc9: {  	[tilespmem:$0x2800] =	vst v0  }
0xca: {  	v0 =	vld [tilespmem:s28+$0xFFFFFFD0];
	_ =	sdelay $0x4  }
0xcb: {  	vm0 =	vlt.s32 v0, $0x1400;
	v0 =	vadd.s32 $0xFFFFEC00, v0  }
0xcc: {  	v0 =	vsel vm0, $0x1400, v0  }
0xcd: {  	[tilespmem:$0x2810] =	vst v0  }
0xce: {  	v0 =	vld [tilespmem:s28+$0xFFFFFFE0];
	_ =	sdelay $0x4  }
0xcf: {  	vm0 =	vlt.s32 v0, $0x1400;
	v0 =	vadd.s32 $0xFFFFEC00, v0  }
0xd0: {  	v0 =	vsel vm0, $0x1400, v0  }
0xd1: {  	[tilespmem:$0x2820] =	vst v0  }
0xd2: {  	v0 =	vld [tilespmem:s28+$0xFFFFFFF0];
	_ =	sdelay $0x4  }
0xd3: {  	vm0 =	vlt.s32 v0, $0x1400;
	v0 =	vadd.s32 $0xFFFFEC00, v0  }
0xd4: {  	v0 =	vsel vm0, $0x1400, v0  }
0xd5: {  	[tilespmem:$0x2830] =	vst v0  }
0xd6: {  	v0 =	vld [tilespmem:s28+$0x0];
	_ =	sdelay $0x4  }
0xd7: {  	vm0 =	vlt.s32 v0, $0x1400;
	v0 =	vadd.s32 $0xFFFFEC00, v0  }
0xd8: {  	v0 =	vsel vm0, $0x1400, v0  }
0xd9: {  	[tilespmem:$0x2840] =	vst v0  }
0xda: {  	v0 =	vld [tilespmem:s28+$0x10];
	_ =	sdelay $0x4  }
0xdb: {  	vm0 =	vlt.s32 v0, $0x1400;
	v0 =	vadd.s32 $0xFFFFEC00, v0  }
0xdc: {  	v0 =	vsel vm0, $0x1400, v0  }
0xdd: {  	[tilespmem:$0x2850] =	vst v0  }
0xde: {  	v0 =	vld [tilespmem:s28+$0x20];
	_ =	sdelay $0x4  }
0xdf: {  	vm0 =	vlt.s32 v0, $0x1400;
	v0 =	vadd.s32 $0xFFFFEC00, v0  }
0xe0: {  	v0 =	vsel vm0, $0x1400, v0  }
0xe1: {  	[tilespmem:$0x2860] =	vst v0  }
0xe2: {  	v0 =	vld [tilespmem:s28+$0x30];
	_ =	sdelay $0x4  }
0xe3: {  	vm0 =	vlt.s32 v0, $0x1400;
	v0 =	vadd.s32 $0xFFFFEC00, v0  }
.Ltmp2:
0xe4: {  	v0 =	vsel vm0, $0x1400, v0;
	(pc) =	sbr.rel @p1 .LBB2_6-.Ltmp2, $4  }
0xe5: {  	[tilespmem:$0x2870] =	vst v0  }
0xe6: {  	[spmem:s1] =	stream.indirect.scatter.add.f32 [tilespmem:s19], [sflag:$0x4], $0x80, s25, s18, $0xb8;
	[tilespmem:$0x18C80] =	vst v63  }
0xe7: {  	_ =	swait.ge [sflag:s15], $0x4000  }
0xe8: {  	s0 =	smov.u32 s30;
	s28 =	sadd.s32 $0x80, s28;
	[sflag:s15] =	ssyncset.done $0x0  }
0xe9: {  	s0 =	sadd.s32 s29, s14;
	[sflag:s15] =	ssyncadd.s32 $0xFFFFC000  }
0xea: {  	[tilespmem:s19], [sflag:$0x4] =	stream.linear.gather [hbm4b:s0+s2], $0x4000, $0x38;
	[tilespmem:$0x18C80] =	vst v63  }
0xeb: {  	_ =	swait.ge [sflag:s15], $0x4000  }
0xec: {  	[sflag:s15] =	ssyncset.done $0x0  }
0xed: {  	[sflag:s15] =	ssyncadd.s32 $0xFFFFC000  }
0xee: {  	v0 =	vld [tilespmem:s28+$0xFFFFFFC0];
	_ =	sdelay $0x4  }
0xef: {  	vm0 =	vlt.s32 v0, $0x1400;
	v0 =	vadd.s32 $0xFFFFEC00, v0  }
0xf0: {  	v0 =	vsel vm0, $0x1400, v0  }
0xf1: {  	[tilespmem:$0x2800] =	vst v0  }
0xf2: {  	v0 =	vld [tilespmem:s28+$0xFFFFFFD0];
	_ =	sdelay $0x4  }
0xf3: {  	vm9 =	vlt.s32 v0, $0x1400;
	v0 =	vadd.s32 $0xFFFFEC00, v0  }
0xf4: {  	v0 =	vsel vm9, $0x1400, v0  }
0xf5: {  	[tilespmem:$0x2810] =	vst v0  }
0xf6: {  	v0 =	vld [tilespmem:s28+$0xFFFFFFE0];
	_ =	sdelay $0x4  }
0xf7: {  	vm10 =	vlt.s32 v0, $0x1400;
	v0 =	vadd.s32 $0xFFFFEC00, v0  }
0xf8: {  	v0 =	vsel vm10, $0x1400, v0  }
0xf9: {  	[tilespmem:$0x2820] =	vst v0  }
0xfa: {  	v0 =	vld [tilespmem:s28+$0xFFFFFFF0];
	_ =	sdelay $0x4  }
0xfb: {  	vm11 =	vlt.s32 v0, $0x1400;
	v0 =	vadd.s32 $0xFFFFEC00, v0  }
0xfc: {  	v0 =	vsel vm11, $0x1400, v0  }
0xfd: {  	[tilespmem:$0x2830] =	vst v0  }
0xfe: {  	v0 =	vld [tilespmem:s28+$0x0];
	_ =	sdelay $0x4  }
0xff: {  	vm12 =	vlt.s32 v0, $0x1400;
	v0 =	vadd.s32 $0xFFFFEC00, v0  }
0x100: {  	v0 =	vsel vm12, $0x1400, v0  }
0x101: {  	[tilespmem:$0x2840] =	vst v0  }
0x102: {  	v0 =	vld [tilespmem:s28+$0x10];
	_ =	sdelay $0x4  }
0x103: {  	vm13 =	vlt.s32 v0, $0x1400;
	v0 =	vadd.s32 $0xFFFFEC00, v0  }
0x104: {  	v0 =	vsel vm13, $0x1400, v0  }
0x105: {  	[tilespmem:$0x2850] =	vst v0  }
0x106: {  	v0 =	vld [tilespmem:s28+$0x20];
	_ =	sdelay $0x4  }
0x107: {  	vm14 =	vlt.s32 v0, $0x1400;
	v0 =	vadd.s32 $0xFFFFEC00, v0  }
0x108: {  	v0 =	vsel vm14, $0x1400, v0  }
0x109: {  	[tilespmem:$0x2860] =	vst v0  }
0x10a: {  	v0 =	vld [tilespmem:s28+$0x30];
	_ =	sdelay $0x4  }
0x10b: {  	vm15 =	vlt.s32 v0, $0x1400;
	v0 =	vadd.s32 $0xFFFFEC00, v0  }
0x10c: {  	v0 =	vsel vm15, $0x1400, v0  }
0x10d: {  	[tilespmem:$0x2870] =	vst v0  }
0x10e: {  	[spmem:s1] =	stream.indirect.scatter.add.f32 [tilespmem:s19], [sflag:$0x4], $0x80, s25, s18, $0xb8;
	[tilespmem:$0x18C80] =	vst v63  }
0x10f: {  	_ =	swait.ge [sflag:s15], $0x4000  }
0x110: {  	[sflag:s15] =	ssyncset.done $0x0  }
0x111: {  	s26 =	sadd.s32 $0x1, s26;
	[sflag:s15] =	ssyncadd.s32 $0xFFFFC000  }
0x112: {  	s0 =	simm.s32 @!p0 $0x1C04;
	p1 =	sne.s32 s26, s13;
	[bflag:$0x0] =	sbarrier.arrive $0xFFFF  }
0x113: {  	[hbm:s12], [sflag:s0] =	dma.local @!p0 [spmem:s17], $0x14000  }
.Ltmp3:
0x114: {  	_ = 	snop;
	(pc) =	sbr.rel @p1 .LBB2_1-.Ltmp3, $4  }
0x115: {  	s0 =	simm.s32 @!p0 $0x4  }
0x116: {  	_ =	swait.ge @!p0 [sflag:s0], $0x14000  }
0x117: {  	[sflag:s0] =	ssyncset.done @!p0 $0x0  }
0x118: {  	[sflag:s0] =	ssyncadd.s32 @!p0 $0xFFFEC000  }
0x119: {  	_ =	sfence.sel $0x180000  }
0x11a: {  	[bflag:$0x0] =	sbarrier.arrive $0xFFFF  }
0x11b: {  	_ =	strace $0x9000004D  }
0x11c: {  	[bflag:$0x2] =	sbarrier.arrive $0xFFFF  }
0x11d: {  	s0 =	rddreg [dreg:$0x2]  }
0x11e: {  	s0 =	sadd.s32 @!p0 $0x100000, s0  }
0x11f: {  	[sflag:s0] =	ssyncadd.tile.s32 @!p0 $0x1;
	_ =	shalt  }
.Lfunc_end2:
_tile_overlayer_lowered:
.L_overlay_start_2:
0x120: {  	(tag) =	ssettag $0x2  }
0x121: {  	s0 =	rddreg [dreg:$0x0];
	s2 =	stileid.u32  }
0x122: {  	s1 =	rddreg [dreg:$0x1];
	p0 =	sne.s32 s2, $0x0  }
0x123: {  	s3 =	rddreg [dreg:$0x2];
	[bflag:$0x3] =	sbarrier.arrive $0xFFFF;
	s2 =	simm.s32 @!p0 $0x1C04  }
0x124: {  	[timem:s3], [sflag:s2] =	dma.local @!p0 [hbm:s0], s1  }
0x125: {  	s0 =	simm.s32 @!p0 $0x4  }
0x126: {  	_ =	swait.ge @!p0 [sflag:s0], s1  }
0x127: {  	s1 =	ssub.s32 @!p0 $0x0, s1;
	[sflag:s0] =	ssyncset.done @!p0 $0x0  }
0x128: {  	[sflag:s0] =	ssyncadd.s32 @!p0 s1  }
0x129: {  	[bflag:$0x3] =	sbarrier.arrive $0xFFFF  }
0x12a: {  	_ =	shalt  }

// kernel: kernel.28.cloned.1.call-start
scs
__scs_entry_jumppad:
0x0: {  	(pc) =	sbr.rel $0x88, $3  }
0x1: {  	(tag) =	ssettag $0x0;
	lr =	simm.s32 $0x1  }
0x2: {  	[smem:$0x3F88] =	sst lr;
	_ =	strace $0xD0000000  }
0x3: {  	_ = 	snop  }
0x4: {  	_ = 	snop  }
0x5: {  	_ = 	snop  }
0x6: {  	_ = 	snop  }
0x7: {  	_ = 	snop  }
__scs_overlays_trampoline_lowered:
0x8: {  	[smem:$0x3F97] =	sst s0  }
0x9: {  	[smem:$0x3F98] =	sst s1  }
0xa: {  	[smem:$0x3F99] =	sst s2  }
0xb: {  	[smem:$0x3F9A] =	sst s3  }
0xc: {  	[smem:$0x3F9B] =	sst s4  }
0xd: {  	[smem:$0x3F9C] =	sst s5  }
0xe: {  	[smem:$0x3F9D] =	sst s6  }
0xf: {  	[smem:$0x3F9E] =	sst s7  }
0x10: {  	[smem:$0x3F9F] =	sst s8  }
0x11: {  	[smem:$0x3FA0] =	sst s9;
	s0 =	simm.s32 @!p0 $0x0  }
0x12: {  	s1 =	sld [smem:$0x3F86];
	s0 =	simm.s32 @p0 $0x1  }
0x13: {  	[smem:$0x3FA1] =	sst s0;
	s0 =	simm.s32 @!p1 $0x0  }
0x14: {  	s2 =	sld [smem:$0x3F85];
	s0 =	simm.s32 @p1 $0x1  }
0x15: {  	[smem:$0x3FA2] =	sst s0;
	s0 =	simm.s32 @!p2 $0x0  }
0x16: {  	s3 =	sld [smem:$0x3FDB];
	s0 =	simm.s32 @p2 $0x1  }
0x17: {  	s4 =	simm.s32 $0x1BF5;
	[smem:$0x3FA4] =	sst s0  }
0x18: {  	s0 =	sld [smem:$0x3F87];
	_ =	swait.ge [sflag:s4], $0x0  }
0x19: {  	s7 =	sld [smem:$0x3F88]  }
0x1a: {  	s8 =	sadd.s32 $0xFFFFE003, lr  }
0x1b: {  	s9 =	sadd.s32 $0xFFFFFEF7, lr;
	s5 =	simm.s32 $0xFFFFFFFF;
	p2 =	slt.u32 s8, $0xFFFFF086  }
0x1c: {  	p1 =	slt.u32 s9, $0xF7A;
	s5 =	simm.s32 @!p2 $0x0  }
0x1d: {  	s5 =	simm.s32 @p1 $0x1;
	p0 =	seq.s32 s7, s2  }
0x1e: {  	s7 =	smul.u32 @!p0 $0xF7A, s2;
	p2 =	seq.s32 @!p0 s5, $0x0  }
0x1f: {  	s9 =	smul.u32 $0xF7A, s1;
	s8 =	simm.s32 @!p0 $0x1BF5;
	p2 =	por !p2, p0  }
0x20: {  	[sflag:s8] =	ssyncset.s32 @!p0 $0xFFFFF086;
	s6 =	sadd.s32 @!p0 s3, s7;
	s7 =	simm.s32 @!p0 $0x108  }
0x21: {  	s3 =	sadd.s32 s3, s9;
	s6 =	sadd.s32 @!p0 $0x88, s6;
	s7 =	simm.s32 @p2 $0x1082  }
0x22: {  	[simem:s7], [sflag:s8] =	dma.local @!p0 [hbm:s6], $0xF7A  }
0x23: {  	s9 =	sor.u32 $0xD0000000, s2;
	s6 =	simm.s32 $0x108;
	_ =	swait.ge @!p0 [sflag:s8], $0x0  }
0x24: {  	s3 =	sadd.s32 $0x88, s3;
	s6 =	simm.s32 @!p1 $0x1082;
	[sflag:s4] =	ssyncset.s32 $0xFFFFF086  }
0x25: {  	[simem:s6], [sflag:s4] =	dma.local [hbm:s3], $0xF7A  }
0x26: {  	[smem:$0x3F88] =	sst s1;
	(tag) =	ssettag s2;
	_ =	strace s9  }
0x27: {  	s1 =	sld [smem:$0x3F98]  }
0x28: {  	s2 =	sld [smem:$0x3F99]  }
0x29: {  	s4 =	sld [smem:$0x3F9B]  }
0x2a: {  	p0 =	seq.s32 s5, $0x0;
	s5 =	sld [smem:$0x3F9C]  }
0x2b: {  	s6 =	sld [smem:$0x3F9D]  }
0x2c: {  	s7 =	sld [smem:$0x3F9E]  }
0x2d: {  	s3 =	simm.s32 $0x108;
	s8 =	sld [smem:$0x3F9F]  }
0x2e: {  	s3 =	simm.s32 @!p0 $0x1082;
	s9 =	sld [smem:$0x3FA0]  }
0x2f: {  	lr =	sadd.s32 s0, s3;
	s0 =	sld [smem:$0x3F97]  }
0x30: {  	s3 =	sld [smem:$0x3F9A]  }
0x31: {  	[smem:$0x3FA3] =	sst s10  }
0x32: {  	s10 =	sld [smem:$0x3FA1];
	_ =	sdelay $0x3  }
0x33: {  	p0 =	seq.s32 s10, $0x1;
	s10 =	sld [smem:$0x3FA3];
	_ =	sdelay $0x3  }
0x34: {  	[smem:$0x3FA3] =	sst s10  }
0x35: {  	s10 =	sld [smem:$0x3FA2];
	_ =	sdelay $0x3  }
0x36: {  	p1 =	seq.s32 s10, $0x1;
	s10 =	sld [smem:$0x3FA3];
	_ =	sdelay $0x3  }
0x37: {  	[smem:$0x3FA3] =	sst s10  }
0x38: {  	s10 =	sld [smem:$0x3FA4]  }
0x39: {  	_ = 	snop;
	(pc) =	sbr.ind lr, $3  }
0x3a: {  	_ = 	snop  }
0x3b: {  	_ = 	snop  }
0x3c: {  	p2 =	seq.s32 s10, $0x1;
	s10 =	sld [smem:$0x3FA3]  }
0x3d: {  	_ =	shalt  }
0x3e: {  	_ =	shalt  }
0x3f: {  	_ =	shalt  }
0x40: {  	_ =	shalt  }
0x41: {  	_ =	shalt  }
0x42: {  	_ =	shalt  }
0x43: {  	_ =	shalt  }
0x44: {  	_ =	shalt  }
0x45: {  	_ =	shalt  }
0x46: {  	_ =	shalt  }
0x47: {  	_ =	shalt  }
0x48: {  	_ =	shalt  }
0x49: {  	_ =	shalt  }
0x4a: {  	_ =	shalt  }
0x4b: {  	_ =	shalt  }
0x4c: {  	_ =	shalt  }
0x4d: {  	_ =	shalt  }
0x4e: {  	_ =	shalt  }
0x4f: {  	_ =	shalt  }
0x50: {  	_ =	shalt  }
0x51: {  	_ =	shalt  }
0x52: {  	_ =	shalt  }
0x53: {  	_ =	shalt  }
0x54: {  	_ =	shalt  }
0x55: {  	_ =	shalt  }
0x56: {  	_ =	shalt  }
0x57: {  	_ =	shalt  }
0x58: {  	_ =	shalt  }
0x59: {  	_ =	shalt  }
0x5a: {  	_ =	shalt  }
0x5b: {  	_ =	shalt  }
0x5c: {  	_ =	shalt  }
0x5d: {  	_ =	shalt  }
0x5e: {  	_ =	shalt  }
0x5f: {  	_ =	shalt  }
0x60: {  	_ =	shalt  }
0x61: {  	_ =	shalt  }
0x62: {  	_ =	shalt  }
0x63: {  	_ =	shalt  }
0x64: {  	_ =	shalt  }
0x65: {  	_ =	shalt  }
0x66: {  	_ =	shalt  }
0x67: {  	_ =	shalt  }
0x68: {  	_ =	shalt  }
0x69: {  	_ =	shalt  }
0x6a: {  	_ =	shalt  }
0x6b: {  	_ =	shalt  }
0x6c: {  	_ =	shalt  }
0x6d: {  	_ =	shalt  }
0x6e: {  	_ =	shalt  }
0x6f: {  	_ =	shalt  }
0x70: {  	_ =	shalt  }
0x71: {  	_ =	shalt  }
0x72: {  	_ =	shalt  }
0x73: {  	_ =	shalt  }
0x74: {  	_ =	shalt  }
0x75: {  	_ =	shalt  }
0x76: {  	_ =	shalt  }
0x77: {  	_ =	shalt  }
0x78: {  	_ =	shalt  }
0x79: {  	_ =	shalt  }
0x7a: {  	_ =	shalt  }
0x7b: {  	_ =	shalt  }
0x7c: {  	_ =	shalt  }
0x7d: {  	_ =	shalt  }
0x7e: {  	_ =	shalt  }
0x7f: {  	_ =	shalt  }
0x80: {  	_ =	shalt  }
0x81: {  	_ =	shalt  }
0x82: {  	_ =	shalt  }
0x83: {  	_ =	shalt  }
0x84: {  	_ =	shalt  }
0x85: {  	_ =	shalt  }
0x86: {  	_ =	shalt  }
0x87: {  	_ =	shalt  }
.Lfunc_end0:
.L_simem_size_0:
called_computation.3_lowered:
.L_overlay_start_0:
0x88: {  	s2 =	sld [smem:$0x3FD9]  }
0x89: {  	s3 =	sld [smem:$0x3FFE];
	_ =	sdelay $0x1  }
0x8a: {  	s1 =	srdreg.scid  }
0x8b: {  	s0 =	sand.u32 $0x1, s1  }
0x8c: {  	s16 =	sshll.u32 s0, $0xA;
	s2 =	sadd.s32 s3, s2  }
0x8d: {  	s2 =	sadd.s32 s2, s16  }
0x8e: {  	[smem:$0x3FAF] =	sst s2  }
0x8f: {  	_ = 	snop  }
0x90: {  	(tm) =	ssettm $0x1  }
0x91: {  	s17 =	sld [smem:$0x3FFB];
	_ =	sdelay $0x3  }
0x92: {  	_ =	strace s17  }
0x93: {  	s2 =	sld [smem:$0x3FFC];
	_ =	sdelay $0x3  }
0x94: {  	_ =	strace s2  }
0x95: {  	s2 =	sld [smem:$0x3FFD];
	_ =	sdelay $0x3  }
0x96: {  	_ =	strace s2  }
0x97: {  	_ =	strace $0x8FFFFFFF  }
0x98: {  	s18 =	sld [smem:$0x3FDB];
	_ =	sdelay $0x1  }
0x99: {  	s19 =	simm.s32 $_scs_section_size  }
0x9a: {  	s4 =	simm.s32 $_size__tile_overlayer_lowered;
	s5 =	simm.s32 $_tile_overlayer_lowered  }
0x9b: {  	s22 =	simm.s32 $0x1BFF;
	s21 =	sshll.u32 s5, $0x1;
	s2 =	sadd.s32 s19, s18  }
0x9c: {  	s6 =	simm.s32 $0x0;
	s20 =	sshll.u32 s4, $0x1;
	s4 =	sadd.s32 s21, s2  }
0x9d: {  	[timem:s6], [sflag:s22] =	dma.local [hbm:s4], s20  }
0x9e: {  	_ =	swait.ge [sflag:s22], s20  }
0x9f: {  	s3 =	ssub.s32 $0x0, s20;
	[sflag:s22] =	ssyncset.done $0x0  }
0xa0: {  	[sflag:s22] =	ssyncadd.s32 s3;
	_ =	sdelay $0x1  }
0xa1: {  	s23 =	simm.s32 $0x1B8B  }
0xa2: {  	_ =	swait.ge [sflag:s23], $0x1  }
0xa3: {  	[sflag:s23] =	ssyncset.done $0x0  }
0xa4: {  	s25 =	simm.s32 $0x1B8E;
	s24 =	sld [smem:$0x3FFE];
	[sflag:s23] =	ssyncadd.s32 $0xFFFFFFFF  }
0xa5: {  	s26 =	simm.s32 $execute0_lowered;
	[smem:$0x3FD2] =	sst s25  }
0xa6: {  	s4 =	sshll.u32 s26, $0x1;
	_ =	strace $0x8000004F;
	[dreg:$0x1] =	wrdreg $0xFFFFFFFF  }
0xa7: {  	s28 =	simm.s32 $_size_execute0_lowered;
	s2 =	sadd.s32 s2, s4;
	[dreg:$0x0] =	wrdreg $0x0  }
0xa8: {  	s4 =	sshll.u32 s28, $0x1;
	[dreg:$0x2] =	wrdreg s2  }
0xa9: {  	[dreg:$0x3] =	wrdreg s4  }
0xaa: {  	[dreg:$0x4] =	wrdreg $0xC0  }
0xab: {  	_ =	task [dreg:s6], $0x5FFFF  }
0xac: {  	[dreg:$0x1] =	wrdreg $0xFFFFFFFF  }
0xad: {  	[dreg:$0x0] =	wrdreg $0x60  }
0xae: {  	[dreg:$0x2] =	wrdreg s24  }
0xaf: {  	[dreg:$0x3] =	wrdreg $0xE8800  }
0xb0: {  	[dreg:$0x4] =	wrdreg $0x9  }
0xb1: {  	_ =	task.clear_ibuf [dreg:s6], $0x5FFFF;
	_ =	strace $0x9000004F  }
0xb2: {  	s29 =	simm.s32 $0x9;
	_ =	strace $0x80000051  }
0xb3: {  	_ =	swait.ge [sflag:s29], $0x1  }
0xb4: {  	[sflag:s29] =	ssyncadd.s32 $0xFFFFFFFF  }
0xb5: {  	_ =	strace $0x90000051  }
0xb6: {  	_ =	sfence  }
0xb7: {  	s30 =	sld [smem:$0x0];
	_ =	sdelay $0x2  }
0xb8: {  	s31 =	sshll.u32 s1, $0xD;
	s1 =	sshrl.u32 s1, $0x2  }
0xb9: {  	s3 =	sand.u32 $0x4000, s31;
	s1 =	sadd.s32 s1, s30  }
0xba: {  	s0 =	sor.u32 s3, s0;
	s1 =	sshll.u32 s1, $0x11  }
0xbb: {  	s0 =	sor.u32 s1, s0  }
0xbc: {  	s0 =	sadd.s32 $0x8F2B, s0  }
0xbd: {  	[sflag:s0] =	ssyncadd.remote.s32 $0x1  }
0xbe: {  	_ =	sfence.sel $0xFFFF  }
0xbf: {  	[dreg:$0x0] =	wrdreg $0xFFFFFFFF;
	(pc) =	sbr.abs _section_cstart, $3  }
0xc0: {  	[dreg:$0x1] =	wrdreg $0xFFFFFFFF  }
0xc1: {  	_ =	task.clear_ibuf [dreg:s6], $0x2FFFF;
	_ =	strace $0x9FFFFFFF  }
0xc2: {  	(tm) =	ssettm $0x7FFFFFFF  }
0xc3: {  	_ =	shalt  }
tec
execute0_lowered:
.L_overlay_start_1:
0x0: {  	(tag) =	ssettag $0x1  }
0x1: {  	s0 =	rddreg [dreg:$0x0]  }
0x2: {  	s1 =	rddreg [dreg:$0x1]  }
0x3: {  	s2 =	srdreg.scid;
	s15 =	stileid.u32  }
0x4: {  	s18 =	simm.s32 $0x80;
	s19 =	simm.s32 $0x2880;
	s20 =	simm.s32 $0x6880  }
0x5: {  	s21 =	simm.s32 $0xA880;
	s22 =	simm.s32 $0x1;
	s23 =	simm.s32 $0x2  }
0x6: {  	s24 =	simm.s32 $0x3;
	s25 =	simm.s32 $0x2800;
	s26 =	simm.s32 $0x0  }
0x7: {  	s10 =	sand.u32 $0x1, s2;
	s2 =	simm.s32 $0x0;
	s4 =	sadd.s32 $0x7F800, s0  }
0x8: {  	s5 =	sadd.s32 $0x1452000, s0;
	s12 =	sadd.s32 $0x350800, s0;
	s7 =	sadd.s32 $0xD0800, s0  }
0x9: {  	s17 =	smul.u32 $0x14000, s15;
	p0 =	sne.s32 s15, $0x0;
	s3 =	sshll.u32 s10, $0x4  }
0xa: {  	[smem:$0x7FF] =	sst s2;
	s9 =	ssub.s32 $0x2, s10;
	s14 =	smul.u32 $0x140000, s10  }
0xb: {  	s31 =	smul.u32 $0x28000, s10;
	s8 =	sor.u32 s15, s3;
	_ =	strace $0x80000050  }
0xc: {  	s3 =	sadd.s32 $0xBC00, s0;
	s13 =	sshrl.u32 s9, $0x1;
	s15 =	simm.s32 $0x4  }
0xd: {  	s6 =	smul.u32 $0x280, s8;
	s30 =	ssub.s32 s9, s13;
	s16 =	sshrl.u32 s14, $0x3  }
0xe: {  	s8 =	smul.u32 $0x28, s8;
	s14 =	sadd.s32 s14, s7;
	s16 =	sadd.s32 s12, s16  }
0xf: {  	s13 =	smax.u32 s30, $0x1;
	s14 =	sadd.s32 s17, s14;
	s11 =	sadd.s32 s6, s0  }
0x10: {  	s17 =	sshrl.u32 @!p0 s1, $0x3;
	s6 =	sadd.s32 $0x6B000, s0;
	s9 =	sadd.s32 $0x3E800, s11  }
0x11: {  	s10 =	sadd.s32 $0x39800, s11;
	s11 =	sadd.s32 s12, s31;
	s12 =	sadd.s32 $0x14000, s16  }
.LBB2_1:
0x12: {  	[tilespmem:s2], [sflag:$0x4] =	stream.linear.gather [hbm4b:s9+s2], $0x1400, $0x38;
	[tilespmem:$0x18C80] =	vst v63  }
0x13: {  	_ =	swait.ge [sflag:s15], $0x1400  }
0x14: {  	[sflag:s15] =	ssyncset.done $0x0  }
0x15: {  	s0 =	simm.s32 $0x1400;
	[sflag:s15] =	ssyncadd.s32 $0xFFFFEC00  }
0x16: {  	[tilespmem:s0], [sflag:$0x4] =	stream.linear.gather [hbm4b:s10+s2], $0x1400, $0x38;
	[tilespmem:$0x18C80] =	vst v63  }
0x17: {  	_ =	swait.ge [sflag:s15], $0x1400  }
0x18: {  	[sflag:s15] =	ssyncset.done $0x0  }
0x19: {  	s0 =	simm.s32 @!p0 $0x1C04;
	[sflag:s15] =	ssyncadd.s32 $0xFFFFEC00  }
0x1a: {  	[spmem:s17], [sflag:s0] =	dma.local @!p0 [hbm:s6], $0x14800  }
0x1b: {  	s0 =	simm.s32 @!p0 $0x4  }
0x1c: {  	_ =	swait.ge @!p0 [sflag:s0], $0x14800  }
0x1d: {  	[sflag:s0] =	ssyncset.done @!p0 $0x0  }
0x1e: {  	[sflag:s0] =	ssyncadd.s32 @!p0 $0xFFFEB800  }
0x1f: {  	s28 =	simm.s32 $0x0;
	[bflag:$0x0] =	sbarrier.arrive $0xFFFF  }
.LBB2_2:
0x20: {  	s29 =	sshll.u32 s28, $0x7;
	s16 =	sadd.s32 s8, s28  }
0x21: {  	[tilespmem:s19], [sflag:$0x1] =	stream.indirect.gather [hbm4b:s3+s18], $0x80, s29, s18, $0xb8;
	[tilespmem:$0x18C80] =	vst v63  }
0x22: {  	s0 =	sadd.s32 $0x1400, s29;
	s30 =	sshll.u32 s16, $0xB  }
0x23: {  	[tilespmem:s20], [sflag:$0x2] =	stream.indirect.gather [hbm4b:s4+s18], $0x80, s0, s18, $0xb8;
	[tilespmem:$0x18C80] =	vst v63  }
0x24: {  	s31 =	simm.s32 $0x0;
	s0 =	sadd.s32 s5, s30  }
0x25: {  	[tilespmem:s21], [sflag:$0x3] =	stream.linear.gather [hbm4b:s0+s31], $0x4000, $0x38;
	[tilespmem:$0x18C80] =	vst v63  }
0x26: {  	_ =	swait.ge [sflag:s22], $0x4000  }
0x27: {  	[sflag:s22] =	ssyncset.done $0x0  }
0x28: {  	[sflag:s22] =	ssyncadd.s32 $0xFFFFC000  }
0x29: {  	_ =	swait.ge [sflag:s23], $0x4000  }
0x2a: {  	[sflag:s23] =	ssyncset.done $0x0  }
0x2b: {  	[sflag:s23] =	ssyncadd.s32 $0xFFFFC000  }
0x2c: {  	_ =	swait.ge [sflag:s24], $0x4000  }
0x2d: {  	[sflag:s24] =	ssyncset.done $0x0  }
0x2e: {  	s31 =	simm.s32 $0x0;
	[sflag:s24] =	ssyncadd.s32 $0xFFFFC000  }
0x2f: {  	v4 =	vld [tilespmem:s31+$0xA880]  }
0x30: {  	v5 =	vld [tilespmem:s31+$0xA890]  }
0x31: {  	v3 =	vld [tilespmem:s31+$0xA8A0]  }
0x32: {  	v2 =	vld [tilespmem:s31+$0xA8B0]  }
0x33: {  	v1 =	vld [tilespmem:s31+$0xA8C0]  }
0x34: {  	v0 =	vld [tilespmem:s31+$0xA8D0]  }
0x35: {  	v12 =	vld [tilespmem:s31+$0x6880]  }
0x36: {  	v17 =	vld [tilespmem:s31+$0x6890]  }
0x37: {  	v11 =	vld [tilespmem:s31+$0x68A0]  }
0x38: {  	v10 =	vld [tilespmem:s31+$0x68B0]  }
0x39: {  	v9 =	vld [tilespmem:s31+$0x68C0]  }
0x3a: {  	v8 =	vld [tilespmem:s31+$0x68D0]  }
0x3b: {  	v7 =	vld [tilespmem:s31+$0x68E0]  }
0x3c: {  	v6 =	vld [tilespmem:s31+$0x68F0]  }
0x3d: {  	v18 =	vld [tilespmem:s31+$0x2880]  }
0x3e: {  	v19 =	vld [tilespmem:s31+$0x2890]  }
0x3f: {  	v16 =	vld [tilespmem:s31+$0x28A0]  }
0x40: {  	v15 =	vld [tilespmem:s31+$0x28B0]  }
0x41: {  	v14 =	vld [tilespmem:s31+$0x28C0]  }
0x42: {  	v13 =	vld [tilespmem:s31+$0x28D0];
	v18 =	vadd.f32 v12, v18  }
0x43: {  	s0 =	simm.s32 $0x200;
	v17 =	vadd.f32 v17, v19;
	v12 =	vld [tilespmem:s31+$0x28E0]  }
.LBB2_3:
0x44: {  	p1 =	sne.s32 s0, $0xFE00;
	v4 =	vadd.f32 v4, v18;
	v11 =	vadd.f32 v11, v16;
	v16 =	vld [tilespmem:s31+$0x28F0]  }
0x45: {  	v5 =	vadd.f32 v5, v17;
	v10 =	vadd.f32 v10, v15;
	v15 =	vld [tilespmem:s31+$0xA8E0]  }
0x46: {  	s16 =	sshra.s32 s0, $0x2;
	v17 =	vmax.f32 v4, $0.0e+00;
	v3 =	vadd.f32 v3, v11;
	v9 =	vadd.f32 v9, v14;
	v11 =	vld [tilespmem:s31+$0xA8F0]  }
0x47: {  	v4 =	vld [tilespmem:s16+$0xA880];
	[tilespmem:s31+$0x2880] =	vst v17;
	v14 =	vmax.f32 v5, $0.0e+00;
	v2 =	vadd.f32 v2, v10;
	v8 =	vadd.f32 v8, v13  }
0x48: {  	v5 =	vld [tilespmem:s16+$0xA890];
	[tilespmem:s31+$0x2890] =	vst v14;
	v10 =	vmax.f32 v3, $0.0e+00;
	v1 =	vadd.f32 v1, v9;
	v7 =	vadd.f32 v7, v12  }
0x49: {  	v3 =	vld [tilespmem:s16+$0xA8A0];
	[tilespmem:s31+$0x28A0] =	vst v10;
	v9 =	vmax.f32 v2, $0.0e+00;
	v0 =	vadd.f32 v0, v8;
	v6 =	vadd.f32 v6, v16  }
0x4a: {  	v2 =	vld [tilespmem:s16+$0xA8B0];
	[tilespmem:s31+$0x28B0] =	vst v9;
	v8 =	vmax.f32 v1, $0.0e+00;
	v7 =	vadd.f32 v15, v7  }
0x4b: {  	v1 =	vld [tilespmem:s16+$0xA8C0];
	[tilespmem:s31+$0x28C0] =	vst v8;
	v8 =	vmax.f32 v0, $0.0e+00;
	v6 =	vadd.f32 v11, v6  }
0x4c: {  	v0 =	vld [tilespmem:s16+$0xA8D0];
	[tilespmem:s31+$0x28D0] =	vst v8;
	v7 =	vmax.f32 v7, $0.0e+00  }
0x4d: {  	v12 =	vld [tilespmem:s16+$0x6880];
	[tilespmem:s31+$0x28E0] =	vst v7;
	v6 =	vmax.f32 v6, $0.0e+00  }
0x4e: {  	v17 =	vld [tilespmem:s16+$0x6890];
	[tilespmem:s31+$0x28F0] =	vst v6;
	s31 =	smov.u32 s16  }
0x4f: {  	v11 =	vld [tilespmem:s31+$0x68A0]  }
0x50: {  	v10 =	vld [tilespmem:s31+$0x68B0]  }
0x51: {  	v9 =	vld [tilespmem:s31+$0x68C0]  }
0x52: {  	v8 =	vld [tilespmem:s31+$0x68D0]  }
0x53: {  	v7 =	vld [tilespmem:s31+$0x68E0]  }
0x54: {  	v6 =	vld [tilespmem:s31+$0x68F0]  }
0x55: {  	v13 =	vld [tilespmem:s31+$0x2880]  }
0x56: {  	v19 =	vld [tilespmem:s31+$0x2890]  }
.Ltmp0:
0x57: {  	v16 =	vld [tilespmem:s31+$0x28A0];
	(pc) =	sbr.rel @p1 .LBB2_3-.Ltmp0, $4  }
0x58: {  	v15 =	vld [tilespmem:s31+$0x28B0]  }
0x59: {  	v14 =	vld [tilespmem:s31+$0x28C0]  }
0x5a: {  	v18 =	vadd.f32 v12, v13;
	v13 =	vld [tilespmem:s31+$0x28D0]  }
0x5b: {  	s0 =	sadd.s32 $0x200, s0;
	v17 =	vadd.f32 v17, v19;
	v12 =	vld [tilespmem:s31+$0x28E0]  }
0x5c: {  	v4 =	vadd.f32 v4, v18;
	v11 =	vadd.f32 v11, v16;
	v52 =	vld [tilespmem:s31+$0x28F0]  }
0x5d: {  	v53 =	vld [tilespmem:s31+$0xA8E0];
	v5 =	vadd.f32 v5, v17;
	v10 =	vadd.f32 v10, v15  }
0x5e: {  	v54 =	vld [tilespmem:s31+$0xA8F0];
	v4 =	vmax.f32 v4, $0.0e+00;
	v3 =	vadd.f32 v3, v11;
	v9 =	vadd.f32 v9, v14  }
0x5f: {  	[tilespmem:s31+$0x2880] =	vst v4;
	v55 =	vmax.f32 v5, $0.0e+00;
	v2 =	vadd.f32 v2, v10;
	v56 =	vadd.f32 v8, v13  }
0x60: {  	[tilespmem:s31+$0x2890] =	vst v55;
	v3 =	vmax.f32 v3, $0.0e+00;
	v1 =	vadd.f32 v1, v9;
	v57 =	vadd.f32 v7, v12  }
0x61: {  	[tilespmem:s31+$0x28A0] =	vst v3;
	v2 =	vmax.f32 v2, $0.0e+00;
	v0 =	vadd.f32 v0, v56;
	v58 =	vadd.f32 v6, v52  }
0x62: {  	[tilespmem:s31+$0x28B0] =	vst v2;
	v1 =	vmax.f32 v1, $0.0e+00;
	v59 =	vadd.f32 v53, v57  }
0x63: {  	[tilespmem:s31+$0x28C0] =	vst v1;
	v0 =	vmax.f32 v0, $0.0e+00;
	v60 =	vadd.f32 v54, v58  }
0x64: {  	[tilespmem:s31+$0x28D0] =	vst v0;
	v61 =	vmax.f32 v59, $0.0e+00  }
0x65: {  	[tilespmem:s31+$0x28E0] =	vst v61;
	v62 =	vmax.f32 v60, $0.0e+00  }
0x66: {  	s0 =	sadd.s32 s7, s30;
	[tilespmem:s31+$0x28F0] =	vst v62  }
0x67: {  	[hbm4b:s0+s2] =	stream.linear.scatter [tilespmem:s19], [sflag:$0x4], $0x4000, $0x38;
	[tilespmem:$0x18C80] =	vst v63  }
0x68: {  	_ =	swait.ge [sflag:s15], $0x4000  }
0x69: {  	[sflag:s15] =	ssyncset.done $0x0  }
0x6a: {  	[sflag:s15] =	ssyncadd.s32 $0xFFFFC000  }
0x6b: {  	v63 =	vld [tilespmem:s29+$0x1400];
	_ =	sdelay $0x4  }
0x6c: {  	vm0 =	vlt.s32 v63, $0x1400  }
0x6d: {  	v0 =	vnsel vm0, $0x1400, v63  }
0x6e: {  	[tilespmem:$0x2800] =	vst v0  }
0x6f: {  	v0 =	vld [tilespmem:s29+$0x1410];
	_ =	sdelay $0x4  }
0x70: {  	vm9 =	vlt.s32 v0, $0x1400  }
0x71: {  	v0 =	vnsel vm9, $0x1400, v0  }
0x72: {  	[tilespmem:$0x2810] =	vst v0  }
0x73: {  	v0 =	vld [tilespmem:s29+$0x1420];
	_ =	sdelay $0x4  }
0x74: {  	vm10 =	vlt.s32 v0, $0x1400  }
0x75: {  	v0 =	vnsel vm10, $0x1400, v0  }
0x76: {  	[tilespmem:$0x2820] =	vst v0  }
0x77: {  	v0 =	vld [tilespmem:s29+$0x1430];
	_ =	sdelay $0x4  }
0x78: {  	vm11 =	vlt.s32 v0, $0x1400  }
0x79: {  	v0 =	vnsel vm11, $0x1400, v0  }
0x7a: {  	[tilespmem:$0x2830] =	vst v0  }
0x7b: {  	v0 =	vld [tilespmem:s29+$0x1440];
	_ =	sdelay $0x4  }
0x7c: {  	vm12 =	vlt.s32 v0, $0x1400  }
0x7d: {  	v0 =	vnsel vm12, $0x1400, v0  }
0x7e: {  	[tilespmem:$0x2840] =	vst v0  }
0x7f: {  	v0 =	vld [tilespmem:s29+$0x1450];
	_ =	sdelay $0x4  }
0x80: {  	vm13 =	vlt.s32 v0, $0x1400  }
0x81: {  	v0 =	vnsel vm13, $0x1400, v0  }
0x82: {  	[tilespmem:$0x2850] =	vst v0  }
0x83: {  	v0 =	vld [tilespmem:s29+$0x1460];
	_ =	sdelay $0x4  }
0x84: {  	vm14 =	vlt.s32 v0, $0x1400  }
0x85: {  	v0 =	vnsel vm14, $0x1400, v0  }
0x86: {  	[tilespmem:$0x2860] =	vst v0  }
0x87: {  	v0 =	vld [tilespmem:s29+$0x1470];
	_ =	sdelay $0x4  }
0x88: {  	s28 =	sadd.s32 $0x1, s28;
	vm15 =	vlt.s32 v0, $0x1400  }
0x89: {  	p1 =	sne.s32 s28, $0x28;
	v0 =	vnsel vm15, $0x1400, v0  }
.Ltmp1:
0x8a: {  	[tilespmem:$0x2870] =	vst v0;
	(pc) =	sbr.rel @p1 .LBB2_2-.Ltmp1, $4  }
0x8b: {  	[spmem:s1] =	stream.indirect.scatter.add.f32 [tilespmem:s19], [sflag:$0x4], $0x80, s25, s18, $0xb8;
	[tilespmem:$0x18C80] =	vst v63  }
0x8c: {  	_ =	swait.ge [sflag:s15], $0x4000  }
0x8d: {  	[sflag:s15] =	ssyncset.done $0x0  }
0x8e: {  	[sflag:s15] =	ssyncadd.s32 $0xFFFFC000  }
0x8f: {  	[bflag:$0x0] =	sbarrier.arrive $0xFFFF;
	s0 =	simm.s32 @!p0 $0x1C04;
	s16 =	simm.s32 @!p0 $0x4  }
0x90: {  	[hbm:s11], [sflag:s0] =	dma.local @!p0 [spmem:s17], $0x14000  }
0x91: {  	_ =	swait.ge @!p0 [sflag:s16], $0x14000  }
0x92: {  	[sflag:s16] =	ssyncset.done @!p0 $0x0  }
0x93: {  	[sflag:s16] =	ssyncadd.s32 @!p0 $0xFFFEC000  }
0x94: {  	[spmem:s17], [sflag:s0] =	dma.local @!p0 [hbm:s6], $0x14800  }
0x95: {  	_ =	swait.ge @!p0 [sflag:s16], $0x14800  }
0x96: {  	[sflag:s16] =	ssyncset.done @!p0 $0x0  }
0x97: {  	[sflag:s16] =	ssyncadd.s32 @!p0 $0xFFFEB800  }
0x98: {  	s30 =	sadd.s32 $0x0, s14;
	[bflag:$0x0] =	sbarrier.arrive $0xFFFF  }
0x99: {  	[tilespmem:s19], [sflag:$0x4] =	stream.linear.gather [hbm4b:s30+s2], $0x4000, $0x38;
	[tilespmem:$0x18C80] =	vst v63  }
0x9a: {  	_ =	swait.ge [sflag:s15], $0x4000  }
0x9b: {  	[sflag:s15] =	ssyncset.done $0x0  }
0x9c: {  	s31 =	simm.s32 $0x1440;
	[sflag:s15] =	ssyncadd.s32 $0xFFFFC000  }
0x9d: {  	v0 =	vld [tilespmem:s31+$0xFFFFFFC0];
	_ =	sdelay $0x4  }
0x9e: {  	vm0 =	vlt.s32 v0, $0x1400;
	v0 =	vadd.s32 $0xFFFFEC00, v0  }
0x9f: {  	v0 =	vsel vm0, $0x1400, v0  }
0xa0: {  	[tilespmem:$0x2800] =	vst v0  }
0xa1: {  	v0 =	vld [tilespmem:s31+$0xFFFFFFD0];
	_ =	sdelay $0x4  }
0xa2: {  	vm9 =	vlt.s32 v0, $0x1400;
	v0 =	vadd.s32 $0xFFFFEC00, v0  }
0xa3: {  	v0 =	vsel vm9, $0x1400, v0  }
0xa4: {  	[tilespmem:$0x2810] =	vst v0  }
0xa5: {  	v0 =	vld [tilespmem:s31+$0xFFFFFFE0];
	_ =	sdelay $0x4  }
0xa6: {  	vm10 =	vlt.s32 v0, $0x1400;
	v0 =	vadd.s32 $0xFFFFEC00, v0  }
0xa7: {  	v0 =	vsel vm10, $0x1400, v0  }
0xa8: {  	[tilespmem:$0x2820] =	vst v0  }
0xa9: {  	v0 =	vld [tilespmem:s31+$0xFFFFFFF0];
	_ =	sdelay $0x4  }
0xaa: {  	vm11 =	vlt.s32 v0, $0x1400;
	v0 =	vadd.s32 $0xFFFFEC00, v0  }
0xab: {  	v0 =	vsel vm11, $0x1400, v0  }
0xac: {  	[tilespmem:$0x2830] =	vst v0  }
0xad: {  	v0 =	vld [tilespmem:s31+$0x0];
	_ =	sdelay $0x4  }
0xae: {  	vm12 =	vlt.s32 v0, $0x1400;
	v0 =	vadd.s32 $0xFFFFEC00, v0  }
0xaf: {  	v0 =	vsel vm12, $0x1400, v0  }
0xb0: {  	[tilespmem:$0x2840] =	vst v0  }
0xb1: {  	v0 =	vld [tilespmem:s31+$0x10];
	_ =	sdelay $0x4  }
0xb2: {  	vm13 =	vlt.s32 v0, $0x1400;
	v0 =	vadd.s32 $0xFFFFEC00, v0  }
0xb3: {  	v0 =	vsel vm13, $0x1400, v0  }
0xb4: {  	[tilespmem:$0x2850] =	vst v0  }
0xb5: {  	v0 =	vld [tilespmem:s31+$0x20];
	_ =	sdelay $0x4  }
0xb6: {  	vm14 =	vlt.s32 v0, $0x1400;
	v0 =	vadd.s32 $0xFFFFEC00, v0  }
0xb7: {  	v0 =	vsel vm14, $0x1400, v0  }
0xb8: {  	[tilespmem:$0x2860] =	vst v0  }
0xb9: {  	v0 =	vld [tilespmem:s31+$0x30];
	_ =	sdelay $0x4  }
0xba: {  	vm15 =	vlt.s32 v0, $0x1400;
	v0 =	vadd.s32 $0xFFFFEC00, v0  }
0xbb: {  	v0 =	vsel vm15, $0x1400, v0  }
0xbc: {  	[tilespmem:$0x2870] =	vst v0  }
0xbd: {  	[spmem:s1] =	stream.indirect.scatter.add.f32 [tilespmem:s19], [sflag:$0x4], $0x80, s25, s18, $0xb8;
	[tilespmem:$0x18C80] =	vst v63  }
0xbe: {  	s29 =	simm.s32 $0x800;
	_ =	swait.ge [sflag:s15], $0x4000  }
0xbf: {  	s28 =	simm.s32 $0x14C0;
	s0 =	simm.s32 $0x1000;
	[sflag:s15] =	ssyncset.done $0x0  }
.LBB2_6:
0xc0: {  	s16 =	sadd.s32 s29, s14  }
0xc1: {  	[sflag:s15] =	ssyncadd.s32 $0xFFFFC000;
	s29 =	smov.u32 s0;
	s30 =	sadd.s32 $0x800, s0  }
0xc2: {  	[tilespmem:s19], [sflag:$0x4] =	stream.linear.gather [hbm4b:s16+s2], $0x4000, $0x38;
	[tilespmem:$0x18C80] =	vst v63  }
0xc3: {  	p1 =	sne.s32 s0, $0x13800;
	_ =	swait.ge [sflag:s15], $0x4000  }
0xc4: {  	[sflag:s15] =	ssyncset.done $0x0  }
0xc5: {  	[sflag:s15] =	ssyncadd.s32 $0xFFFFC000  }
0xc6: {  	v0 =	vld [tilespmem:s28+$0xFFFFFFC0];
	_ =	sdelay $0x4  }
0xc7: {  	vm0 =	vlt.s32 v0, $0x1400;
	v0 =	vadd.s32 $0xFFFFEC00, v0  }
0xc8: {  	v0 =	vsel vm0, $0x1400, v0  }
0xc9: {  	[tilespmem:$0x2800] =	vst v0  }
0xca: {  	v0 =	vld [tilespmem:s28+$0xFFFFFFD0];
	_ =	sdelay $0x4  }
0xcb: {  	vm0 =	vlt.s32 v0, $0x1400;
	v0 =	vadd.s32 $0xFFFFEC00, v0  }
0xcc: {  	v0 =	vsel vm0, $0x1400, v0  }
0xcd: {  	[tilespmem:$0x2810] =	vst v0  }
0xce: {  	v0 =	vld [tilespmem:s28+$0xFFFFFFE0];
	_ =	sdelay $0x4  }
0xcf: {  	vm0 =	vlt.s32 v0, $0x1400;
	v0 =	vadd.s32 $0xFFFFEC00, v0  }
0xd0: {  	v0 =	vsel vm0, $0x1400, v0  }
0xd1: {  	[tilespmem:$0x2820] =	vst v0  }
0xd2: {  	v0 =	vld [tilespmem:s28+$0xFFFFFFF0];
	_ =	sdelay $0x4  }
0xd3: {  	vm0 =	vlt.s32 v0, $0x1400;
	v0 =	vadd.s32 $0xFFFFEC00, v0  }
0xd4: {  	v0 =	vsel vm0, $0x1400, v0  }
0xd5: {  	[tilespmem:$0x2830] =	vst v0  }
0xd6: {  	v0 =	vld [tilespmem:s28+$0x0];
	_ =	sdelay $0x4  }
0xd7: {  	vm0 =	vlt.s32 v0, $0x1400;
	v0 =	vadd.s32 $0xFFFFEC00, v0  }
0xd8: {  	v0 =	vsel vm0, $0x1400, v0  }
0xd9: {  	[tilespmem:$0x2840] =	vst v0  }
0xda: {  	v0 =	vld [tilespmem:s28+$0x10];
	_ =	sdelay $0x4  }
0xdb: {  	vm0 =	vlt.s32 v0, $0x1400;
	v0 =	vadd.s32 $0xFFFFEC00, v0  }
0xdc: {  	v0 =	vsel vm0, $0x1400, v0  }
0xdd: {  	[tilespmem:$0x2850] =	vst v0  }
0xde: {  	v0 =	vld [tilespmem:s28+$0x20];
	_ =	sdelay $0x4  }
0xdf: {  	vm0 =	vlt.s32 v0, $0x1400;
	v0 =	vadd.s32 $0xFFFFEC00, v0  }
0xe0: {  	v0 =	vsel vm0, $0x1400, v0  }
0xe1: {  	[tilespmem:$0x2860] =	vst v0  }
0xe2: {  	v0 =	vld [tilespmem:s28+$0x30];
	_ =	sdelay $0x4  }
0xe3: {  	vm0 =	vlt.s32 v0, $0x1400;
	v0 =	vadd.s32 $0xFFFFEC00, v0  }
.Ltmp2:
0xe4: {  	v0 =	vsel vm0, $0x1400, v0;
	(pc) =	sbr.rel @p1 .LBB2_6-.Ltmp2, $4  }
0xe5: {  	[tilespmem:$0x2870] =	vst v0  }
0xe6: {  	[spmem:s1] =	stream.indirect.scatter.add.f32 [tilespmem:s19], [sflag:$0x4], $0x80, s25, s18, $0xb8;
	[tilespmem:$0x18C80] =	vst v63  }
0xe7: {  	_ =	swait.ge [sflag:s15], $0x4000  }
0xe8: {  	s0 =	smov.u32 s30;
	s28 =	sadd.s32 $0x80, s28;
	[sflag:s15] =	ssyncset.done $0x0  }
0xe9: {  	s0 =	sadd.s32 s29, s14;
	[sflag:s15] =	ssyncadd.s32 $0xFFFFC000  }
0xea: {  	[tilespmem:s19], [sflag:$0x4] =	stream.linear.gather [hbm4b:s0+s2], $0x4000, $0x38;
	[tilespmem:$0x18C80] =	vst v63  }
0xeb: {  	_ =	swait.ge [sflag:s15], $0x4000  }
0xec: {  	[sflag:s15] =	ssyncset.done $0x0  }
0xed: {  	[sflag:s15] =	ssyncadd.s32 $0xFFFFC000  }
0xee: {  	v0 =	vld [tilespmem:s28+$0xFFFFFFC0];
	_ =	sdelay $0x4  }
0xef: {  	vm0 =	vlt.s32 v0, $0x1400;
	v0 =	vadd.s32 $0xFFFFEC00, v0  }
0xf0: {  	v0 =	vsel vm0, $0x1400, v0  }
0xf1: {  	[tilespmem:$0x2800] =	vst v0  }
0xf2: {  	v0 =	vld [tilespmem:s28+$0xFFFFFFD0];
	_ =	sdelay $0x4  }
0xf3: {  	vm9 =	vlt.s32 v0, $0x1400;
	v0 =	vadd.s32 $0xFFFFEC00, v0  }
0xf4: {  	v0 =	vsel vm9, $0x1400, v0  }
0xf5: {  	[tilespmem:$0x2810] =	vst v0  }
0xf6: {  	v0 =	vld [tilespmem:s28+$0xFFFFFFE0];
	_ =	sdelay $0x4  }
0xf7: {  	vm10 =	vlt.s32 v0, $0x1400;
	v0 =	vadd.s32 $0xFFFFEC00, v0  }
0xf8: {  	v0 =	vsel vm10, $0x1400, v0  }
0xf9: {  	[tilespmem:$0x2820] =	vst v0  }
0xfa: {  	v0 =	vld [tilespmem:s28+$0xFFFFFFF0];
	_ =	sdelay $0x4  }
0xfb: {  	vm11 =	vlt.s32 v0, $0x1400;
	v0 =	vadd.s32 $0xFFFFEC00, v0  }
0xfc: {  	v0 =	vsel vm11, $0x1400, v0  }
0xfd: {  	[tilespmem:$0x2830] =	vst v0  }
0xfe: {  	v0 =	vld [tilespmem:s28+$0x0];
	_ =	sdelay $0x4  }
0xff: {  	vm12 =	vlt.s32 v0, $0x1400;
	v0 =	vadd.s32 $0xFFFFEC00, v0  }
0x100: {  	v0 =	vsel vm12, $0x1400, v0  }
0x101: {  	[tilespmem:$0x2840] =	vst v0  }
0x102: {  	v0 =	vld [tilespmem:s28+$0x10];
	_ =	sdelay $0x4  }
0x103: {  	vm13 =	vlt.s32 v0, $0x1400;
	v0 =	vadd.s32 $0xFFFFEC00, v0  }
0x104: {  	v0 =	vsel vm13, $0x1400, v0  }
0x105: {  	[tilespmem:$0x2850] =	vst v0  }
0x106: {  	v0 =	vld [tilespmem:s28+$0x20];
	_ =	sdelay $0x4  }
0x107: {  	vm14 =	vlt.s32 v0, $0x1400;
	v0 =	vadd.s32 $0xFFFFEC00, v0  }
0x108: {  	v0 =	vsel vm14, $0x1400, v0  }
0x109: {  	[tilespmem:$0x2860] =	vst v0  }
0x10a: {  	v0 =	vld [tilespmem:s28+$0x30];
	_ =	sdelay $0x4  }
0x10b: {  	vm15 =	vlt.s32 v0, $0x1400;
	v0 =	vadd.s32 $0xFFFFEC00, v0  }
0x10c: {  	v0 =	vsel vm15, $0x1400, v0  }
0x10d: {  	[tilespmem:$0x2870] =	vst v0  }
0x10e: {  	[spmem:s1] =	stream.indirect.scatter.add.f32 [tilespmem:s19], [sflag:$0x4], $0x80, s25, s18, $0xb8;
	[tilespmem:$0x18C80] =	vst v63  }
0x10f: {  	_ =	swait.ge [sflag:s15], $0x4000  }
0x110: {  	[sflag:s15] =	ssyncset.done $0x0  }
0x111: {  	s26 =	sadd.s32 $0x1, s26;
	[sflag:s15] =	ssyncadd.s32 $0xFFFFC000  }
0x112: {  	s0 =	simm.s32 @!p0 $0x1C04;
	p1 =	sne.s32 s26, s13;
	[bflag:$0x0] =	sbarrier.arrive $0xFFFF  }
0x113: {  	[hbm:s12], [sflag:s0] =	dma.local @!p0 [spmem:s17], $0x14000  }
.Ltmp3:
0x114: {  	_ = 	snop;
	(pc) =	sbr.rel @p1 .LBB2_1-.Ltmp3, $4  }
0x115: {  	s0 =	simm.s32 @!p0 $0x4  }
0x116: {  	_ =	swait.ge @!p0 [sflag:s0], $0x14000  }
0x117: {  	[sflag:s0] =	ssyncset.done @!p0 $0x0  }
0x118: {  	[sflag:s0] =	ssyncadd.s32 @!p0 $0xFFFEC000  }
0x119: {  	_ =	sfence.sel $0x180000  }
0x11a: {  	[bflag:$0x0] =	sbarrier.arrive $0xFFFF  }
0x11b: {  	_ =	strace $0x90000050  }
0x11c: {  	[bflag:$0x2] =	sbarrier.arrive $0xFFFF  }
0x11d: {  	s0 =	rddreg [dreg:$0x2]  }
0x11e: {  	s0 =	sadd.s32 @!p0 $0x100000, s0  }
0x11f: {  	[sflag:s0] =	ssyncadd.tile.s32 @!p0 $0x1;
	_ =	shalt  }
.Lfunc_end2:
_tile_overlayer_lowered:
.L_overlay_start_2:
0x120: {  	(tag) =	ssettag $0x2  }
0x121: {  	s0 =	rddreg [dreg:$0x0];
	s2 =	stileid.u32  }
0x122: {  	s1 =	rddreg [dreg:$0x1];
	p0 =	sne.s32 s2, $0x0  }
0x123: {  	s3 =	rddreg [dreg:$0x2];
	[bflag:$0x3] =	sbarrier.arrive $0xFFFF;
	s2 =	simm.s32 @!p0 $0x1C04  }
0x124: {  	[timem:s3], [sflag:s2] =	dma.local @!p0 [hbm:s0], s1  }
0x125: {  	s0 =	simm.s32 @!p0 $0x4  }
0x126: {  	_ =	swait.ge @!p0 [sflag:s0], s1  }
0x127: {  	s1 =	ssub.s32 @!p0 $0x0, s1;
	[sflag:s0] =	ssyncset.done @!p0 $0x0  }
0x128: {  	[sflag:s0] =	ssyncadd.s32 @!p0 s1  }
0x129: {  	[bflag:$0x3] =	sbarrier.arrive $0xFFFF  }
0x12a: {  	_ =	shalt  }

</sc_bundles>
